<compile_context>
chip_gen: v7x
topology: tpu7x:2x2x1
jax: 0.10.2.dev20260603
libtpu: 0.0.44.dev20260713+nightly
codegen_flags: <defaults>
</compile_context>

<pallas_src>
import math

import jax
import jax.numpy as jnp
from jax import lax
from jax.experimental import pallas as pl
from jax.experimental.pallas import tpu as pltpu
from jax.experimental.pallas import tpu_sc as plsc

D_MODEL_ = 64
SCALE_ = math.sqrt(D_MODEL_)

NC_ = 2
NS_ = 16
NW_ = NC_ * NS_
LANES_ = 16

CHUNK_ = 128
NBUF_ = 4
UNROLL_ = 4


def _make_lookup(batch, d_model):
    assert d_model % LANES_ == 0
    assert batch % (8 * NW_) == 0
    per_w = batch // NW_
    assert per_w % CHUNK_ == 0
    n_chunks = per_w // CHUNK_
    ng = n_chunks // NBUF_
    assert n_chunks % NBUF_ == 0 and ng >= 3
    assert CHUNK_ % UNROLL_ == 0
    nj = d_model // LANES_

    mesh = plsc.VectorSubcoreMesh(core_axis_name="c", subcore_axis_name="s")

    def body(x_hbm, table_hbm, out_hbm, idx_all, rows_v, outb_v, gsem, osem):
        wid = lax.axis_index("s") * NC_ + lax.axis_index("c")
        w_base = wid * per_w

        pltpu.sync_copy(x_hbm.at[pl.ds(w_base, per_w)], idx_all)

        def gather_start(g, b):
            for k in range(CHUNK_ // LANES_):
                iv = idx_all[pl.ds(g * CHUNK_ + k * LANES_, LANES_)]
                pltpu.async_copy(
                    table_hbm.at[iv],
                    rows_v[b].at[pl.ds(k * LANES_, LANES_)], gsem[b])

        def gather_wait(g, b):
            pltpu.make_async_copy(
                out_hbm.at[pl.ds(w_base, CHUNK_)], rows_v[b], gsem[b]).wait()

        def scale(b):
            def srow(i, _):
                for u in range(UNROLL_):
                    r = i * UNROLL_ + u
                    for j in range(nj):
                        sl = pl.ds(j * LANES_, LANES_)
                        outb_v[b][r, sl] = rows_v[b][r, sl] * SCALE_
                return 0

            lax.fori_loop(0, CHUNK_ // UNROLL_, srow, 0)

        def out_start(g, b):
            pltpu.async_copy(
                outb_v[b], out_hbm.at[pl.ds(w_base + g * CHUNK_, CHUNK_)],
                osem[b])

        def out_wait(g, b):
            pltpu.make_async_copy(
                outb_v[b], out_hbm.at[pl.ds(w_base + g * CHUNK_, CHUNK_)],
                osem[b]).wait()

        for b in range(NBUF_):
            gather_start(b, b)
        for b in range(NBUF_):
            gather_wait(b, b)
            scale(b)
            out_start(b, b)
            gather_start(NBUF_ + b, b)

        def steady(i, _):
            for b in range(NBUF_):
                g = i * NBUF_ + b
                gather_wait(g, b)
                out_wait(g - NBUF_, b)
                scale(b)
                out_start(g, b)
                gather_start(g + NBUF_, b)
            return 0

        lax.fori_loop(1, ng - 1, steady, 0)

        for b in range(NBUF_):
            g = n_chunks - NBUF_ + b
            gather_wait(g, b)
            out_wait(g - NBUF_, b)
            scale(b)
            out_start(g, b)
        for b in range(NBUF_):
            out_wait(n_chunks - NBUF_ + b, b)

    return pl.kernel(
        body,
        out_type=jax.ShapeDtypeStruct((batch, d_model), jnp.float32),
        mesh=mesh,
        compiler_params=pltpu.CompilerParams(use_tc_tiling_on_sc=False),
        scratch_types=[
            pltpu.VMEM((per_w,), jnp.int32),
            [pltpu.VMEM((CHUNK_, d_model), jnp.float32)] * NBUF_,
            [pltpu.VMEM((CHUNK_, d_model), jnp.float32)] * NBUF_,
            [pltpu.SemaphoreType.DMA] * NBUF_,
            [pltpu.SemaphoreType.DMA] * NBUF_,
        ],
    )


def kernel(x, table):
    b0, b1 = x.shape
    d = table.shape[1]
    x_flat = x.reshape(b0 * b1).astype(jnp.int32)
    out = _make_lookup(b0 * b1, d)(x_flat, table)
    return out.reshape(b0, b1, d)

# --- scband reference (transcript-rebuilt; emitter-appended) ---
"""Pipeline reference for scband-embeddings-326417514894 (READ-ONLY COPY).

The authoritative reference and input builder live on the scoring server;
editing this copy changes nothing except your own understanding.
"""

import jax, jax.numpy as jnp
import numpy as np
import math

D_MODEL = 64
VOCAB = 1000000

def setup_inputs(seed: int = 0) -> dict:
    key = jax.random.key(seed)
    k1, k2 = jax.random.split(key)
    x = jax.random.randint(k1, (4096, 200), 0, VOCAB, dtype=jnp.int64) if jax.config.jax_enable_x64 else jax.random.randint(k1, (4096, 200), 0, VOCAB, dtype=jnp.int32)
    table = jax.random.normal(k2, (VOCAB, D_MODEL), dtype=jnp.float32)
    return {"x": x, "table": table}

def reference(x, table):
    # Faithful translation of: self.embedding(x) * math.sqrt(self.d_model)
    emb = jnp.take(table, x, axis=0)
    return emb * math.sqrt(D_MODEL)

if __name__ == "__main__":
    import jax
    _d = setup_inputs()
    print(jax.jit(kernel)(*tuple(_d.values())))

</pallas_src>

<mosaic_0001>
#map = affine_map<(d0, d1) -> (0)>
#map1 = affine_map<(d0, d1) -> (0, 0)>
module attributes {stable_mosaic.version = 14 : i64} {
  func.func @body(%arg0: i32, %arg1: i32, %arg2: memref<819200xi32, #tpu.memory_space<hbm>>, %arg3: memref<1000000x64xf32, #tpu.memory_space<hbm>>, %arg4: memref<819200x64xf32, #tpu.memory_space<hbm>>, %arg5: memref<25600xi32, #tpu.memory_space<vmem>>, %arg6: memref<128x64xf32, #tpu.memory_space<vmem>>, %arg7: memref<128x64xf32, #tpu.memory_space<vmem>>, %arg8: memref<128x64xf32, #tpu.memory_space<vmem>>, %arg9: memref<128x64xf32, #tpu.memory_space<vmem>>, %arg10: memref<128x64xf32, #tpu.memory_space<vmem>>, %arg11: memref<128x64xf32, #tpu.memory_space<vmem>>, %arg12: memref<128x64xf32, #tpu.memory_space<vmem>>, %arg13: memref<128x64xf32, #tpu.memory_space<vmem>>, %arg14: memref<!tpu.dma_semaphore, #tpu.memory_space<semaphore_mem>>, %arg15: memref<!tpu.dma_semaphore, #tpu.memory_space<semaphore_mem>>, %arg16: memref<!tpu.dma_semaphore, #tpu.memory_space<semaphore_mem>>, %arg17: memref<!tpu.dma_semaphore, #tpu.memory_space<semaphore_mem>>, %arg18: memref<!tpu.dma_semaphore, #tpu.memory_space<semaphore_mem>>, %arg19: memref<!tpu.dma_semaphore, #tpu.memory_space<semaphore_mem>>, %arg20: memref<!tpu.dma_semaphore, #tpu.memory_space<semaphore_mem>>, %arg21: memref<!tpu.dma_semaphore, #tpu.memory_space<semaphore_mem>>) attributes {dimension_semantics = [#tpu.dimension_semantics<core_parallel>, #tpu.dimension_semantics<subcore_parallel>], iteration_bounds = array<i64: 2, 16>, scalar_prefetch = 0 : i64, scratch_operands = 17 : i64, tpu.core_type = #tpu.core_type<sc_vector_subcore>, window_params = [{transform_indices = #map}, {transform_indices = #map1}, {transform_indices = #map1}]} {
    %mul3A = arith.constant 2 : i32
    %mul3A_0 = arith.muli %arg1, %mul3A : i32
    %add3A = arith.addi %mul3A_0, %arg0 : i32
    %mul3A_1 = arith.constant 25600 : i32
    %mul3A_2 = arith.muli %add3A, %mul3A_1 : i32
    "tpu.region"() ({
      %run_scoped3A = tpu.sem_alloc : memref<!tpu.dma_semaphore, #tpu.memory_space<semaphore_mem>>
      %dma_start3A_766 = tpu.memref_slice %arg2[%mul3A_2] : memref<819200xi32, #tpu.memory_space<hbm>> -> memref<25600xi32, #tpu.memory_space<hbm>>
      %dma_start3A_767 = tpu.memref_slice %arg2[%mul3A_2] : memref<819200xi32, #tpu.memory_space<hbm>> -> memref<25600xi32, #tpu.memory_space<hbm>>
      tpu.enqueue_dma source(%dma_start3A_767 : memref<25600xi32, #tpu.memory_space<hbm>>) target(%arg5 : memref<25600xi32, #tpu.memory_space<vmem>>) target_semaphore(%run_scoped3A : memref<!tpu.dma_semaphore, #tpu.memory_space<semaphore_mem>>)
      %dma_wait3A_768 = tpu.memref_slice %arg2[%mul3A_2] : memref<819200xi32, #tpu.memory_space<hbm>> -> memref<25600xi32, #tpu.memory_space<hbm>>
      %dma_wait3A_769 = tpu.memref_slice %arg2[%mul3A_2] : memref<819200xi32, #tpu.memory_space<hbm>> -> memref<25600xi32, #tpu.memory_space<hbm>>
      tpu.wait_dma2 semaphore(%run_scoped3A : memref<!tpu.dma_semaphore, #tpu.memory_space<semaphore_mem>>) src(%dma_wait3A_769 : memref<25600xi32, #tpu.memory_space<hbm>>) dst(%arg5 : memref<25600xi32, #tpu.memory_space<vmem>>)
      tpu.yield
    }) : () -> ()
    %get3A = arith.constant 0 : index
    %get3A_3 = tpu.vector_load %arg5[%get3A] {strides = array<i32>} : memref<25600xi32, #tpu.memory_space<vmem>>, vector<16xi32>,
    %get3A_4 = vector.shape_cast %get3A_3 : vector<16xi32> to vector<16xi32>
    %dma_start3A = arith.constant 0 : i32
    %dma_start3A_5 = arith.constant 0 : i32
    %dma_start3A_6 = tpu.memref_slice %arg6[%dma_start3A, %dma_start3A_5] : memref<128x64xf32, #tpu.memory_space<vmem>> -> memref<16x64xf32, #tpu.memory_space<vmem>>
    %dma_start3A_7 = arith.constant 0 : i32
    %dma_start3A_8 = arith.constant 0 : i32
    %dma_start3A_9 = tpu.memref_slice %arg3[%dma_start3A_7, %dma_start3A_8] : memref<1000000x64xf32, #tpu.memory_space<hbm>> -> memref<1000000x64xf32, #tpu.memory_space<hbm>>
    tpu.enqueue_indirect_dma source(%dma_start3A_9 : memref<1000000x64xf32, #tpu.memory_space<hbm>>) target(%dma_start3A_6 : memref<16x64xf32, #tpu.memory_space<vmem>>) offsets(%get3A_4 : vector<16xi32>) semaphore(%arg14 : memref<!tpu.dma_semaphore, #tpu.memory_space<semaphore_mem>>)
    %get3A_10 = arith.constant 16 : index
    %get3A_11 = tpu.vector_load %arg5[%get3A_10] {strides = array<i32>} : memref<25600xi32, #tpu.memory_space<vmem>>, vector<16xi32>,
    %get3A_12 = vector.shape_cast %get3A_11 : vector<16xi32> to vector<16xi32>
    %dma_start3A_13 = arith.constant 16 : i32
    %dma_start3A_14 = arith.constant 0 : i32
    %dma_start3A_15 = tpu.memref_slice %arg6[%dma_start3A_13, %dma_start3A_14] : memref<128x64xf32, #tpu.memory_space<vmem>> -> memref<16x64xf32, #tpu.memory_space<vmem>>
    %dma_start3A_16 = arith.constant 0 : i32
    %dma_start3A_17 = arith.constant 0 : i32
    %dma_start3A_18 = tpu.memref_slice %arg3[%dma_start3A_16, %dma_start3A_17] : memref<1000000x64xf32, #tpu.memory_space<hbm>> -> memref<1000000x64xf32, #tpu.memory_space<hbm>>
    tpu.enqueue_indirect_dma source(%dma_start3A_18 : memref<1000000x64xf32, #tpu.memory_space<hbm>>) target(%dma_start3A_15 : memref<16x64xf32, #tpu.memory_space<vmem>>) offsets(%get3A_12 : vector<16xi32>) semaphore(%arg14 : memref<!tpu.dma_semaphore, #tpu.memory_space<semaphore_mem>>)
    %get3A_19 = arith.constant 32 : index
    %get3A_20 = tpu.vector_load %arg5[%get3A_19] {strides = array<i32>} : memref<25600xi32, #tpu.memory_space<vmem>>, vector<16xi32>,
    %get3A_21 = vector.shape_cast %get3A_20 : vector<16xi32> to vector<16xi32>
    %dma_start3A_22 = arith.constant 32 : i32
    %dma_start3A_23 = arith.constant 0 : i32
    %dma_start3A_24 = tpu.memref_slice %arg6[%dma_start3A_22, %dma_start3A_23] : memref<128x64xf32, #tpu.memory_space<vmem>> -> memref<16x64xf32, #tpu.memory_space<vmem>>
    %dma_start3A_25 = arith.constant 0 : i32
    %dma_start3A_26 = arith.constant 0 : i32
    %dma_start3A_27 = tpu.memref_slice %arg3[%dma_start3A_25, %dma_start3A_26] : memref<1000000x64xf32, #tpu.memory_space<hbm>> -> memref<1000000x64xf32, #tpu.memory_space<hbm>>
    tpu.enqueue_indirect_dma source(%dma_start3A_27 : memref<1000000x64xf32, #tpu.memory_space<hbm>>) target(%dma_start3A_24 : memref<16x64xf32, #tpu.memory_space<vmem>>) offsets(%get3A_21 : vector<16xi32>) semaphore(%arg14 : memref<!tpu.dma_semaphore, #tpu.memory_space<semaphore_mem>>)
    %get3A_28 = arith.constant 48 : index
    %get3A_29 = tpu.vector_load %arg5[%get3A_28] {strides = array<i32>} : memref<25600xi32, #tpu.memory_space<vmem>>, vector<16xi32>,
    %get3A_30 = vector.shape_cast %get3A_29 : vector<16xi32> to vector<16xi32>
    %dma_start3A_31 = arith.constant 48 : i32
    %dma_start3A_32 = arith.constant 0 : i32
    %dma_start3A_33 = tpu.memref_slice %arg6[%dma_start3A_31, %dma_start3A_32] : memref<128x64xf32, #tpu.memory_space<vmem>> -> memref<16x64xf32, #tpu.memory_space<vmem>>
    %dma_start3A_34 = arith.constant 0 : i32
    %dma_start3A_35 = arith.constant 0 : i32
    %dma_start3A_36 = tpu.memref_slice %arg3[%dma_start3A_34, %dma_start3A_35] : memref<1000000x64xf32, #tpu.memory_space<hbm>> -> memref<1000000x64xf32, #tpu.memory_space<hbm>>
    tpu.enqueue_indirect_dma source(%dma_start3A_36 : memref<1000000x64xf32, #tpu.memory_space<hbm>>) target(%dma_start3A_33 : memref<16x64xf32, #tpu.memory_space<vmem>>) offsets(%get3A_30 : vector<16xi32>) semaphore(%arg14 : memref<!tpu.dma_semaphore, #tpu.memory_space<semaphore_mem>>)
    %get3A_37 = arith.constant 64 : index
    %get3A_38 = tpu.vector_load %arg5[%get3A_37] {strides = array<i32>} : memref<25600xi32, #tpu.memory_space<vmem>>, vector<16xi32>,
    %get3A_39 = vector.shape_cast %get3A_38 : vector<16xi32> to vector<16xi32>
    %dma_start3A_40 = arith.constant 64 : i32
    %dma_start3A_41 = arith.constant 0 : i32
    %dma_start3A_42 = tpu.memref_slice %arg6[%dma_start3A_40, %dma_start3A_41] : memref<128x64xf32, #tpu.memory_space<vmem>> -> memref<16x64xf32, #tpu.memory_space<vmem>>
    %dma_start3A_43 = arith.constant 0 : i32
    %dma_start3A_44 = arith.constant 0 : i32
    %dma_start3A_45 = tpu.memref_slice %arg3[%dma_start3A_43, %dma_start3A_44] : memref<1000000x64xf32, #tpu.memory_space<hbm>> -> memref<1000000x64xf32, #tpu.memory_space<hbm>>
    tpu.enqueue_indirect_dma source(%dma_start3A_45 : memref<1000000x64xf32, #tpu.memory_space<hbm>>) target(%dma_start3A_42 : memref<16x64xf32, #tpu.memory_space<vmem>>) offsets(%get3A_39 : vector<16xi32>) semaphore(%arg14 : memref<!tpu.dma_semaphore, #tpu.memory_space<semaphore_mem>>)
    %get3A_46 = arith.constant 80 : index
    %get3A_47 = tpu.vector_load %arg5[%get3A_46] {strides = array<i32>} : memref<25600xi32, #tpu.memory_space<vmem>>, vector<16xi32>,
    %get3A_48 = vector.shape_cast %get3A_47 : vector<16xi32> to vector<16xi32>
    %dma_start3A_49 = arith.constant 80 : i32
    %dma_start3A_50 = arith.constant 0 : i32
    %dma_start3A_51 = tpu.memref_slice %arg6[%dma_start3A_49, %dma_start3A_50] : memref<128x64xf32, #tpu.memory_space<vmem>> -> memref<16x64xf32, #tpu.memory_space<vmem>>
    %dma_start3A_52 = arith.constant 0 : i32
    %dma_start3A_53 = arith.constant 0 : i32
    %dma_start3A_54 = tpu.memref_slice %arg3[%dma_start3A_52, %dma_start3A_53] : memref<1000000x64xf32, #tpu.memory_space<hbm>> -> memref<1000000x64xf32, #tpu.memory_space<hbm>>
    tpu.enqueue_indirect_dma source(%dma_start3A_54 : memref<1000000x64xf32, #tpu.memory_space<hbm>>) target(%dma_start3A_51 : memref<16x64xf32, #tpu.memory_space<vmem>>) offsets(%get3A_48 : vector<16xi32>) semaphore(%arg14 : memref<!tpu.dma_semaphore, #tpu.memory_space<semaphore_mem>>)
    %get3A_55 = arith.constant 96 : index
    %get3A_56 = tpu.vector_load %arg5[%get3A_55] {strides = array<i32>} : memref<25600xi32, #tpu.memory_space<vmem>>, vector<16xi32>,
    %get3A_57 = vector.shape_cast %get3A_56 : vector<16xi32> to vector<16xi32>
    %dma_start3A_58 = arith.constant 96 : i32
    %dma_start3A_59 = arith.constant 0 : i32
    %dma_start3A_60 = tpu.memref_slice %arg6[%dma_start3A_58, %dma_start3A_59] : memref<128x64xf32, #tpu.memory_space<vmem>> -> memref<16x64xf32, #tpu.memory_space<vmem>>
    %dma_start3A_61 = arith.constant 0 : i32
    %dma_start3A_62 = arith.constant 0 : i32
    %dma_start3A_63 = tpu.memref_slice %arg3[%dma_start3A_61, %dma_start3A_62] : memref<1000000x64xf32, #tpu.memory_space<hbm>> -> memref<1000000x64xf32, #tpu.memory_space<hbm>>
    tpu.enqueue_indirect_dma source(%dma_start3A_63 : memref<1000000x64xf32, #tpu.memory_space<hbm>>) target(%dma_start3A_60 : memref<16x64xf32, #tpu.memory_space<vmem>>) offsets(%get3A_57 : vector<16xi32>) semaphore(%arg14 : memref<!tpu.dma_semaphore, #tpu.memory_space<semaphore_mem>>)
    %get3A_64 = arith.constant 112 : index
    %get3A_65 = tpu.vector_load %arg5[%get3A_64] {strides = array<i32>} : memref<25600xi32, #tpu.memory_space<vmem>>, vector<16xi32>,
    %get3A_66 = vector.shape_cast %get3A_65 : vector<16xi32> to vector<16xi32>
    %dma_start3A_67 = arith.constant 112 : i32
    %dma_start3A_68 = arith.constant 0 : i32
    %dma_start3A_69 = tpu.memref_slice %arg6[%dma_start3A_67, %dma_start3A_68] : memref<128x64xf32, #tpu.memory_space<vmem>> -> memref<16x64xf32, #tpu.memory_space<vmem>>
    %dma_start3A_70 = arith.constant 0 : i32
    %dma_start3A_71 = arith.constant 0 : i32
    %dma_start3A_72 = tpu.memref_slice %arg3[%dma_start3A_70, %dma_start3A_71] : memref<1000000x64xf32, #tpu.memory_space<hbm>> -> memref<1000000x64xf32, #tpu.memory_space<hbm>>
    tpu.enqueue_indirect_dma source(%dma_start3A_72 : memref<1000000x64xf32, #tpu.memory_space<hbm>>) target(%dma_start3A_69 : memref<16x64xf32, #tpu.memory_space<vmem>>) offsets(%get3A_66 : vector<16xi32>) semaphore(%arg14 : memref<!tpu.dma_semaphore, #tpu.memory_space<semaphore_mem>>)
    %get3A_73 = arith.constant 128 : index
    %get3A_74 = tpu.vector_load %arg5[%get3A_73] {strides = array<i32>} : memref<25600xi32, #tpu.memory_space<vmem>>, vector<16xi32>,
    %get3A_75 = vector.shape_cast %get3A_74 : vector<16xi32> to vector<16xi32>
    %dma_start3A_76 = arith.constant 0 : i32
    %dma_start3A_77 = arith.constant 0 : i32
    %dma_start3A_78 = tpu.memref_slice %arg7[%dma_start3A_76, %dma_start3A_77] : memref<128x64xf32, #tpu.memory_space<vmem>> -> memref<16x64xf32, #tpu.memory_space<vmem>>
    %dma_start3A_79 = arith.constant 0 : i32
    %dma_start3A_80 = arith.constant 0 : i32
    %dma_start3A_81 = tpu.memref_slice %arg3[%dma_start3A_79, %dma_start3A_80] : memref<1000000x64xf32, #tpu.memory_space<hbm>> -> memref<1000000x64xf32, #tpu.memory_space<hbm>>
    tpu.enqueue_indirect_dma source(%dma_start3A_81 : memref<1000000x64xf32, #tpu.memory_space<hbm>>) target(%dma_start3A_78 : memref<16x64xf32, #tpu.memory_space<vmem>>) offsets(%get3A_75 : vector<16xi32>) semaphore(%arg15 : memref<!tpu.dma_semaphore, #tpu.memory_space<semaphore_mem>>)
    %get3A_82 = arith.constant 144 : index
    %get3A_83 = tpu.vector_load %arg5[%get3A_82] {strides = array<i32>} : memref<25600xi32, #tpu.memory_space<vmem>>, vector<16xi32>,
    %get3A_84 = vector.shape_cast %get3A_83 : vector<16xi32> to vector<16xi32>
    %dma_start3A_85 = arith.constant 16 : i32
    %dma_start3A_86 = arith.constant 0 : i32
    %dma_start3A_87 = tpu.memref_slice %arg7[%dma_start3A_85, %dma_start3A_86] : memref<128x64xf32, #tpu.memory_space<vmem>> -> memref<16x64xf32, #tpu.memory_space<vmem>>
    %dma_start3A_88 = arith.constant 0 : i32
    %dma_start3A_89 = arith.constant 0 : i32
    %dma_start3A_90 = tpu.memref_slice %arg3[%dma_start3A_88, %dma_start3A_89] : memref<1000000x64xf32, #tpu.memory_space<hbm>> -> memref<1000000x64xf32, #tpu.memory_space<hbm>>
    tpu.enqueue_indirect_dma source(%dma_start3A_90 : memref<1000000x64xf32, #tpu.memory_space<hbm>>) target(%dma_start3A_87 : memref<16x64xf32, #tpu.memory_space<vmem>>) offsets(%get3A_84 : vector<16xi32>) semaphore(%arg15 : memref<!tpu.dma_semaphore, #tpu.memory_space<semaphore_mem>>)
    %get3A_91 = arith.constant 160 : index
    %get3A_92 = tpu.vector_load %arg5[%get3A_91] {strides = array<i32>} : memref<25600xi32, #tpu.memory_space<vmem>>, vector<16xi32>,
    %get3A_93 = vector.shape_cast %get3A_92 : vector<16xi32> to vector<16xi32>
    %dma_start3A_94 = arith.constant 32 : i32
    %dma_start3A_95 = arith.constant 0 : i32
    %dma_start3A_96 = tpu.memref_slice %arg7[%dma_start3A_94, %dma_start3A_95] : memref<128x64xf32, #tpu.memory_space<vmem>> -> memref<16x64xf32, #tpu.memory_space<vmem>>
    %dma_start3A_97 = arith.constant 0 : i32
    %dma_start3A_98 = arith.constant 0 : i32
    %dma_start3A_99 = tpu.memref_slice %arg3[%dma_start3A_97, %dma_start3A_98] : memref<1000000x64xf32, #tpu.memory_space<hbm>> -> memref<1000000x64xf32, #tpu.memory_space<hbm>>
    tpu.enqueue_indirect_dma source(%dma_start3A_99 : memref<1000000x64xf32, #tpu.memory_space<hbm>>) target(%dma_start3A_96 : memref<16x64xf32, #tpu.memory_space<vmem>>) offsets(%get3A_93 : vector<16xi32>) semaphore(%arg15 : memref<!tpu.dma_semaphore, #tpu.memory_space<semaphore_mem>>)
    %get3A_100 = arith.constant 176 : index
    %get3A_101 = tpu.vector_load %arg5[%get3A_100] {strides = array<i32>} : memref<25600xi32, #tpu.memory_space<vmem>>, vector<16xi32>,
    %get3A_102 = vector.shape_cast %get3A_101 : vector<16xi32> to vector<16xi32>
    %dma_start3A_103 = arith.constant 48 : i32
    %dma_start3A_104 = arith.constant 0 : i32
    %dma_start3A_105 = tpu.memref_slice %arg7[%dma_start3A_103, %dma_start3A_104] : memref<128x64xf32, #tpu.memory_space<vmem>> -> memref<16x64xf32, #tpu.memory_space<vmem>>
    %dma_start3A_106 = arith.constant 0 : i32
    %dma_start3A_107 = arith.constant 0 : i32
    %dma_start3A_108 = tpu.memref_slice %arg3[%dma_start3A_106, %dma_start3A_107] : memref<1000000x64xf32, #tpu.memory_space<hbm>> -> memref<1000000x64xf32, #tpu.memory_space<hbm>>
    tpu.enqueue_indirect_dma source(%dma_start3A_108 : memref<1000000x64xf32, #tpu.memory_space<hbm>>) target(%dma_start3A_105 : memref<16x64xf32, #tpu.memory_space<vmem>>) offsets(%get3A_102 : vector<16xi32>) semaphore(%arg15 : memref<!tpu.dma_semaphore, #tpu.memory_space<semaphore_mem>>)
    %get3A_109 = arith.constant 192 : index
    %get3A_110 = tpu.vector_load %arg5[%get3A_109] {strides = array<i32>} : memref<25600xi32, #tpu.memory_space<vmem>>, vector<16xi32>,
    %get3A_111 = vector.shape_cast %get3A_110 : vector<16xi32> to vector<16xi32>
    %dma_start3A_112 = arith.constant 64 : i32
    %dma_start3A_113 = arith.constant 0 : i32
    %dma_start3A_114 = tpu.memref_slice %arg7[%dma_start3A_112, %dma_start3A_113] : memref<128x64xf32, #tpu.memory_space<vmem>> -> memref<16x64xf32, #tpu.memory_space<vmem>>
    %dma_start3A_115 = arith.constant 0 : i32
    %dma_start3A_116 = arith.constant 0 : i32
    %dma_start3A_117 = tpu.memref_slice %arg3[%dma_start3A_115, %dma_start3A_116] : memref<1000000x64xf32, #tpu.memory_space<hbm>> -> memref<1000000x64xf32, #tpu.memory_space<hbm>>
    tpu.enqueue_indirect_dma source(%dma_start3A_117 : memref<1000000x64xf32, #tpu.memory_space<hbm>>) target(%dma_start3A_114 : memref<16x64xf32, #tpu.memory_space<vmem>>) offsets(%get3A_111 : vector<16xi32>) semaphore(%arg15 : memref<!tpu.dma_semaphore, #tpu.memory_space<semaphore_mem>>)
    %get3A_118 = arith.constant 208 : index
    %get3A_119 = tpu.vector_load %arg5[%get3A_118] {strides = array<i32>} : memref<25600xi32, #tpu.memory_space<vmem>>, vector<16xi32>,
    %get3A_120 = vector.shape_cast %get3A_119 : vector<16xi32> to vector<16xi32>
    %dma_start3A_121 = arith.constant 80 : i32
    %dma_start3A_122 = arith.constant 0 : i32
    %dma_start3A_123 = tpu.memref_slice %arg7[%dma_start3A_121, %dma_start3A_122] : memref<128x64xf32, #tpu.memory_space<vmem>> -> memref<16x64xf32, #tpu.memory_space<vmem>>
    %dma_start3A_124 = arith.constant 0 : i32
    %dma_start3A_125 = arith.constant 0 : i32
    %dma_start3A_126 = tpu.memref_slice %arg3[%dma_start3A_124, %dma_start3A_125] : memref<1000000x64xf32, #tpu.memory_space<hbm>> -> memref<1000000x64xf32, #tpu.memory_space<hbm>>
    tpu.enqueue_indirect_dma source(%dma_start3A_126 : memref<1000000x64xf32, #tpu.memory_space<hbm>>) target(%dma_start3A_123 : memref<16x64xf32, #tpu.memory_space<vmem>>) offsets(%get3A_120 : vector<16xi32>) semaphore(%arg15 : memref<!tpu.dma_semaphore, #tpu.memory_space<semaphore_mem>>)
    %get3A_127 = arith.constant 224 : index
    %get3A_128 = tpu.vector_load %arg5[%get3A_127] {strides = array<i32>} : memref<25600xi32, #tpu.memory_space<vmem>>, vector<16xi32>,
    %get3A_129 = vector.shape_cast %get3A_128 : vector<16xi32> to vector<16xi32>
    %dma_start3A_130 = arith.constant 96 : i32
    %dma_start3A_131 = arith.constant 0 : i32
    %dma_start3A_132 = tpu.memref_slice %arg7[%dma_start3A_130, %dma_start3A_131] : memref<128x64xf32, #tpu.memory_space<vmem>> -> memref<16x64xf32, #tpu.memory_space<vmem>>
    %dma_start3A_133 = arith.constant 0 : i32
    %dma_start3A_134 = arith.constant 0 : i32
    %dma_start3A_135 = tpu.memref_slice %arg3[%dma_start3A_133, %dma_start3A_134] : memref<1000000x64xf32, #tpu.memory_space<hbm>> -> memref<1000000x64xf32, #tpu.memory_space<hbm>>
    tpu.enqueue_indirect_dma source(%dma_start3A_135 : memref<1000000x64xf32, #tpu.memory_space<hbm>>) target(%dma_start3A_132 : memref<16x64xf32, #tpu.memory_space<vmem>>) offsets(%get3A_129 : vector<16xi32>) semaphore(%arg15 : memref<!tpu.dma_semaphore, #tpu.memory_space<semaphore_mem>>)
    %get3A_136 = arith.constant 240 : index
    %get3A_137 = tpu.vector_load %arg5[%get3A_136] {strides = array<i32>} : memref<25600xi32, #tpu.memory_space<vmem>>, vector<16xi32>,
    %get3A_138 = vector.shape_cast %get3A_137 : vector<16xi32> to vector<16xi32>
    %dma_start3A_139 = arith.constant 112 : i32
    %dma_start3A_140 = arith.constant 0 : i32
    %dma_start3A_141 = tpu.memref_slice %arg7[%dma_start3A_139, %dma_start3A_140] : memref<128x64xf32, #tpu.memory_space<vmem>> -> memref<16x64xf32, #tpu.memory_space<vmem>>
    %dma_start3A_142 = arith.constant 0 : i32
    %dma_start3A_143 = arith.constant 0 : i32
    %dma_start3A_144 = tpu.memref_slice %arg3[%dma_start3A_142, %dma_start3A_143] : memref<1000000x64xf32, #tpu.memory_space<hbm>> -> memref<1000000x64xf32, #tpu.memory_space<hbm>>
    tpu.enqueue_indirect_dma source(%dma_start3A_144 : memref<1000000x64xf32, #tpu.memory_space<hbm>>) target(%dma_start3A_141 : memref<16x64xf32, #tpu.memory_space<vmem>>) offsets(%get3A_138 : vector<16xi32>) semaphore(%arg15 : memref<!tpu.dma_semaphore, #tpu.memory_space<semaphore_mem>>)
    %get3A_145 = arith.constant 256 : index
    %get3A_146 = tpu.vector_load %arg5[%get3A_145] {strides = array<i32>} : memref<25600xi32, #tpu.memory_space<vmem>>, vector<16xi32>,
    %get3A_147 = vector.shape_cast %get3A_146 : vector<16xi32> to vector<16xi32>
    %dma_start3A_148 = arith.constant 0 : i32
    %dma_start3A_149 = arith.constant 0 : i32
    %dma_start3A_150 = tpu.memref_slice %arg8[%dma_start3A_148, %dma_start3A_149] : memref<128x64xf32, #tpu.memory_space<vmem>> -> memref<16x64xf32, #tpu.memory_space<vmem>>
    %dma_start3A_151 = arith.constant 0 : i32
    %dma_start3A_152 = arith.constant 0 : i32
    %dma_start3A_153 = tpu.memref_slice %arg3[%dma_start3A_151, %dma_start3A_152] : memref<1000000x64xf32, #tpu.memory_space<hbm>> -> memref<1000000x64xf32, #tpu.memory_space<hbm>>
    tpu.enqueue_indirect_dma source(%dma_start3A_153 : memref<1000000x64xf32, #tpu.memory_space<hbm>>) target(%dma_start3A_150 : memref<16x64xf32, #tpu.memory_space<vmem>>) offsets(%get3A_147 : vector<16xi32>) semaphore(%arg16 : memref<!tpu.dma_semaphore, #tpu.memory_space<semaphore_mem>>)
    %get3A_154 = arith.constant 272 : index
    %get3A_155 = tpu.vector_load %arg5[%get3A_154] {strides = array<i32>} : memref<25600xi32, #tpu.memory_space<vmem>>, vector<16xi32>,
    %get3A_156 = vector.shape_cast %get3A_155 : vector<16xi32> to vector<16xi32>
    %dma_start3A_157 = arith.constant 16 : i32
    %dma_start3A_158 = arith.constant 0 : i32
    %dma_start3A_159 = tpu.memref_slice %arg8[%dma_start3A_157, %dma_start3A_158] : memref<128x64xf32, #tpu.memory_space<vmem>> -> memref<16x64xf32, #tpu.memory_space<vmem>>
    %dma_start3A_160 = arith.constant 0 : i32
    %dma_start3A_161 = arith.constant 0 : i32
    %dma_start3A_162 = tpu.memref_slice %arg3[%dma_start3A_160, %dma_start3A_161] : memref<1000000x64xf32, #tpu.memory_space<hbm>> -> memref<1000000x64xf32, #tpu.memory_space<hbm>>
    tpu.enqueue_indirect_dma source(%dma_start3A_162 : memref<1000000x64xf32, #tpu.memory_space<hbm>>) target(%dma_start3A_159 : memref<16x64xf32, #tpu.memory_space<vmem>>) offsets(%get3A_156 : vector<16xi32>) semaphore(%arg16 : memref<!tpu.dma_semaphore, #tpu.memory_space<semaphore_mem>>)
    %get3A_163 = arith.constant 288 : index
    %get3A_164 = tpu.vector_load %arg5[%get3A_163] {strides = array<i32>} : memref<25600xi32, #tpu.memory_space<vmem>>, vector<16xi32>,
    %get3A_165 = vector.shape_cast %get3A_164 : vector<16xi32> to vector<16xi32>
    %dma_start3A_166 = arith.constant 32 : i32
    %dma_start3A_167 = arith.constant 0 : i32
    %dma_start3A_168 = tpu.memref_slice %arg8[%dma_start3A_166, %dma_start3A_167] : memref<128x64xf32, #tpu.memory_space<vmem>> -> memref<16x64xf32, #tpu.memory_space<vmem>>
    %dma_start3A_169 = arith.constant 0 : i32
    %dma_start3A_170 = arith.constant 0 : i32
    %dma_start3A_171 = tpu.memref_slice %arg3[%dma_start3A_169, %dma_start3A_170] : memref<1000000x64xf32, #tpu.memory_space<hbm>> -> memref<1000000x64xf32, #tpu.memory_space<hbm>>
    tpu.enqueue_indirect_dma source(%dma_start3A_171 : memref<1000000x64xf32, #tpu.memory_space<hbm>>) target(%dma_start3A_168 : memref<16x64xf32, #tpu.memory_space<vmem>>) offsets(%get3A_165 : vector<16xi32>) semaphore(%arg16 : memref<!tpu.dma_semaphore, #tpu.memory_space<semaphore_mem>>)
    %get3A_172 = arith.constant 304 : index
    %get3A_173 = tpu.vector_load %arg5[%get3A_172] {strides = array<i32>} : memref<25600xi32, #tpu.memory_space<vmem>>, vector<16xi32>,
    %get3A_174 = vector.shape_cast %get3A_173 : vector<16xi32> to vector<16xi32>
    %dma_start3A_175 = arith.constant 48 : i32
    %dma_start3A_176 = arith.constant 0 : i32
    %dma_start3A_177 = tpu.memref_slice %arg8[%dma_start3A_175, %dma_start3A_176] : memref<128x64xf32, #tpu.memory_space<vmem>> -> memref<16x64xf32, #tpu.memory_space<vmem>>
    %dma_start3A_178 = arith.constant 0 : i32
    %dma_start3A_179 = arith.constant 0 : i32
    %dma_start3A_180 = tpu.memref_slice %arg3[%dma_start3A_178, %dma_start3A_179] : memref<1000000x64xf32, #tpu.memory_space<hbm>> -> memref<1000000x64xf32, #tpu.memory_space<hbm>>
    tpu.enqueue_indirect_dma source(%dma_start3A_180 : memref<1000000x64xf32, #tpu.memory_space<hbm>>) target(%dma_start3A_177 : memref<16x64xf32, #tpu.memory_space<vmem>>) offsets(%get3A_174 : vector<16xi32>) semaphore(%arg16 : memref<!tpu.dma_semaphore, #tpu.memory_space<semaphore_mem>>)
    %get3A_181 = arith.constant 320 : index
    %get3A_182 = tpu.vector_load %arg5[%get3A_181] {strides = array<i32>} : memref<25600xi32, #tpu.memory_space<vmem>>, vector<16xi32>,
    %get3A_183 = vector.shape_cast %get3A_182 : vector<16xi32> to vector<16xi32>
    %dma_start3A_184 = arith.constant 64 : i32
    %dma_start3A_185 = arith.constant 0 : i32
    %dma_start3A_186 = tpu.memref_slice %arg8[%dma_start3A_184, %dma_start3A_185] : memref<128x64xf32, #tpu.memory_space<vmem>> -> memref<16x64xf32, #tpu.memory_space<vmem>>
    %dma_start3A_187 = arith.constant 0 : i32
    %dma_start3A_188 = arith.constant 0 : i32
    %dma_start3A_189 = tpu.memref_slice %arg3[%dma_start3A_187, %dma_start3A_188] : memref<1000000x64xf32, #tpu.memory_space<hbm>> -> memref<1000000x64xf32, #tpu.memory_space<hbm>>
    tpu.enqueue_indirect_dma source(%dma_start3A_189 : memref<1000000x64xf32, #tpu.memory_space<hbm>>) target(%dma_start3A_186 : memref<16x64xf32, #tpu.memory_space<vmem>>) offsets(%get3A_183 : vector<16xi32>) semaphore(%arg16 : memref<!tpu.dma_semaphore, #tpu.memory_space<semaphore_mem>>)
    %get3A_190 = arith.constant 336 : index
    %get3A_191 = tpu.vector_load %arg5[%get3A_190] {strides = array<i32>} : memref<25600xi32, #tpu.memory_space<vmem>>, vector<16xi32>,
    %get3A_192 = vector.shape_cast %get3A_191 : vector<16xi32> to vector<16xi32>
    %dma_start3A_193 = arith.constant 80 : i32
    %dma_start3A_194 = arith.constant 0 : i32
    %dma_start3A_195 = tpu.memref_slice %arg8[%dma_start3A_193, %dma_start3A_194] : memref<128x64xf32, #tpu.memory_space<vmem>> -> memref<16x64xf32, #tpu.memory_space<vmem>>
    %dma_start3A_196 = arith.constant 0 : i32
    %dma_start3A_197 = arith.constant 0 : i32
    %dma_start3A_198 = tpu.memref_slice %arg3[%dma_start3A_196, %dma_start3A_197] : memref<1000000x64xf32, #tpu.memory_space<hbm>> -> memref<1000000x64xf32, #tpu.memory_space<hbm>>
    tpu.enqueue_indirect_dma source(%dma_start3A_198 : memref<1000000x64xf32, #tpu.memory_space<hbm>>) target(%dma_start3A_195 : memref<16x64xf32, #tpu.memory_space<vmem>>) offsets(%get3A_192 : vector<16xi32>) semaphore(%arg16 : memref<!tpu.dma_semaphore, #tpu.memory_space<semaphore_mem>>)
    %get3A_199 = arith.constant 352 : index
    %get3A_200 = tpu.vector_load %arg5[%get3A_199] {strides = array<i32>} : memref<25600xi32, #tpu.memory_space<vmem>>, vector<16xi32>,
    %get3A_201 = vector.shape_cast %get3A_200 : vector<16xi32> to vector<16xi32>
    %dma_start3A_202 = arith.constant 96 : i32
    %dma_start3A_203 = arith.constant 0 : i32
    %dma_start3A_204 = tpu.memref_slice %arg8[%dma_start3A_202, %dma_start3A_203] : memref<128x64xf32, #tpu.memory_space<vmem>> -> memref<16x64xf32, #tpu.memory_space<vmem>>
    %dma_start3A_205 = arith.constant 0 : i32
    %dma_start3A_206 = arith.constant 0 : i32
    %dma_start3A_207 = tpu.memref_slice %arg3[%dma_start3A_205, %dma_start3A_206] : memref<1000000x64xf32, #tpu.memory_space<hbm>> -> memref<1000000x64xf32, #tpu.memory_space<hbm>>
    tpu.enqueue_indirect_dma source(%dma_start3A_207 : memref<1000000x64xf32, #tpu.memory_space<hbm>>) target(%dma_start3A_204 : memref<16x64xf32, #tpu.memory_space<vmem>>) offsets(%get3A_201 : vector<16xi32>) semaphore(%arg16 : memref<!tpu.dma_semaphore, #tpu.memory_space<semaphore_mem>>)
    %get3A_208 = arith.constant 368 : index
    %get3A_209 = tpu.vector_load %arg5[%get3A_208] {strides = array<i32>} : memref<25600xi32, #tpu.memory_space<vmem>>, vector<16xi32>,
    %get3A_210 = vector.shape_cast %get3A_209 : vector<16xi32> to vector<16xi32>
    %dma_start3A_211 = arith.constant 112 : i32
    %dma_start3A_212 = arith.constant 0 : i32
    %dma_start3A_213 = tpu.memref_slice %arg8[%dma_start3A_211, %dma_start3A_212] : memref<128x64xf32, #tpu.memory_space<vmem>> -> memref<16x64xf32, #tpu.memory_space<vmem>>
    %dma_start3A_214 = arith.constant 0 : i32
    %dma_start3A_215 = arith.constant 0 : i32
    %dma_start3A_216 = tpu.memref_slice %arg3[%dma_start3A_214, %dma_start3A_215] : memref<1000000x64xf32, #tpu.memory_space<hbm>> -> memref<1000000x64xf32, #tpu.memory_space<hbm>>
    tpu.enqueue_indirect_dma source(%dma_start3A_216 : memref<1000000x64xf32, #tpu.memory_space<hbm>>) target(%dma_start3A_213 : memref<16x64xf32, #tpu.memory_space<vmem>>) offsets(%get3A_210 : vector<16xi32>) semaphore(%arg16 : memref<!tpu.dma_semaphore, #tpu.memory_space<semaphore_mem>>)
    %get3A_217 = arith.constant 384 : index
    %get3A_218 = tpu.vector_load %arg5[%get3A_217] {strides = array<i32>} : memref<25600xi32, #tpu.memory_space<vmem>>, vector<16xi32>,
    %get3A_219 = vector.shape_cast %get3A_218 : vector<16xi32> to vector<16xi32>
    %dma_start3A_220 = arith.constant 0 : i32
    %dma_start3A_221 = arith.constant 0 : i32
    %dma_start3A_222 = tpu.memref_slice %arg9[%dma_start3A_220, %dma_start3A_221] : memref<128x64xf32, #tpu.memory_space<vmem>> -> memref<16x64xf32, #tpu.memory_space<vmem>>
    %dma_start3A_223 = arith.constant 0 : i32
    %dma_start3A_224 = arith.constant 0 : i32
    %dma_start3A_225 = tpu.memref_slice %arg3[%dma_start3A_223, %dma_start3A_224] : memref<1000000x64xf32, #tpu.memory_space<hbm>> -> memref<1000000x64xf32, #tpu.memory_space<hbm>>
    tpu.enqueue_indirect_dma source(%dma_start3A_225 : memref<1000000x64xf32, #tpu.memory_space<hbm>>) target(%dma_start3A_222 : memref<16x64xf32, #tpu.memory_space<vmem>>) offsets(%get3A_219 : vector<16xi32>) semaphore(%arg17 : memref<!tpu.dma_semaphore, #tpu.memory_space<semaphore_mem>>)
    %get3A_226 = arith.constant 400 : index
    %get3A_227 = tpu.vector_load %arg5[%get3A_226] {strides = array<i32>} : memref<25600xi32, #tpu.memory_space<vmem>>, vector<16xi32>,
    %get3A_228 = vector.shape_cast %get3A_227 : vector<16xi32> to vector<16xi32>
    %dma_start3A_229 = arith.constant 16 : i32
    %dma_start3A_230 = arith.constant 0 : i32
    %dma_start3A_231 = tpu.memref_slice %arg9[%dma_start3A_229, %dma_start3A_230] : memref<128x64xf32, #tpu.memory_space<vmem>> -> memref<16x64xf32, #tpu.memory_space<vmem>>
    %dma_start3A_232 = arith.constant 0 : i32
    %dma_start3A_233 = arith.constant 0 : i32
    %dma_start3A_234 = tpu.memref_slice %arg3[%dma_start3A_232, %dma_start3A_233] : memref<1000000x64xf32, #tpu.memory_space<hbm>> -> memref<1000000x64xf32, #tpu.memory_space<hbm>>
    tpu.enqueue_indirect_dma source(%dma_start3A_234 : memref<1000000x64xf32, #tpu.memory_space<hbm>>) target(%dma_start3A_231 : memref<16x64xf32, #tpu.memory_space<vmem>>) offsets(%get3A_228 : vector<16xi32>) semaphore(%arg17 : memref<!tpu.dma_semaphore, #tpu.memory_space<semaphore_mem>>)
    %get3A_235 = arith.constant 416 : index
    %get3A_236 = tpu.vector_load %arg5[%get3A_235] {strides = array<i32>} : memref<25600xi32, #tpu.memory_space<vmem>>, vector<16xi32>,
    %get3A_237 = vector.shape_cast %get3A_236 : vector<16xi32> to vector<16xi32>
    %dma_start3A_238 = arith.constant 32 : i32
    %dma_start3A_239 = arith.constant 0 : i32
    %dma_start3A_240 = tpu.memref_slice %arg9[%dma_start3A_238, %dma_start3A_239] : memref<128x64xf32, #tpu.memory_space<vmem>> -> memref<16x64xf32, #tpu.memory_space<vmem>>
    %dma_start3A_241 = arith.constant 0 : i32
    %dma_start3A_242 = arith.constant 0 : i32
    %dma_start3A_243 = tpu.memref_slice %arg3[%dma_start3A_241, %dma_start3A_242] : memref<1000000x64xf32, #tpu.memory_space<hbm>> -> memref<1000000x64xf32, #tpu.memory_space<hbm>>
    tpu.enqueue_indirect_dma source(%dma_start3A_243 : memref<1000000x64xf32, #tpu.memory_space<hbm>>) target(%dma_start3A_240 : memref<16x64xf32, #tpu.memory_space<vmem>>) offsets(%get3A_237 : vector<16xi32>) semaphore(%arg17 : memref<!tpu.dma_semaphore, #tpu.memory_space<semaphore_mem>>)
    %get3A_244 = arith.constant 432 : index
    %get3A_245 = tpu.vector_load %arg5[%get3A_244] {strides = array<i32>} : memref<25600xi32, #tpu.memory_space<vmem>>, vector<16xi32>,
    %get3A_246 = vector.shape_cast %get3A_245 : vector<16xi32> to vector<16xi32>
    %dma_start3A_247 = arith.constant 48 : i32
    %dma_start3A_248 = arith.constant 0 : i32
    %dma_start3A_249 = tpu.memref_slice %arg9[%dma_start3A_247, %dma_start3A_248] : memref<128x64xf32, #tpu.memory_space<vmem>> -> memref<16x64xf32, #tpu.memory_space<vmem>>
    %dma_start3A_250 = arith.constant 0 : i32
    %dma_start3A_251 = arith.constant 0 : i32
    %dma_start3A_252 = tpu.memref_slice %arg3[%dma_start3A_250, %dma_start3A_251] : memref<1000000x64xf32, #tpu.memory_space<hbm>> -> memref<1000000x64xf32, #tpu.memory_space<hbm>>
    tpu.enqueue_indirect_dma source(%dma_start3A_252 : memref<1000000x64xf32, #tpu.memory_space<hbm>>) target(%dma_start3A_249 : memref<16x64xf32, #tpu.memory_space<vmem>>) offsets(%get3A_246 : vector<16xi32>) semaphore(%arg17 : memref<!tpu.dma_semaphore, #tpu.memory_space<semaphore_mem>>)
    %get3A_253 = arith.constant 448 : index
    %get3A_254 = tpu.vector_load %arg5[%get3A_253] {strides = array<i32>} : memref<25600xi32, #tpu.memory_space<vmem>>, vector<16xi32>,
    %get3A_255 = vector.shape_cast %get3A_254 : vector<16xi32> to vector<16xi32>
    %dma_start3A_256 = arith.constant 64 : i32
    %dma_start3A_257 = arith.constant 0 : i32
    %dma_start3A_258 = tpu.memref_slice %arg9[%dma_start3A_256, %dma_start3A_257] : memref<128x64xf32, #tpu.memory_space<vmem>> -> memref<16x64xf32, #tpu.memory_space<vmem>>
    %dma_start3A_259 = arith.constant 0 : i32
    %dma_start3A_260 = arith.constant 0 : i32
    %dma_start3A_261 = tpu.memref_slice %arg3[%dma_start3A_259, %dma_start3A_260] : memref<1000000x64xf32, #tpu.memory_space<hbm>> -> memref<1000000x64xf32, #tpu.memory_space<hbm>>
    tpu.enqueue_indirect_dma source(%dma_start3A_261 : memref<1000000x64xf32, #tpu.memory_space<hbm>>) target(%dma_start3A_258 : memref<16x64xf32, #tpu.memory_space<vmem>>) offsets(%get3A_255 : vector<16xi32>) semaphore(%arg17 : memref<!tpu.dma_semaphore, #tpu.memory_space<semaphore_mem>>)
    %get3A_262 = arith.constant 464 : index
    %get3A_263 = tpu.vector_load %arg5[%get3A_262] {strides = array<i32>} : memref<25600xi32, #tpu.memory_space<vmem>>, vector<16xi32>,
    %get3A_264 = vector.shape_cast %get3A_263 : vector<16xi32> to vector<16xi32>
    %dma_start3A_265 = arith.constant 80 : i32
    %dma_start3A_266 = arith.constant 0 : i32
    %dma_start3A_267 = tpu.memref_slice %arg9[%dma_start3A_265, %dma_start3A_266] : memref<128x64xf32, #tpu.memory_space<vmem>> -> memref<16x64xf32, #tpu.memory_space<vmem>>
    %dma_start3A_268 = arith.constant 0 : i32
    %dma_start3A_269 = arith.constant 0 : i32
    %dma_start3A_270 = tpu.memref_slice %arg3[%dma_start3A_268, %dma_start3A_269] : memref<1000000x64xf32, #tpu.memory_space<hbm>> -> memref<1000000x64xf32, #tpu.memory_space<hbm>>
    tpu.enqueue_indirect_dma source(%dma_start3A_270 : memref<1000000x64xf32, #tpu.memory_space<hbm>>) target(%dma_start3A_267 : memref<16x64xf32, #tpu.memory_space<vmem>>) offsets(%get3A_264 : vector<16xi32>) semaphore(%arg17 : memref<!tpu.dma_semaphore, #tpu.memory_space<semaphore_mem>>)
    %get3A_271 = arith.constant 480 : index
    %get3A_272 = tpu.vector_load %arg5[%get3A_271] {strides = array<i32>} : memref<25600xi32, #tpu.memory_space<vmem>>, vector<16xi32>,
    %get3A_273 = vector.shape_cast %get3A_272 : vector<16xi32> to vector<16xi32>
    %dma_start3A_274 = arith.constant 96 : i32
    %dma_start3A_275 = arith.constant 0 : i32
    %dma_start3A_276 = tpu.memref_slice %arg9[%dma_start3A_274, %dma_start3A_275] : memref<128x64xf32, #tpu.memory_space<vmem>> -> memref<16x64xf32, #tpu.memory_space<vmem>>
    %dma_start3A_277 = arith.constant 0 : i32
    %dma_start3A_278 = arith.constant 0 : i32
    %dma_start3A_279 = tpu.memref_slice %arg3[%dma_start3A_277, %dma_start3A_278] : memref<1000000x64xf32, #tpu.memory_space<hbm>> -> memref<1000000x64xf32, #tpu.memory_space<hbm>>
    tpu.enqueue_indirect_dma source(%dma_start3A_279 : memref<1000000x64xf32, #tpu.memory_space<hbm>>) target(%dma_start3A_276 : memref<16x64xf32, #tpu.memory_space<vmem>>) offsets(%get3A_273 : vector<16xi32>) semaphore(%arg17 : memref<!tpu.dma_semaphore, #tpu.memory_space<semaphore_mem>>)
    %get3A_280 = arith.constant 496 : index
    %get3A_281 = tpu.vector_load %arg5[%get3A_280] {strides = array<i32>} : memref<25600xi32, #tpu.memory_space<vmem>>, vector<16xi32>,
    %get3A_282 = vector.shape_cast %get3A_281 : vector<16xi32> to vector<16xi32>
    %dma_start3A_283 = arith.constant 112 : i32
    %dma_start3A_284 = arith.constant 0 : i32
    %dma_start3A_285 = tpu.memref_slice %arg9[%dma_start3A_283, %dma_start3A_284] : memref<128x64xf32, #tpu.memory_space<vmem>> -> memref<16x64xf32, #tpu.memory_space<vmem>>
    %dma_start3A_286 = arith.constant 0 : i32
    %dma_start3A_287 = arith.constant 0 : i32
    %dma_start3A_288 = tpu.memref_slice %arg3[%dma_start3A_286, %dma_start3A_287] : memref<1000000x64xf32, #tpu.memory_space<hbm>> -> memref<1000000x64xf32, #tpu.memory_space<hbm>>
    tpu.enqueue_indirect_dma source(%dma_start3A_288 : memref<1000000x64xf32, #tpu.memory_space<hbm>>) target(%dma_start3A_285 : memref<16x64xf32, #tpu.memory_space<vmem>>) offsets(%get3A_282 : vector<16xi32>) semaphore(%arg17 : memref<!tpu.dma_semaphore, #tpu.memory_space<semaphore_mem>>)
    %dma_wait3A = arith.constant 0 : i32
    %dma_wait3A_289 = tpu.memref_slice %arg4[%mul3A_2, %dma_wait3A] : memref<819200x64xf32, #tpu.memory_space<hbm>> -> memref<128x64xf32, #tpu.memory_space<hbm>>
    %dma_wait3A_290 = arith.constant 0 : i32
    %dma_wait3A_291 = tpu.memref_slice %arg4[%mul3A_2, %dma_wait3A_290] : memref<819200x64xf32, #tpu.memory_space<hbm>> -> memref<128x64xf32, #tpu.memory_space<hbm>>
    tpu.wait_dma2 semaphore(%arg14 : memref<!tpu.dma_semaphore, #tpu.memory_space<semaphore_mem>>) src(%dma_wait3A_291 : memref<128x64xf32, #tpu.memory_space<hbm>>) dst(%arg6 : memref<128x64xf32, #tpu.memory_space<vmem>>)
    %scan3A = arith.constant 0 : i32
    %scan3A_292 = arith.constant 0 : i32
    %scan3A_293 = arith.constant 32 : i32
    %scan3A_294 = arith.addi %scan3A_292, %scan3A_293 : i32
    %scan3A_295 = arith.constant 1 : i32
    %scan3A_296 = scf.for %scan3A_766 = %scan3A_292 to %scan3A_294 step %scan3A_295 iter_args(%scan3A_767 = %scan3A) -> (i32)  : i32 {
      %mul3A_768 = arith.constant 4 : i32
      %mul3A_769 = arith.muli %scan3A_766, %mul3A_768 : i32
      %add3A_770 = arith.constant 0 : i32
      %add3A_771 = arith.addi %mul3A_769, %add3A_770 : i32
      %get3A_772 = arith.index_cast %add3A_771 : i32 to index
      %get3A_773 = arith.constant 0 : index
      %get3A_774 = tpu.vector_load %arg6[%get3A_772, %get3A_773] {strides = array<i32>} : memref<128x64xf32, #tpu.memory_space<vmem>>, vector<1x16xf32>,
      %get3A_775 = vector.shape_cast %get3A_774 : vector<1x16xf32> to vector<16xf32>
      %mul3A_776 = arith.constant 8.000000e+00 : f32
      %mul3A_777 = vector.broadcast %mul3A_776 : f32 to vector<16xf32>
      %mul3A_778 = arith.mulf %get3A_775, %mul3A_777 : vector<16xf32>
      %swap3A = arith.index_cast %add3A_771 : i32 to index
      %swap3A_779 = arith.constant 0 : index
      %swap3A_780 = tpu.vector_load %arg10[%swap3A, %swap3A_779] {strides = array<i32>} : memref<128x64xf32, #tpu.memory_space<vmem>>, vector<1x16xf32>,
      %swap3A_781 = vector.shape_cast %swap3A_780 : vector<1x16xf32> to vector<16xf32>
      %swap3A_782 = vector.shape_cast %mul3A_778 : vector<16xf32> to vector<1x16xf32>
      tpu.vector_store %arg10[%swap3A, %swap3A_779], %swap3A_782 {strides = array<i32>} : memref<128x64xf32, #tpu.memory_space<vmem>>, vector<1x16xf32>,
      %get3A_783 = arith.index_cast %add3A_771 : i32 to index
      %get3A_784 = arith.constant 16 : index
      %get3A_785 = tpu.vector_load %arg6[%get3A_783, %get3A_784] {strides = array<i32>} : memref<128x64xf32, #tpu.memory_space<vmem>>, vector<1x16xf32>,
      %get3A_786 = vector.shape_cast %get3A_785 : vector<1x16xf32> to vector<16xf32>
      %mul3A_787 = arith.constant 8.000000e+00 : f32
      %mul3A_788 = vector.broadcast %mul3A_787 : f32 to vector<16xf32>
      %mul3A_789 = arith.mulf %get3A_786, %mul3A_788 : vector<16xf32>
      %swap3A_790 = arith.index_cast %add3A_771 : i32 to index
      %swap3A_791 = arith.constant 16 : index
      %swap3A_792 = tpu.vector_load %arg10[%swap3A_790, %swap3A_791] {strides = array<i32>} : memref<128x64xf32, #tpu.memory_space<vmem>>, vector<1x16xf32>,
      %swap3A_793 = vector.shape_cast %swap3A_792 : vector<1x16xf32> to vector<16xf32>
      %swap3A_794 = vector.shape_cast %mul3A_789 : vector<16xf32> to vector<1x16xf32>
      tpu.vector_store %arg10[%swap3A_790, %swap3A_791], %swap3A_794 {strides = array<i32>} : memref<128x64xf32, #tpu.memory_space<vmem>>, vector<1x16xf32>,
      %get3A_795 = arith.index_cast %add3A_771 : i32 to index
      %get3A_796 = arith.constant 32 : index
      %get3A_797 = tpu.vector_load %arg6[%get3A_795, %get3A_796] {strides = array<i32>} : memref<128x64xf32, #tpu.memory_space<vmem>>, vector<1x16xf32>,
      %get3A_798 = vector.shape_cast %get3A_797 : vector<1x16xf32> to vector<16xf32>
      %mul3A_799 = arith.constant 8.000000e+00 : f32
      %mul3A_800 = vector.broadcast %mul3A_799 : f32 to vector<16xf32>
      %mul3A_801 = arith.mulf %get3A_798, %mul3A_800 : vector<16xf32>
      %swap3A_802 = arith.index_cast %add3A_771 : i32 to index
      %swap3A_803 = arith.constant 32 : index
      %swap3A_804 = tpu.vector_load %arg10[%swap3A_802, %swap3A_803] {strides = array<i32>} : memref<128x64xf32, #tpu.memory_space<vmem>>, vector<1x16xf32>,
      %swap3A_805 = vector.shape_cast %swap3A_804 : vector<1x16xf32> to vector<16xf32>
      %swap3A_806 = vector.shape_cast %mul3A_801 : vector<16xf32> to vector<1x16xf32>
      tpu.vector_store %arg10[%swap3A_802, %swap3A_803], %swap3A_806 {strides = array<i32>} : memref<128x64xf32, #tpu.memory_space<vmem>>, vector<1x16xf32>,
      %get3A_807 = arith.index_cast %add3A_771 : i32 to index
      %get3A_808 = arith.constant 48 : index
      %get3A_809 = tpu.vector_load %arg6[%get3A_807, %get3A_808] {strides = array<i32>} : memref<128x64xf32, #tpu.memory_space<vmem>>, vector<1x16xf32>,
      %get3A_810 = vector.shape_cast %get3A_809 : vector<1x16xf32> to vector<16xf32>
      %mul3A_811 = arith.constant 8.000000e+00 : f32
      %mul3A_812 = vector.broadcast %mul3A_811 : f32 to vector<16xf32>
      %mul3A_813 = arith.mulf %get3A_810, %mul3A_812 : vector<16xf32>
      %swap3A_814 = arith.index_cast %add3A_771 : i32 to index
      %swap3A_815 = arith.constant 48 : index
      %swap3A_816 = tpu.vector_load %arg10[%swap3A_814, %swap3A_815] {strides = array<i32>} : memref<128x64xf32, #tpu.memory_space<vmem>>, vector<1x16xf32>,
      %swap3A_817 = vector.shape_cast %swap3A_816 : vector<1x16xf32> to vector<16xf32>
      %swap3A_818 = vector.shape_cast %mul3A_813 : vector<16xf32> to vector<1x16xf32>
      tpu.vector_store %arg10[%swap3A_814, %swap3A_815], %swap3A_818 {strides = array<i32>} : memref<128x64xf32, #tpu.memory_space<vmem>>, vector<1x16xf32>,
      %mul3A_819 = arith.constant 4 : i32
      %mul3A_820 = arith.muli %scan3A_766, %mul3A_819 : i32
      %add3A_821 = arith.constant 1 : i32
      %add3A_822 = arith.addi %mul3A_820, %add3A_821 : i32
      %get3A_823 = arith.index_cast %add3A_822 : i32 to index
      %get3A_824 = arith.constant 0 : index
      %get3A_825 = tpu.vector_load %arg6[%get3A_823, %get3A_824] {strides = array<i32>} : memref<128x64xf32, #tpu.memory_space<vmem>>, vector<1x16xf32>,
      %get3A_826 = vector.shape_cast %get3A_825 : vector<1x16xf32> to vector<16xf32>
      %mul3A_827 = arith.constant 8.000000e+00 : f32
      %mul3A_828 = vector.broadcast %mul3A_827 : f32 to vector<16xf32>
      %mul3A_829 = arith.mulf %get3A_826, %mul3A_828 : vector<16xf32>
      %swap3A_830 = arith.index_cast %add3A_822 : i32 to index
      %swap3A_831 = arith.constant 0 : index
      %swap3A_832 = tpu.vector_load %arg10[%swap3A_830, %swap3A_831] {strides = array<i32>} : memref<128x64xf32, #tpu.memory_space<vmem>>, vector<1x16xf32>,
      %swap3A_833 = vector.shape_cast %swap3A_832 : vector<1x16xf32> to vector<16xf32>
      %swap3A_834 = vector.shape_cast %mul3A_829 : vector<16xf32> to vector<1x16xf32>
      tpu.vector_store %arg10[%swap3A_830, %swap3A_831], %swap3A_834 {strides = array<i32>} : memref<128x64xf32, #tpu.memory_space<vmem>>, vector<1x16xf32>,
      %get3A_835 = arith.index_cast %add3A_822 : i32 to index
      %get3A_836 = arith.constant 16 : index
      %get3A_837 = tpu.vector_load %arg6[%get3A_835, %get3A_836] {strides = array<i32>} : memref<128x64xf32, #tpu.memory_space<vmem>>, vector<1x16xf32>,
      %get3A_838 = vector.shape_cast %get3A_837 : vector<1x16xf32> to vector<16xf32>
      %mul3A_839 = arith.constant 8.000000e+00 : f32
      %mul3A_840 = vector.broadcast %mul3A_839 : f32 to vector<16xf32>
      %mul3A_841 = arith.mulf %get3A_838, %mul3A_840 : vector<16xf32>
      %swap3A_842 = arith.index_cast %add3A_822 : i32 to index
      %swap3A_843 = arith.constant 16 : index
      %swap3A_844 = tpu.vector_load %arg10[%swap3A_842, %swap3A_843] {strides = array<i32>} : memref<128x64xf32, #tpu.memory_space<vmem>>, vector<1x16xf32>,
      %swap3A_845 = vector.shape_cast %swap3A_844 : vector<1x16xf32> to vector<16xf32>
      %swap3A_846 = vector.shape_cast %mul3A_841 : vector<16xf32> to vector<1x16xf32>
      tpu.vector_store %arg10[%swap3A_842, %swap3A_843], %swap3A_846 {strides = array<i32>} : memref<128x64xf32, #tpu.memory_space<vmem>>, vector<1x16xf32>,
      %get3A_847 = arith.index_cast %add3A_822 : i32 to index
      %get3A_848 = arith.constant 32 : index
      %get3A_849 = tpu.vector_load %arg6[%get3A_847, %get3A_848] {strides = array<i32>} : memref<128x64xf32, #tpu.memory_space<vmem>>, vector<1x16xf32>,
      %get3A_850 = vector.shape_cast %get3A_849 : vector<1x16xf32> to vector<16xf32>
      %mul3A_851 = arith.constant 8.000000e+00 : f32
      %mul3A_852 = vector.broadcast %mul3A_851 : f32 to vector<16xf32>
      %mul3A_853 = arith.mulf %get3A_850, %mul3A_852 : vector<16xf32>
      %swap3A_854 = arith.index_cast %add3A_822 : i32 to index
      %swap3A_855 = arith.constant 32 : index
      %swap3A_856 = tpu.vector_load %arg10[%swap3A_854, %swap3A_855] {strides = array<i32>} : memref<128x64xf32, #tpu.memory_space<vmem>>, vector<1x16xf32>,
      %swap3A_857 = vector.shape_cast %swap3A_856 : vector<1x16xf32> to vector<16xf32>
      %swap3A_858 = vector.shape_cast %mul3A_853 : vector<16xf32> to vector<1x16xf32>
      tpu.vector_store %arg10[%swap3A_854, %swap3A_855], %swap3A_858 {strides = array<i32>} : memref<128x64xf32, #tpu.memory_space<vmem>>, vector<1x16xf32>,
      %get3A_859 = arith.index_cast %add3A_822 : i32 to index
      %get3A_860 = arith.constant 48 : index
      %get3A_861 = tpu.vector_load %arg6[%get3A_859, %get3A_860] {strides = array<i32>} : memref<128x64xf32, #tpu.memory_space<vmem>>, vector<1x16xf32>,
      %get3A_862 = vector.shape_cast %get3A_861 : vector<1x16xf32> to vector<16xf32>
      %mul3A_863 = arith.constant 8.000000e+00 : f32
      %mul3A_864 = vector.broadcast %mul3A_863 : f32 to vector<16xf32>
      %mul3A_865 = arith.mulf %get3A_862, %mul3A_864 : vector<16xf32>
      %swap3A_866 = arith.index_cast %add3A_822 : i32 to index
      %swap3A_867 = arith.constant 48 : index
      %swap3A_868 = tpu.vector_load %arg10[%swap3A_866, %swap3A_867] {strides = array<i32>} : memref<128x64xf32, #tpu.memory_space<vmem>>, vector<1x16xf32>,
      %swap3A_869 = vector.shape_cast %swap3A_868 : vector<1x16xf32> to vector<16xf32>
      %swap3A_870 = vector.shape_cast %mul3A_865 : vector<16xf32> to vector<1x16xf32>
      tpu.vector_store %arg10[%swap3A_866, %swap3A_867], %swap3A_870 {strides = array<i32>} : memref<128x64xf32, #tpu.memory_space<vmem>>, vector<1x16xf32>,
      %mul3A_871 = arith.constant 4 : i32
      %mul3A_872 = arith.muli %scan3A_766, %mul3A_871 : i32
      %add3A_873 = arith.constant 2 : i32
      %add3A_874 = arith.addi %mul3A_872, %add3A_873 : i32
      %get3A_875 = arith.index_cast %add3A_874 : i32 to index
      %get3A_876 = arith.constant 0 : index
      %get3A_877 = tpu.vector_load %arg6[%get3A_875, %get3A_876] {strides = array<i32>} : memref<128x64xf32, #tpu.memory_space<vmem>>, vector<1x16xf32>,
      %get3A_878 = vector.shape_cast %get3A_877 : vector<1x16xf32> to vector<16xf32>
      %mul3A_879 = arith.constant 8.000000e+00 : f32
      %mul3A_880 = vector.broadcast %mul3A_879 : f32 to vector<16xf32>
      %mul3A_881 = arith.mulf %get3A_878, %mul3A_880 : vector<16xf32>
      %swap3A_882 = arith.index_cast %add3A_874 : i32 to index
      %swap3A_883 = arith.constant 0 : index
      %swap3A_884 = tpu.vector_load %arg10[%swap3A_882, %swap3A_883] {strides = array<i32>} : memref<128x64xf32, #tpu.memory_space<vmem>>, vector<1x16xf32>,
      %swap3A_885 = vector.shape_cast %swap3A_884 : vector<1x16xf32> to vector<16xf32>
      %swap3A_886 = vector.shape_cast %mul3A_881 : vector<16xf32> to vector<1x16xf32>
      tpu.vector_store %arg10[%swap3A_882, %swap3A_883], %swap3A_886 {strides = array<i32>} : memref<128x64xf32, #tpu.memory_space<vmem>>, vector<1x16xf32>,
      %get3A_887 = arith.index_cast %add3A_874 : i32 to index
      %get3A_888 = arith.constant 16 : index
      %get3A_889 = tpu.vector_load %arg6[%get3A_887, %get3A_888] {strides = array<i32>} : memref<128x64xf32, #tpu.memory_space<vmem>>, vector<1x16xf32>,
      %get3A_890 = vector.shape_cast %get3A_889 : vector<1x16xf32> to vector<16xf32>
      %mul3A_891 = arith.constant 8.000000e+00 : f32
      %mul3A_892 = vector.broadcast %mul3A_891 : f32 to vector<16xf32>
      %mul3A_893 = arith.mulf %get3A_890, %mul3A_892 : vector<16xf32>
      %swap3A_894 = arith.index_cast %add3A_874 : i32 to index
      %swap3A_895 = arith.constant 16 : index
      %swap3A_896 = tpu.vector_load %arg10[%swap3A_894, %swap3A_895] {strides = array<i32>} : memref<128x64xf32, #tpu.memory_space<vmem>>, vector<1x16xf32>,
      %swap3A_897 = vector.shape_cast %swap3A_896 : vector<1x16xf32> to vector<16xf32>
      %swap3A_898 = vector.shape_cast %mul3A_893 : vector<16xf32> to vector<1x16xf32>
      tpu.vector_store %arg10[%swap3A_894, %swap3A_895], %swap3A_898 {strides = array<i32>} : memref<128x64xf32, #tpu.memory_space<vmem>>, vector<1x16xf32>,
      %get3A_899 = arith.index_cast %add3A_874 : i32 to index
      %get3A_900 = arith.constant 32 : index
      %get3A_901 = tpu.vector_load %arg6[%get3A_899, %get3A_900] {strides = array<i32>} : memref<128x64xf32, #tpu.memory_space<vmem>>, vector<1x16xf32>,
      %get3A_902 = vector.shape_cast %get3A_901 : vector<1x16xf32> to vector<16xf32>
      %mul3A_903 = arith.constant 8.000000e+00 : f32
      %mul3A_904 = vector.broadcast %mul3A_903 : f32 to vector<16xf32>
      %mul3A_905 = arith.mulf %get3A_902, %mul3A_904 : vector<16xf32>
      %swap3A_906 = arith.index_cast %add3A_874 : i32 to index
      %swap3A_907 = arith.constant 32 : index
      %swap3A_908 = tpu.vector_load %arg10[%swap3A_906, %swap3A_907] {strides = array<i32>} : memref<128x64xf32, #tpu.memory_space<vmem>>, vector<1x16xf32>,
      %swap3A_909 = vector.shape_cast %swap3A_908 : vector<1x16xf32> to vector<16xf32>
      %swap3A_910 = vector.shape_cast %mul3A_905 : vector<16xf32> to vector<1x16xf32>
      tpu.vector_store %arg10[%swap3A_906, %swap3A_907], %swap3A_910 {strides = array<i32>} : memref<128x64xf32, #tpu.memory_space<vmem>>, vector<1x16xf32>,
      %get3A_911 = arith.index_cast %add3A_874 : i32 to index
      %get3A_912 = arith.constant 48 : index
      %get3A_913 = tpu.vector_load %arg6[%get3A_911, %get3A_912] {strides = array<i32>} : memref<128x64xf32, #tpu.memory_space<vmem>>, vector<1x16xf32>,
      %get3A_914 = vector.shape_cast %get3A_913 : vector<1x16xf32> to vector<16xf32>
      %mul3A_915 = arith.constant 8.000000e+00 : f32
      %mul3A_916 = vector.broadcast %mul3A_915 : f32 to vector<16xf32>
      %mul3A_917 = arith.mulf %get3A_914, %mul3A_916 : vector<16xf32>
      %swap3A_918 = arith.index_cast %add3A_874 : i32 to index
      %swap3A_919 = arith.constant 48 : index
      %swap3A_920 = tpu.vector_load %arg10[%swap3A_918, %swap3A_919] {strides = array<i32>} : memref<128x64xf32, #tpu.memory_space<vmem>>, vector<1x16xf32>,
      %swap3A_921 = vector.shape_cast %swap3A_920 : vector<1x16xf32> to vector<16xf32>
      %swap3A_922 = vector.shape_cast %mul3A_917 : vector<16xf32> to vector<1x16xf32>
      tpu.vector_store %arg10[%swap3A_918, %swap3A_919], %swap3A_922 {strides = array<i32>} : memref<128x64xf32, #tpu.memory_space<vmem>>, vector<1x16xf32>,
      %mul3A_923 = arith.constant 4 : i32
      %mul3A_924 = arith.muli %scan3A_766, %mul3A_923 : i32
      %add3A_925 = arith.constant 3 : i32
      %add3A_926 = arith.addi %mul3A_924, %add3A_925 : i32
      %get3A_927 = arith.index_cast %add3A_926 : i32 to index
      %get3A_928 = arith.constant 0 : index
      %get3A_929 = tpu.vector_load %arg6[%get3A_927, %get3A_928] {strides = array<i32>} : memref<128x64xf32, #tpu.memory_space<vmem>>, vector<1x16xf32>,
      %get3A_930 = vector.shape_cast %get3A_929 : vector<1x16xf32> to vector<16xf32>
      %mul3A_931 = arith.constant 8.000000e+00 : f32
      %mul3A_932 = vector.broadcast %mul3A_931 : f32 to vector<16xf32>
      %mul3A_933 = arith.mulf %get3A_930, %mul3A_932 : vector<16xf32>
      %swap3A_934 = arith.index_cast %add3A_926 : i32 to index
      %swap3A_935 = arith.constant 0 : index
      %swap3A_936 = tpu.vector_load %arg10[%swap3A_934, %swap3A_935] {strides = array<i32>} : memref<128x64xf32, #tpu.memory_space<vmem>>, vector<1x16xf32>,
      %swap3A_937 = vector.shape_cast %swap3A_936 : vector<1x16xf32> to vector<16xf32>
      %swap3A_938 = vector.shape_cast %mul3A_933 : vector<16xf32> to vector<1x16xf32>
      tpu.vector_store %arg10[%swap3A_934, %swap3A_935], %swap3A_938 {strides = array<i32>} : memref<128x64xf32, #tpu.memory_space<vmem>>, vector<1x16xf32>,
      %get3A_939 = arith.index_cast %add3A_926 : i32 to index
      %get3A_940 = arith.constant 16 : index
      %get3A_941 = tpu.vector_load %arg6[%get3A_939, %get3A_940] {strides = array<i32>} : memref<128x64xf32, #tpu.memory_space<vmem>>, vector<1x16xf32>,
      %get3A_942 = vector.shape_cast %get3A_941 : vector<1x16xf32> to vector<16xf32>
      %mul3A_943 = arith.constant 8.000000e+00 : f32
      %mul3A_944 = vector.broadcast %mul3A_943 : f32 to vector<16xf32>
      %mul3A_945 = arith.mulf %get3A_942, %mul3A_944 : vector<16xf32>
      %swap3A_946 = arith.index_cast %add3A_926 : i32 to index
      %swap3A_947 = arith.constant 16 : index
      %swap3A_948 = tpu.vector_load %arg10[%swap3A_946, %swap3A_947] {strides = array<i32>} : memref<128x64xf32, #tpu.memory_space<vmem>>, vector<1x16xf32>,
      %swap3A_949 = vector.shape_cast %swap3A_948 : vector<1x16xf32> to vector<16xf32>
      %swap3A_950 = vector.shape_cast %mul3A_945 : vector<16xf32> to vector<1x16xf32>
      tpu.vector_store %arg10[%swap3A_946, %swap3A_947], %swap3A_950 {strides = array<i32>} : memref<128x64xf32, #tpu.memory_space<vmem>>, vector<1x16xf32>,
      %get3A_951 = arith.index_cast %add3A_926 : i32 to index
      %get3A_952 = arith.constant 32 : index
      %get3A_953 = tpu.vector_load %arg6[%get3A_951, %get3A_952] {strides = array<i32>} : memref<128x64xf32, #tpu.memory_space<vmem>>, vector<1x16xf32>,
      %get3A_954 = vector.shape_cast %get3A_953 : vector<1x16xf32> to vector<16xf32>
      %mul3A_955 = arith.constant 8.000000e+00 : f32
      %mul3A_956 = vector.broadcast %mul3A_955 : f32 to vector<16xf32>
      %mul3A_957 = arith.mulf %get3A_954, %mul3A_956 : vector<16xf32>
      %swap3A_958 = arith.index_cast %add3A_926 : i32 to index
      %swap3A_959 = arith.constant 32 : index
      %swap3A_960 = tpu.vector_load %arg10[%swap3A_958, %swap3A_959] {strides = array<i32>} : memref<128x64xf32, #tpu.memory_space<vmem>>, vector<1x16xf32>,
      %swap3A_961 = vector.shape_cast %swap3A_960 : vector<1x16xf32> to vector<16xf32>
      %swap3A_962 = vector.shape_cast %mul3A_957 : vector<16xf32> to vector<1x16xf32>
      tpu.vector_store %arg10[%swap3A_958, %swap3A_959], %swap3A_962 {strides = array<i32>} : memref<128x64xf32, #tpu.memory_space<vmem>>, vector<1x16xf32>,
      %get3A_963 = arith.index_cast %add3A_926 : i32 to index
      %get3A_964 = arith.constant 48 : index
      %get3A_965 = tpu.vector_load %arg6[%get3A_963, %get3A_964] {strides = array<i32>} : memref<128x64xf32, #tpu.memory_space<vmem>>, vector<1x16xf32>,
      %get3A_966 = vector.shape_cast %get3A_965 : vector<1x16xf32> to vector<16xf32>
      %mul3A_967 = arith.constant 8.000000e+00 : f32
      %mul3A_968 = vector.broadcast %mul3A_967 : f32 to vector<16xf32>
      %mul3A_969 = arith.mulf %get3A_966, %mul3A_968 : vector<16xf32>
      %swap3A_970 = arith.index_cast %add3A_926 : i32 to index
      %swap3A_971 = arith.constant 48 : index
      %swap3A_972 = tpu.vector_load %arg10[%swap3A_970, %swap3A_971] {strides = array<i32>} : memref<128x64xf32, #tpu.memory_space<vmem>>, vector<1x16xf32>,
      %swap3A_973 = vector.shape_cast %swap3A_972 : vector<1x16xf32> to vector<16xf32>
      %swap3A_974 = vector.shape_cast %mul3A_969 : vector<16xf32> to vector<1x16xf32>
      tpu.vector_store %arg10[%swap3A_970, %swap3A_971], %swap3A_974 {strides = array<i32>} : memref<128x64xf32, #tpu.memory_space<vmem>>, vector<1x16xf32>,
      %scan3A_975 = arith.constant 0 : i32
      scf.yield %scan3A_975 : i32
    }
    %scan3A_297 = arith.constant 32 : i32
    %add3A_298 = arith.constant 0 : i32
    %add3A_299 = arith.addi %mul3A_2, %add3A_298 : i32
    %dma_start3A_300 = arith.constant 0 : i32
    %dma_start3A_301 = tpu.memref_slice %arg4[%add3A_299, %dma_start3A_300] : memref<819200x64xf32, #tpu.memory_space<hbm>> -> memref<128x64xf32, #tpu.memory_space<hbm>>
    %dma_start3A_302 = arith.constant 0 : i32
    %dma_start3A_303 = tpu.memref_slice %arg4[%add3A_299, %dma_start3A_302] : memref<819200x64xf32, #tpu.memory_space<hbm>> -> memref<128x64xf32, #tpu.memory_space<hbm>>
    tpu.enqueue_dma source(%arg10 : memref<128x64xf32, #tpu.memory_space<vmem>>) target(%dma_start3A_303 : memref<128x64xf32, #tpu.memory_space<hbm>>) target_semaphore(%arg18 : memref<!tpu.dma_semaphore, #tpu.memory_space<semaphore_mem>>)
    %get3A_304 = arith.constant 512 : index
    %get3A_305 = tpu.vector_load %arg5[%get3A_304] {strides = array<i32>} : memref<25600xi32, #tpu.memory_space<vmem>>, vector<16xi32>,
    %get3A_306 = vector.shape_cast %get3A_305 : vector<16xi32> to vector<16xi32>
    %dma_start3A_307 = arith.constant 0 : i32
    %dma_start3A_308 = arith.constant 0 : i32
    %dma_start3A_309 = tpu.memref_slice %arg6[%dma_start3A_307, %dma_start3A_308] : memref<128x64xf32, #tpu.memory_space<vmem>> -> memref<16x64xf32, #tpu.memory_space<vmem>>
    %dma_start3A_310 = arith.constant 0 : i32
    %dma_start3A_311 = arith.constant 0 : i32
    %dma_start3A_312 = tpu.memref_slice %arg3[%dma_start3A_310, %dma_start3A_311] : memref<1000000x64xf32, #tpu.memory_space<hbm>> -> memref<1000000x64xf32, #tpu.memory_space<hbm>>
    tpu.enqueue_indirect_dma source(%dma_start3A_312 : memref<1000000x64xf32, #tpu.memory_space<hbm>>) target(%dma_start3A_309 : memref<16x64xf32, #tpu.memory_space<vmem>>) offsets(%get3A_306 : vector<16xi32>) semaphore(%arg14 : memref<!tpu.dma_semaphore, #tpu.memory_space<semaphore_mem>>)
    %get3A_313 = arith.constant 528 : index
    %get3A_314 = tpu.vector_load %arg5[%get3A_313] {strides = array<i32>} : memref<25600xi32, #tpu.memory_space<vmem>>, vector<16xi32>,
    %get3A_315 = vector.shape_cast %get3A_314 : vector<16xi32> to vector<16xi32>
    %dma_start3A_316 = arith.constant 16 : i32
    %dma_start3A_317 = arith.constant 0 : i32
    %dma_start3A_318 = tpu.memref_slice %arg6[%dma_start3A_316, %dma_start3A_317] : memref<128x64xf32, #tpu.memory_space<vmem>> -> memref<16x64xf32, #tpu.memory_space<vmem>>
    %dma_start3A_319 = arith.constant 0 : i32
    %dma_start3A_320 = arith.constant 0 : i32
    %dma_start3A_321 = tpu.memref_slice %arg3[%dma_start3A_319, %dma_start3A_320] : memref<1000000x64xf32, #tpu.memory_space<hbm>> -> memref<1000000x64xf32, #tpu.memory_space<hbm>>
    tpu.enqueue_indirect_dma source(%dma_start3A_321 : memref<1000000x64xf32, #tpu.memory_space<hbm>>) target(%dma_start3A_318 : memref<16x64xf32, #tpu.memory_space<vmem>>) offsets(%get3A_315 : vector<16xi32>) semaphore(%arg14 : memref<!tpu.dma_semaphore, #tpu.memory_space<semaphore_mem>>)
    %get3A_322 = arith.constant 544 : index
    %get3A_323 = tpu.vector_load %arg5[%get3A_322] {strides = array<i32>} : memref<25600xi32, #tpu.memory_space<vmem>>, vector<16xi32>,
    %get3A_324 = vector.shape_cast %get3A_323 : vector<16xi32> to vector<16xi32>
    %dma_start3A_325 = arith.constant 32 : i32
    %dma_start3A_326 = arith.constant 0 : i32
    %dma_start3A_327 = tpu.memref_slice %arg6[%dma_start3A_325, %dma_start3A_326] : memref<128x64xf32, #tpu.memory_space<vmem>> -> memref<16x64xf32, #tpu.memory_space<vmem>>
    %dma_start3A_328 = arith.constant 0 : i32
    %dma_start3A_329 = arith.constant 0 : i32
    %dma_start3A_330 = tpu.memref_slice %arg3[%dma_start3A_328, %dma_start3A_329] : memref<1000000x64xf32, #tpu.memory_space<hbm>> -> memref<1000000x64xf32, #tpu.memory_space<hbm>>
    tpu.enqueue_indirect_dma source(%dma_start3A_330 : memref<1000000x64xf32, #tpu.memory_space<hbm>>) target(%dma_start3A_327 : memref<16x64xf32, #tpu.memory_space<vmem>>) offsets(%get3A_324 : vector<16xi32>) semaphore(%arg14 : memref<!tpu.dma_semaphore, #tpu.memory_space<semaphore_mem>>)
    %get3A_331 = arith.constant 560 : index
    %get3A_332 = tpu.vector_load %arg5[%get3A_331] {strides = array<i32>} : memref<25600xi32, #tpu.memory_space<vmem>>, vector<16xi32>,
    %get3A_333 = vector.shape_cast %get3A_332 : vector<16xi32> to vector<16xi32>
    %dma_start3A_334 = arith.constant 48 : i32
    %dma_start3A_335 = arith.constant 0 : i32
    %dma_start3A_336 = tpu.memref_slice %arg6[%dma_start3A_334, %dma_start3A_335] : memref<128x64xf32, #tpu.memory_space<vmem>> -> memref<16x64xf32, #tpu.memory_space<vmem>>
    %dma_start3A_337 = arith.constant 0 : i32
    %dma_start3A_338 = arith.constant 0 : i32
    %dma_start3A_339 = tpu.memref_slice %arg3[%dma_start3A_337, %dma_start3A_338] : memref<1000000x64xf32, #tpu.memory_space<hbm>> -> memref<1000000x64xf32, #tpu.memory_space<hbm>>
    tpu.enqueue_indirect_dma source(%dma_start3A_339 : memref<1000000x64xf32, #tpu.memory_space<hbm>>) target(%dma_start3A_336 : memref<16x64xf32, #tpu.memory_space<vmem>>) offsets(%get3A_333 : vector<16xi32>) semaphore(%arg14 : memref<!tpu.dma_semaphore, #tpu.memory_space<semaphore_mem>>)
    %get3A_340 = arith.constant 576 : index
    %get3A_341 = tpu.vector_load %arg5[%get3A_340] {strides = array<i32>} : memref<25600xi32, #tpu.memory_space<vmem>>, vector<16xi32>,
    %get3A_342 = vector.shape_cast %get3A_341 : vector<16xi32> to vector<16xi32>
    %dma_start3A_343 = arith.constant 64 : i32
    %dma_start3A_344 = arith.constant 0 : i32
    %dma_start3A_345 = tpu.memref_slice %arg6[%dma_start3A_343, %dma_start3A_344] : memref<128x64xf32, #tpu.memory_space<vmem>> -> memref<16x64xf32, #tpu.memory_space<vmem>>
    %dma_start3A_346 = arith.constant 0 : i32
    %dma_start3A_347 = arith.constant 0 : i32
    %dma_start3A_348 = tpu.memref_slice %arg3[%dma_start3A_346, %dma_start3A_347] : memref<1000000x64xf32, #tpu.memory_space<hbm>> -> memref<1000000x64xf32, #tpu.memory_space<hbm>>
    tpu.enqueue_indirect_dma source(%dma_start3A_348 : memref<1000000x64xf32, #tpu.memory_space<hbm>>) target(%dma_start3A_345 : memref<16x64xf32, #tpu.memory_space<vmem>>) offsets(%get3A_342 : vector<16xi32>) semaphore(%arg14 : memref<!tpu.dma_semaphore, #tpu.memory_space<semaphore_mem>>)
    %get3A_349 = arith.constant 592 : index
    %get3A_350 = tpu.vector_load %arg5[%get3A_349] {strides = array<i32>} : memref<25600xi32, #tpu.memory_space<vmem>>, vector<16xi32>,
    %get3A_351 = vector.shape_cast %get3A_350 : vector<16xi32> to vector<16xi32>
    %dma_start3A_352 = arith.constant 80 : i32
    %dma_start3A_353 = arith.constant 0 : i32
    %dma_start3A_354 = tpu.memref_slice %arg6[%dma_start3A_352, %dma_start3A_353] : memref<128x64xf32, #tpu.memory_space<vmem>> -> memref<16x64xf32, #tpu.memory_space<vmem>>
    %dma_start3A_355 = arith.constant 0 : i32
    %dma_start3A_356 = arith.constant 0 : i32
    %dma_start3A_357 = tpu.memref_slice %arg3[%dma_start3A_355, %dma_start3A_356] : memref<1000000x64xf32, #tpu.memory_space<hbm>> -> memref<1000000x64xf32, #tpu.memory_space<hbm>>
    tpu.enqueue_indirect_dma source(%dma_start3A_357 : memref<1000000x64xf32, #tpu.memory_space<hbm>>) target(%dma_start3A_354 : memref<16x64xf32, #tpu.memory_space<vmem>>) offsets(%get3A_351 : vector<16xi32>) semaphore(%arg14 : memref<!tpu.dma_semaphore, #tpu.memory_space<semaphore_mem>>)
    %get3A_358 = arith.constant 608 : index
    %get3A_359 = tpu.vector_load %arg5[%get3A_358] {strides = array<i32>} : memref<25600xi32, #tpu.memory_space<vmem>>, vector<16xi32>,
    %get3A_360 = vector.shape_cast %get3A_359 : vector<16xi32> to vector<16xi32>
    %dma_start3A_361 = arith.constant 96 : i32
    %dma_start3A_362 = arith.constant 0 : i32
    %dma_start3A_363 = tpu.memref_slice %arg6[%dma_start3A_361, %dma_start3A_362] : memref<128x64xf32, #tpu.memory_space<vmem>> -> memref<16x64xf32, #tpu.memory_space<vmem>>
    %dma_start3A_364 = arith.constant 0 : i32
    %dma_start3A_365 = arith.constant 0 : i32
    %dma_start3A_366 = tpu.memref_slice %arg3[%dma_start3A_364, %dma_start3A_365] : memref<1000000x64xf32, #tpu.memory_space<hbm>> -> memref<1000000x64xf32, #tpu.memory_space<hbm>>
    tpu.enqueue_indirect_dma source(%dma_start3A_366 : memref<1000000x64xf32, #tpu.memory_space<hbm>>) target(%dma_start3A_363 : memref<16x64xf32, #tpu.memory_space<vmem>>) offsets(%get3A_360 : vector<16xi32>) semaphore(%arg14 : memref<!tpu.dma_semaphore, #tpu.memory_space<semaphore_mem>>)
    %get3A_367 = arith.constant 624 : index
    %get3A_368 = tpu.vector_load %arg5[%get3A_367] {strides = array<i32>} : memref<25600xi32, #tpu.memory_space<vmem>>, vector<16xi32>,
    %get3A_369 = vector.shape_cast %get3A_368 : vector<16xi32> to vector<16xi32>
    %dma_start3A_370 = arith.constant 112 : i32
    %dma_start3A_371 = arith.constant 0 : i32
    %dma_start3A_372 = tpu.memref_slice %arg6[%dma_start3A_370, %dma_start3A_371] : memref<128x64xf32, #tpu.memory_space<vmem>> -> memref<16x64xf32, #tpu.memory_space<vmem>>
    %dma_start3A_373 = arith.constant 0 : i32
    %dma_start3A_374 = arith.constant 0 : i32
    %dma_start3A_375 = tpu.memref_slice %arg3[%dma_start3A_373, %dma_start3A_374] : memref<1000000x64xf32, #tpu.memory_space<hbm>> -> memref<1000000x64xf32, #tpu.memory_space<hbm>>
    tpu.enqueue_indirect_dma source(%dma_start3A_375 : memref<1000000x64xf32, #tpu.memory_space<hbm>>) target(%dma_start3A_372 : memref<16x64xf32, #tpu.memory_space<vmem>>) offsets(%get3A_369 : vector<16xi32>) semaphore(%arg14 : memref<!tpu.dma_semaphore, #tpu.memory_space<semaphore_mem>>)
    %dma_wait3A_376 = arith.constant 0 : i32
    %dma_wait3A_377 = tpu.memref_slice %arg4[%mul3A_2, %dma_wait3A_376] : memref<819200x64xf32, #tpu.memory_space<hbm>> -> memref<128x64xf32, #tpu.memory_space<hbm>>
    %dma_wait3A_378 = arith.constant 0 : i32
    %dma_wait3A_379 = tpu.memref_slice %arg4[%mul3A_2, %dma_wait3A_378] : memref<819200x64xf32, #tpu.memory_space<hbm>> -> memref<128x64xf32, #tpu.memory_space<hbm>>
    tpu.wait_dma2 semaphore(%arg15 : memref<!tpu.dma_semaphore, #tpu.memory_space<semaphore_mem>>) src(%dma_wait3A_379 : memref<128x64xf32, #tpu.memory_space<hbm>>) dst(%arg7 : memref<128x64xf32, #tpu.memory_space<vmem>>)
    %scan3A_380 = arith.constant 0 : i32
    %scan3A_381 = arith.constant 0 : i32
    %scan3A_382 = arith.constant 32 : i32
    %scan3A_383 = arith.addi %scan3A_381, %scan3A_382 : i32
    %scan3A_384 = arith.constant 1 : i32
    %scan3A_385 = scf.for %scan3A_766 = %scan3A_381 to %scan3A_383 step %scan3A_384 iter_args(%scan3A_767 = %scan3A_380) -> (i32)  : i32 {
      %mul3A_768 = arith.constant 4 : i32
      %mul3A_769 = arith.muli %scan3A_766, %mul3A_768 : i32
      %add3A_770 = arith.constant 0 : i32
      %add3A_771 = arith.addi %mul3A_769, %add3A_770 : i32
      %get3A_772 = arith.index_cast %add3A_771 : i32 to index
      %get3A_773 = arith.constant 0 : index
      %get3A_774 = tpu.vector_load %arg7[%get3A_772, %get3A_773] {strides = array<i32>} : memref<128x64xf32, #tpu.memory_space<vmem>>, vector<1x16xf32>,
      %get3A_775 = vector.shape_cast %get3A_774 : vector<1x16xf32> to vector<16xf32>
      %mul3A_776 = arith.constant 8.000000e+00 : f32
      %mul3A_777 = vector.broadcast %mul3A_776 : f32 to vector<16xf32>
      %mul3A_778 = arith.mulf %get3A_775, %mul3A_777 : vector<16xf32>
      %swap3A = arith.index_cast %add3A_771 : i32 to index
      %swap3A_779 = arith.constant 0 : index
      %swap3A_780 = tpu.vector_load %arg11[%swap3A, %swap3A_779] {strides = array<i32>} : memref<128x64xf32, #tpu.memory_space<vmem>>, vector<1x16xf32>,
      %swap3A_781 = vector.shape_cast %swap3A_780 : vector<1x16xf32> to vector<16xf32>
      %swap3A_782 = vector.shape_cast %mul3A_778 : vector<16xf32> to vector<1x16xf32>
      tpu.vector_store %arg11[%swap3A, %swap3A_779], %swap3A_782 {strides = array<i32>} : memref<128x64xf32, #tpu.memory_space<vmem>>, vector<1x16xf32>,
      %get3A_783 = arith.index_cast %add3A_771 : i32 to index
      %get3A_784 = arith.constant 16 : index
      %get3A_785 = tpu.vector_load %arg7[%get3A_783, %get3A_784] {strides = array<i32>} : memref<128x64xf32, #tpu.memory_space<vmem>>, vector<1x16xf32>,
      %get3A_786 = vector.shape_cast %get3A_785 : vector<1x16xf32> to vector<16xf32>
      %mul3A_787 = arith.constant 8.000000e+00 : f32
      %mul3A_788 = vector.broadcast %mul3A_787 : f32 to vector<16xf32>
      %mul3A_789 = arith.mulf %get3A_786, %mul3A_788 : vector<16xf32>
      %swap3A_790 = arith.index_cast %add3A_771 : i32 to index
      %swap3A_791 = arith.constant 16 : index
      %swap3A_792 = tpu.vector_load %arg11[%swap3A_790, %swap3A_791] {strides = array<i32>} : memref<128x64xf32, #tpu.memory_space<vmem>>, vector<1x16xf32>,
      %swap3A_793 = vector.shape_cast %swap3A_792 : vector<1x16xf32> to vector<16xf32>
      %swap3A_794 = vector.shape_cast %mul3A_789 : vector<16xf32> to vector<1x16xf32>
      tpu.vector_store %arg11[%swap3A_790, %swap3A_791], %swap3A_794 {strides = array<i32>} : memref<128x64xf32, #tpu.memory_space<vmem>>, vector<1x16xf32>,
      %get3A_795 = arith.index_cast %add3A_771 : i32 to index
      %get3A_796 = arith.constant 32 : index
      %get3A_797 = tpu.vector_load %arg7[%get3A_795, %get3A_796] {strides = array<i32>} : memref<128x64xf32, #tpu.memory_space<vmem>>, vector<1x16xf32>,
      %get3A_798 = vector.shape_cast %get3A_797 : vector<1x16xf32> to vector<16xf32>
      %mul3A_799 = arith.constant 8.000000e+00 : f32
      %mul3A_800 = vector.broadcast %mul3A_799 : f32 to vector<16xf32>
      %mul3A_801 = arith.mulf %get3A_798, %mul3A_800 : vector<16xf32>
      %swap3A_802 = arith.index_cast %add3A_771 : i32 to index
      %swap3A_803 = arith.constant 32 : index
      %swap3A_804 = tpu.vector_load %arg11[%swap3A_802, %swap3A_803] {strides = array<i32>} : memref<128x64xf32, #tpu.memory_space<vmem>>, vector<1x16xf32>,
      %swap3A_805 = vector.shape_cast %swap3A_804 : vector<1x16xf32> to vector<16xf32>
      %swap3A_806 = vector.shape_cast %mul3A_801 : vector<16xf32> to vector<1x16xf32>
      tpu.vector_store %arg11[%swap3A_802, %swap3A_803], %swap3A_806 {strides = array<i32>} : memref<128x64xf32, #tpu.memory_space<vmem>>, vector<1x16xf32>,
      %get3A_807 = arith.index_cast %add3A_771 : i32 to index
      %get3A_808 = arith.constant 48 : index
      %get3A_809 = tpu.vector_load %arg7[%get3A_807, %get3A_808] {strides = array<i32>} : memref<128x64xf32, #tpu.memory_space<vmem>>, vector<1x16xf32>,
      %get3A_810 = vector.shape_cast %get3A_809 : vector<1x16xf32> to vector<16xf32>
      %mul3A_811 = arith.constant 8.000000e+00 : f32
      %mul3A_812 = vector.broadcast %mul3A_811 : f32 to vector<16xf32>
      %mul3A_813 = arith.mulf %get3A_810, %mul3A_812 : vector<16xf32>
      %swap3A_814 = arith.index_cast %add3A_771 : i32 to index
      %swap3A_815 = arith.constant 48 : index
      %swap3A_816 = tpu.vector_load %arg11[%swap3A_814, %swap3A_815] {strides = array<i32>} : memref<128x64xf32, #tpu.memory_space<vmem>>, vector<1x16xf32>,
      %swap3A_817 = vector.shape_cast %swap3A_816 : vector<1x16xf32> to vector<16xf32>
      %swap3A_818 = vector.shape_cast %mul3A_813 : vector<16xf32> to vector<1x16xf32>
      tpu.vector_store %arg11[%swap3A_814, %swap3A_815], %swap3A_818 {strides = array<i32>} : memref<128x64xf32, #tpu.memory_space<vmem>>, vector<1x16xf32>,
      %mul3A_819 = arith.constant 4 : i32
      %mul3A_820 = arith.muli %scan3A_766, %mul3A_819 : i32
      %add3A_821 = arith.constant 1 : i32
      %add3A_822 = arith.addi %mul3A_820, %add3A_821 : i32
      %get3A_823 = arith.index_cast %add3A_822 : i32 to index
      %get3A_824 = arith.constant 0 : index
      %get3A_825 = tpu.vector_load %arg7[%get3A_823, %get3A_824] {strides = array<i32>} : memref<128x64xf32, #tpu.memory_space<vmem>>, vector<1x16xf32>,
      %get3A_826 = vector.shape_cast %get3A_825 : vector<1x16xf32> to vector<16xf32>
      %mul3A_827 = arith.constant 8.000000e+00 : f32
      %mul3A_828 = vector.broadcast %mul3A_827 : f32 to vector<16xf32>
      %mul3A_829 = arith.mulf %get3A_826, %mul3A_828 : vector<16xf32>
      %swap3A_830 = arith.index_cast %add3A_822 : i32 to index
      %swap3A_831 = arith.constant 0 : index
      %swap3A_832 = tpu.vector_load %arg11[%swap3A_830, %swap3A_831] {strides = array<i32>} : memref<128x64xf32, #tpu.memory_space<vmem>>, vector<1x16xf32>,
      %swap3A_833 = vector.shape_cast %swap3A_832 : vector<1x16xf32> to vector<16xf32>
      %swap3A_834 = vector.shape_cast %mul3A_829 : vector<16xf32> to vector<1x16xf32>
      tpu.vector_store %arg11[%swap3A_830, %swap3A_831], %swap3A_834 {strides = array<i32>} : memref<128x64xf32, #tpu.memory_space<vmem>>, vector<1x16xf32>,
      %get3A_835 = arith.index_cast %add3A_822 : i32 to index
      %get3A_836 = arith.constant 16 : index
      %get3A_837 = tpu.vector_load %arg7[%get3A_835, %get3A_836] {strides = array<i32>} : memref<128x64xf32, #tpu.memory_space<vmem>>, vector<1x16xf32>,
      %get3A_838 = vector.shape_cast %get3A_837 : vector<1x16xf32> to vector<16xf32>
      %mul3A_839 = arith.constant 8.000000e+00 : f32
      %mul3A_840 = vector.broadcast %mul3A_839 : f32 to vector<16xf32>
      %mul3A_841 = arith.mulf %get3A_838, %mul3A_840 : vector<16xf32>
      %swap3A_842 = arith.index_cast %add3A_822 : i32 to index
      %swap3A_843 = arith.constant 16 : index
      %swap3A_844 = tpu.vector_load %arg11[%swap3A_842, %swap3A_843] {strides = array<i32>} : memref<128x64xf32, #tpu.memory_space<vmem>>, vector<1x16xf32>,
      %swap3A_845 = vector.shape_cast %swap3A_844 : vector<1x16xf32> to vector<16xf32>
      %swap3A_846 = vector.shape_cast %mul3A_841 : vector<16xf32> to vector<1x16xf32>
      tpu.vector_store %arg11[%swap3A_842, %swap3A_843], %swap3A_846 {strides = array<i32>} : memref<128x64xf32, #tpu.memory_space<vmem>>, vector<1x16xf32>,
      %get3A_847 = arith.index_cast %add3A_822 : i32 to index
      %get3A_848 = arith.constant 32 : index
      %get3A_849 = tpu.vector_load %arg7[%get3A_847, %get3A_848] {strides = array<i32>} : memref<128x64xf32, #tpu.memory_space<vmem>>, vector<1x16xf32>,
      %get3A_850 = vector.shape_cast %get3A_849 : vector<1x16xf32> to vector<16xf32>
      %mul3A_851 = arith.constant 8.000000e+00 : f32
      %mul3A_852 = vector.broadcast %mul3A_851 : f32 to vector<16xf32>
      %mul3A_853 = arith.mulf %get3A_850, %mul3A_852 : vector<16xf32>
      %swap3A_854 = arith.index_cast %add3A_822 : i32 to index
      %swap3A_855 = arith.constant 32 : index
      %swap3A_856 = tpu.vector_load %arg11[%swap3A_854, %swap3A_855] {strides = array<i32>} : memref<128x64xf32, #tpu.memory_space<vmem>>, vector<1x16xf32>,
      %swap3A_857 = vector.shape_cast %swap3A_856 : vector<1x16xf32> to vector<16xf32>
      %swap3A_858 = vector.shape_cast %mul3A_853 : vector<16xf32> to vector<1x16xf32>
      tpu.vector_store %arg11[%swap3A_854, %swap3A_855], %swap3A_858 {strides = array<i32>} : memref<128x64xf32, #tpu.memory_space<vmem>>, vector<1x16xf32>,
      %get3A_859 = arith.index_cast %add3A_822 : i32 to index
      %get3A_860 = arith.constant 48 : index
      %get3A_861 = tpu.vector_load %arg7[%get3A_859, %get3A_860] {strides = array<i32>} : memref<128x64xf32, #tpu.memory_space<vmem>>, vector<1x16xf32>,
      %get3A_862 = vector.shape_cast %get3A_861 : vector<1x16xf32> to vector<16xf32>
      %mul3A_863 = arith.constant 8.000000e+00 : f32
      %mul3A_864 = vector.broadcast %mul3A_863 : f32 to vector<16xf32>
      %mul3A_865 = arith.mulf %get3A_862, %mul3A_864 : vector<16xf32>
      %swap3A_866 = arith.index_cast %add3A_822 : i32 to index
      %swap3A_867 = arith.constant 48 : index
      %swap3A_868 = tpu.vector_load %arg11[%swap3A_866, %swap3A_867] {strides = array<i32>} : memref<128x64xf32, #tpu.memory_space<vmem>>, vector<1x16xf32>,
      %swap3A_869 = vector.shape_cast %swap3A_868 : vector<1x16xf32> to vector<16xf32>
      %swap3A_870 = vector.shape_cast %mul3A_865 : vector<16xf32> to vector<1x16xf32>
      tpu.vector_store %arg11[%swap3A_866, %swap3A_867], %swap3A_870 {strides = array<i32>} : memref<128x64xf32, #tpu.memory_space<vmem>>, vector<1x16xf32>,
      %mul3A_871 = arith.constant 4 : i32
      %mul3A_872 = arith.muli %scan3A_766, %mul3A_871 : i32
      %add3A_873 = arith.constant 2 : i32
      %add3A_874 = arith.addi %mul3A_872, %add3A_873 : i32
      %get3A_875 = arith.index_cast %add3A_874 : i32 to index
      %get3A_876 = arith.constant 0 : index
      %get3A_877 = tpu.vector_load %arg7[%get3A_875, %get3A_876] {strides = array<i32>} : memref<128x64xf32, #tpu.memory_space<vmem>>, vector<1x16xf32>,
      %get3A_878 = vector.shape_cast %get3A_877 : vector<1x16xf32> to vector<16xf32>
      %mul3A_879 = arith.constant 8.000000e+00 : f32
      %mul3A_880 = vector.broadcast %mul3A_879 : f32 to vector<16xf32>
      %mul3A_881 = arith.mulf %get3A_878, %mul3A_880 : vector<16xf32>
      %swap3A_882 = arith.index_cast %add3A_874 : i32 to index
      %swap3A_883 = arith.constant 0 : index
      %swap3A_884 = tpu.vector_load %arg11[%swap3A_882, %swap3A_883] {strides = array<i32>} : memref<128x64xf32, #tpu.memory_space<vmem>>, vector<1x16xf32>,
      %swap3A_885 = vector.shape_cast %swap3A_884 : vector<1x16xf32> to vector<16xf32>
      %swap3A_886 = vector.shape_cast %mul3A_881 : vector<16xf32> to vector<1x16xf32>
      tpu.vector_store %arg11[%swap3A_882, %swap3A_883], %swap3A_886 {strides = array<i32>} : memref<128x64xf32, #tpu.memory_space<vmem>>, vector<1x16xf32>,
      %get3A_887 = arith.index_cast %add3A_874 : i32 to index
      %get3A_888 = arith.constant 16 : index
      %get3A_889 = tpu.vector_load %arg7[%get3A_887, %get3A_888] {strides = array<i32>} : memref<128x64xf32, #tpu.memory_space<vmem>>, vector<1x16xf32>,
      %get3A_890 = vector.shape_cast %get3A_889 : vector<1x16xf32> to vector<16xf32>
      %mul3A_891 = arith.constant 8.000000e+00 : f32
      %mul3A_892 = vector.broadcast %mul3A_891 : f32 to vector<16xf32>
      %mul3A_893 = arith.mulf %get3A_890, %mul3A_892 : vector<16xf32>
      %swap3A_894 = arith.index_cast %add3A_874 : i32 to index
      %swap3A_895 = arith.constant 16 : index
      %swap3A_896 = tpu.vector_load %arg11[%swap3A_894, %swap3A_895] {strides = array<i32>} : memref<128x64xf32, #tpu.memory_space<vmem>>, vector<1x16xf32>,
      %swap3A_897 = vector.shape_cast %swap3A_896 : vector<1x16xf32> to vector<16xf32>
      %swap3A_898 = vector.shape_cast %mul3A_893 : vector<16xf32> to vector<1x16xf32>
      tpu.vector_store %arg11[%swap3A_894, %swap3A_895], %swap3A_898 {strides = array<i32>} : memref<128x64xf32, #tpu.memory_space<vmem>>, vector<1x16xf32>,
      %get3A_899 = arith.index_cast %add3A_874 : i32 to index
      %get3A_900 = arith.constant 32 : index
      %get3A_901 = tpu.vector_load %arg7[%get3A_899, %get3A_900] {strides = array<i32>} : memref<128x64xf32, #tpu.memory_space<vmem>>, vector<1x16xf32>,
      %get3A_902 = vector.shape_cast %get3A_901 : vector<1x16xf32> to vector<16xf32>
      %mul3A_903 = arith.constant 8.000000e+00 : f32
      %mul3A_904 = vector.broadcast %mul3A_903 : f32 to vector<16xf32>
      %mul3A_905 = arith.mulf %get3A_902, %mul3A_904 : vector<16xf32>
      %swap3A_906 = arith.index_cast %add3A_874 : i32 to index
      %swap3A_907 = arith.constant 32 : index
      %swap3A_908 = tpu.vector_load %arg11[%swap3A_906, %swap3A_907] {strides = array<i32>} : memref<128x64xf32, #tpu.memory_space<vmem>>, vector<1x16xf32>,
      %swap3A_909 = vector.shape_cast %swap3A_908 : vector<1x16xf32> to vector<16xf32>
      %swap3A_910 = vector.shape_cast %mul3A_905 : vector<16xf32> to vector<1x16xf32>
      tpu.vector_store %arg11[%swap3A_906, %swap3A_907], %swap3A_910 {strides = array<i32>} : memref<128x64xf32, #tpu.memory_space<vmem>>, vector<1x16xf32>,
      %get3A_911 = arith.index_cast %add3A_874 : i32 to index
      %get3A_912 = arith.constant 48 : index
      %get3A_913 = tpu.vector_load %arg7[%get3A_911, %get3A_912] {strides = array<i32>} : memref<128x64xf32, #tpu.memory_space<vmem>>, vector<1x16xf32>,
      %get3A_914 = vector.shape_cast %get3A_913 : vector<1x16xf32> to vector<16xf32>
      %mul3A_915 = arith.constant 8.000000e+00 : f32
      %mul3A_916 = vector.broadcast %mul3A_915 : f32 to vector<16xf32>
      %mul3A_917 = arith.mulf %get3A_914, %mul3A_916 : vector<16xf32>
      %swap3A_918 = arith.index_cast %add3A_874 : i32 to index
      %swap3A_919 = arith.constant 48 : index
      %swap3A_920 = tpu.vector_load %arg11[%swap3A_918, %swap3A_919] {strides = array<i32>} : memref<128x64xf32, #tpu.memory_space<vmem>>, vector<1x16xf32>,
      %swap3A_921 = vector.shape_cast %swap3A_920 : vector<1x16xf32> to vector<16xf32>
      %swap3A_922 = vector.shape_cast %mul3A_917 : vector<16xf32> to vector<1x16xf32>
      tpu.vector_store %arg11[%swap3A_918, %swap3A_919], %swap3A_922 {strides = array<i32>} : memref<128x64xf32, #tpu.memory_space<vmem>>, vector<1x16xf32>,
      %mul3A_923 = arith.constant 4 : i32
      %mul3A_924 = arith.muli %scan3A_766, %mul3A_923 : i32
      %add3A_925 = arith.constant 3 : i32
      %add3A_926 = arith.addi %mul3A_924, %add3A_925 : i32
      %get3A_927 = arith.index_cast %add3A_926 : i32 to index
      %get3A_928 = arith.constant 0 : index
      %get3A_929 = tpu.vector_load %arg7[%get3A_927, %get3A_928] {strides = array<i32>} : memref<128x64xf32, #tpu.memory_space<vmem>>, vector<1x16xf32>,
      %get3A_930 = vector.shape_cast %get3A_929 : vector<1x16xf32> to vector<16xf32>
      %mul3A_931 = arith.constant 8.000000e+00 : f32
      %mul3A_932 = vector.broadcast %mul3A_931 : f32 to vector<16xf32>
      %mul3A_933 = arith.mulf %get3A_930, %mul3A_932 : vector<16xf32>
      %swap3A_934 = arith.index_cast %add3A_926 : i32 to index
      %swap3A_935 = arith.constant 0 : index
      %swap3A_936 = tpu.vector_load %arg11[%swap3A_934, %swap3A_935] {strides = array<i32>} : memref<128x64xf32, #tpu.memory_space<vmem>>, vector<1x16xf32>,
      %swap3A_937 = vector.shape_cast %swap3A_936 : vector<1x16xf32> to vector<16xf32>
      %swap3A_938 = vector.shape_cast %mul3A_933 : vector<16xf32> to vector<1x16xf32>
      tpu.vector_store %arg11[%swap3A_934, %swap3A_935], %swap3A_938 {strides = array<i32>} : memref<128x64xf32, #tpu.memory_space<vmem>>, vector<1x16xf32>,
      %get3A_939 = arith.index_cast %add3A_926 : i32 to index
      %get3A_940 = arith.constant 16 : index
      %get3A_941 = tpu.vector_load %arg7[%get3A_939, %get3A_940] {strides = array<i32>} : memref<128x64xf32, #tpu.memory_space<vmem>>, vector<1x16xf32>,
      %get3A_942 = vector.shape_cast %get3A_941 : vector<1x16xf32> to vector<16xf32>
      %mul3A_943 = arith.constant 8.000000e+00 : f32
      %mul3A_944 = vector.broadcast %mul3A_943 : f32 to vector<16xf32>
      %mul3A_945 = arith.mulf %get3A_942, %mul3A_944 : vector<16xf32>
      %swap3A_946 = arith.index_cast %add3A_926 : i32 to index
      %swap3A_947 = arith.constant 16 : index
      %swap3A_948 = tpu.vector_load %arg11[%swap3A_946, %swap3A_947] {strides = array<i32>} : memref<128x64xf32, #tpu.memory_space<vmem>>, vector<1x16xf32>,
      %swap3A_949 = vector.shape_cast %swap3A_948 : vector<1x16xf32> to vector<16xf32>
      %swap3A_950 = vector.shape_cast %mul3A_945 : vector<16xf32> to vector<1x16xf32>
      tpu.vector_store %arg11[%swap3A_946, %swap3A_947], %swap3A_950 {strides = array<i32>} : memref<128x64xf32, #tpu.memory_space<vmem>>, vector<1x16xf32>,
      %get3A_951 = arith.index_cast %add3A_926 : i32 to index
      %get3A_952 = arith.constant 32 : index
      %get3A_953 = tpu.vector_load %arg7[%get3A_951, %get3A_952] {strides = array<i32>} : memref<128x64xf32, #tpu.memory_space<vmem>>, vector<1x16xf32>,
      %get3A_954 = vector.shape_cast %get3A_953 : vector<1x16xf32> to vector<16xf32>
      %mul3A_955 = arith.constant 8.000000e+00 : f32
      %mul3A_956 = vector.broadcast %mul3A_955 : f32 to vector<16xf32>
      %mul3A_957 = arith.mulf %get3A_954, %mul3A_956 : vector<16xf32>
      %swap3A_958 = arith.index_cast %add3A_926 : i32 to index
      %swap3A_959 = arith.constant 32 : index
      %swap3A_960 = tpu.vector_load %arg11[%swap3A_958, %swap3A_959] {strides = array<i32>} : memref<128x64xf32, #tpu.memory_space<vmem>>, vector<1x16xf32>,
      %swap3A_961 = vector.shape_cast %swap3A_960 : vector<1x16xf32> to vector<16xf32>
      %swap3A_962 = vector.shape_cast %mul3A_957 : vector<16xf32> to vector<1x16xf32>
      tpu.vector_store %arg11[%swap3A_958, %swap3A_959], %swap3A_962 {strides = array<i32>} : memref<128x64xf32, #tpu.memory_space<vmem>>, vector<1x16xf32>,
      %get3A_963 = arith.index_cast %add3A_926 : i32 to index
      %get3A_964 = arith.constant 48 : index
      %get3A_965 = tpu.vector_load %arg7[%get3A_963, %get3A_964] {strides = array<i32>} : memref<128x64xf32, #tpu.memory_space<vmem>>, vector<1x16xf32>,
      %get3A_966 = vector.shape_cast %get3A_965 : vector<1x16xf32> to vector<16xf32>
      %mul3A_967 = arith.constant 8.000000e+00 : f32
      %mul3A_968 = vector.broadcast %mul3A_967 : f32 to vector<16xf32>
      %mul3A_969 = arith.mulf %get3A_966, %mul3A_968 : vector<16xf32>
      %swap3A_970 = arith.index_cast %add3A_926 : i32 to index
      %swap3A_971 = arith.constant 48 : index
      %swap3A_972 = tpu.vector_load %arg11[%swap3A_970, %swap3A_971] {strides = array<i32>} : memref<128x64xf32, #tpu.memory_space<vmem>>, vector<1x16xf32>,
      %swap3A_973 = vector.shape_cast %swap3A_972 : vector<1x16xf32> to vector<16xf32>
      %swap3A_974 = vector.shape_cast %mul3A_969 : vector<16xf32> to vector<1x16xf32>
      tpu.vector_store %arg11[%swap3A_970, %swap3A_971], %swap3A_974 {strides = array<i32>} : memref<128x64xf32, #tpu.memory_space<vmem>>, vector<1x16xf32>,
      %scan3A_975 = arith.constant 0 : i32
      scf.yield %scan3A_975 : i32
    }
    %scan3A_386 = arith.constant 32 : i32
    %add3A_387 = arith.constant 128 : i32
    %add3A_388 = arith.addi %mul3A_2, %add3A_387 : i32
    %dma_start3A_389 = arith.constant 0 : i32
    %dma_start3A_390 = tpu.memref_slice %arg4[%add3A_388, %dma_start3A_389] : memref<819200x64xf32, #tpu.memory_space<hbm>> -> memref<128x64xf32, #tpu.memory_space<hbm>>
    %dma_start3A_391 = arith.constant 0 : i32
    %dma_start3A_392 = tpu.memref_slice %arg4[%add3A_388, %dma_start3A_391] : memref<819200x64xf32, #tpu.memory_space<hbm>> -> memref<128x64xf32, #tpu.memory_space<hbm>>
    tpu.enqueue_dma source(%arg11 : memref<128x64xf32, #tpu.memory_space<vmem>>) target(%dma_start3A_392 : memref<128x64xf32, #tpu.memory_space<hbm>>) target_semaphore(%arg19 : memref<!tpu.dma_semaphore, #tpu.memory_space<semaphore_mem>>)
    %get3A_393 = arith.constant 640 : index
    %get3A_394 = tpu.vector_load %arg5[%get3A_393] {strides = array<i32>} : memref<25600xi32, #tpu.memory_space<vmem>>, vector<16xi32>,
    %get3A_395 = vector.shape_cast %get3A_394 : vector<16xi32> to vector<16xi32>
    %dma_start3A_396 = arith.constant 0 : i32
    %dma_start3A_397 = arith.constant 0 : i32
    %dma_start3A_398 = tpu.memref_slice %arg7[%dma_start3A_396, %dma_start3A_397] : memref<128x64xf32, #tpu.memory_space<vmem>> -> memref<16x64xf32, #tpu.memory_space<vmem>>
    %dma_start3A_399 = arith.constant 0 : i32
    %dma_start3A_400 = arith.constant 0 : i32
    %dma_start3A_401 = tpu.memref_slice %arg3[%dma_start3A_399, %dma_start3A_400] : memref<1000000x64xf32, #tpu.memory_space<hbm>> -> memref<1000000x64xf32, #tpu.memory_space<hbm>>
    tpu.enqueue_indirect_dma source(%dma_start3A_401 : memref<1000000x64xf32, #tpu.memory_space<hbm>>) target(%dma_start3A_398 : memref<16x64xf32, #tpu.memory_space<vmem>>) offsets(%get3A_395 : vector<16xi32>) semaphore(%arg15 : memref<!tpu.dma_semaphore, #tpu.memory_space<semaphore_mem>>)
    %get3A_402 = arith.constant 656 : index
    %get3A_403 = tpu.vector_load %arg5[%get3A_402] {strides = array<i32>} : memref<25600xi32, #tpu.memory_space<vmem>>, vector<16xi32>,
    %get3A_404 = vector.shape_cast %get3A_403 : vector<16xi32> to vector<16xi32>
    %dma_start3A_405 = arith.constant 16 : i32
    %dma_start3A_406 = arith.constant 0 : i32
    %dma_start3A_407 = tpu.memref_slice %arg7[%dma_start3A_405, %dma_start3A_406] : memref<128x64xf32, #tpu.memory_space<vmem>> -> memref<16x64xf32, #tpu.memory_space<vmem>>
    %dma_start3A_408 = arith.constant 0 : i32
    %dma_start3A_409 = arith.constant 0 : i32
    %dma_start3A_410 = tpu.memref_slice %arg3[%dma_start3A_408, %dma_start3A_409] : memref<1000000x64xf32, #tpu.memory_space<hbm>> -> memref<1000000x64xf32, #tpu.memory_space<hbm>>
    tpu.enqueue_indirect_dma source(%dma_start3A_410 : memref<1000000x64xf32, #tpu.memory_space<hbm>>) target(%dma_start3A_407 : memref<16x64xf32, #tpu.memory_space<vmem>>) offsets(%get3A_404 : vector<16xi32>) semaphore(%arg15 : memref<!tpu.dma_semaphore, #tpu.memory_space<semaphore_mem>>)
    %get3A_411 = arith.constant 672 : index
    %get3A_412 = tpu.vector_load %arg5[%get3A_411] {strides = array<i32>} : memref<25600xi32, #tpu.memory_space<vmem>>, vector<16xi32>,
    %get3A_413 = vector.shape_cast %get3A_412 : vector<16xi32> to vector<16xi32>
    %dma_start3A_414 = arith.constant 32 : i32
    %dma_start3A_415 = arith.constant 0 : i32
    %dma_start3A_416 = tpu.memref_slice %arg7[%dma_start3A_414, %dma_start3A_415] : memref<128x64xf32, #tpu.memory_space<vmem>> -> memref<16x64xf32, #tpu.memory_space<vmem>>
    %dma_start3A_417 = arith.constant 0 : i32
    %dma_start3A_418 = arith.constant 0 : i32
    %dma_start3A_419 = tpu.memref_slice %arg3[%dma_start3A_417, %dma_start3A_418] : memref<1000000x64xf32, #tpu.memory_space<hbm>> -> memref<1000000x64xf32, #tpu.memory_space<hbm>>
    tpu.enqueue_indirect_dma source(%dma_start3A_419 : memref<1000000x64xf32, #tpu.memory_space<hbm>>) target(%dma_start3A_416 : memref<16x64xf32, #tpu.memory_space<vmem>>) offsets(%get3A_413 : vector<16xi32>) semaphore(%arg15 : memref<!tpu.dma_semaphore, #tpu.memory_space<semaphore_mem>>)
    %get3A_420 = arith.constant 688 : index
    %get3A_421 = tpu.vector_load %arg5[%get3A_420] {strides = array<i32>} : memref<25600xi32, #tpu.memory_space<vmem>>, vector<16xi32>,
    %get3A_422 = vector.shape_cast %get3A_421 : vector<16xi32> to vector<16xi32>
    %dma_start3A_423 = arith.constant 48 : i32
    %dma_start3A_424 = arith.constant 0 : i32
    %dma_start3A_425 = tpu.memref_slice %arg7[%dma_start3A_423, %dma_start3A_424] : memref<128x64xf32, #tpu.memory_space<vmem>> -> memref<16x64xf32, #tpu.memory_space<vmem>>
    %dma_start3A_426 = arith.constant 0 : i32
    %dma_start3A_427 = arith.constant 0 : i32
    %dma_start3A_428 = tpu.memref_slice %arg3[%dma_start3A_426, %dma_start3A_427] : memref<1000000x64xf32, #tpu.memory_space<hbm>> -> memref<1000000x64xf32, #tpu.memory_space<hbm>>
    tpu.enqueue_indirect_dma source(%dma_start3A_428 : memref<1000000x64xf32, #tpu.memory_space<hbm>>) target(%dma_start3A_425 : memref<16x64xf32, #tpu.memory_space<vmem>>) offsets(%get3A_422 : vector<16xi32>) semaphore(%arg15 : memref<!tpu.dma_semaphore, #tpu.memory_space<semaphore_mem>>)
    %get3A_429 = arith.constant 704 : index
    %get3A_430 = tpu.vector_load %arg5[%get3A_429] {strides = array<i32>} : memref<25600xi32, #tpu.memory_space<vmem>>, vector<16xi32>,
    %get3A_431 = vector.shape_cast %get3A_430 : vector<16xi32> to vector<16xi32>
    %dma_start3A_432 = arith.constant 64 : i32
    %dma_start3A_433 = arith.constant 0 : i32
    %dma_start3A_434 = tpu.memref_slice %arg7[%dma_start3A_432, %dma_start3A_433] : memref<128x64xf32, #tpu.memory_space<vmem>> -> memref<16x64xf32, #tpu.memory_space<vmem>>
    %dma_start3A_435 = arith.constant 0 : i32
    %dma_start3A_436 = arith.constant 0 : i32
    %dma_start3A_437 = tpu.memref_slice %arg3[%dma_start3A_435, %dma_start3A_436] : memref<1000000x64xf32, #tpu.memory_space<hbm>> -> memref<1000000x64xf32, #tpu.memory_space<hbm>>
    tpu.enqueue_indirect_dma source(%dma_start3A_437 : memref<1000000x64xf32, #tpu.memory_space<hbm>>) target(%dma_start3A_434 : memref<16x64xf32, #tpu.memory_space<vmem>>) offsets(%get3A_431 : vector<16xi32>) semaphore(%arg15 : memref<!tpu.dma_semaphore, #tpu.memory_space<semaphore_mem>>)
    %get3A_438 = arith.constant 720 : index
    %get3A_439 = tpu.vector_load %arg5[%get3A_438] {strides = array<i32>} : memref<25600xi32, #tpu.memory_space<vmem>>, vector<16xi32>,
    %get3A_440 = vector.shape_cast %get3A_439 : vector<16xi32> to vector<16xi32>
    %dma_start3A_441 = arith.constant 80 : i32
    %dma_start3A_442 = arith.constant 0 : i32
    %dma_start3A_443 = tpu.memref_slice %arg7[%dma_start3A_441, %dma_start3A_442] : memref<128x64xf32, #tpu.memory_space<vmem>> -> memref<16x64xf32, #tpu.memory_space<vmem>>
    %dma_start3A_444 = arith.constant 0 : i32
    %dma_start3A_445 = arith.constant 0 : i32
    %dma_start3A_446 = tpu.memref_slice %arg3[%dma_start3A_444, %dma_start3A_445] : memref<1000000x64xf32, #tpu.memory_space<hbm>> -> memref<1000000x64xf32, #tpu.memory_space<hbm>>
    tpu.enqueue_indirect_dma source(%dma_start3A_446 : memref<1000000x64xf32, #tpu.memory_space<hbm>>) target(%dma_start3A_443 : memref<16x64xf32, #tpu.memory_space<vmem>>) offsets(%get3A_440 : vector<16xi32>) semaphore(%arg15 : memref<!tpu.dma_semaphore, #tpu.memory_space<semaphore_mem>>)
    %get3A_447 = arith.constant 736 : index
    %get3A_448 = tpu.vector_load %arg5[%get3A_447] {strides = array<i32>} : memref<25600xi32, #tpu.memory_space<vmem>>, vector<16xi32>,
    %get3A_449 = vector.shape_cast %get3A_448 : vector<16xi32> to vector<16xi32>
    %dma_start3A_450 = arith.constant 96 : i32
    %dma_start3A_451 = arith.constant 0 : i32
    %dma_start3A_452 = tpu.memref_slice %arg7[%dma_start3A_450, %dma_start3A_451] : memref<128x64xf32, #tpu.memory_space<vmem>> -> memref<16x64xf32, #tpu.memory_space<vmem>>
    %dma_start3A_453 = arith.constant 0 : i32
    %dma_start3A_454 = arith.constant 0 : i32
    %dma_start3A_455 = tpu.memref_slice %arg3[%dma_start3A_453, %dma_start3A_454] : memref<1000000x64xf32, #tpu.memory_space<hbm>> -> memref<1000000x64xf32, #tpu.memory_space<hbm>>
    tpu.enqueue_indirect_dma source(%dma_start3A_455 : memref<1000000x64xf32, #tpu.memory_space<hbm>>) target(%dma_start3A_452 : memref<16x64xf32, #tpu.memory_space<vmem>>) offsets(%get3A_449 : vector<16xi32>) semaphore(%arg15 : memref<!tpu.dma_semaphore, #tpu.memory_space<semaphore_mem>>)
    %get3A_456 = arith.constant 752 : index
    %get3A_457 = tpu.vector_load %arg5[%get3A_456] {strides = array<i32>} : memref<25600xi32, #tpu.memory_space<vmem>>, vector<16xi32>,
    %get3A_458 = vector.shape_cast %get3A_457 : vector<16xi32> to vector<16xi32>
    %dma_start3A_459 = arith.constant 112 : i32
    %dma_start3A_460 = arith.constant 0 : i32
    %dma_start3A_461 = tpu.memref_slice %arg7[%dma_start3A_459, %dma_start3A_460] : memref<128x64xf32, #tpu.memory_space<vmem>> -> memref<16x64xf32, #tpu.memory_space<vmem>>
    %dma_start3A_462 = arith.constant 0 : i32
    %dma_start3A_463 = arith.constant 0 : i32
    %dma_start3A_464 = tpu.memref_slice %arg3[%dma_start3A_462, %dma_start3A_463] : memref<1000000x64xf32, #tpu.memory_space<hbm>> -> memref<1000000x64xf32, #tpu.memory_space<hbm>>
    tpu.enqueue_indirect_dma source(%dma_start3A_464 : memref<1000000x64xf32, #tpu.memory_space<hbm>>) target(%dma_start3A_461 : memref<16x64xf32, #tpu.memory_space<vmem>>) offsets(%get3A_458 : vector<16xi32>) semaphore(%arg15 : memref<!tpu.dma_semaphore, #tpu.memory_space<semaphore_mem>>)
    %dma_wait3A_465 = arith.constant 0 : i32
    %dma_wait3A_466 = tpu.memref_slice %arg4[%mul3A_2, %dma_wait3A_465] : memref<819200x64xf32, #tpu.memory_space<hbm>> -> memref<128x64xf32, #tpu.memory_space<hbm>>
    %dma_wait3A_467 = arith.constant 0 : i32
    %dma_wait3A_468 = tpu.memref_slice %arg4[%mul3A_2, %dma_wait3A_467] : memref<819200x64xf32, #tpu.memory_space<hbm>> -> memref<128x64xf32, #tpu.memory_space<hbm>>
    tpu.wait_dma2 semaphore(%arg16 : memref<!tpu.dma_semaphore, #tpu.memory_space<semaphore_mem>>) src(%dma_wait3A_468 : memref<128x64xf32, #tpu.memory_space<hbm>>) dst(%arg8 : memref<128x64xf32, #tpu.memory_space<vmem>>)
    %scan3A_469 = arith.constant 0 : i32
    %scan3A_470 = arith.constant 0 : i32
    %scan3A_471 = arith.constant 32 : i32
    %scan3A_472 = arith.addi %scan3A_470, %scan3A_471 : i32
    %scan3A_473 = arith.constant 1 : i32
    %scan3A_474 = scf.for %scan3A_766 = %scan3A_470 to %scan3A_472 step %scan3A_473 iter_args(%scan3A_767 = %scan3A_469) -> (i32)  : i32 {
      %mul3A_768 = arith.constant 4 : i32
      %mul3A_769 = arith.muli %scan3A_766, %mul3A_768 : i32
      %add3A_770 = arith.constant 0 : i32
      %add3A_771 = arith.addi %mul3A_769, %add3A_770 : i32
      %get3A_772 = arith.index_cast %add3A_771 : i32 to index
      %get3A_773 = arith.constant 0 : index
      %get3A_774 = tpu.vector_load %arg8[%get3A_772, %get3A_773] {strides = array<i32>} : memref<128x64xf32, #tpu.memory_space<vmem>>, vector<1x16xf32>,
      %get3A_775 = vector.shape_cast %get3A_774 : vector<1x16xf32> to vector<16xf32>
      %mul3A_776 = arith.constant 8.000000e+00 : f32
      %mul3A_777 = vector.broadcast %mul3A_776 : f32 to vector<16xf32>
      %mul3A_778 = arith.mulf %get3A_775, %mul3A_777 : vector<16xf32>
      %swap3A = arith.index_cast %add3A_771 : i32 to index
      %swap3A_779 = arith.constant 0 : index
      %swap3A_780 = tpu.vector_load %arg12[%swap3A, %swap3A_779] {strides = array<i32>} : memref<128x64xf32, #tpu.memory_space<vmem>>, vector<1x16xf32>,
      %swap3A_781 = vector.shape_cast %swap3A_780 : vector<1x16xf32> to vector<16xf32>
      %swap3A_782 = vector.shape_cast %mul3A_778 : vector<16xf32> to vector<1x16xf32>
      tpu.vector_store %arg12[%swap3A, %swap3A_779], %swap3A_782 {strides = array<i32>} : memref<128x64xf32, #tpu.memory_space<vmem>>, vector<1x16xf32>,
      %get3A_783 = arith.index_cast %add3A_771 : i32 to index
      %get3A_784 = arith.constant 16 : index
      %get3A_785 = tpu.vector_load %arg8[%get3A_783, %get3A_784] {strides = array<i32>} : memref<128x64xf32, #tpu.memory_space<vmem>>, vector<1x16xf32>,
      %get3A_786 = vector.shape_cast %get3A_785 : vector<1x16xf32> to vector<16xf32>
      %mul3A_787 = arith.constant 8.000000e+00 : f32
      %mul3A_788 = vector.broadcast %mul3A_787 : f32 to vector<16xf32>
      %mul3A_789 = arith.mulf %get3A_786, %mul3A_788 : vector<16xf32>
      %swap3A_790 = arith.index_cast %add3A_771 : i32 to index
      %swap3A_791 = arith.constant 16 : index
      %swap3A_792 = tpu.vector_load %arg12[%swap3A_790, %swap3A_791] {strides = array<i32>} : memref<128x64xf32, #tpu.memory_space<vmem>>, vector<1x16xf32>,
      %swap3A_793 = vector.shape_cast %swap3A_792 : vector<1x16xf32> to vector<16xf32>
      %swap3A_794 = vector.shape_cast %mul3A_789 : vector<16xf32> to vector<1x16xf32>
      tpu.vector_store %arg12[%swap3A_790, %swap3A_791], %swap3A_794 {strides = array<i32>} : memref<128x64xf32, #tpu.memory_space<vmem>>, vector<1x16xf32>,
      %get3A_795 = arith.index_cast %add3A_771 : i32 to index
      %get3A_796 = arith.constant 32 : index
      %get3A_797 = tpu.vector_load %arg8[%get3A_795, %get3A_796] {strides = array<i32>} : memref<128x64xf32, #tpu.memory_space<vmem>>, vector<1x16xf32>,
      %get3A_798 = vector.shape_cast %get3A_797 : vector<1x16xf32> to vector<16xf32>
      %mul3A_799 = arith.constant 8.000000e+00 : f32
      %mul3A_800 = vector.broadcast %mul3A_799 : f32 to vector<16xf32>
      %mul3A_801 = arith.mulf %get3A_798, %mul3A_800 : vector<16xf32>
      %swap3A_802 = arith.index_cast %add3A_771 : i32 to index
      %swap3A_803 = arith.constant 32 : index
      %swap3A_804 = tpu.vector_load %arg12[%swap3A_802, %swap3A_803] {strides = array<i32>} : memref<128x64xf32, #tpu.memory_space<vmem>>, vector<1x16xf32>,
      %swap3A_805 = vector.shape_cast %swap3A_804 : vector<1x16xf32> to vector<16xf32>
      %swap3A_806 = vector.shape_cast %mul3A_801 : vector<16xf32> to vector<1x16xf32>
      tpu.vector_store %arg12[%swap3A_802, %swap3A_803], %swap3A_806 {strides = array<i32>} : memref<128x64xf32, #tpu.memory_space<vmem>>, vector<1x16xf32>,
      %get3A_807 = arith.index_cast %add3A_771 : i32 to index
      %get3A_808 = arith.constant 48 : index
      %get3A_809 = tpu.vector_load %arg8[%get3A_807, %get3A_808] {strides = array<i32>} : memref<128x64xf32, #tpu.memory_space<vmem>>, vector<1x16xf32>,
      %get3A_810 = vector.shape_cast %get3A_809 : vector<1x16xf32> to vector<16xf32>
      %mul3A_811 = arith.constant 8.000000e+00 : f32
      %mul3A_812 = vector.broadcast %mul3A_811 : f32 to vector<16xf32>
      %mul3A_813 = arith.mulf %get3A_810, %mul3A_812 : vector<16xf32>
      %swap3A_814 = arith.index_cast %add3A_771 : i32 to index
      %swap3A_815 = arith.constant 48 : index
      %swap3A_816 = tpu.vector_load %arg12[%swap3A_814, %swap3A_815] {strides = array<i32>} : memref<128x64xf32, #tpu.memory_space<vmem>>, vector<1x16xf32>,
      %swap3A_817 = vector.shape_cast %swap3A_816 : vector<1x16xf32> to vector<16xf32>
      %swap3A_818 = vector.shape_cast %mul3A_813 : vector<16xf32> to vector<1x16xf32>
      tpu.vector_store %arg12[%swap3A_814, %swap3A_815], %swap3A_818 {strides = array<i32>} : memref<128x64xf32, #tpu.memory_space<vmem>>, vector<1x16xf32>,
      %mul3A_819 = arith.constant 4 : i32
      %mul3A_820 = arith.muli %scan3A_766, %mul3A_819 : i32
      %add3A_821 = arith.constant 1 : i32
      %add3A_822 = arith.addi %mul3A_820, %add3A_821 : i32
      %get3A_823 = arith.index_cast %add3A_822 : i32 to index
      %get3A_824 = arith.constant 0 : index
      %get3A_825 = tpu.vector_load %arg8[%get3A_823, %get3A_824] {strides = array<i32>} : memref<128x64xf32, #tpu.memory_space<vmem>>, vector<1x16xf32>,
      %get3A_826 = vector.shape_cast %get3A_825 : vector<1x16xf32> to vector<16xf32>
      %mul3A_827 = arith.constant 8.000000e+00 : f32
      %mul3A_828 = vector.broadcast %mul3A_827 : f32 to vector<16xf32>
      %mul3A_829 = arith.mulf %get3A_826, %mul3A_828 : vector<16xf32>
      %swap3A_830 = arith.index_cast %add3A_822 : i32 to index
      %swap3A_831 = arith.constant 0 : index
      %swap3A_832 = tpu.vector_load %arg12[%swap3A_830, %swap3A_831] {strides = array<i32>} : memref<128x64xf32, #tpu.memory_space<vmem>>, vector<1x16xf32>,
      %swap3A_833 = vector.shape_cast %swap3A_832 : vector<1x16xf32> to vector<16xf32>
      %swap3A_834 = vector.shape_cast %mul3A_829 : vector<16xf32> to vector<1x16xf32>
      tpu.vector_store %arg12[%swap3A_830, %swap3A_831], %swap3A_834 {strides = array<i32>} : memref<128x64xf32, #tpu.memory_space<vmem>>, vector<1x16xf32>,
      %get3A_835 = arith.index_cast %add3A_822 : i32 to index
      %get3A_836 = arith.constant 16 : index
      %get3A_837 = tpu.vector_load %arg8[%get3A_835, %get3A_836] {strides = array<i32>} : memref<128x64xf32, #tpu.memory_space<vmem>>, vector<1x16xf32>,
      %get3A_838 = vector.shape_cast %get3A_837 : vector<1x16xf32> to vector<16xf32>
      %mul3A_839 = arith.constant 8.000000e+00 : f32
      %mul3A_840 = vector.broadcast %mul3A_839 : f32 to vector<16xf32>
      %mul3A_841 = arith.mulf %get3A_838, %mul3A_840 : vector<16xf32>
      %swap3A_842 = arith.index_cast %add3A_822 : i32 to index
      %swap3A_843 = arith.constant 16 : index
      %swap3A_844 = tpu.vector_load %arg12[%swap3A_842, %swap3A_843] {strides = array<i32>} : memref<128x64xf32, #tpu.memory_space<vmem>>, vector<1x16xf32>,
      %swap3A_845 = vector.shape_cast %swap3A_844 : vector<1x16xf32> to vector<16xf32>
      %swap3A_846 = vector.shape_cast %mul3A_841 : vector<16xf32> to vector<1x16xf32>
      tpu.vector_store %arg12[%swap3A_842, %swap3A_843], %swap3A_846 {strides = array<i32>} : memref<128x64xf32, #tpu.memory_space<vmem>>, vector<1x16xf32>,
      %get3A_847 = arith.index_cast %add3A_822 : i32 to index
      %get3A_848 = arith.constant 32 : index
      %get3A_849 = tpu.vector_load %arg8[%get3A_847, %get3A_848] {strides = array<i32>} : memref<128x64xf32, #tpu.memory_space<vmem>>, vector<1x16xf32>,
      %get3A_850 = vector.shape_cast %get3A_849 : vector<1x16xf32> to vector<16xf32>
      %mul3A_851 = arith.constant 8.000000e+00 : f32
      %mul3A_852 = vector.broadcast %mul3A_851 : f32 to vector<16xf32>
      %mul3A_853 = arith.mulf %get3A_850, %mul3A_852 : vector<16xf32>
      %swap3A_854 = arith.index_cast %add3A_822 : i32 to index
      %swap3A_855 = arith.constant 32 : index
      %swap3A_856 = tpu.vector_load %arg12[%swap3A_854, %swap3A_855] {strides = array<i32>} : memref<128x64xf32, #tpu.memory_space<vmem>>, vector<1x16xf32>,
      %swap3A_857 = vector.shape_cast %swap3A_856 : vector<1x16xf32> to vector<16xf32>
      %swap3A_858 = vector.shape_cast %mul3A_853 : vector<16xf32> to vector<1x16xf32>
      tpu.vector_store %arg12[%swap3A_854, %swap3A_855], %swap3A_858 {strides = array<i32>} : memref<128x64xf32, #tpu.memory_space<vmem>>, vector<1x16xf32>,
      %get3A_859 = arith.index_cast %add3A_822 : i32 to index
      %get3A_860 = arith.constant 48 : index
      %get3A_861 = tpu.vector_load %arg8[%get3A_859, %get3A_860] {strides = array<i32>} : memref<128x64xf32, #tpu.memory_space<vmem>>, vector<1x16xf32>,
      %get3A_862 = vector.shape_cast %get3A_861 : vector<1x16xf32> to vector<16xf32>
      %mul3A_863 = arith.constant 8.000000e+00 : f32
      %mul3A_864 = vector.broadcast %mul3A_863 : f32 to vector<16xf32>
      %mul3A_865 = arith.mulf %get3A_862, %mul3A_864 : vector<16xf32>
      %swap3A_866 = arith.index_cast %add3A_822 : i32 to index
      %swap3A_867 = arith.constant 48 : index
      %swap3A_868 = tpu.vector_load %arg12[%swap3A_866, %swap3A_867] {strides = array<i32>} : memref<128x64xf32, #tpu.memory_space<vmem>>, vector<1x16xf32>,
      %swap3A_869 = vector.shape_cast %swap3A_868 : vector<1x16xf32> to vector<16xf32>
      %swap3A_870 = vector.shape_cast %mul3A_865 : vector<16xf32> to vector<1x16xf32>
      tpu.vector_store %arg12[%swap3A_866, %swap3A_867], %swap3A_870 {strides = array<i32>} : memref<128x64xf32, #tpu.memory_space<vmem>>, vector<1x16xf32>,
      %mul3A_871 = arith.constant 4 : i32
      %mul3A_872 = arith.muli %scan3A_766, %mul3A_871 : i32
      %add3A_873 = arith.constant 2 : i32
      %add3A_874 = arith.addi %mul3A_872, %add3A_873 : i32
      %get3A_875 = arith.index_cast %add3A_874 : i32 to index
      %get3A_876 = arith.constant 0 : index
      %get3A_877 = tpu.vector_load %arg8[%get3A_875, %get3A_876] {strides = array<i32>} : memref<128x64xf32, #tpu.memory_space<vmem>>, vector<1x16xf32>,
      %get3A_878 = vector.shape_cast %get3A_877 : vector<1x16xf32> to vector<16xf32>
      %mul3A_879 = arith.constant 8.000000e+00 : f32
      %mul3A_880 = vector.broadcast %mul3A_879 : f32 to vector<16xf32>
      %mul3A_881 = arith.mulf %get3A_878, %mul3A_880 : vector<16xf32>
      %swap3A_882 = arith.index_cast %add3A_874 : i32 to index
      %swap3A_883 = arith.constant 0 : index
      %swap3A_884 = tpu.vector_load %arg12[%swap3A_882, %swap3A_883] {strides = array<i32>} : memref<128x64xf32, #tpu.memory_space<vmem>>, vector<1x16xf32>,
      %swap3A_885 = vector.shape_cast %swap3A_884 : vector<1x16xf32> to vector<16xf32>
      %swap3A_886 = vector.shape_cast %mul3A_881 : vector<16xf32> to vector<1x16xf32>
      tpu.vector_store %arg12[%swap3A_882, %swap3A_883], %swap3A_886 {strides = array<i32>} : memref<128x64xf32, #tpu.memory_space<vmem>>, vector<1x16xf32>,
      %get3A_887 = arith.index_cast %add3A_874 : i32 to index
      %get3A_888 = arith.constant 16 : index
      %get3A_889 = tpu.vector_load %arg8[%get3A_887, %get3A_888] {strides = array<i32>} : memref<128x64xf32, #tpu.memory_space<vmem>>, vector<1x16xf32>,
      %get3A_890 = vector.shape_cast %get3A_889 : vector<1x16xf32> to vector<16xf32>
      %mul3A_891 = arith.constant 8.000000e+00 : f32
      %mul3A_892 = vector.broadcast %mul3A_891 : f32 to vector<16xf32>
      %mul3A_893 = arith.mulf %get3A_890, %mul3A_892 : vector<16xf32>
      %swap3A_894 = arith.index_cast %add3A_874 : i32 to index
      %swap3A_895 = arith.constant 16 : index
      %swap3A_896 = tpu.vector_load %arg12[%swap3A_894, %swap3A_895] {strides = array<i32>} : memref<128x64xf32, #tpu.memory_space<vmem>>, vector<1x16xf32>,
      %swap3A_897 = vector.shape_cast %swap3A_896 : vector<1x16xf32> to vector<16xf32>
      %swap3A_898 = vector.shape_cast %mul3A_893 : vector<16xf32> to vector<1x16xf32>
      tpu.vector_store %arg12[%swap3A_894, %swap3A_895], %swap3A_898 {strides = array<i32>} : memref<128x64xf32, #tpu.memory_space<vmem>>, vector<1x16xf32>,
      %get3A_899 = arith.index_cast %add3A_874 : i32 to index
      %get3A_900 = arith.constant 32 : index
      %get3A_901 = tpu.vector_load %arg8[%get3A_899, %get3A_900] {strides = array<i32>} : memref<128x64xf32, #tpu.memory_space<vmem>>, vector<1x16xf32>,
      %get3A_902 = vector.shape_cast %get3A_901 : vector<1x16xf32> to vector<16xf32>
      %mul3A_903 = arith.constant 8.000000e+00 : f32
      %mul3A_904 = vector.broadcast %mul3A_903 : f32 to vector<16xf32>
      %mul3A_905 = arith.mulf %get3A_902, %mul3A_904 : vector<16xf32>
      %swap3A_906 = arith.index_cast %add3A_874 : i32 to index
      %swap3A_907 = arith.constant 32 : index
      %swap3A_908 = tpu.vector_load %arg12[%swap3A_906, %swap3A_907] {strides = array<i32>} : memref<128x64xf32, #tpu.memory_space<vmem>>, vector<1x16xf32>,
      %swap3A_909 = vector.shape_cast %swap3A_908 : vector<1x16xf32> to vector<16xf32>
      %swap3A_910 = vector.shape_cast %mul3A_905 : vector<16xf32> to vector<1x16xf32>
      tpu.vector_store %arg12[%swap3A_906, %swap3A_907], %swap3A_910 {strides = array<i32>} : memref<128x64xf32, #tpu.memory_space<vmem>>, vector<1x16xf32>,
      %get3A_911 = arith.index_cast %add3A_874 : i32 to index
      %get3A_912 = arith.constant 48 : index
      %get3A_913 = tpu.vector_load %arg8[%get3A_911, %get3A_912] {strides = array<i32>} : memref<128x64xf32, #tpu.memory_space<vmem>>, vector<1x16xf32>,
      %get3A_914 = vector.shape_cast %get3A_913 : vector<1x16xf32> to vector<16xf32>
      %mul3A_915 = arith.constant 8.000000e+00 : f32
      %mul3A_916 = vector.broadcast %mul3A_915 : f32 to vector<16xf32>
      %mul3A_917 = arith.mulf %get3A_914, %mul3A_916 : vector<16xf32>
      %swap3A_918 = arith.index_cast %add3A_874 : i32 to index
      %swap3A_919 = arith.constant 48 : index
      %swap3A_920 = tpu.vector_load %arg12[%swap3A_918, %swap3A_919] {strides = array<i32>} : memref<128x64xf32, #tpu.memory_space<vmem>>, vector<1x16xf32>,
      %swap3A_921 = vector.shape_cast %swap3A_920 : vector<1x16xf32> to vector<16xf32>
      %swap3A_922 = vector.shape_cast %mul3A_917 : vector<16xf32> to vector<1x16xf32>
      tpu.vector_store %arg12[%swap3A_918, %swap3A_919], %swap3A_922 {strides = array<i32>} : memref<128x64xf32, #tpu.memory_space<vmem>>, vector<1x16xf32>,
      %mul3A_923 = arith.constant 4 : i32
      %mul3A_924 = arith.muli %scan3A_766, %mul3A_923 : i32
      %add3A_925 = arith.constant 3 : i32
      %add3A_926 = arith.addi %mul3A_924, %add3A_925 : i32
      %get3A_927 = arith.index_cast %add3A_926 : i32 to index
      %get3A_928 = arith.constant 0 : index
      %get3A_929 = tpu.vector_load %arg8[%get3A_927, %get3A_928] {strides = array<i32>} : memref<128x64xf32, #tpu.memory_space<vmem>>, vector<1x16xf32>,
      %get3A_930 = vector.shape_cast %get3A_929 : vector<1x16xf32> to vector<16xf32>
      %mul3A_931 = arith.constant 8.000000e+00 : f32
      %mul3A_932 = vector.broadcast %mul3A_931 : f32 to vector<16xf32>
      %mul3A_933 = arith.mulf %get3A_930, %mul3A_932 : vector<16xf32>
      %swap3A_934 = arith.index_cast %add3A_926 : i32 to index
      %swap3A_935 = arith.constant 0 : index
      %swap3A_936 = tpu.vector_load %arg12[%swap3A_934, %swap3A_935] {strides = array<i32>} : memref<128x64xf32, #tpu.memory_space<vmem>>, vector<1x16xf32>,
      %swap3A_937 = vector.shape_cast %swap3A_936 : vector<1x16xf32> to vector<16xf32>
      %swap3A_938 = vector.shape_cast %mul3A_933 : vector<16xf32> to vector<1x16xf32>
      tpu.vector_store %arg12[%swap3A_934, %swap3A_935], %swap3A_938 {strides = array<i32>} : memref<128x64xf32, #tpu.memory_space<vmem>>, vector<1x16xf32>,
      %get3A_939 = arith.index_cast %add3A_926 : i32 to index
      %get3A_940 = arith.constant 16 : index
      %get3A_941 = tpu.vector_load %arg8[%get3A_939, %get3A_940] {strides = array<i32>} : memref<128x64xf32, #tpu.memory_space<vmem>>, vector<1x16xf32>,
      %get3A_942 = vector.shape_cast %get3A_941 : vector<1x16xf32> to vector<16xf32>
      %mul3A_943 = arith.constant 8.000000e+00 : f32
      %mul3A_944 = vector.broadcast %mul3A_943 : f32 to vector<16xf32>
      %mul3A_945 = arith.mulf %get3A_942, %mul3A_944 : vector<16xf32>
      %swap3A_946 = arith.index_cast %add3A_926 : i32 to index
      %swap3A_947 = arith.constant 16 : index
      %swap3A_948 = tpu.vector_load %arg12[%swap3A_946, %swap3A_947] {strides = array<i32>} : memref<128x64xf32, #tpu.memory_space<vmem>>, vector<1x16xf32>,
      %swap3A_949 = vector.shape_cast %swap3A_948 : vector<1x16xf32> to vector<16xf32>
      %swap3A_950 = vector.shape_cast %mul3A_945 : vector<16xf32> to vector<1x16xf32>
      tpu.vector_store %arg12[%swap3A_946, %swap3A_947], %swap3A_950 {strides = array<i32>} : memref<128x64xf32, #tpu.memory_space<vmem>>, vector<1x16xf32>,
      %get3A_951 = arith.index_cast %add3A_926 : i32 to index
      %get3A_952 = arith.constant 32 : index
      %get3A_953 = tpu.vector_load %arg8[%get3A_951, %get3A_952] {strides = array<i32>} : memref<128x64xf32, #tpu.memory_space<vmem>>, vector<1x16xf32>,
      %get3A_954 = vector.shape_cast %get3A_953 : vector<1x16xf32> to vector<16xf32>
      %mul3A_955 = arith.constant 8.000000e+00 : f32
      %mul3A_956 = vector.broadcast %mul3A_955 : f32 to vector<16xf32>
      %mul3A_957 = arith.mulf %get3A_954, %mul3A_956 : vector<16xf32>
      %swap3A_958 = arith.index_cast %add3A_926 : i32 to index
      %swap3A_959 = arith.constant 32 : index
      %swap3A_960 = tpu.vector_load %arg12[%swap3A_958, %swap3A_959] {strides = array<i32>} : memref<128x64xf32, #tpu.memory_space<vmem>>, vector<1x16xf32>,
      %swap3A_961 = vector.shape_cast %swap3A_960 : vector<1x16xf32> to vector<16xf32>
      %swap3A_962 = vector.shape_cast %mul3A_957 : vector<16xf32> to vector<1x16xf32>
      tpu.vector_store %arg12[%swap3A_958, %swap3A_959], %swap3A_962 {strides = array<i32>} : memref<128x64xf32, #tpu.memory_space<vmem>>, vector<1x16xf32>,
      %get3A_963 = arith.index_cast %add3A_926 : i32 to index
      %get3A_964 = arith.constant 48 : index
      %get3A_965 = tpu.vector_load %arg8[%get3A_963, %get3A_964] {strides = array<i32>} : memref<128x64xf32, #tpu.memory_space<vmem>>, vector<1x16xf32>,
      %get3A_966 = vector.shape_cast %get3A_965 : vector<1x16xf32> to vector<16xf32>
      %mul3A_967 = arith.constant 8.000000e+00 : f32
      %mul3A_968 = vector.broadcast %mul3A_967 : f32 to vector<16xf32>
      %mul3A_969 = arith.mulf %get3A_966, %mul3A_968 : vector<16xf32>
      %swap3A_970 = arith.index_cast %add3A_926 : i32 to index
      %swap3A_971 = arith.constant 48 : index
      %swap3A_972 = tpu.vector_load %arg12[%swap3A_970, %swap3A_971] {strides = array<i32>} : memref<128x64xf32, #tpu.memory_space<vmem>>, vector<1x16xf32>,
      %swap3A_973 = vector.shape_cast %swap3A_972 : vector<1x16xf32> to vector<16xf32>
      %swap3A_974 = vector.shape_cast %mul3A_969 : vector<16xf32> to vector<1x16xf32>
      tpu.vector_store %arg12[%swap3A_970, %swap3A_971], %swap3A_974 {strides = array<i32>} : memref<128x64xf32, #tpu.memory_space<vmem>>, vector<1x16xf32>,
      %scan3A_975 = arith.constant 0 : i32
      scf.yield %scan3A_975 : i32
    }
    %scan3A_475 = arith.constant 32 : i32
    %add3A_476 = arith.constant 256 : i32
    %add3A_477 = arith.addi %mul3A_2, %add3A_476 : i32
    %dma_start3A_478 = arith.constant 0 : i32
    %dma_start3A_479 = tpu.memref_slice %arg4[%add3A_477, %dma_start3A_478] : memref<819200x64xf32, #tpu.memory_space<hbm>> -> memref<128x64xf32, #tpu.memory_space<hbm>>
    %dma_start3A_480 = arith.constant 0 : i32
    %dma_start3A_481 = tpu.memref_slice %arg4[%add3A_477, %dma_start3A_480] : memref<819200x64xf32, #tpu.memory_space<hbm>> -> memref<128x64xf32, #tpu.memory_space<hbm>>
    tpu.enqueue_dma source(%arg12 : memref<128x64xf32, #tpu.memory_space<vmem>>) target(%dma_start3A_481 : memref<128x64xf32, #tpu.memory_space<hbm>>) target_semaphore(%arg20 : memref<!tpu.dma_semaphore, #tpu.memory_space<semaphore_mem>>)
    %get3A_482 = arith.constant 768 : index
    %get3A_483 = tpu.vector_load %arg5[%get3A_482] {strides = array<i32>} : memref<25600xi32, #tpu.memory_space<vmem>>, vector<16xi32>,
    %get3A_484 = vector.shape_cast %get3A_483 : vector<16xi32> to vector<16xi32>
    %dma_start3A_485 = arith.constant 0 : i32
    %dma_start3A_486 = arith.constant 0 : i32
    %dma_start3A_487 = tpu.memref_slice %arg8[%dma_start3A_485, %dma_start3A_486] : memref<128x64xf32, #tpu.memory_space<vmem>> -> memref<16x64xf32, #tpu.memory_space<vmem>>
    %dma_start3A_488 = arith.constant 0 : i32
    %dma_start3A_489 = arith.constant 0 : i32
    %dma_start3A_490 = tpu.memref_slice %arg3[%dma_start3A_488, %dma_start3A_489] : memref<1000000x64xf32, #tpu.memory_space<hbm>> -> memref<1000000x64xf32, #tpu.memory_space<hbm>>
    tpu.enqueue_indirect_dma source(%dma_start3A_490 : memref<1000000x64xf32, #tpu.memory_space<hbm>>) target(%dma_start3A_487 : memref<16x64xf32, #tpu.memory_space<vmem>>) offsets(%get3A_484 : vector<16xi32>) semaphore(%arg16 : memref<!tpu.dma_semaphore, #tpu.memory_space<semaphore_mem>>)
    %get3A_491 = arith.constant 784 : index
    %get3A_492 = tpu.vector_load %arg5[%get3A_491] {strides = array<i32>} : memref<25600xi32, #tpu.memory_space<vmem>>, vector<16xi32>,
    %get3A_493 = vector.shape_cast %get3A_492 : vector<16xi32> to vector<16xi32>
    %dma_start3A_494 = arith.constant 16 : i32
    %dma_start3A_495 = arith.constant 0 : i32
    %dma_start3A_496 = tpu.memref_slice %arg8[%dma_start3A_494, %dma_start3A_495] : memref<128x64xf32, #tpu.memory_space<vmem>> -> memref<16x64xf32, #tpu.memory_space<vmem>>
    %dma_start3A_497 = arith.constant 0 : i32
    %dma_start3A_498 = arith.constant 0 : i32
    %dma_start3A_499 = tpu.memref_slice %arg3[%dma_start3A_497, %dma_start3A_498] : memref<1000000x64xf32, #tpu.memory_space<hbm>> -> memref<1000000x64xf32, #tpu.memory_space<hbm>>
    tpu.enqueue_indirect_dma source(%dma_start3A_499 : memref<1000000x64xf32, #tpu.memory_space<hbm>>) target(%dma_start3A_496 : memref<16x64xf32, #tpu.memory_space<vmem>>) offsets(%get3A_493 : vector<16xi32>) semaphore(%arg16 : memref<!tpu.dma_semaphore, #tpu.memory_space<semaphore_mem>>)
    %get3A_500 = arith.constant 800 : index
    %get3A_501 = tpu.vector_load %arg5[%get3A_500] {strides = array<i32>} : memref<25600xi32, #tpu.memory_space<vmem>>, vector<16xi32>,
    %get3A_502 = vector.shape_cast %get3A_501 : vector<16xi32> to vector<16xi32>
    %dma_start3A_503 = arith.constant 32 : i32
    %dma_start3A_504 = arith.constant 0 : i32
    %dma_start3A_505 = tpu.memref_slice %arg8[%dma_start3A_503, %dma_start3A_504] : memref<128x64xf32, #tpu.memory_space<vmem>> -> memref<16x64xf32, #tpu.memory_space<vmem>>
    %dma_start3A_506 = arith.constant 0 : i32
    %dma_start3A_507 = arith.constant 0 : i32
    %dma_start3A_508 = tpu.memref_slice %arg3[%dma_start3A_506, %dma_start3A_507] : memref<1000000x64xf32, #tpu.memory_space<hbm>> -> memref<1000000x64xf32, #tpu.memory_space<hbm>>
    tpu.enqueue_indirect_dma source(%dma_start3A_508 : memref<1000000x64xf32, #tpu.memory_space<hbm>>) target(%dma_start3A_505 : memref<16x64xf32, #tpu.memory_space<vmem>>) offsets(%get3A_502 : vector<16xi32>) semaphore(%arg16 : memref<!tpu.dma_semaphore, #tpu.memory_space<semaphore_mem>>)
    %get3A_509 = arith.constant 816 : index
    %get3A_510 = tpu.vector_load %arg5[%get3A_509] {strides = array<i32>} : memref<25600xi32, #tpu.memory_space<vmem>>, vector<16xi32>,
    %get3A_511 = vector.shape_cast %get3A_510 : vector<16xi32> to vector<16xi32>
    %dma_start3A_512 = arith.constant 48 : i32
    %dma_start3A_513 = arith.constant 0 : i32
    %dma_start3A_514 = tpu.memref_slice %arg8[%dma_start3A_512, %dma_start3A_513] : memref<128x64xf32, #tpu.memory_space<vmem>> -> memref<16x64xf32, #tpu.memory_space<vmem>>
    %dma_start3A_515 = arith.constant 0 : i32
    %dma_start3A_516 = arith.constant 0 : i32
    %dma_start3A_517 = tpu.memref_slice %arg3[%dma_start3A_515, %dma_start3A_516] : memref<1000000x64xf32, #tpu.memory_space<hbm>> -> memref<1000000x64xf32, #tpu.memory_space<hbm>>
    tpu.enqueue_indirect_dma source(%dma_start3A_517 : memref<1000000x64xf32, #tpu.memory_space<hbm>>) target(%dma_start3A_514 : memref<16x64xf32, #tpu.memory_space<vmem>>) offsets(%get3A_511 : vector<16xi32>) semaphore(%arg16 : memref<!tpu.dma_semaphore, #tpu.memory_space<semaphore_mem>>)
    %get3A_518 = arith.constant 832 : index
    %get3A_519 = tpu.vector_load %arg5[%get3A_518] {strides = array<i32>} : memref<25600xi32, #tpu.memory_space<vmem>>, vector<16xi32>,
    %get3A_520 = vector.shape_cast %get3A_519 : vector<16xi32> to vector<16xi32>
    %dma_start3A_521 = arith.constant 64 : i32
    %dma_start3A_522 = arith.constant 0 : i32
    %dma_start3A_523 = tpu.memref_slice %arg8[%dma_start3A_521, %dma_start3A_522] : memref<128x64xf32, #tpu.memory_space<vmem>> -> memref<16x64xf32, #tpu.memory_space<vmem>>
    %dma_start3A_524 = arith.constant 0 : i32
    %dma_start3A_525 = arith.constant 0 : i32
    %dma_start3A_526 = tpu.memref_slice %arg3[%dma_start3A_524, %dma_start3A_525] : memref<1000000x64xf32, #tpu.memory_space<hbm>> -> memref<1000000x64xf32, #tpu.memory_space<hbm>>
    tpu.enqueue_indirect_dma source(%dma_start3A_526 : memref<1000000x64xf32, #tpu.memory_space<hbm>>) target(%dma_start3A_523 : memref<16x64xf32, #tpu.memory_space<vmem>>) offsets(%get3A_520 : vector<16xi32>) semaphore(%arg16 : memref<!tpu.dma_semaphore, #tpu.memory_space<semaphore_mem>>)
    %get3A_527 = arith.constant 848 : index
    %get3A_528 = tpu.vector_load %arg5[%get3A_527] {strides = array<i32>} : memref<25600xi32, #tpu.memory_space<vmem>>, vector<16xi32>,
    %get3A_529 = vector.shape_cast %get3A_528 : vector<16xi32> to vector<16xi32>
    %dma_start3A_530 = arith.constant 80 : i32
    %dma_start3A_531 = arith.constant 0 : i32
    %dma_start3A_532 = tpu.memref_slice %arg8[%dma_start3A_530, %dma_start3A_531] : memref<128x64xf32, #tpu.memory_space<vmem>> -> memref<16x64xf32, #tpu.memory_space<vmem>>
    %dma_start3A_533 = arith.constant 0 : i32
    %dma_start3A_534 = arith.constant 0 : i32
    %dma_start3A_535 = tpu.memref_slice %arg3[%dma_start3A_533, %dma_start3A_534] : memref<1000000x64xf32, #tpu.memory_space<hbm>> -> memref<1000000x64xf32, #tpu.memory_space<hbm>>
    tpu.enqueue_indirect_dma source(%dma_start3A_535 : memref<1000000x64xf32, #tpu.memory_space<hbm>>) target(%dma_start3A_532 : memref<16x64xf32, #tpu.memory_space<vmem>>) offsets(%get3A_529 : vector<16xi32>) semaphore(%arg16 : memref<!tpu.dma_semaphore, #tpu.memory_space<semaphore_mem>>)
    %get3A_536 = arith.constant 864 : index
    %get3A_537 = tpu.vector_load %arg5[%get3A_536] {strides = array<i32>} : memref<25600xi32, #tpu.memory_space<vmem>>, vector<16xi32>,
    %get3A_538 = vector.shape_cast %get3A_537 : vector<16xi32> to vector<16xi32>
    %dma_start3A_539 = arith.constant 96 : i32
    %dma_start3A_540 = arith.constant 0 : i32
    %dma_start3A_541 = tpu.memref_slice %arg8[%dma_start3A_539, %dma_start3A_540] : memref<128x64xf32, #tpu.memory_space<vmem>> -> memref<16x64xf32, #tpu.memory_space<vmem>>
    %dma_start3A_542 = arith.constant 0 : i32
    %dma_start3A_543 = arith.constant 0 : i32
    %dma_start3A_544 = tpu.memref_slice %arg3[%dma_start3A_542, %dma_start3A_543] : memref<1000000x64xf32, #tpu.memory_space<hbm>> -> memref<1000000x64xf32, #tpu.memory_space<hbm>>
    tpu.enqueue_indirect_dma source(%dma_start3A_544 : memref<1000000x64xf32, #tpu.memory_space<hbm>>) target(%dma_start3A_541 : memref<16x64xf32, #tpu.memory_space<vmem>>) offsets(%get3A_538 : vector<16xi32>) semaphore(%arg16 : memref<!tpu.dma_semaphore, #tpu.memory_space<semaphore_mem>>)
    %get3A_545 = arith.constant 880 : index
    %get3A_546 = tpu.vector_load %arg5[%get3A_545] {strides = array<i32>} : memref<25600xi32, #tpu.memory_space<vmem>>, vector<16xi32>,
    %get3A_547 = vector.shape_cast %get3A_546 : vector<16xi32> to vector<16xi32>
    %dma_start3A_548 = arith.constant 112 : i32
    %dma_start3A_549 = arith.constant 0 : i32
    %dma_start3A_550 = tpu.memref_slice %arg8[%dma_start3A_548, %dma_start3A_549] : memref<128x64xf32, #tpu.memory_space<vmem>> -> memref<16x64xf32, #tpu.memory_space<vmem>>
    %dma_start3A_551 = arith.constant 0 : i32
    %dma_start3A_552 = arith.constant 0 : i32
    %dma_start3A_553 = tpu.memref_slice %arg3[%dma_start3A_551, %dma_start3A_552] : memref<1000000x64xf32, #tpu.memory_space<hbm>> -> memref<1000000x64xf32, #tpu.memory_space<hbm>>
    tpu.enqueue_indirect_dma source(%dma_start3A_553 : memref<1000000x64xf32, #tpu.memory_space<hbm>>) target(%dma_start3A_550 : memref<16x64xf32, #tpu.memory_space<vmem>>) offsets(%get3A_547 : vector<16xi32>) semaphore(%arg16 : memref<!tpu.dma_semaphore, #tpu.memory_space<semaphore_mem>>)
    %dma_wait3A_554 = arith.constant 0 : i32
    %dma_wait3A_555 = tpu.memref_slice %arg4[%mul3A_2, %dma_wait3A_554] : memref<819200x64xf32, #tpu.memory_space<hbm>> -> memref<128x64xf32, #tpu.memory_space<hbm>>
    %dma_wait3A_556 = arith.constant 0 : i32
    %dma_wait3A_557 = tpu.memref_slice %arg4[%mul3A_2, %dma_wait3A_556] : memref<819200x64xf32, #tpu.memory_space<hbm>> -> memref<128x64xf32, #tpu.memory_space<hbm>>
    tpu.wait_dma2 semaphore(%arg17 : memref<!tpu.dma_semaphore, #tpu.memory_space<semaphore_mem>>) src(%dma_wait3A_557 : memref<128x64xf32, #tpu.memory_space<hbm>>) dst(%arg9 : memref<128x64xf32, #tpu.memory_space<vmem>>)
    %scan3A_558 = arith.constant 0 : i32
    %scan3A_559 = arith.constant 0 : i32
    %scan3A_560 = arith.constant 32 : i32
    %scan3A_561 = arith.addi %scan3A_559, %scan3A_560 : i32
    %scan3A_562 = arith.constant 1 : i32
    %scan3A_563 = scf.for %scan3A_766 = %scan3A_559 to %scan3A_561 step %scan3A_562 iter_args(%scan3A_767 = %scan3A_558) -> (i32)  : i32 {
      %mul3A_768 = arith.constant 4 : i32
      %mul3A_769 = arith.muli %scan3A_766, %mul3A_768 : i32
      %add3A_770 = arith.constant 0 : i32
      %add3A_771 = arith.addi %mul3A_769, %add3A_770 : i32
      %get3A_772 = arith.index_cast %add3A_771 : i32 to index
      %get3A_773 = arith.constant 0 : index
      %get3A_774 = tpu.vector_load %arg9[%get3A_772, %get3A_773] {strides = array<i32>} : memref<128x64xf32, #tpu.memory_space<vmem>>, vector<1x16xf32>,
      %get3A_775 = vector.shape_cast %get3A_774 : vector<1x16xf32> to vector<16xf32>
      %mul3A_776 = arith.constant 8.000000e+00 : f32
      %mul3A_777 = vector.broadcast %mul3A_776 : f32 to vector<16xf32>
      %mul3A_778 = arith.mulf %get3A_775, %mul3A_777 : vector<16xf32>
      %swap3A = arith.index_cast %add3A_771 : i32 to index
      %swap3A_779 = arith.constant 0 : index
      %swap3A_780 = tpu.vector_load %arg13[%swap3A, %swap3A_779] {strides = array<i32>} : memref<128x64xf32, #tpu.memory_space<vmem>>, vector<1x16xf32>,
      %swap3A_781 = vector.shape_cast %swap3A_780 : vector<1x16xf32> to vector<16xf32>
      %swap3A_782 = vector.shape_cast %mul3A_778 : vector<16xf32> to vector<1x16xf32>
      tpu.vector_store %arg13[%swap3A, %swap3A_779], %swap3A_782 {strides = array<i32>} : memref<128x64xf32, #tpu.memory_space<vmem>>, vector<1x16xf32>,
      %get3A_783 = arith.index_cast %add3A_771 : i32 to index
      %get3A_784 = arith.constant 16 : index
      %get3A_785 = tpu.vector_load %arg9[%get3A_783, %get3A_784] {strides = array<i32>} : memref<128x64xf32, #tpu.memory_space<vmem>>, vector<1x16xf32>,
      %get3A_786 = vector.shape_cast %get3A_785 : vector<1x16xf32> to vector<16xf32>
      %mul3A_787 = arith.constant 8.000000e+00 : f32
      %mul3A_788 = vector.broadcast %mul3A_787 : f32 to vector<16xf32>
      %mul3A_789 = arith.mulf %get3A_786, %mul3A_788 : vector<16xf32>
      %swap3A_790 = arith.index_cast %add3A_771 : i32 to index
      %swap3A_791 = arith.constant 16 : index
      %swap3A_792 = tpu.vector_load %arg13[%swap3A_790, %swap3A_791] {strides = array<i32>} : memref<128x64xf32, #tpu.memory_space<vmem>>, vector<1x16xf32>,
      %swap3A_793 = vector.shape_cast %swap3A_792 : vector<1x16xf32> to vector<16xf32>
      %swap3A_794 = vector.shape_cast %mul3A_789 : vector<16xf32> to vector<1x16xf32>
      tpu.vector_store %arg13[%swap3A_790, %swap3A_791], %swap3A_794 {strides = array<i32>} : memref<128x64xf32, #tpu.memory_space<vmem>>, vector<1x16xf32>,
      %get3A_795 = arith.index_cast %add3A_771 : i32 to index
      %get3A_796 = arith.constant 32 : index
      %get3A_797 = tpu.vector_load %arg9[%get3A_795, %get3A_796] {strides = array<i32>} : memref<128x64xf32, #tpu.memory_space<vmem>>, vector<1x16xf32>,
      %get3A_798 = vector.shape_cast %get3A_797 : vector<1x16xf32> to vector<16xf32>
      %mul3A_799 = arith.constant 8.000000e+00 : f32
      %mul3A_800 = vector.broadcast %mul3A_799 : f32 to vector<16xf32>
      %mul3A_801 = arith.mulf %get3A_798, %mul3A_800 : vector<16xf32>
      %swap3A_802 = arith.index_cast %add3A_771 : i32 to index
      %swap3A_803 = arith.constant 32 : index
      %swap3A_804 = tpu.vector_load %arg13[%swap3A_802, %swap3A_803] {strides = array<i32>} : memref<128x64xf32, #tpu.memory_space<vmem>>, vector<1x16xf32>,
      %swap3A_805 = vector.shape_cast %swap3A_804 : vector<1x16xf32> to vector<16xf32>
      %swap3A_806 = vector.shape_cast %mul3A_801 : vector<16xf32> to vector<1x16xf32>
      tpu.vector_store %arg13[%swap3A_802, %swap3A_803], %swap3A_806 {strides = array<i32>} : memref<128x64xf32, #tpu.memory_space<vmem>>, vector<1x16xf32>,
      %get3A_807 = arith.index_cast %add3A_771 : i32 to index
      %get3A_808 = arith.constant 48 : index
      %get3A_809 = tpu.vector_load %arg9[%get3A_807, %get3A_808] {strides = array<i32>} : memref<128x64xf32, #tpu.memory_space<vmem>>, vector<1x16xf32>,
      %get3A_810 = vector.shape_cast %get3A_809 : vector<1x16xf32> to vector<16xf32>
      %mul3A_811 = arith.constant 8.000000e+00 : f32
      %mul3A_812 = vector.broadcast %mul3A_811 : f32 to vector<16xf32>
      %mul3A_813 = arith.mulf %get3A_810, %mul3A_812 : vector<16xf32>
      %swap3A_814 = arith.index_cast %add3A_771 : i32 to index
      %swap3A_815 = arith.constant 48 : index
      %swap3A_816 = tpu.vector_load %arg13[%swap3A_814, %swap3A_815] {strides = array<i32>} : memref<128x64xf32, #tpu.memory_space<vmem>>, vector<1x16xf32>,
      %swap3A_817 = vector.shape_cast %swap3A_816 : vector<1x16xf32> to vector<16xf32>
      %swap3A_818 = vector.shape_cast %mul3A_813 : vector<16xf32> to vector<1x16xf32>
      tpu.vector_store %arg13[%swap3A_814, %swap3A_815], %swap3A_818 {strides = array<i32>} : memref<128x64xf32, #tpu.memory_space<vmem>>, vector<1x16xf32>,
      %mul3A_819 = arith.constant 4 : i32
      %mul3A_820 = arith.muli %scan3A_766, %mul3A_819 : i32
      %add3A_821 = arith.constant 1 : i32
      %add3A_822 = arith.addi %mul3A_820, %add3A_821 : i32
      %get3A_823 = arith.index_cast %add3A_822 : i32 to index
      %get3A_824 = arith.constant 0 : index
      %get3A_825 = tpu.vector_load %arg9[%get3A_823, %get3A_824] {strides = array<i32>} : memref<128x64xf32, #tpu.memory_space<vmem>>, vector<1x16xf32>,
      %get3A_826 = vector.shape_cast %get3A_825 : vector<1x16xf32> to vector<16xf32>
      %mul3A_827 = arith.constant 8.000000e+00 : f32
      %mul3A_828 = vector.broadcast %mul3A_827 : f32 to vector<16xf32>
      %mul3A_829 = arith.mulf %get3A_826, %mul3A_828 : vector<16xf32>
      %swap3A_830 = arith.index_cast %add3A_822 : i32 to index
      %swap3A_831 = arith.constant 0 : index
      %swap3A_832 = tpu.vector_load %arg13[%swap3A_830, %swap3A_831] {strides = array<i32>} : memref<128x64xf32, #tpu.memory_space<vmem>>, vector<1x16xf32>,
      %swap3A_833 = vector.shape_cast %swap3A_832 : vector<1x16xf32> to vector<16xf32>
      %swap3A_834 = vector.shape_cast %mul3A_829 : vector<16xf32> to vector<1x16xf32>
      tpu.vector_store %arg13[%swap3A_830, %swap3A_831], %swap3A_834 {strides = array<i32>} : memref<128x64xf32, #tpu.memory_space<vmem>>, vector<1x16xf32>,
      %get3A_835 = arith.index_cast %add3A_822 : i32 to index
      %get3A_836 = arith.constant 16 : index
      %get3A_837 = tpu.vector_load %arg9[%get3A_835, %get3A_836] {strides = array<i32>} : memref<128x64xf32, #tpu.memory_space<vmem>>, vector<1x16xf32>,
      %get3A_838 = vector.shape_cast %get3A_837 : vector<1x16xf32> to vector<16xf32>
      %mul3A_839 = arith.constant 8.000000e+00 : f32
      %mul3A_840 = vector.broadcast %mul3A_839 : f32 to vector<16xf32>
      %mul3A_841 = arith.mulf %get3A_838, %mul3A_840 : vector<16xf32>
      %swap3A_842 = arith.index_cast %add3A_822 : i32 to index
      %swap3A_843 = arith.constant 16 : index
      %swap3A_844 = tpu.vector_load %arg13[%swap3A_842, %swap3A_843] {strides = array<i32>} : memref<128x64xf32, #tpu.memory_space<vmem>>, vector<1x16xf32>,
      %swap3A_845 = vector.shape_cast %swap3A_844 : vector<1x16xf32> to vector<16xf32>
      %swap3A_846 = vector.shape_cast %mul3A_841 : vector<16xf32> to vector<1x16xf32>
      tpu.vector_store %arg13[%swap3A_842, %swap3A_843], %swap3A_846 {strides = array<i32>} : memref<128x64xf32, #tpu.memory_space<vmem>>, vector<1x16xf32>,
      %get3A_847 = arith.index_cast %add3A_822 : i32 to index
      %get3A_848 = arith.constant 32 : index
      %get3A_849 = tpu.vector_load %arg9[%get3A_847, %get3A_848] {strides = array<i32>} : memref<128x64xf32, #tpu.memory_space<vmem>>, vector<1x16xf32>,
      %get3A_850 = vector.shape_cast %get3A_849 : vector<1x16xf32> to vector<16xf32>
      %mul3A_851 = arith.constant 8.000000e+00 : f32
      %mul3A_852 = vector.broadcast %mul3A_851 : f32 to vector<16xf32>
      %mul3A_853 = arith.mulf %get3A_850, %mul3A_852 : vector<16xf32>
      %swap3A_854 = arith.index_cast %add3A_822 : i32 to index
      %swap3A_855 = arith.constant 32 : index
      %swap3A_856 = tpu.vector_load %arg13[%swap3A_854, %swap3A_855] {strides = array<i32>} : memref<128x64xf32, #tpu.memory_space<vmem>>, vector<1x16xf32>,
      %swap3A_857 = vector.shape_cast %swap3A_856 : vector<1x16xf32> to vector<16xf32>
      %swap3A_858 = vector.shape_cast %mul3A_853 : vector<16xf32> to vector<1x16xf32>
      tpu.vector_store %arg13[%swap3A_854, %swap3A_855], %swap3A_858 {strides = array<i32>} : memref<128x64xf32, #tpu.memory_space<vmem>>, vector<1x16xf32>,
      %get3A_859 = arith.index_cast %add3A_822 : i32 to index
      %get3A_860 = arith.constant 48 : index
      %get3A_861 = tpu.vector_load %arg9[%get3A_859, %get3A_860] {strides = array<i32>} : memref<128x64xf32, #tpu.memory_space<vmem>>, vector<1x16xf32>,
      %get3A_862 = vector.shape_cast %get3A_861 : vector<1x16xf32> to vector<16xf32>
      %mul3A_863 = arith.constant 8.000000e+00 : f32
      %mul3A_864 = vector.broadcast %mul3A_863 : f32 to vector<16xf32>
      %mul3A_865 = arith.mulf %get3A_862, %mul3A_864 : vector<16xf32>
      %swap3A_866 = arith.index_cast %add3A_822 : i32 to index
      %swap3A_867 = arith.constant 48 : index
      %swap3A_868 = tpu.vector_load %arg13[%swap3A_866, %swap3A_867] {strides = array<i32>} : memref<128x64xf32, #tpu.memory_space<vmem>>, vector<1x16xf32>,
      %swap3A_869 = vector.shape_cast %swap3A_868 : vector<1x16xf32> to vector<16xf32>
      %swap3A_870 = vector.shape_cast %mul3A_865 : vector<16xf32> to vector<1x16xf32>
      tpu.vector_store %arg13[%swap3A_866, %swap3A_867], %swap3A_870 {strides = array<i32>} : memref<128x64xf32, #tpu.memory_space<vmem>>, vector<1x16xf32>,
      %mul3A_871 = arith.constant 4 : i32
      %mul3A_872 = arith.muli %scan3A_766, %mul3A_871 : i32
      %add3A_873 = arith.constant 2 : i32
      %add3A_874 = arith.addi %mul3A_872, %add3A_873 : i32
      %get3A_875 = arith.index_cast %add3A_874 : i32 to index
      %get3A_876 = arith.constant 0 : index
      %get3A_877 = tpu.vector_load %arg9[%get3A_875, %get3A_876] {strides = array<i32>} : memref<128x64xf32, #tpu.memory_space<vmem>>, vector<1x16xf32>,
      %get3A_878 = vector.shape_cast %get3A_877 : vector<1x16xf32> to vector<16xf32>
      %mul3A_879 = arith.constant 8.000000e+00 : f32
      %mul3A_880 = vector.broadcast %mul3A_879 : f32 to vector<16xf32>
      %mul3A_881 = arith.mulf %get3A_878, %mul3A_880 : vector<16xf32>
      %swap3A_882 = arith.index_cast %add3A_874 : i32 to index
      %swap3A_883 = arith.constant 0 : index
      %swap3A_884 = tpu.vector_load %arg13[%swap3A_882, %swap3A_883] {strides = array<i32>} : memref<128x64xf32, #tpu.memory_space<vmem>>, vector<1x16xf32>,
      %swap3A_885 = vector.shape_cast %swap3A_884 : vector<1x16xf32> to vector<16xf32>
      %swap3A_886 = vector.shape_cast %mul3A_881 : vector<16xf32> to vector<1x16xf32>
      tpu.vector_store %arg13[%swap3A_882, %swap3A_883], %swap3A_886 {strides = array<i32>} : memref<128x64xf32, #tpu.memory_space<vmem>>, vector<1x16xf32>,
      %get3A_887 = arith.index_cast %add3A_874 : i32 to index
      %get3A_888 = arith.constant 16 : index
      %get3A_889 = tpu.vector_load %arg9[%get3A_887, %get3A_888] {strides = array<i32>} : memref<128x64xf32, #tpu.memory_space<vmem>>, vector<1x16xf32>,
      %get3A_890 = vector.shape_cast %get3A_889 : vector<1x16xf32> to vector<16xf32>
      %mul3A_891 = arith.constant 8.000000e+00 : f32
      %mul3A_892 = vector.broadcast %mul3A_891 : f32 to vector<16xf32>
      %mul3A_893 = arith.mulf %get3A_890, %mul3A_892 : vector<16xf32>
      %swap3A_894 = arith.index_cast %add3A_874 : i32 to index
      %swap3A_895 = arith.constant 16 : index
      %swap3A_896 = tpu.vector_load %arg13[%swap3A_894, %swap3A_895] {strides = array<i32>} : memref<128x64xf32, #tpu.memory_space<vmem>>, vector<1x16xf32>,
      %swap3A_897 = vector.shape_cast %swap3A_896 : vector<1x16xf32> to vector<16xf32>
      %swap3A_898 = vector.shape_cast %mul3A_893 : vector<16xf32> to vector<1x16xf32>
      tpu.vector_store %arg13[%swap3A_894, %swap3A_895], %swap3A_898 {strides = array<i32>} : memref<128x64xf32, #tpu.memory_space<vmem>>, vector<1x16xf32>,
      %get3A_899 = arith.index_cast %add3A_874 : i32 to index
      %get3A_900 = arith.constant 32 : index
      %get3A_901 = tpu.vector_load %arg9[%get3A_899, %get3A_900] {strides = array<i32>} : memref<128x64xf32, #tpu.memory_space<vmem>>, vector<1x16xf32>,
      %get3A_902 = vector.shape_cast %get3A_901 : vector<1x16xf32> to vector<16xf32>
      %mul3A_903 = arith.constant 8.000000e+00 : f32
      %mul3A_904 = vector.broadcast %mul3A_903 : f32 to vector<16xf32>
      %mul3A_905 = arith.mulf %get3A_902, %mul3A_904 : vector<16xf32>
      %swap3A_906 = arith.index_cast %add3A_874 : i32 to index
      %swap3A_907 = arith.constant 32 : index
      %swap3A_908 = tpu.vector_load %arg13[%swap3A_906, %swap3A_907] {strides = array<i32>} : memref<128x64xf32, #tpu.memory_space<vmem>>, vector<1x16xf32>,
      %swap3A_909 = vector.shape_cast %swap3A_908 : vector<1x16xf32> to vector<16xf32>
      %swap3A_910 = vector.shape_cast %mul3A_905 : vector<16xf32> to vector<1x16xf32>
      tpu.vector_store %arg13[%swap3A_906, %swap3A_907], %swap3A_910 {strides = array<i32>} : memref<128x64xf32, #tpu.memory_space<vmem>>, vector<1x16xf32>,
      %get3A_911 = arith.index_cast %add3A_874 : i32 to index
      %get3A_912 = arith.constant 48 : index
      %get3A_913 = tpu.vector_load %arg9[%get3A_911, %get3A_912] {strides = array<i32>} : memref<128x64xf32, #tpu.memory_space<vmem>>, vector<1x16xf32>,
      %get3A_914 = vector.shape_cast %get3A_913 : vector<1x16xf32> to vector<16xf32>
      %mul3A_915 = arith.constant 8.000000e+00 : f32
      %mul3A_916 = vector.broadcast %mul3A_915 : f32 to vector<16xf32>
      %mul3A_917 = arith.mulf %get3A_914, %mul3A_916 : vector<16xf32>
      %swap3A_918 = arith.index_cast %add3A_874 : i32 to index
      %swap3A_919 = arith.constant 48 : index
      %swap3A_920 = tpu.vector_load %arg13[%swap3A_918, %swap3A_919] {strides = array<i32>} : memref<128x64xf32, #tpu.memory_space<vmem>>, vector<1x16xf32>,
      %swap3A_921 = vector.shape_cast %swap3A_920 : vector<1x16xf32> to vector<16xf32>
      %swap3A_922 = vector.shape_cast %mul3A_917 : vector<16xf32> to vector<1x16xf32>
      tpu.vector_store %arg13[%swap3A_918, %swap3A_919], %swap3A_922 {strides = array<i32>} : memref<128x64xf32, #tpu.memory_space<vmem>>, vector<1x16xf32>,
      %mul3A_923 = arith.constant 4 : i32
      %mul3A_924 = arith.muli %scan3A_766, %mul3A_923 : i32
      %add3A_925 = arith.constant 3 : i32
      %add3A_926 = arith.addi %mul3A_924, %add3A_925 : i32
      %get3A_927 = arith.index_cast %add3A_926 : i32 to index
      %get3A_928 = arith.constant 0 : index
      %get3A_929 = tpu.vector_load %arg9[%get3A_927, %get3A_928] {strides = array<i32>} : memref<128x64xf32, #tpu.memory_space<vmem>>, vector<1x16xf32>,
      %get3A_930 = vector.shape_cast %get3A_929 : vector<1x16xf32> to vector<16xf32>
      %mul3A_931 = arith.constant 8.000000e+00 : f32
      %mul3A_932 = vector.broadcast %mul3A_931 : f32 to vector<16xf32>
      %mul3A_933 = arith.mulf %get3A_930, %mul3A_932 : vector<16xf32>
      %swap3A_934 = arith.index_cast %add3A_926 : i32 to index
      %swap3A_935 = arith.constant 0 : index
      %swap3A_936 = tpu.vector_load %arg13[%swap3A_934, %swap3A_935] {strides = array<i32>} : memref<128x64xf32, #tpu.memory_space<vmem>>, vector<1x16xf32>,
      %swap3A_937 = vector.shape_cast %swap3A_936 : vector<1x16xf32> to vector<16xf32>
      %swap3A_938 = vector.shape_cast %mul3A_933 : vector<16xf32> to vector<1x16xf32>
      tpu.vector_store %arg13[%swap3A_934, %swap3A_935], %swap3A_938 {strides = array<i32>} : memref<128x64xf32, #tpu.memory_space<vmem>>, vector<1x16xf32>,
      %get3A_939 = arith.index_cast %add3A_926 : i32 to index
      %get3A_940 = arith.constant 16 : index
      %get3A_941 = tpu.vector_load %arg9[%get3A_939, %get3A_940] {strides = array<i32>} : memref<128x64xf32, #tpu.memory_space<vmem>>, vector<1x16xf32>,
      %get3A_942 = vector.shape_cast %get3A_941 : vector<1x16xf32> to vector<16xf32>
      %mul3A_943 = arith.constant 8.000000e+00 : f32
      %mul3A_944 = vector.broadcast %mul3A_943 : f32 to vector<16xf32>
      %mul3A_945 = arith.mulf %get3A_942, %mul3A_944 : vector<16xf32>
      %swap3A_946 = arith.index_cast %add3A_926 : i32 to index
      %swap3A_947 = arith.constant 16 : index
      %swap3A_948 = tpu.vector_load %arg13[%swap3A_946, %swap3A_947] {strides = array<i32>} : memref<128x64xf32, #tpu.memory_space<vmem>>, vector<1x16xf32>,
      %swap3A_949 = vector.shape_cast %swap3A_948 : vector<1x16xf32> to vector<16xf32>
      %swap3A_950 = vector.shape_cast %mul3A_945 : vector<16xf32> to vector<1x16xf32>
      tpu.vector_store %arg13[%swap3A_946, %swap3A_947], %swap3A_950 {strides = array<i32>} : memref<128x64xf32, #tpu.memory_space<vmem>>, vector<1x16xf32>,
      %get3A_951 = arith.index_cast %add3A_926 : i32 to index
      %get3A_952 = arith.constant 32 : index
      %get3A_953 = tpu.vector_load %arg9[%get3A_951, %get3A_952] {strides = array<i32>} : memref<128x64xf32, #tpu.memory_space<vmem>>, vector<1x16xf32>,
      %get3A_954 = vector.shape_cast %get3A_953 : vector<1x16xf32> to vector<16xf32>
      %mul3A_955 = arith.constant 8.000000e+00 : f32
      %mul3A_956 = vector.broadcast %mul3A_955 : f32 to vector<16xf32>
      %mul3A_957 = arith.mulf %get3A_954, %mul3A_956 : vector<16xf32>
      %swap3A_958 = arith.index_cast %add3A_926 : i32 to index
      %swap3A_959 = arith.constant 32 : index
      %swap3A_960 = tpu.vector_load %arg13[%swap3A_958, %swap3A_959] {strides = array<i32>} : memref<128x64xf32, #tpu.memory_space<vmem>>, vector<1x16xf32>,
      %swap3A_961 = vector.shape_cast %swap3A_960 : vector<1x16xf32> to vector<16xf32>
      %swap3A_962 = vector.shape_cast %mul3A_957 : vector<16xf32> to vector<1x16xf32>
      tpu.vector_store %arg13[%swap3A_958, %swap3A_959], %swap3A_962 {strides = array<i32>} : memref<128x64xf32, #tpu.memory_space<vmem>>, vector<1x16xf32>,
      %get3A_963 = arith.index_cast %add3A_926 : i32 to index
      %get3A_964 = arith.constant 48 : index
      %get3A_965 = tpu.vector_load %arg9[%get3A_963, %get3A_964] {strides = array<i32>} : memref<128x64xf32, #tpu.memory_space<vmem>>, vector<1x16xf32>,
      %get3A_966 = vector.shape_cast %get3A_965 : vector<1x16xf32> to vector<16xf32>
      %mul3A_967 = arith.constant 8.000000e+00 : f32
      %mul3A_968 = vector.broadcast %mul3A_967 : f32 to vector<16xf32>
      %mul3A_969 = arith.mulf %get3A_966, %mul3A_968 : vector<16xf32>
      %swap3A_970 = arith.index_cast %add3A_926 : i32 to index
      %swap3A_971 = arith.constant 48 : index
      %swap3A_972 = tpu.vector_load %arg13[%swap3A_970, %swap3A_971] {strides = array<i32>} : memref<128x64xf32, #tpu.memory_space<vmem>>, vector<1x16xf32>,
      %swap3A_973 = vector.shape_cast %swap3A_972 : vector<1x16xf32> to vector<16xf32>
      %swap3A_974 = vector.shape_cast %mul3A_969 : vector<16xf32> to vector<1x16xf32>
      tpu.vector_store %arg13[%swap3A_970, %swap3A_971], %swap3A_974 {strides = array<i32>} : memref<128x64xf32, #tpu.memory_space<vmem>>, vector<1x16xf32>,
      %scan3A_975 = arith.constant 0 : i32
      scf.yield %scan3A_975 : i32
    }
    %scan3A_564 = arith.constant 32 : i32
    %add3A_565 = arith.constant 384 : i32
    %add3A_566 = arith.addi %mul3A_2, %add3A_565 : i32
    %dma_start3A_567 = arith.constant 0 : i32
    %dma_start3A_568 = tpu.memref_slice %arg4[%add3A_566, %dma_start3A_567] : memref<819200x64xf32, #tpu.memory_space<hbm>> -> memref<128x64xf32, #tpu.memory_space<hbm>>
    %dma_start3A_569 = arith.constant 0 : i32
    %dma_start3A_570 = tpu.memref_slice %arg4[%add3A_566, %dma_start3A_569] : memref<819200x64xf32, #tpu.memory_space<hbm>> -> memref<128x64xf32, #tpu.memory_space<hbm>>
    tpu.enqueue_dma source(%arg13 : memref<128x64xf32, #tpu.memory_space<vmem>>) target(%dma_start3A_570 : memref<128x64xf32, #tpu.memory_space<hbm>>) target_semaphore(%arg21 : memref<!tpu.dma_semaphore, #tpu.memory_space<semaphore_mem>>)
    %get3A_571 = arith.constant 896 : index
    %get3A_572 = tpu.vector_load %arg5[%get3A_571] {strides = array<i32>} : memref<25600xi32, #tpu.memory_space<vmem>>, vector<16xi32>,
    %get3A_573 = vector.shape_cast %get3A_572 : vector<16xi32> to vector<16xi32>
    %dma_start3A_574 = arith.constant 0 : i32
    %dma_start3A_575 = arith.constant 0 : i32
    %dma_start3A_576 = tpu.memref_slice %arg9[%dma_start3A_574, %dma_start3A_575] : memref<128x64xf32, #tpu.memory_space<vmem>> -> memref<16x64xf32, #tpu.memory_space<vmem>>
    %dma_start3A_577 = arith.constant 0 : i32
    %dma_start3A_578 = arith.constant 0 : i32
    %dma_start3A_579 = tpu.memref_slice %arg3[%dma_start3A_577, %dma_start3A_578] : memref<1000000x64xf32, #tpu.memory_space<hbm>> -> memref<1000000x64xf32, #tpu.memory_space<hbm>>
    tpu.enqueue_indirect_dma source(%dma_start3A_579 : memref<1000000x64xf32, #tpu.memory_space<hbm>>) target(%dma_start3A_576 : memref<16x64xf32, #tpu.memory_space<vmem>>) offsets(%get3A_573 : vector<16xi32>) semaphore(%arg17 : memref<!tpu.dma_semaphore, #tpu.memory_space<semaphore_mem>>)
    %get3A_580 = arith.constant 912 : index
    %get3A_581 = tpu.vector_load %arg5[%get3A_580] {strides = array<i32>} : memref<25600xi32, #tpu.memory_space<vmem>>, vector<16xi32>,
    %get3A_582 = vector.shape_cast %get3A_581 : vector<16xi32> to vector<16xi32>
    %dma_start3A_583 = arith.constant 16 : i32
    %dma_start3A_584 = arith.constant 0 : i32
    %dma_start3A_585 = tpu.memref_slice %arg9[%dma_start3A_583, %dma_start3A_584] : memref<128x64xf32, #tpu.memory_space<vmem>> -> memref<16x64xf32, #tpu.memory_space<vmem>>
    %dma_start3A_586 = arith.constant 0 : i32
    %dma_start3A_587 = arith.constant 0 : i32
    %dma_start3A_588 = tpu.memref_slice %arg3[%dma_start3A_586, %dma_start3A_587] : memref<1000000x64xf32, #tpu.memory_space<hbm>> -> memref<1000000x64xf32, #tpu.memory_space<hbm>>
    tpu.enqueue_indirect_dma source(%dma_start3A_588 : memref<1000000x64xf32, #tpu.memory_space<hbm>>) target(%dma_start3A_585 : memref<16x64xf32, #tpu.memory_space<vmem>>) offsets(%get3A_582 : vector<16xi32>) semaphore(%arg17 : memref<!tpu.dma_semaphore, #tpu.memory_space<semaphore_mem>>)
    %get3A_589 = arith.constant 928 : index
    %get3A_590 = tpu.vector_load %arg5[%get3A_589] {strides = array<i32>} : memref<25600xi32, #tpu.memory_space<vmem>>, vector<16xi32>,
    %get3A_591 = vector.shape_cast %get3A_590 : vector<16xi32> to vector<16xi32>
    %dma_start3A_592 = arith.constant 32 : i32
    %dma_start3A_593 = arith.constant 0 : i32
    %dma_start3A_594 = tpu.memref_slice %arg9[%dma_start3A_592, %dma_start3A_593] : memref<128x64xf32, #tpu.memory_space<vmem>> -> memref<16x64xf32, #tpu.memory_space<vmem>>
    %dma_start3A_595 = arith.constant 0 : i32
    %dma_start3A_596 = arith.constant 0 : i32
    %dma_start3A_597 = tpu.memref_slice %arg3[%dma_start3A_595, %dma_start3A_596] : memref<1000000x64xf32, #tpu.memory_space<hbm>> -> memref<1000000x64xf32, #tpu.memory_space<hbm>>
    tpu.enqueue_indirect_dma source(%dma_start3A_597 : memref<1000000x64xf32, #tpu.memory_space<hbm>>) target(%dma_start3A_594 : memref<16x64xf32, #tpu.memory_space<vmem>>) offsets(%get3A_591 : vector<16xi32>) semaphore(%arg17 : memref<!tpu.dma_semaphore, #tpu.memory_space<semaphore_mem>>)
    %get3A_598 = arith.constant 944 : index
    %get3A_599 = tpu.vector_load %arg5[%get3A_598] {strides = array<i32>} : memref<25600xi32, #tpu.memory_space<vmem>>, vector<16xi32>,
    %get3A_600 = vector.shape_cast %get3A_599 : vector<16xi32> to vector<16xi32>
    %dma_start3A_601 = arith.constant 48 : i32
    %dma_start3A_602 = arith.constant 0 : i32
    %dma_start3A_603 = tpu.memref_slice %arg9[%dma_start3A_601, %dma_start3A_602] : memref<128x64xf32, #tpu.memory_space<vmem>> -> memref<16x64xf32, #tpu.memory_space<vmem>>
    %dma_start3A_604 = arith.constant 0 : i32
    %dma_start3A_605 = arith.constant 0 : i32
    %dma_start3A_606 = tpu.memref_slice %arg3[%dma_start3A_604, %dma_start3A_605] : memref<1000000x64xf32, #tpu.memory_space<hbm>> -> memref<1000000x64xf32, #tpu.memory_space<hbm>>
    tpu.enqueue_indirect_dma source(%dma_start3A_606 : memref<1000000x64xf32, #tpu.memory_space<hbm>>) target(%dma_start3A_603 : memref<16x64xf32, #tpu.memory_space<vmem>>) offsets(%get3A_600 : vector<16xi32>) semaphore(%arg17 : memref<!tpu.dma_semaphore, #tpu.memory_space<semaphore_mem>>)
    %get3A_607 = arith.constant 960 : index
    %get3A_608 = tpu.vector_load %arg5[%get3A_607] {strides = array<i32>} : memref<25600xi32, #tpu.memory_space<vmem>>, vector<16xi32>,
    %get3A_609 = vector.shape_cast %get3A_608 : vector<16xi32> to vector<16xi32>
    %dma_start3A_610 = arith.constant 64 : i32
    %dma_start3A_611 = arith.constant 0 : i32
    %dma_start3A_612 = tpu.memref_slice %arg9[%dma_start3A_610, %dma_start3A_611] : memref<128x64xf32, #tpu.memory_space<vmem>> -> memref<16x64xf32, #tpu.memory_space<vmem>>
    %dma_start3A_613 = arith.constant 0 : i32
    %dma_start3A_614 = arith.constant 0 : i32
    %dma_start3A_615 = tpu.memref_slice %arg3[%dma_start3A_613, %dma_start3A_614] : memref<1000000x64xf32, #tpu.memory_space<hbm>> -> memref<1000000x64xf32, #tpu.memory_space<hbm>>
    tpu.enqueue_indirect_dma source(%dma_start3A_615 : memref<1000000x64xf32, #tpu.memory_space<hbm>>) target(%dma_start3A_612 : memref<16x64xf32, #tpu.memory_space<vmem>>) offsets(%get3A_609 : vector<16xi32>) semaphore(%arg17 : memref<!tpu.dma_semaphore, #tpu.memory_space<semaphore_mem>>)
    %get3A_616 = arith.constant 976 : index
    %get3A_617 = tpu.vector_load %arg5[%get3A_616] {strides = array<i32>} : memref<25600xi32, #tpu.memory_space<vmem>>, vector<16xi32>,
    %get3A_618 = vector.shape_cast %get3A_617 : vector<16xi32> to vector<16xi32>
    %dma_start3A_619 = arith.constant 80 : i32
    %dma_start3A_620 = arith.constant 0 : i32
    %dma_start3A_621 = tpu.memref_slice %arg9[%dma_start3A_619, %dma_start3A_620] : memref<128x64xf32, #tpu.memory_space<vmem>> -> memref<16x64xf32, #tpu.memory_space<vmem>>
    %dma_start3A_622 = arith.constant 0 : i32
    %dma_start3A_623 = arith.constant 0 : i32
    %dma_start3A_624 = tpu.memref_slice %arg3[%dma_start3A_622, %dma_start3A_623] : memref<1000000x64xf32, #tpu.memory_space<hbm>> -> memref<1000000x64xf32, #tpu.memory_space<hbm>>
    tpu.enqueue_indirect_dma source(%dma_start3A_624 : memref<1000000x64xf32, #tpu.memory_space<hbm>>) target(%dma_start3A_621 : memref<16x64xf32, #tpu.memory_space<vmem>>) offsets(%get3A_618 : vector<16xi32>) semaphore(%arg17 : memref<!tpu.dma_semaphore, #tpu.memory_space<semaphore_mem>>)
    %get3A_625 = arith.constant 992 : index
    %get3A_626 = tpu.vector_load %arg5[%get3A_625] {strides = array<i32>} : memref<25600xi32, #tpu.memory_space<vmem>>, vector<16xi32>,
    %get3A_627 = vector.shape_cast %get3A_626 : vector<16xi32> to vector<16xi32>
    %dma_start3A_628 = arith.constant 96 : i32
    %dma_start3A_629 = arith.constant 0 : i32
    %dma_start3A_630 = tpu.memref_slice %arg9[%dma_start3A_628, %dma_start3A_629] : memref<128x64xf32, #tpu.memory_space<vmem>> -> memref<16x64xf32, #tpu.memory_space<vmem>>
    %dma_start3A_631 = arith.constant 0 : i32
    %dma_start3A_632 = arith.constant 0 : i32
    %dma_start3A_633 = tpu.memref_slice %arg3[%dma_start3A_631, %dma_start3A_632] : memref<1000000x64xf32, #tpu.memory_space<hbm>> -> memref<1000000x64xf32, #tpu.memory_space<hbm>>
    tpu.enqueue_indirect_dma source(%dma_start3A_633 : memref<1000000x64xf32, #tpu.memory_space<hbm>>) target(%dma_start3A_630 : memref<16x64xf32, #tpu.memory_space<vmem>>) offsets(%get3A_627 : vector<16xi32>) semaphore(%arg17 : memref<!tpu.dma_semaphore, #tpu.memory_space<semaphore_mem>>)
    %get3A_634 = arith.constant 1008 : index
    %get3A_635 = tpu.vector_load %arg5[%get3A_634] {strides = array<i32>} : memref<25600xi32, #tpu.memory_space<vmem>>, vector<16xi32>,
    %get3A_636 = vector.shape_cast %get3A_635 : vector<16xi32> to vector<16xi32>
    %dma_start3A_637 = arith.constant 112 : i32
    %dma_start3A_638 = arith.constant 0 : i32
    %dma_start3A_639 = tpu.memref_slice %arg9[%dma_start3A_637, %dma_start3A_638] : memref<128x64xf32, #tpu.memory_space<vmem>> -> memref<16x64xf32, #tpu.memory_space<vmem>>
    %dma_start3A_640 = arith.constant 0 : i32
    %dma_start3A_641 = arith.constant 0 : i32
    %dma_start3A_642 = tpu.memref_slice %arg3[%dma_start3A_640, %dma_start3A_641] : memref<1000000x64xf32, #tpu.memory_space<hbm>> -> memref<1000000x64xf32, #tpu.memory_space<hbm>>
    tpu.enqueue_indirect_dma source(%dma_start3A_642 : memref<1000000x64xf32, #tpu.memory_space<hbm>>) target(%dma_start3A_639 : memref<16x64xf32, #tpu.memory_space<vmem>>) offsets(%get3A_636 : vector<16xi32>) semaphore(%arg17 : memref<!tpu.dma_semaphore, #tpu.memory_space<semaphore_mem>>)
    %scan3A_643 = arith.constant 0 : i32
    %scan3A_644 = arith.constant 1 : i32
    %scan3A_645 = arith.constant 48 : i32
    %scan3A_646 = arith.addi %scan3A_644, %scan3A_645 : i32
    %scan3A_647 = arith.constant 1 : i32
    %scan3A_648 = scf.for %scan3A_766 = %scan3A_644 to %scan3A_646 step %scan3A_647 iter_args(%scan3A_767 = %scan3A_643) -> (i32)  : i32 {
      %mul3A_768 = arith.constant 4 : i32
      %mul3A_769 = arith.muli %scan3A_766, %mul3A_768 : i32
      %add3A_770 = arith.constant 0 : i32
      %add3A_771 = arith.addi %mul3A_769, %add3A_770 : i32
      %dma_wait3A_772 = arith.constant 0 : i32
      %dma_wait3A_773 = tpu.memref_slice %arg4[%mul3A_2, %dma_wait3A_772] : memref<819200x64xf32, #tpu.memory_space<hbm>> -> memref<128x64xf32, #tpu.memory_space<hbm>>
      %dma_wait3A_774 = arith.constant 0 : i32
      %dma_wait3A_775 = tpu.memref_slice %arg4[%mul3A_2, %dma_wait3A_774] : memref<819200x64xf32, #tpu.memory_space<hbm>> -> memref<128x64xf32, #tpu.memory_space<hbm>>
      tpu.wait_dma2 semaphore(%arg14 : memref<!tpu.dma_semaphore, #tpu.memory_space<semaphore_mem>>) src(%dma_wait3A_775 : memref<128x64xf32, #tpu.memory_space<hbm>>) dst(%arg6 : memref<128x64xf32, #tpu.memory_space<vmem>>)
      %sub3A = arith.constant 4 : i32
      %sub3A_776 = arith.subi %add3A_771, %sub3A : i32
      %mul3A_777 = arith.constant 128 : i32
      %mul3A_778 = arith.muli %sub3A_776, %mul3A_777 : i32
      %add3A_779 = arith.addi %mul3A_2, %mul3A_778 : i32
      %dma_wait3A_780 = arith.constant 0 : i32
      %dma_wait3A_781 = tpu.memref_slice %arg4[%add3A_779, %dma_wait3A_780] : memref<819200x64xf32, #tpu.memory_space<hbm>> -> memref<128x64xf32, #tpu.memory_space<hbm>>
      %dma_wait3A_782 = arith.constant 0 : i32
      %dma_wait3A_783 = tpu.memref_slice %arg4[%add3A_779, %dma_wait3A_782] : memref<819200x64xf32, #tpu.memory_space<hbm>> -> memref<128x64xf32, #tpu.memory_space<hbm>>
      tpu.wait_dma2 semaphore(%arg18 : memref<!tpu.dma_semaphore, #tpu.memory_space<semaphore_mem>>) src(%arg10 : memref<128x64xf32, #tpu.memory_space<vmem>>) dst(%dma_wait3A_783 : memref<128x64xf32, #tpu.memory_space<hbm>>)
      %scan3A_784 = arith.constant 0 : i32
      %scan3A_785 = arith.constant 0 : i32
      %scan3A_786 = arith.constant 32 : i32
      %scan3A_787 = arith.addi %scan3A_785, %scan3A_786 : i32
      %scan3A_788 = arith.constant 1 : i32
      %scan3A_789 = scf.for %scan3A_1316 = %scan3A_785 to %scan3A_787 step %scan3A_788 iter_args(%scan3A_1317 = %scan3A_784) -> (i32)  : i32 {
        %mul3A_1318 = arith.constant 4 : i32
        %mul3A_1319 = arith.muli %scan3A_1316, %mul3A_1318 : i32
        %add3A_1320 = arith.constant 0 : i32
        %add3A_1321 = arith.addi %mul3A_1319, %add3A_1320 : i32
        %get3A_1322 = arith.index_cast %add3A_1321 : i32 to index
        %get3A_1323 = arith.constant 0 : index
        %get3A_1324 = tpu.vector_load %arg6[%get3A_1322, %get3A_1323] {strides = array<i32>} : memref<128x64xf32, #tpu.memory_space<vmem>>, vector<1x16xf32>,
        %get3A_1325 = vector.shape_cast %get3A_1324 : vector<1x16xf32> to vector<16xf32>
        %mul3A_1326 = arith.constant 8.000000e+00 : f32
        %mul3A_1327 = vector.broadcast %mul3A_1326 : f32 to vector<16xf32>
        %mul3A_1328 = arith.mulf %get3A_1325, %mul3A_1327 : vector<16xf32>
        %swap3A = arith.index_cast %add3A_1321 : i32 to index
        %swap3A_1329 = arith.constant 0 : index
        %swap3A_1330 = tpu.vector_load %arg10[%swap3A, %swap3A_1329] {strides = array<i32>} : memref<128x64xf32, #tpu.memory_space<vmem>>, vector<1x16xf32>,
        %swap3A_1331 = vector.shape_cast %swap3A_1330 : vector<1x16xf32> to vector<16xf32>
        %swap3A_1332 = vector.shape_cast %mul3A_1328 : vector<16xf32> to vector<1x16xf32>
        tpu.vector_store %arg10[%swap3A, %swap3A_1329], %swap3A_1332 {strides = array<i32>} : memref<128x64xf32, #tpu.memory_space<vmem>>, vector<1x16xf32>,
        %get3A_1333 = arith.index_cast %add3A_1321 : i32 to index
        %get3A_1334 = arith.constant 16 : index
        %get3A_1335 = tpu.vector_load %arg6[%get3A_1333, %get3A_1334] {strides = array<i32>} : memref<128x64xf32, #tpu.memory_space<vmem>>, vector<1x16xf32>,
        %get3A_1336 = vector.shape_cast %get3A_1335 : vector<1x16xf32> to vector<16xf32>
        %mul3A_1337 = arith.constant 8.000000e+00 : f32
        %mul3A_1338 = vector.broadcast %mul3A_1337 : f32 to vector<16xf32>
        %mul3A_1339 = arith.mulf %get3A_1336, %mul3A_1338 : vector<16xf32>
        %swap3A_1340 = arith.index_cast %add3A_1321 : i32 to index
        %swap3A_1341 = arith.constant 16 : index
        %swap3A_1342 = tpu.vector_load %arg10[%swap3A_1340, %swap3A_1341] {strides = array<i32>} : memref<128x64xf32, #tpu.memory_space<vmem>>, vector<1x16xf32>,
        %swap3A_1343 = vector.shape_cast %swap3A_1342 : vector<1x16xf32> to vector<16xf32>
        %swap3A_1344 = vector.shape_cast %mul3A_1339 : vector<16xf32> to vector<1x16xf32>
        tpu.vector_store %arg10[%swap3A_1340, %swap3A_1341], %swap3A_1344 {strides = array<i32>} : memref<128x64xf32, #tpu.memory_space<vmem>>, vector<1x16xf32>,
        %get3A_1345 = arith.index_cast %add3A_1321 : i32 to index
        %get3A_1346 = arith.constant 32 : index
        %get3A_1347 = tpu.vector_load %arg6[%get3A_1345, %get3A_1346] {strides = array<i32>} : memref<128x64xf32, #tpu.memory_space<vmem>>, vector<1x16xf32>,
        %get3A_1348 = vector.shape_cast %get3A_1347 : vector<1x16xf32> to vector<16xf32>
        %mul3A_1349 = arith.constant 8.000000e+00 : f32
        %mul3A_1350 = vector.broadcast %mul3A_1349 : f32 to vector<16xf32>
        %mul3A_1351 = arith.mulf %get3A_1348, %mul3A_1350 : vector<16xf32>
        %swap3A_1352 = arith.index_cast %add3A_1321 : i32 to index
        %swap3A_1353 = arith.constant 32 : index
        %swap3A_1354 = tpu.vector_load %arg10[%swap3A_1352, %swap3A_1353] {strides = array<i32>} : memref<128x64xf32, #tpu.memory_space<vmem>>, vector<1x16xf32>,
        %swap3A_1355 = vector.shape_cast %swap3A_1354 : vector<1x16xf32> to vector<16xf32>
        %swap3A_1356 = vector.shape_cast %mul3A_1351 : vector<16xf32> to vector<1x16xf32>
        tpu.vector_store %arg10[%swap3A_1352, %swap3A_1353], %swap3A_1356 {strides = array<i32>} : memref<128x64xf32, #tpu.memory_space<vmem>>, vector<1x16xf32>,
        %get3A_1357 = arith.index_cast %add3A_1321 : i32 to index
        %get3A_1358 = arith.constant 48 : index
        %get3A_1359 = tpu.vector_load %arg6[%get3A_1357, %get3A_1358] {strides = array<i32>} : memref<128x64xf32, #tpu.memory_space<vmem>>, vector<1x16xf32>,
        %get3A_1360 = vector.shape_cast %get3A_1359 : vector<1x16xf32> to vector<16xf32>
        %mul3A_1361 = arith.constant 8.000000e+00 : f32
        %mul3A_1362 = vector.broadcast %mul3A_1361 : f32 to vector<16xf32>
        %mul3A_1363 = arith.mulf %get3A_1360, %mul3A_1362 : vector<16xf32>
        %swap3A_1364 = arith.index_cast %add3A_1321 : i32 to index
        %swap3A_1365 = arith.constant 48 : index
        %swap3A_1366 = tpu.vector_load %arg10[%swap3A_1364, %swap3A_1365] {strides = array<i32>} : memref<128x64xf32, #tpu.memory_space<vmem>>, vector<1x16xf32>,
        %swap3A_1367 = vector.shape_cast %swap3A_1366 : vector<1x16xf32> to vector<16xf32>
        %swap3A_1368 = vector.shape_cast %mul3A_1363 : vector<16xf32> to vector<1x16xf32>
        tpu.vector_store %arg10[%swap3A_1364, %swap3A_1365], %swap3A_1368 {strides = array<i32>} : memref<128x64xf32, #tpu.memory_space<vmem>>, vector<1x16xf32>,
        %mul3A_1369 = arith.constant 4 : i32
        %mul3A_1370 = arith.muli %scan3A_1316, %mul3A_1369 : i32
        %add3A_1371 = arith.constant 1 : i32
        %add3A_1372 = arith.addi %mul3A_1370, %add3A_1371 : i32
        %get3A_1373 = arith.index_cast %add3A_1372 : i32 to index
        %get3A_1374 = arith.constant 0 : index
        %get3A_1375 = tpu.vector_load %arg6[%get3A_1373, %get3A_1374] {strides = array<i32>} : memref<128x64xf32, #tpu.memory_space<vmem>>, vector<1x16xf32>,
        %get3A_1376 = vector.shape_cast %get3A_1375 : vector<1x16xf32> to vector<16xf32>
        %mul3A_1377 = arith.constant 8.000000e+00 : f32
        %mul3A_1378 = vector.broadcast %mul3A_1377 : f32 to vector<16xf32>
        %mul3A_1379 = arith.mulf %get3A_1376, %mul3A_1378 : vector<16xf32>
        %swap3A_1380 = arith.index_cast %add3A_1372 : i32 to index
        %swap3A_1381 = arith.constant 0 : index
        %swap3A_1382 = tpu.vector_load %arg10[%swap3A_1380, %swap3A_1381] {strides = array<i32>} : memref<128x64xf32, #tpu.memory_space<vmem>>, vector<1x16xf32>,
        %swap3A_1383 = vector.shape_cast %swap3A_1382 : vector<1x16xf32> to vector<16xf32>
        %swap3A_1384 = vector.shape_cast %mul3A_1379 : vector<16xf32> to vector<1x16xf32>
        tpu.vector_store %arg10[%swap3A_1380, %swap3A_1381], %swap3A_1384 {strides = array<i32>} : memref<128x64xf32, #tpu.memory_space<vmem>>, vector<1x16xf32>,
        %get3A_1385 = arith.index_cast %add3A_1372 : i32 to index
        %get3A_1386 = arith.constant 16 : index
        %get3A_1387 = tpu.vector_load %arg6[%get3A_1385, %get3A_1386] {strides = array<i32>} : memref<128x64xf32, #tpu.memory_space<vmem>>, vector<1x16xf32>,
        %get3A_1388 = vector.shape_cast %get3A_1387 : vector<1x16xf32> to vector<16xf32>
        %mul3A_1389 = arith.constant 8.000000e+00 : f32
        %mul3A_1390 = vector.broadcast %mul3A_1389 : f32 to vector<16xf32>
        %mul3A_1391 = arith.mulf %get3A_1388, %mul3A_1390 : vector<16xf32>
        %swap3A_1392 = arith.index_cast %add3A_1372 : i32 to index
        %swap3A_1393 = arith.constant 16 : index
        %swap3A_1394 = tpu.vector_load %arg10[%swap3A_1392, %swap3A_1393] {strides = array<i32>} : memref<128x64xf32, #tpu.memory_space<vmem>>, vector<1x16xf32>,
        %swap3A_1395 = vector.shape_cast %swap3A_1394 : vector<1x16xf32> to vector<16xf32>
        %swap3A_1396 = vector.shape_cast %mul3A_1391 : vector<16xf32> to vector<1x16xf32>
        tpu.vector_store %arg10[%swap3A_1392, %swap3A_1393], %swap3A_1396 {strides = array<i32>} : memref<128x64xf32, #tpu.memory_space<vmem>>, vector<1x16xf32>,
        %get3A_1397 = arith.index_cast %add3A_1372 : i32 to index
        %get3A_1398 = arith.constant 32 : index
        %get3A_1399 = tpu.vector_load %arg6[%get3A_1397, %get3A_1398] {strides = array<i32>} : memref<128x64xf32, #tpu.memory_space<vmem>>, vector<1x16xf32>,
        %get3A_1400 = vector.shape_cast %get3A_1399 : vector<1x16xf32> to vector<16xf32>
        %mul3A_1401 = arith.constant 8.000000e+00 : f32
        %mul3A_1402 = vector.broadcast %mul3A_1401 : f32 to vector<16xf32>
        %mul3A_1403 = arith.mulf %get3A_1400, %mul3A_1402 : vector<16xf32>
        %swap3A_1404 = arith.index_cast %add3A_1372 : i32 to index
        %swap3A_1405 = arith.constant 32 : index
        %swap3A_1406 = tpu.vector_load %arg10[%swap3A_1404, %swap3A_1405] {strides = array<i32>} : memref<128x64xf32, #tpu.memory_space<vmem>>, vector<1x16xf32>,
        %swap3A_1407 = vector.shape_cast %swap3A_1406 : vector<1x16xf32> to vector<16xf32>
        %swap3A_1408 = vector.shape_cast %mul3A_1403 : vector<16xf32> to vector<1x16xf32>
        tpu.vector_store %arg10[%swap3A_1404, %swap3A_1405], %swap3A_1408 {strides = array<i32>} : memref<128x64xf32, #tpu.memory_space<vmem>>, vector<1x16xf32>,
        %get3A_1409 = arith.index_cast %add3A_1372 : i32 to index
        %get3A_1410 = arith.constant 48 : index
        %get3A_1411 = tpu.vector_load %arg6[%get3A_1409, %get3A_1410] {strides = array<i32>} : memref<128x64xf32, #tpu.memory_space<vmem>>, vector<1x16xf32>,
        %get3A_1412 = vector.shape_cast %get3A_1411 : vector<1x16xf32> to vector<16xf32>
        %mul3A_1413 = arith.constant 8.000000e+00 : f32
        %mul3A_1414 = vector.broadcast %mul3A_1413 : f32 to vector<16xf32>
        %mul3A_1415 = arith.mulf %get3A_1412, %mul3A_1414 : vector<16xf32>
        %swap3A_1416 = arith.index_cast %add3A_1372 : i32 to index
        %swap3A_1417 = arith.constant 48 : index
        %swap3A_1418 = tpu.vector_load %arg10[%swap3A_1416, %swap3A_1417] {strides = array<i32>} : memref<128x64xf32, #tpu.memory_space<vmem>>, vector<1x16xf32>,
        %swap3A_1419 = vector.shape_cast %swap3A_1418 : vector<1x16xf32> to vector<16xf32>
        %swap3A_1420 = vector.shape_cast %mul3A_1415 : vector<16xf32> to vector<1x16xf32>
        tpu.vector_store %arg10[%swap3A_1416, %swap3A_1417], %swap3A_1420 {strides = array<i32>} : memref<128x64xf32, #tpu.memory_space<vmem>>, vector<1x16xf32>,
        %mul3A_1421 = arith.constant 4 : i32
        %mul3A_1422 = arith.muli %scan3A_1316, %mul3A_1421 : i32
        %add3A_1423 = arith.constant 2 : i32
        %add3A_1424 = arith.addi %mul3A_1422, %add3A_1423 : i32
        %get3A_1425 = arith.index_cast %add3A_1424 : i32 to index
        %get3A_1426 = arith.constant 0 : index
        %get3A_1427 = tpu.vector_load %arg6[%get3A_1425, %get3A_1426] {strides = array<i32>} : memref<128x64xf32, #tpu.memory_space<vmem>>, vector<1x16xf32>,
        %get3A_1428 = vector.shape_cast %get3A_1427 : vector<1x16xf32> to vector<16xf32>
        %mul3A_1429 = arith.constant 8.000000e+00 : f32
        %mul3A_1430 = vector.broadcast %mul3A_1429 : f32 to vector<16xf32>
        %mul3A_1431 = arith.mulf %get3A_1428, %mul3A_1430 : vector<16xf32>
        %swap3A_1432 = arith.index_cast %add3A_1424 : i32 to index
        %swap3A_1433 = arith.constant 0 : index
        %swap3A_1434 = tpu.vector_load %arg10[%swap3A_1432, %swap3A_1433] {strides = array<i32>} : memref<128x64xf32, #tpu.memory_space<vmem>>, vector<1x16xf32>,
        %swap3A_1435 = vector.shape_cast %swap3A_1434 : vector<1x16xf32> to vector<16xf32>
        %swap3A_1436 = vector.shape_cast %mul3A_1431 : vector<16xf32> to vector<1x16xf32>
        tpu.vector_store %arg10[%swap3A_1432, %swap3A_1433], %swap3A_1436 {strides = array<i32>} : memref<128x64xf32, #tpu.memory_space<vmem>>, vector<1x16xf32>,
        %get3A_1437 = arith.index_cast %add3A_1424 : i32 to index
        %get3A_1438 = arith.constant 16 : index
        %get3A_1439 = tpu.vector_load %arg6[%get3A_1437, %get3A_1438] {strides = array<i32>} : memref<128x64xf32, #tpu.memory_space<vmem>>, vector<1x16xf32>,
        %get3A_1440 = vector.shape_cast %get3A_1439 : vector<1x16xf32> to vector<16xf32>
        %mul3A_1441 = arith.constant 8.000000e+00 : f32
        %mul3A_1442 = vector.broadcast %mul3A_1441 : f32 to vector<16xf32>
        %mul3A_1443 = arith.mulf %get3A_1440, %mul3A_1442 : vector<16xf32>
        %swap3A_1444 = arith.index_cast %add3A_1424 : i32 to index
        %swap3A_1445 = arith.constant 16 : index
        %swap3A_1446 = tpu.vector_load %arg10[%swap3A_1444, %swap3A_1445] {strides = array<i32>} : memref<128x64xf32, #tpu.memory_space<vmem>>, vector<1x16xf32>,
        %swap3A_1447 = vector.shape_cast %swap3A_1446 : vector<1x16xf32> to vector<16xf32>
        %swap3A_1448 = vector.shape_cast %mul3A_1443 : vector<16xf32> to vector<1x16xf32>
        tpu.vector_store %arg10[%swap3A_1444, %swap3A_1445], %swap3A_1448 {strides = array<i32>} : memref<128x64xf32, #tpu.memory_space<vmem>>, vector<1x16xf32>,
        %get3A_1449 = arith.index_cast %add3A_1424 : i32 to index
        %get3A_1450 = arith.constant 32 : index
        %get3A_1451 = tpu.vector_load %arg6[%get3A_1449, %get3A_1450] {strides = array<i32>} : memref<128x64xf32, #tpu.memory_space<vmem>>, vector<1x16xf32>,
        %get3A_1452 = vector.shape_cast %get3A_1451 : vector<1x16xf32> to vector<16xf32>
        %mul3A_1453 = arith.constant 8.000000e+00 : f32
        %mul3A_1454 = vector.broadcast %mul3A_1453 : f32 to vector<16xf32>
        %mul3A_1455 = arith.mulf %get3A_1452, %mul3A_1454 : vector<16xf32>
        %swap3A_1456 = arith.index_cast %add3A_1424 : i32 to index
        %swap3A_1457 = arith.constant 32 : index
        %swap3A_1458 = tpu.vector_load %arg10[%swap3A_1456, %swap3A_1457] {strides = array<i32>} : memref<128x64xf32, #tpu.memory_space<vmem>>, vector<1x16xf32>,
        %swap3A_1459 = vector.shape_cast %swap3A_1458 : vector<1x16xf32> to vector<16xf32>
        %swap3A_1460 = vector.shape_cast %mul3A_1455 : vector<16xf32> to vector<1x16xf32>
        tpu.vector_store %arg10[%swap3A_1456, %swap3A_1457], %swap3A_1460 {strides = array<i32>} : memref<128x64xf32, #tpu.memory_space<vmem>>, vector<1x16xf32>,
        %get3A_1461 = arith.index_cast %add3A_1424 : i32 to index
        %get3A_1462 = arith.constant 48 : index
        %get3A_1463 = tpu.vector_load %arg6[%get3A_1461, %get3A_1462] {strides = array<i32>} : memref<128x64xf32, #tpu.memory_space<vmem>>, vector<1x16xf32>,
        %get3A_1464 = vector.shape_cast %get3A_1463 : vector<1x16xf32> to vector<16xf32>
        %mul3A_1465 = arith.constant 8.000000e+00 : f32
        %mul3A_1466 = vector.broadcast %mul3A_1465 : f32 to vector<16xf32>
        %mul3A_1467 = arith.mulf %get3A_1464, %mul3A_1466 : vector<16xf32>
        %swap3A_1468 = arith.index_cast %add3A_1424 : i32 to index
        %swap3A_1469 = arith.constant 48 : index
        %swap3A_1470 = tpu.vector_load %arg10[%swap3A_1468, %swap3A_1469] {strides = array<i32>} : memref<128x64xf32, #tpu.memory_space<vmem>>, vector<1x16xf32>,
        %swap3A_1471 = vector.shape_cast %swap3A_1470 : vector<1x16xf32> to vector<16xf32>
        %swap3A_1472 = vector.shape_cast %mul3A_1467 : vector<16xf32> to vector<1x16xf32>
        tpu.vector_store %arg10[%swap3A_1468, %swap3A_1469], %swap3A_1472 {strides = array<i32>} : memref<128x64xf32, #tpu.memory_space<vmem>>, vector<1x16xf32>,
        %mul3A_1473 = arith.constant 4 : i32
        %mul3A_1474 = arith.muli %scan3A_1316, %mul3A_1473 : i32
        %add3A_1475 = arith.constant 3 : i32
        %add3A_1476 = arith.addi %mul3A_1474, %add3A_1475 : i32
        %get3A_1477 = arith.index_cast %add3A_1476 : i32 to index
        %get3A_1478 = arith.constant 0 : index
        %get3A_1479 = tpu.vector_load %arg6[%get3A_1477, %get3A_1478] {strides = array<i32>} : memref<128x64xf32, #tpu.memory_space<vmem>>, vector<1x16xf32>,
        %get3A_1480 = vector.shape_cast %get3A_1479 : vector<1x16xf32> to vector<16xf32>
        %mul3A_1481 = arith.constant 8.000000e+00 : f32
        %mul3A_1482 = vector.broadcast %mul3A_1481 : f32 to vector<16xf32>
        %mul3A_1483 = arith.mulf %get3A_1480, %mul3A_1482 : vector<16xf32>
        %swap3A_1484 = arith.index_cast %add3A_1476 : i32 to index
        %swap3A_1485 = arith.constant 0 : index
        %swap3A_1486 = tpu.vector_load %arg10[%swap3A_1484, %swap3A_1485] {strides = array<i32>} : memref<128x64xf32, #tpu.memory_space<vmem>>, vector<1x16xf32>,
        %swap3A_1487 = vector.shape_cast %swap3A_1486 : vector<1x16xf32> to vector<16xf32>
        %swap3A_1488 = vector.shape_cast %mul3A_1483 : vector<16xf32> to vector<1x16xf32>
        tpu.vector_store %arg10[%swap3A_1484, %swap3A_1485], %swap3A_1488 {strides = array<i32>} : memref<128x64xf32, #tpu.memory_space<vmem>>, vector<1x16xf32>,
        %get3A_1489 = arith.index_cast %add3A_1476 : i32 to index
        %get3A_1490 = arith.constant 16 : index
        %get3A_1491 = tpu.vector_load %arg6[%get3A_1489, %get3A_1490] {strides = array<i32>} : memref<128x64xf32, #tpu.memory_space<vmem>>, vector<1x16xf32>,
        %get3A_1492 = vector.shape_cast %get3A_1491 : vector<1x16xf32> to vector<16xf32>
        %mul3A_1493 = arith.constant 8.000000e+00 : f32
        %mul3A_1494 = vector.broadcast %mul3A_1493 : f32 to vector<16xf32>
        %mul3A_1495 = arith.mulf %get3A_1492, %mul3A_1494 : vector<16xf32>
        %swap3A_1496 = arith.index_cast %add3A_1476 : i32 to index
        %swap3A_1497 = arith.constant 16 : index
        %swap3A_1498 = tpu.vector_load %arg10[%swap3A_1496, %swap3A_1497] {strides = array<i32>} : memref<128x64xf32, #tpu.memory_space<vmem>>, vector<1x16xf32>,
        %swap3A_1499 = vector.shape_cast %swap3A_1498 : vector<1x16xf32> to vector<16xf32>
        %swap3A_1500 = vector.shape_cast %mul3A_1495 : vector<16xf32> to vector<1x16xf32>
        tpu.vector_store %arg10[%swap3A_1496, %swap3A_1497], %swap3A_1500 {strides = array<i32>} : memref<128x64xf32, #tpu.memory_space<vmem>>, vector<1x16xf32>,
        %get3A_1501 = arith.index_cast %add3A_1476 : i32 to index
        %get3A_1502 = arith.constant 32 : index
        %get3A_1503 = tpu.vector_load %arg6[%get3A_1501, %get3A_1502] {strides = array<i32>} : memref<128x64xf32, #tpu.memory_space<vmem>>, vector<1x16xf32>,
        %get3A_1504 = vector.shape_cast %get3A_1503 : vector<1x16xf32> to vector<16xf32>
        %mul3A_1505 = arith.constant 8.000000e+00 : f32
        %mul3A_1506 = vector.broadcast %mul3A_1505 : f32 to vector<16xf32>
        %mul3A_1507 = arith.mulf %get3A_1504, %mul3A_1506 : vector<16xf32>
        %swap3A_1508 = arith.index_cast %add3A_1476 : i32 to index
        %swap3A_1509 = arith.constant 32 : index
        %swap3A_1510 = tpu.vector_load %arg10[%swap3A_1508, %swap3A_1509] {strides = array<i32>} : memref<128x64xf32, #tpu.memory_space<vmem>>, vector<1x16xf32>,
        %swap3A_1511 = vector.shape_cast %swap3A_1510 : vector<1x16xf32> to vector<16xf32>
        %swap3A_1512 = vector.shape_cast %mul3A_1507 : vector<16xf32> to vector<1x16xf32>
        tpu.vector_store %arg10[%swap3A_1508, %swap3A_1509], %swap3A_1512 {strides = array<i32>} : memref<128x64xf32, #tpu.memory_space<vmem>>, vector<1x16xf32>,
        %get3A_1513 = arith.index_cast %add3A_1476 : i32 to index
        %get3A_1514 = arith.constant 48 : index
        %get3A_1515 = tpu.vector_load %arg6[%get3A_1513, %get3A_1514] {strides = array<i32>} : memref<128x64xf32, #tpu.memory_space<vmem>>, vector<1x16xf32>,
        %get3A_1516 = vector.shape_cast %get3A_1515 : vector<1x16xf32> to vector<16xf32>
        %mul3A_1517 = arith.constant 8.000000e+00 : f32
        %mul3A_1518 = vector.broadcast %mul3A_1517 : f32 to vector<16xf32>
        %mul3A_1519 = arith.mulf %get3A_1516, %mul3A_1518 : vector<16xf32>
        %swap3A_1520 = arith.index_cast %add3A_1476 : i32 to index
        %swap3A_1521 = arith.constant 48 : index
        %swap3A_1522 = tpu.vector_load %arg10[%swap3A_1520, %swap3A_1521] {strides = array<i32>} : memref<128x64xf32, #tpu.memory_space<vmem>>, vector<1x16xf32>,
        %swap3A_1523 = vector.shape_cast %swap3A_1522 : vector<1x16xf32> to vector<16xf32>
        %swap3A_1524 = vector.shape_cast %mul3A_1519 : vector<16xf32> to vector<1x16xf32>
        tpu.vector_store %arg10[%swap3A_1520, %swap3A_1521], %swap3A_1524 {strides = array<i32>} : memref<128x64xf32, #tpu.memory_space<vmem>>, vector<1x16xf32>,
        %scan3A_1525 = arith.constant 0 : i32
        scf.yield %scan3A_1525 : i32
      }
      %scan3A_790 = arith.constant 32 : i32
      %mul3A_791 = arith.constant 128 : i32
      %mul3A_792 = arith.muli %add3A_771, %mul3A_791 : i32
      %add3A_793 = arith.addi %mul3A_2, %mul3A_792 : i32
      %dma_start3A_794 = arith.constant 0 : i32
      %dma_start3A_795 = tpu.memref_slice %arg4[%add3A_793, %dma_start3A_794] : memref<819200x64xf32, #tpu.memory_space<hbm>> -> memref<128x64xf32, #tpu.memory_space<hbm>>
      %dma_start3A_796 = arith.constant 0 : i32
      %dma_start3A_797 = tpu.memref_slice %arg4[%add3A_793, %dma_start3A_796] : memref<819200x64xf32, #tpu.memory_space<hbm>> -> memref<128x64xf32, #tpu.memory_space<hbm>>
      tpu.enqueue_dma source(%arg10 : memref<128x64xf32, #tpu.memory_space<vmem>>) target(%dma_start3A_797 : memref<128x64xf32, #tpu.memory_space<hbm>>) target_semaphore(%arg18 : memref<!tpu.dma_semaphore, #tpu.memory_space<semaphore_mem>>)
      %add3A_798 = arith.constant 4 : i32
      %add3A_799 = arith.addi %add3A_771, %add3A_798 : i32
      %mul3A_800 = arith.constant 128 : i32
      %mul3A_801 = arith.muli %add3A_799, %mul3A_800 : i32
      %add3A_802 = arith.constant 0 : i32
      %add3A_803 = arith.addi %mul3A_801, %add3A_802 : i32
      %get3A_804 = arith.index_cast %add3A_803 : i32 to index
      %get3A_805 = tpu.vector_load %arg5[%get3A_804] {strides = array<i32>} : memref<25600xi32, #tpu.memory_space<vmem>>, vector<16xi32>,
      %get3A_806 = vector.shape_cast %get3A_805 : vector<16xi32> to vector<16xi32>
      %dma_start3A_807 = arith.constant 0 : i32
      %dma_start3A_808 = arith.constant 0 : i32
      %dma_start3A_809 = tpu.memref_slice %arg6[%dma_start3A_807, %dma_start3A_808] : memref<128x64xf32, #tpu.memory_space<vmem>> -> memref<16x64xf32, #tpu.memory_space<vmem>>
      %dma_start3A_810 = arith.constant 0 : i32
      %dma_start3A_811 = arith.constant 0 : i32
      %dma_start3A_812 = tpu.memref_slice %arg3[%dma_start3A_810, %dma_start3A_811] : memref<1000000x64xf32, #tpu.memory_space<hbm>> -> memref<1000000x64xf32, #tpu.memory_space<hbm>>
      tpu.enqueue_indirect_dma source(%dma_start3A_812 : memref<1000000x64xf32, #tpu.memory_space<hbm>>) target(%dma_start3A_809 : memref<16x64xf32, #tpu.memory_space<vmem>>) offsets(%get3A_806 : vector<16xi32>) semaphore(%arg14 : memref<!tpu.dma_semaphore, #tpu.memory_space<semaphore_mem>>)
      %mul3A_813 = arith.constant 128 : i32
      %mul3A_814 = arith.muli %add3A_799, %mul3A_813 : i32
      %add3A_815 = arith.constant 16 : i32
      %add3A_816 = arith.addi %mul3A_814, %add3A_815 : i32
      %get3A_817 = arith.index_cast %add3A_816 : i32 to index
      %get3A_818 = tpu.vector_load %arg5[%get3A_817] {strides = array<i32>} : memref<25600xi32, #tpu.memory_space<vmem>>, vector<16xi32>,
      %get3A_819 = vector.shape_cast %get3A_818 : vector<16xi32> to vector<16xi32>
      %dma_start3A_820 = arith.constant 16 : i32
      %dma_start3A_821 = arith.constant 0 : i32
      %dma_start3A_822 = tpu.memref_slice %arg6[%dma_start3A_820, %dma_start3A_821] : memref<128x64xf32, #tpu.memory_space<vmem>> -> memref<16x64xf32, #tpu.memory_space<vmem>>
      %dma_start3A_823 = arith.constant 0 : i32
      %dma_start3A_824 = arith.constant 0 : i32
      %dma_start3A_825 = tpu.memref_slice %arg3[%dma_start3A_823, %dma_start3A_824] : memref<1000000x64xf32, #tpu.memory_space<hbm>> -> memref<1000000x64xf32, #tpu.memory_space<hbm>>
      tpu.enqueue_indirect_dma source(%dma_start3A_825 : memref<1000000x64xf32, #tpu.memory_space<hbm>>) target(%dma_start3A_822 : memref<16x64xf32, #tpu.memory_space<vmem>>) offsets(%get3A_819 : vector<16xi32>) semaphore(%arg14 : memref<!tpu.dma_semaphore, #tpu.memory_space<semaphore_mem>>)
      %mul3A_826 = arith.constant 128 : i32
      %mul3A_827 = arith.muli %add3A_799, %mul3A_826 : i32
      %add3A_828 = arith.constant 32 : i32
      %add3A_829 = arith.addi %mul3A_827, %add3A_828 : i32
      %get3A_830 = arith.index_cast %add3A_829 : i32 to index
      %get3A_831 = tpu.vector_load %arg5[%get3A_830] {strides = array<i32>} : memref<25600xi32, #tpu.memory_space<vmem>>, vector<16xi32>,
      %get3A_832 = vector.shape_cast %get3A_831 : vector<16xi32> to vector<16xi32>
      %dma_start3A_833 = arith.constant 32 : i32
      %dma_start3A_834 = arith.constant 0 : i32
      %dma_start3A_835 = tpu.memref_slice %arg6[%dma_start3A_833, %dma_start3A_834] : memref<128x64xf32, #tpu.memory_space<vmem>> -> memref<16x64xf32, #tpu.memory_space<vmem>>
      %dma_start3A_836 = arith.constant 0 : i32
      %dma_start3A_837 = arith.constant 0 : i32
      %dma_start3A_838 = tpu.memref_slice %arg3[%dma_start3A_836, %dma_start3A_837] : memref<1000000x64xf32, #tpu.memory_space<hbm>> -> memref<1000000x64xf32, #tpu.memory_space<hbm>>
      tpu.enqueue_indirect_dma source(%dma_start3A_838 : memref<1000000x64xf32, #tpu.memory_space<hbm>>) target(%dma_start3A_835 : memref<16x64xf32, #tpu.memory_space<vmem>>) offsets(%get3A_832 : vector<16xi32>) semaphore(%arg14 : memref<!tpu.dma_semaphore, #tpu.memory_space<semaphore_mem>>)
      %mul3A_839 = arith.constant 128 : i32
      %mul3A_840 = arith.muli %add3A_799, %mul3A_839 : i32
      %add3A_841 = arith.constant 48 : i32
      %add3A_842 = arith.addi %mul3A_840, %add3A_841 : i32
      %get3A_843 = arith.index_cast %add3A_842 : i32 to index
      %get3A_844 = tpu.vector_load %arg5[%get3A_843] {strides = array<i32>} : memref<25600xi32, #tpu.memory_space<vmem>>, vector<16xi32>,
      %get3A_845 = vector.shape_cast %get3A_844 : vector<16xi32> to vector<16xi32>
      %dma_start3A_846 = arith.constant 48 : i32
      %dma_start3A_847 = arith.constant 0 : i32
      %dma_start3A_848 = tpu.memref_slice %arg6[%dma_start3A_846, %dma_start3A_847] : memref<128x64xf32, #tpu.memory_space<vmem>> -> memref<16x64xf32, #tpu.memory_space<vmem>>
      %dma_start3A_849 = arith.constant 0 : i32
      %dma_start3A_850 = arith.constant 0 : i32
      %dma_start3A_851 = tpu.memref_slice %arg3[%dma_start3A_849, %dma_start3A_850] : memref<1000000x64xf32, #tpu.memory_space<hbm>> -> memref<1000000x64xf32, #tpu.memory_space<hbm>>
      tpu.enqueue_indirect_dma source(%dma_start3A_851 : memref<1000000x64xf32, #tpu.memory_space<hbm>>) target(%dma_start3A_848 : memref<16x64xf32, #tpu.memory_space<vmem>>) offsets(%get3A_845 : vector<16xi32>) semaphore(%arg14 : memref<!tpu.dma_semaphore, #tpu.memory_space<semaphore_mem>>)
      %mul3A_852 = arith.constant 128 : i32
      %mul3A_853 = arith.muli %add3A_799, %mul3A_852 : i32
      %add3A_854 = arith.constant 64 : i32
      %add3A_855 = arith.addi %mul3A_853, %add3A_854 : i32
      %get3A_856 = arith.index_cast %add3A_855 : i32 to index
      %get3A_857 = tpu.vector_load %arg5[%get3A_856] {strides = array<i32>} : memref<25600xi32, #tpu.memory_space<vmem>>, vector<16xi32>,
      %get3A_858 = vector.shape_cast %get3A_857 : vector<16xi32> to vector<16xi32>
      %dma_start3A_859 = arith.constant 64 : i32
      %dma_start3A_860 = arith.constant 0 : i32
      %dma_start3A_861 = tpu.memref_slice %arg6[%dma_start3A_859, %dma_start3A_860] : memref<128x64xf32, #tpu.memory_space<vmem>> -> memref<16x64xf32, #tpu.memory_space<vmem>>
      %dma_start3A_862 = arith.constant 0 : i32
      %dma_start3A_863 = arith.constant 0 : i32
      %dma_start3A_864 = tpu.memref_slice %arg3[%dma_start3A_862, %dma_start3A_863] : memref<1000000x64xf32, #tpu.memory_space<hbm>> -> memref<1000000x64xf32, #tpu.memory_space<hbm>>
      tpu.enqueue_indirect_dma source(%dma_start3A_864 : memref<1000000x64xf32, #tpu.memory_space<hbm>>) target(%dma_start3A_861 : memref<16x64xf32, #tpu.memory_space<vmem>>) offsets(%get3A_858 : vector<16xi32>) semaphore(%arg14 : memref<!tpu.dma_semaphore, #tpu.memory_space<semaphore_mem>>)
      %mul3A_865 = arith.constant 128 : i32
      %mul3A_866 = arith.muli %add3A_799, %mul3A_865 : i32
      %add3A_867 = arith.constant 80 : i32
      %add3A_868 = arith.addi %mul3A_866, %add3A_867 : i32
      %get3A_869 = arith.index_cast %add3A_868 : i32 to index
      %get3A_870 = tpu.vector_load %arg5[%get3A_869] {strides = array<i32>} : memref<25600xi32, #tpu.memory_space<vmem>>, vector<16xi32>,
      %get3A_871 = vector.shape_cast %get3A_870 : vector<16xi32> to vector<16xi32>
      %dma_start3A_872 = arith.constant 80 : i32
      %dma_start3A_873 = arith.constant 0 : i32
      %dma_start3A_874 = tpu.memref_slice %arg6[%dma_start3A_872, %dma_start3A_873] : memref<128x64xf32, #tpu.memory_space<vmem>> -> memref<16x64xf32, #tpu.memory_space<vmem>>
      %dma_start3A_875 = arith.constant 0 : i32
      %dma_start3A_876 = arith.constant 0 : i32
      %dma_start3A_877 = tpu.memref_slice %arg3[%dma_start3A_875, %dma_start3A_876] : memref<1000000x64xf32, #tpu.memory_space<hbm>> -> memref<1000000x64xf32, #tpu.memory_space<hbm>>
      tpu.enqueue_indirect_dma source(%dma_start3A_877 : memref<1000000x64xf32, #tpu.memory_space<hbm>>) target(%dma_start3A_874 : memref<16x64xf32, #tpu.memory_space<vmem>>) offsets(%get3A_871 : vector<16xi32>) semaphore(%arg14 : memref<!tpu.dma_semaphore, #tpu.memory_space<semaphore_mem>>)
      %mul3A_878 = arith.constant 128 : i32
      %mul3A_879 = arith.muli %add3A_799, %mul3A_878 : i32
      %add3A_880 = arith.constant 96 : i32
      %add3A_881 = arith.addi %mul3A_879, %add3A_880 : i32
      %get3A_882 = arith.index_cast %add3A_881 : i32 to index
      %get3A_883 = tpu.vector_load %arg5[%get3A_882] {strides = array<i32>} : memref<25600xi32, #tpu.memory_space<vmem>>, vector<16xi32>,
      %get3A_884 = vector.shape_cast %get3A_883 : vector<16xi32> to vector<16xi32>
      %dma_start3A_885 = arith.constant 96 : i32
      %dma_start3A_886 = arith.constant 0 : i32
      %dma_start3A_887 = tpu.memref_slice %arg6[%dma_start3A_885, %dma_start3A_886] : memref<128x64xf32, #tpu.memory_space<vmem>> -> memref<16x64xf32, #tpu.memory_space<vmem>>
      %dma_start3A_888 = arith.constant 0 : i32
      %dma_start3A_889 = arith.constant 0 : i32
      %dma_start3A_890 = tpu.memref_slice %arg3[%dma_start3A_888, %dma_start3A_889] : memref<1000000x64xf32, #tpu.memory_space<hbm>> -> memref<1000000x64xf32, #tpu.memory_space<hbm>>
      tpu.enqueue_indirect_dma source(%dma_start3A_890 : memref<1000000x64xf32, #tpu.memory_space<hbm>>) target(%dma_start3A_887 : memref<16x64xf32, #tpu.memory_space<vmem>>) offsets(%get3A_884 : vector<16xi32>) semaphore(%arg14 : memref<!tpu.dma_semaphore, #tpu.memory_space<semaphore_mem>>)
      %mul3A_891 = arith.constant 128 : i32
      %mul3A_892 = arith.muli %add3A_799, %mul3A_891 : i32
      %add3A_893 = arith.constant 112 : i32
      %add3A_894 = arith.addi %mul3A_892, %add3A_893 : i32
      %get3A_895 = arith.index_cast %add3A_894 : i32 to index
      %get3A_896 = tpu.vector_load %arg5[%get3A_895] {strides = array<i32>} : memref<25600xi32, #tpu.memory_space<vmem>>, vector<16xi32>,
      %get3A_897 = vector.shape_cast %get3A_896 : vector<16xi32> to vector<16xi32>
      %dma_start3A_898 = arith.constant 112 : i32
      %dma_start3A_899 = arith.constant 0 : i32
      %dma_start3A_900 = tpu.memref_slice %arg6[%dma_start3A_898, %dma_start3A_899] : memref<128x64xf32, #tpu.memory_space<vmem>> -> memref<16x64xf32, #tpu.memory_space<vmem>>
      %dma_start3A_901 = arith.constant 0 : i32
      %dma_start3A_902 = arith.constant 0 : i32
      %dma_start3A_903 = tpu.memref_slice %arg3[%dma_start3A_901, %dma_start3A_902] : memref<1000000x64xf32, #tpu.memory_space<hbm>> -> memref<1000000x64xf32, #tpu.memory_space<hbm>>
      tpu.enqueue_indirect_dma source(%dma_start3A_903 : memref<1000000x64xf32, #tpu.memory_space<hbm>>) target(%dma_start3A_900 : memref<16x64xf32, #tpu.memory_space<vmem>>) offsets(%get3A_897 : vector<16xi32>) semaphore(%arg14 : memref<!tpu.dma_semaphore, #tpu.memory_space<semaphore_mem>>)
      %mul3A_904 = arith.constant 4 : i32
      %mul3A_905 = arith.muli %scan3A_766, %mul3A_904 : i32
      %add3A_906 = arith.constant 1 : i32
      %add3A_907 = arith.addi %mul3A_905, %add3A_906 : i32
      %dma_wait3A_908 = arith.constant 0 : i32
      %dma_wait3A_909 = tpu.memref_slice %arg4[%mul3A_2, %dma_wait3A_908] : memref<819200x64xf32, #tpu.memory_space<hbm>> -> memref<128x64xf32, #tpu.memory_space<hbm>>
      %dma_wait3A_910 = arith.constant 0 : i32
      %dma_wait3A_911 = tpu.memref_slice %arg4[%mul3A_2, %dma_wait3A_910] : memref<819200x64xf32, #tpu.memory_space<hbm>> -> memref<128x64xf32, #tpu.memory_space<hbm>>
      tpu.wait_dma2 semaphore(%arg15 : memref<!tpu.dma_semaphore, #tpu.memory_space<semaphore_mem>>) src(%dma_wait3A_911 : memref<128x64xf32, #tpu.memory_space<hbm>>) dst(%arg7 : memref<128x64xf32, #tpu.memory_space<vmem>>)
      %sub3A_912 = arith.constant 4 : i32
      %sub3A_913 = arith.subi %add3A_907, %sub3A_912 : i32
      %mul3A_914 = arith.constant 128 : i32
      %mul3A_915 = arith.muli %sub3A_913, %mul3A_914 : i32
      %add3A_916 = arith.addi %mul3A_2, %mul3A_915 : i32
      %dma_wait3A_917 = arith.constant 0 : i32
      %dma_wait3A_918 = tpu.memref_slice %arg4[%add3A_916, %dma_wait3A_917] : memref<819200x64xf32, #tpu.memory_space<hbm>> -> memref<128x64xf32, #tpu.memory_space<hbm>>
      %dma_wait3A_919 = arith.constant 0 : i32
      %dma_wait3A_920 = tpu.memref_slice %arg4[%add3A_916, %dma_wait3A_919] : memref<819200x64xf32, #tpu.memory_space<hbm>> -> memref<128x64xf32, #tpu.memory_space<hbm>>
      tpu.wait_dma2 semaphore(%arg19 : memref<!tpu.dma_semaphore, #tpu.memory_space<semaphore_mem>>) src(%arg11 : memref<128x64xf32, #tpu.memory_space<vmem>>) dst(%dma_wait3A_920 : memref<128x64xf32, #tpu.memory_space<hbm>>)
      %scan3A_921 = arith.constant 0 : i32
      %scan3A_922 = arith.constant 0 : i32
      %scan3A_923 = arith.constant 32 : i32
      %scan3A_924 = arith.addi %scan3A_922, %scan3A_923 : i32
      %scan3A_925 = arith.constant 1 : i32
      %scan3A_926 = scf.for %scan3A_1316 = %scan3A_922 to %scan3A_924 step %scan3A_925 iter_args(%scan3A_1317 = %scan3A_921) -> (i32)  : i32 {
        %mul3A_1318 = arith.constant 4 : i32
        %mul3A_1319 = arith.muli %scan3A_1316, %mul3A_1318 : i32
        %add3A_1320 = arith.constant 0 : i32
        %add3A_1321 = arith.addi %mul3A_1319, %add3A_1320 : i32
        %get3A_1322 = arith.index_cast %add3A_1321 : i32 to index
        %get3A_1323 = arith.constant 0 : index
        %get3A_1324 = tpu.vector_load %arg7[%get3A_1322, %get3A_1323] {strides = array<i32>} : memref<128x64xf32, #tpu.memory_space<vmem>>, vector<1x16xf32>,
        %get3A_1325 = vector.shape_cast %get3A_1324 : vector<1x16xf32> to vector<16xf32>
        %mul3A_1326 = arith.constant 8.000000e+00 : f32
        %mul3A_1327 = vector.broadcast %mul3A_1326 : f32 to vector<16xf32>
        %mul3A_1328 = arith.mulf %get3A_1325, %mul3A_1327 : vector<16xf32>
        %swap3A = arith.index_cast %add3A_1321 : i32 to index
        %swap3A_1329 = arith.constant 0 : index
        %swap3A_1330 = tpu.vector_load %arg11[%swap3A, %swap3A_1329] {strides = array<i32>} : memref<128x64xf32, #tpu.memory_space<vmem>>, vector<1x16xf32>,
        %swap3A_1331 = vector.shape_cast %swap3A_1330 : vector<1x16xf32> to vector<16xf32>
        %swap3A_1332 = vector.shape_cast %mul3A_1328 : vector<16xf32> to vector<1x16xf32>
        tpu.vector_store %arg11[%swap3A, %swap3A_1329], %swap3A_1332 {strides = array<i32>} : memref<128x64xf32, #tpu.memory_space<vmem>>, vector<1x16xf32>,
        %get3A_1333 = arith.index_cast %add3A_1321 : i32 to index
        %get3A_1334 = arith.constant 16 : index
        %get3A_1335 = tpu.vector_load %arg7[%get3A_1333, %get3A_1334] {strides = array<i32>} : memref<128x64xf32, #tpu.memory_space<vmem>>, vector<1x16xf32>,
        %get3A_1336 = vector.shape_cast %get3A_1335 : vector<1x16xf32> to vector<16xf32>
        %mul3A_1337 = arith.constant 8.000000e+00 : f32
        %mul3A_1338 = vector.broadcast %mul3A_1337 : f32 to vector<16xf32>
        %mul3A_1339 = arith.mulf %get3A_1336, %mul3A_1338 : vector<16xf32>
        %swap3A_1340 = arith.index_cast %add3A_1321 : i32 to index
        %swap3A_1341 = arith.constant 16 : index
        %swap3A_1342 = tpu.vector_load %arg11[%swap3A_1340, %swap3A_1341] {strides = array<i32>} : memref<128x64xf32, #tpu.memory_space<vmem>>, vector<1x16xf32>,
        %swap3A_1343 = vector.shape_cast %swap3A_1342 : vector<1x16xf32> to vector<16xf32>
        %swap3A_1344 = vector.shape_cast %mul3A_1339 : vector<16xf32> to vector<1x16xf32>
        tpu.vector_store %arg11[%swap3A_1340, %swap3A_1341], %swap3A_1344 {strides = array<i32>} : memref<128x64xf32, #tpu.memory_space<vmem>>, vector<1x16xf32>,
        %get3A_1345 = arith.index_cast %add3A_1321 : i32 to index
        %get3A_1346 = arith.constant 32 : index
        %get3A_1347 = tpu.vector_load %arg7[%get3A_1345, %get3A_1346] {strides = array<i32>} : memref<128x64xf32, #tpu.memory_space<vmem>>, vector<1x16xf32>,
        %get3A_1348 = vector.shape_cast %get3A_1347 : vector<1x16xf32> to vector<16xf32>
        %mul3A_1349 = arith.constant 8.000000e+00 : f32
        %mul3A_1350 = vector.broadcast %mul3A_1349 : f32 to vector<16xf32>
        %mul3A_1351 = arith.mulf %get3A_1348, %mul3A_1350 : vector<16xf32>
        %swap3A_1352 = arith.index_cast %add3A_1321 : i32 to index
        %swap3A_1353 = arith.constant 32 : index
        %swap3A_1354 = tpu.vector_load %arg11[%swap3A_1352, %swap3A_1353] {strides = array<i32>} : memref<128x64xf32, #tpu.memory_space<vmem>>, vector<1x16xf32>,
        %swap3A_1355 = vector.shape_cast %swap3A_1354 : vector<1x16xf32> to vector<16xf32>
        %swap3A_1356 = vector.shape_cast %mul3A_1351 : vector<16xf32> to vector<1x16xf32>
        tpu.vector_store %arg11[%swap3A_1352, %swap3A_1353], %swap3A_1356 {strides = array<i32>} : memref<128x64xf32, #tpu.memory_space<vmem>>, vector<1x16xf32>,
        %get3A_1357 = arith.index_cast %add3A_1321 : i32 to index
        %get3A_1358 = arith.constant 48 : index
        %get3A_1359 = tpu.vector_load %arg7[%get3A_1357, %get3A_1358] {strides = array<i32>} : memref<128x64xf32, #tpu.memory_space<vmem>>, vector<1x16xf32>,
        %get3A_1360 = vector.shape_cast %get3A_1359 : vector<1x16xf32> to vector<16xf32>
        %mul3A_1361 = arith.constant 8.000000e+00 : f32
        %mul3A_1362 = vector.broadcast %mul3A_1361 : f32 to vector<16xf32>
        %mul3A_1363 = arith.mulf %get3A_1360, %mul3A_1362 : vector<16xf32>
        %swap3A_1364 = arith.index_cast %add3A_1321 : i32 to index
        %swap3A_1365 = arith.constant 48 : index
        %swap3A_1366 = tpu.vector_load %arg11[%swap3A_1364, %swap3A_1365] {strides = array<i32>} : memref<128x64xf32, #tpu.memory_space<vmem>>, vector<1x16xf32>,
        %swap3A_1367 = vector.shape_cast %swap3A_1366 : vector<1x16xf32> to vector<16xf32>
        %swap3A_1368 = vector.shape_cast %mul3A_1363 : vector<16xf32> to vector<1x16xf32>
        tpu.vector_store %arg11[%swap3A_1364, %swap3A_1365], %swap3A_1368 {strides = array<i32>} : memref<128x64xf32, #tpu.memory_space<vmem>>, vector<1x16xf32>,
        %mul3A_1369 = arith.constant 4 : i32
        %mul3A_1370 = arith.muli %scan3A_1316, %mul3A_1369 : i32
        %add3A_1371 = arith.constant 1 : i32
        %add3A_1372 = arith.addi %mul3A_1370, %add3A_1371 : i32
        %get3A_1373 = arith.index_cast %add3A_1372 : i32 to index
        %get3A_1374 = arith.constant 0 : index
        %get3A_1375 = tpu.vector_load %arg7[%get3A_1373, %get3A_1374] {strides = array<i32>} : memref<128x64xf32, #tpu.memory_space<vmem>>, vector<1x16xf32>,
        %get3A_1376 = vector.shape_cast %get3A_1375 : vector<1x16xf32> to vector<16xf32>
        %mul3A_1377 = arith.constant 8.000000e+00 : f32
        %mul3A_1378 = vector.broadcast %mul3A_1377 : f32 to vector<16xf32>
        %mul3A_1379 = arith.mulf %get3A_1376, %mul3A_1378 : vector<16xf32>
        %swap3A_1380 = arith.index_cast %add3A_1372 : i32 to index
        %swap3A_1381 = arith.constant 0 : index
        %swap3A_1382 = tpu.vector_load %arg11[%swap3A_1380, %swap3A_1381] {strides = array<i32>} : memref<128x64xf32, #tpu.memory_space<vmem>>, vector<1x16xf32>,
        %swap3A_1383 = vector.shape_cast %swap3A_1382 : vector<1x16xf32> to vector<16xf32>
        %swap3A_1384 = vector.shape_cast %mul3A_1379 : vector<16xf32> to vector<1x16xf32>
        tpu.vector_store %arg11[%swap3A_1380, %swap3A_1381], %swap3A_1384 {strides = array<i32>} : memref<128x64xf32, #tpu.memory_space<vmem>>, vector<1x16xf32>,
        %get3A_1385 = arith.index_cast %add3A_1372 : i32 to index
        %get3A_1386 = arith.constant 16 : index
        %get3A_1387 = tpu.vector_load %arg7[%get3A_1385, %get3A_1386] {strides = array<i32>} : memref<128x64xf32, #tpu.memory_space<vmem>>, vector<1x16xf32>,
        %get3A_1388 = vector.shape_cast %get3A_1387 : vector<1x16xf32> to vector<16xf32>
        %mul3A_1389 = arith.constant 8.000000e+00 : f32
        %mul3A_1390 = vector.broadcast %mul3A_1389 : f32 to vector<16xf32>
        %mul3A_1391 = arith.mulf %get3A_1388, %mul3A_1390 : vector<16xf32>
        %swap3A_1392 = arith.index_cast %add3A_1372 : i32 to index
        %swap3A_1393 = arith.constant 16 : index
        %swap3A_1394 = tpu.vector_load %arg11[%swap3A_1392, %swap3A_1393] {strides = array<i32>} : memref<128x64xf32, #tpu.memory_space<vmem>>, vector<1x16xf32>,
        %swap3A_1395 = vector.shape_cast %swap3A_1394 : vector<1x16xf32> to vector<16xf32>
        %swap3A_1396 = vector.shape_cast %mul3A_1391 : vector<16xf32> to vector<1x16xf32>
        tpu.vector_store %arg11[%swap3A_1392, %swap3A_1393], %swap3A_1396 {strides = array<i32>} : memref<128x64xf32, #tpu.memory_space<vmem>>, vector<1x16xf32>,
        %get3A_1397 = arith.index_cast %add3A_1372 : i32 to index
        %get3A_1398 = arith.constant 32 : index
        %get3A_1399 = tpu.vector_load %arg7[%get3A_1397, %get3A_1398] {strides = array<i32>} : memref<128x64xf32, #tpu.memory_space<vmem>>, vector<1x16xf32>,
        %get3A_1400 = vector.shape_cast %get3A_1399 : vector<1x16xf32> to vector<16xf32>
        %mul3A_1401 = arith.constant 8.000000e+00 : f32
        %mul3A_1402 = vector.broadcast %mul3A_1401 : f32 to vector<16xf32>
        %mul3A_1403 = arith.mulf %get3A_1400, %mul3A_1402 : vector<16xf32>
        %swap3A_1404 = arith.index_cast %add3A_1372 : i32 to index
        %swap3A_1405 = arith.constant 32 : index
        %swap3A_1406 = tpu.vector_load %arg11[%swap3A_1404, %swap3A_1405] {strides = array<i32>} : memref<128x64xf32, #tpu.memory_space<vmem>>, vector<1x16xf32>,
        %swap3A_1407 = vector.shape_cast %swap3A_1406 : vector<1x16xf32> to vector<16xf32>
        %swap3A_1408 = vector.shape_cast %mul3A_1403 : vector<16xf32> to vector<1x16xf32>
        tpu.vector_store %arg11[%swap3A_1404, %swap3A_1405], %swap3A_1408 {strides = array<i32>} : memref<128x64xf32, #tpu.memory_space<vmem>>, vector<1x16xf32>,
        %get3A_1409 = arith.index_cast %add3A_1372 : i32 to index
        %get3A_1410 = arith.constant 48 : index
        %get3A_1411 = tpu.vector_load %arg7[%get3A_1409, %get3A_1410] {strides = array<i32>} : memref<128x64xf32, #tpu.memory_space<vmem>>, vector<1x16xf32>,
        %get3A_1412 = vector.shape_cast %get3A_1411 : vector<1x16xf32> to vector<16xf32>
        %mul3A_1413 = arith.constant 8.000000e+00 : f32
        %mul3A_1414 = vector.broadcast %mul3A_1413 : f32 to vector<16xf32>
        %mul3A_1415 = arith.mulf %get3A_1412, %mul3A_1414 : vector<16xf32>
        %swap3A_1416 = arith.index_cast %add3A_1372 : i32 to index
        %swap3A_1417 = arith.constant 48 : index
        %swap3A_1418 = tpu.vector_load %arg11[%swap3A_1416, %swap3A_1417] {strides = array<i32>} : memref<128x64xf32, #tpu.memory_space<vmem>>, vector<1x16xf32>,
        %swap3A_1419 = vector.shape_cast %swap3A_1418 : vector<1x16xf32> to vector<16xf32>
        %swap3A_1420 = vector.shape_cast %mul3A_1415 : vector<16xf32> to vector<1x16xf32>
        tpu.vector_store %arg11[%swap3A_1416, %swap3A_1417], %swap3A_1420 {strides = array<i32>} : memref<128x64xf32, #tpu.memory_space<vmem>>, vector<1x16xf32>,
        %mul3A_1421 = arith.constant 4 : i32
        %mul3A_1422 = arith.muli %scan3A_1316, %mul3A_1421 : i32
        %add3A_1423 = arith.constant 2 : i32
        %add3A_1424 = arith.addi %mul3A_1422, %add3A_1423 : i32
        %get3A_1425 = arith.index_cast %add3A_1424 : i32 to index
        %get3A_1426 = arith.constant 0 : index
        %get3A_1427 = tpu.vector_load %arg7[%get3A_1425, %get3A_1426] {strides = array<i32>} : memref<128x64xf32, #tpu.memory_space<vmem>>, vector<1x16xf32>,
        %get3A_1428 = vector.shape_cast %get3A_1427 : vector<1x16xf32> to vector<16xf32>
        %mul3A_1429 = arith.constant 8.000000e+00 : f32
        %mul3A_1430 = vector.broadcast %mul3A_1429 : f32 to vector<16xf32>
        %mul3A_1431 = arith.mulf %get3A_1428, %mul3A_1430 : vector<16xf32>
        %swap3A_1432 = arith.index_cast %add3A_1424 : i32 to index
        %swap3A_1433 = arith.constant 0 : index
        %swap3A_1434 = tpu.vector_load %arg11[%swap3A_1432, %swap3A_1433] {strides = array<i32>} : memref<128x64xf32, #tpu.memory_space<vmem>>, vector<1x16xf32>,
        %swap3A_1435 = vector.shape_cast %swap3A_1434 : vector<1x16xf32> to vector<16xf32>
        %swap3A_1436 = vector.shape_cast %mul3A_1431 : vector<16xf32> to vector<1x16xf32>
        tpu.vector_store %arg11[%swap3A_1432, %swap3A_1433], %swap3A_1436 {strides = array<i32>} : memref<128x64xf32, #tpu.memory_space<vmem>>, vector<1x16xf32>,
        %get3A_1437 = arith.index_cast %add3A_1424 : i32 to index
        %get3A_1438 = arith.constant 16 : index
        %get3A_1439 = tpu.vector_load %arg7[%get3A_1437, %get3A_1438] {strides = array<i32>} : memref<128x64xf32, #tpu.memory_space<vmem>>, vector<1x16xf32>,
        %get3A_1440 = vector.shape_cast %get3A_1439 : vector<1x16xf32> to vector<16xf32>
        %mul3A_1441 = arith.constant 8.000000e+00 : f32
        %mul3A_1442 = vector.broadcast %mul3A_1441 : f32 to vector<16xf32>
        %mul3A_1443 = arith.mulf %get3A_1440, %mul3A_1442 : vector<16xf32>
        %swap3A_1444 = arith.index_cast %add3A_1424 : i32 to index
        %swap3A_1445 = arith.constant 16 : index
        %swap3A_1446 = tpu.vector_load %arg11[%swap3A_1444, %swap3A_1445] {strides = array<i32>} : memref<128x64xf32, #tpu.memory_space<vmem>>, vector<1x16xf32>,
        %swap3A_1447 = vector.shape_cast %swap3A_1446 : vector<1x16xf32> to vector<16xf32>
        %swap3A_1448 = vector.shape_cast %mul3A_1443 : vector<16xf32> to vector<1x16xf32>
        tpu.vector_store %arg11[%swap3A_1444, %swap3A_1445], %swap3A_1448 {strides = array<i32>} : memref<128x64xf32, #tpu.memory_space<vmem>>, vector<1x16xf32>,
        %get3A_1449 = arith.index_cast %add3A_1424 : i32 to index
        %get3A_1450 = arith.constant 32 : index
        %get3A_1451 = tpu.vector_load %arg7[%get3A_1449, %get3A_1450] {strides = array<i32>} : memref<128x64xf32, #tpu.memory_space<vmem>>, vector<1x16xf32>,
        %get3A_1452 = vector.shape_cast %get3A_1451 : vector<1x16xf32> to vector<16xf32>
        %mul3A_1453 = arith.constant 8.000000e+00 : f32
        %mul3A_1454 = vector.broadcast %mul3A_1453 : f32 to vector<16xf32>
        %mul3A_1455 = arith.mulf %get3A_1452, %mul3A_1454 : vector<16xf32>
        %swap3A_1456 = arith.index_cast %add3A_1424 : i32 to index
        %swap3A_1457 = arith.constant 32 : index
        %swap3A_1458 = tpu.vector_load %arg11[%swap3A_1456, %swap3A_1457] {strides = array<i32>} : memref<128x64xf32, #tpu.memory_space<vmem>>, vector<1x16xf32>,
        %swap3A_1459 = vector.shape_cast %swap3A_1458 : vector<1x16xf32> to vector<16xf32>
        %swap3A_1460 = vector.shape_cast %mul3A_1455 : vector<16xf32> to vector<1x16xf32>
        tpu.vector_store %arg11[%swap3A_1456, %swap3A_1457], %swap3A_1460 {strides = array<i32>} : memref<128x64xf32, #tpu.memory_space<vmem>>, vector<1x16xf32>,
        %get3A_1461 = arith.index_cast %add3A_1424 : i32 to index
        %get3A_1462 = arith.constant 48 : index
        %get3A_1463 = tpu.vector_load %arg7[%get3A_1461, %get3A_1462] {strides = array<i32>} : memref<128x64xf32, #tpu.memory_space<vmem>>, vector<1x16xf32>,
        %get3A_1464 = vector.shape_cast %get3A_1463 : vector<1x16xf32> to vector<16xf32>
        %mul3A_1465 = arith.constant 8.000000e+00 : f32
        %mul3A_1466 = vector.broadcast %mul3A_1465 : f32 to vector<16xf32>
        %mul3A_1467 = arith.mulf %get3A_1464, %mul3A_1466 : vector<16xf32>
        %swap3A_1468 = arith.index_cast %add3A_1424 : i32 to index
        %swap3A_1469 = arith.constant 48 : index
        %swap3A_1470 = tpu.vector_load %arg11[%swap3A_1468, %swap3A_1469] {strides = array<i32>} : memref<128x64xf32, #tpu.memory_space<vmem>>, vector<1x16xf32>,
        %swap3A_1471 = vector.shape_cast %swap3A_1470 : vector<1x16xf32> to vector<16xf32>
        %swap3A_1472 = vector.shape_cast %mul3A_1467 : vector<16xf32> to vector<1x16xf32>
        tpu.vector_store %arg11[%swap3A_1468, %swap3A_1469], %swap3A_1472 {strides = array<i32>} : memref<128x64xf32, #tpu.memory_space<vmem>>, vector<1x16xf32>,
        %mul3A_1473 = arith.constant 4 : i32
        %mul3A_1474 = arith.muli %scan3A_1316, %mul3A_1473 : i32
        %add3A_1475 = arith.constant 3 : i32
        %add3A_1476 = arith.addi %mul3A_1474, %add3A_1475 : i32
        %get3A_1477 = arith.index_cast %add3A_1476 : i32 to index
        %get3A_1478 = arith.constant 0 : index
        %get3A_1479 = tpu.vector_load %arg7[%get3A_1477, %get3A_1478] {strides = array<i32>} : memref<128x64xf32, #tpu.memory_space<vmem>>, vector<1x16xf32>,
        %get3A_1480 = vector.shape_cast %get3A_1479 : vector<1x16xf32> to vector<16xf32>
        %mul3A_1481 = arith.constant 8.000000e+00 : f32
        %mul3A_1482 = vector.broadcast %mul3A_1481 : f32 to vector<16xf32>
        %mul3A_1483 = arith.mulf %get3A_1480, %mul3A_1482 : vector<16xf32>
        %swap3A_1484 = arith.index_cast %add3A_1476 : i32 to index
        %swap3A_1485 = arith.constant 0 : index
        %swap3A_1486 = tpu.vector_load %arg11[%swap3A_1484, %swap3A_1485] {strides = array<i32>} : memref<128x64xf32, #tpu.memory_space<vmem>>, vector<1x16xf32>,
        %swap3A_1487 = vector.shape_cast %swap3A_1486 : vector<1x16xf32> to vector<16xf32>
        %swap3A_1488 = vector.shape_cast %mul3A_1483 : vector<16xf32> to vector<1x16xf32>
        tpu.vector_store %arg11[%swap3A_1484, %swap3A_1485], %swap3A_1488 {strides = array<i32>} : memref<128x64xf32, #tpu.memory_space<vmem>>, vector<1x16xf32>,
        %get3A_1489 = arith.index_cast %add3A_1476 : i32 to index
        %get3A_1490 = arith.constant 16 : index
        %get3A_1491 = tpu.vector_load %arg7[%get3A_1489, %get3A_1490] {strides = array<i32>} : memref<128x64xf32, #tpu.memory_space<vmem>>, vector<1x16xf32>,
        %get3A_1492 = vector.shape_cast %get3A_1491 : vector<1x16xf32> to vector<16xf32>
        %mul3A_1493 = arith.constant 8.000000e+00 : f32
        %mul3A_1494 = vector.broadcast %mul3A_1493 : f32 to vector<16xf32>
        %mul3A_1495 = arith.mulf %get3A_1492, %mul3A_1494 : vector<16xf32>
        %swap3A_1496 = arith.index_cast %add3A_1476 : i32 to index
        %swap3A_1497 = arith.constant 16 : index
        %swap3A_1498 = tpu.vector_load %arg11[%swap3A_1496, %swap3A_1497] {strides = array<i32>} : memref<128x64xf32, #tpu.memory_space<vmem>>, vector<1x16xf32>,
        %swap3A_1499 = vector.shape_cast %swap3A_1498 : vector<1x16xf32> to vector<16xf32>
        %swap3A_1500 = vector.shape_cast %mul3A_1495 : vector<16xf32> to vector<1x16xf32>
        tpu.vector_store %arg11[%swap3A_1496, %swap3A_1497], %swap3A_1500 {strides = array<i32>} : memref<128x64xf32, #tpu.memory_space<vmem>>, vector<1x16xf32>,
        %get3A_1501 = arith.index_cast %add3A_1476 : i32 to index
        %get3A_1502 = arith.constant 32 : index
        %get3A_1503 = tpu.vector_load %arg7[%get3A_1501, %get3A_1502] {strides = array<i32>} : memref<128x64xf32, #tpu.memory_space<vmem>>, vector<1x16xf32>,
        %get3A_1504 = vector.shape_cast %get3A_1503 : vector<1x16xf32> to vector<16xf32>
        %mul3A_1505 = arith.constant 8.000000e+00 : f32
        %mul3A_1506 = vector.broadcast %mul3A_1505 : f32 to vector<16xf32>
        %mul3A_1507 = arith.mulf %get3A_1504, %mul3A_1506 : vector<16xf32>
        %swap3A_1508 = arith.index_cast %add3A_1476 : i32 to index
        %swap3A_1509 = arith.constant 32 : index
        %swap3A_1510 = tpu.vector_load %arg11[%swap3A_1508, %swap3A_1509] {strides = array<i32>} : memref<128x64xf32, #tpu.memory_space<vmem>>, vector<1x16xf32>,
        %swap3A_1511 = vector.shape_cast %swap3A_1510 : vector<1x16xf32> to vector<16xf32>
        %swap3A_1512 = vector.shape_cast %mul3A_1507 : vector<16xf32> to vector<1x16xf32>
        tpu.vector_store %arg11[%swap3A_1508, %swap3A_1509], %swap3A_1512 {strides = array<i32>} : memref<128x64xf32, #tpu.memory_space<vmem>>, vector<1x16xf32>,
        %get3A_1513 = arith.index_cast %add3A_1476 : i32 to index
        %get3A_1514 = arith.constant 48 : index
        %get3A_1515 = tpu.vector_load %arg7[%get3A_1513, %get3A_1514] {strides = array<i32>} : memref<128x64xf32, #tpu.memory_space<vmem>>, vector<1x16xf32>,
        %get3A_1516 = vector.shape_cast %get3A_1515 : vector<1x16xf32> to vector<16xf32>
        %mul3A_1517 = arith.constant 8.000000e+00 : f32
        %mul3A_1518 = vector.broadcast %mul3A_1517 : f32 to vector<16xf32>
        %mul3A_1519 = arith.mulf %get3A_1516, %mul3A_1518 : vector<16xf32>
        %swap3A_1520 = arith.index_cast %add3A_1476 : i32 to index
        %swap3A_1521 = arith.constant 48 : index
        %swap3A_1522 = tpu.vector_load %arg11[%swap3A_1520, %swap3A_1521] {strides = array<i32>} : memref<128x64xf32, #tpu.memory_space<vmem>>, vector<1x16xf32>,
        %swap3A_1523 = vector.shape_cast %swap3A_1522 : vector<1x16xf32> to vector<16xf32>
        %swap3A_1524 = vector.shape_cast %mul3A_1519 : vector<16xf32> to vector<1x16xf32>
        tpu.vector_store %arg11[%swap3A_1520, %swap3A_1521], %swap3A_1524 {strides = array<i32>} : memref<128x64xf32, #tpu.memory_space<vmem>>, vector<1x16xf32>,
        %scan3A_1525 = arith.constant 0 : i32
        scf.yield %scan3A_1525 : i32
      }
      %scan3A_927 = arith.constant 32 : i32
      %mul3A_928 = arith.constant 128 : i32
      %mul3A_929 = arith.muli %add3A_907, %mul3A_928 : i32
      %add3A_930 = arith.addi %mul3A_2, %mul3A_929 : i32
      %dma_start3A_931 = arith.constant 0 : i32
      %dma_start3A_932 = tpu.memref_slice %arg4[%add3A_930, %dma_start3A_931] : memref<819200x64xf32, #tpu.memory_space<hbm>> -> memref<128x64xf32, #tpu.memory_space<hbm>>
      %dma_start3A_933 = arith.constant 0 : i32
      %dma_start3A_934 = tpu.memref_slice %arg4[%add3A_930, %dma_start3A_933] : memref<819200x64xf32, #tpu.memory_space<hbm>> -> memref<128x64xf32, #tpu.memory_space<hbm>>
      tpu.enqueue_dma source(%arg11 : memref<128x64xf32, #tpu.memory_space<vmem>>) target(%dma_start3A_934 : memref<128x64xf32, #tpu.memory_space<hbm>>) target_semaphore(%arg19 : memref<!tpu.dma_semaphore, #tpu.memory_space<semaphore_mem>>)
      %add3A_935 = arith.constant 4 : i32
      %add3A_936 = arith.addi %add3A_907, %add3A_935 : i32
      %mul3A_937 = arith.constant 128 : i32
      %mul3A_938 = arith.muli %add3A_936, %mul3A_937 : i32
      %add3A_939 = arith.constant 0 : i32
      %add3A_940 = arith.addi %mul3A_938, %add3A_939 : i32
      %get3A_941 = arith.index_cast %add3A_940 : i32 to index
      %get3A_942 = tpu.vector_load %arg5[%get3A_941] {strides = array<i32>} : memref<25600xi32, #tpu.memory_space<vmem>>, vector<16xi32>,
      %get3A_943 = vector.shape_cast %get3A_942 : vector<16xi32> to vector<16xi32>
      %dma_start3A_944 = arith.constant 0 : i32
      %dma_start3A_945 = arith.constant 0 : i32
      %dma_start3A_946 = tpu.memref_slice %arg7[%dma_start3A_944, %dma_start3A_945] : memref<128x64xf32, #tpu.memory_space<vmem>> -> memref<16x64xf32, #tpu.memory_space<vmem>>
      %dma_start3A_947 = arith.constant 0 : i32
      %dma_start3A_948 = arith.constant 0 : i32
      %dma_start3A_949 = tpu.memref_slice %arg3[%dma_start3A_947, %dma_start3A_948] : memref<1000000x64xf32, #tpu.memory_space<hbm>> -> memref<1000000x64xf32, #tpu.memory_space<hbm>>
      tpu.enqueue_indirect_dma source(%dma_start3A_949 : memref<1000000x64xf32, #tpu.memory_space<hbm>>) target(%dma_start3A_946 : memref<16x64xf32, #tpu.memory_space<vmem>>) offsets(%get3A_943 : vector<16xi32>) semaphore(%arg15 : memref<!tpu.dma_semaphore, #tpu.memory_space<semaphore_mem>>)
      %mul3A_950 = arith.constant 128 : i32
      %mul3A_951 = arith.muli %add3A_936, %mul3A_950 : i32
      %add3A_952 = arith.constant 16 : i32
      %add3A_953 = arith.addi %mul3A_951, %add3A_952 : i32
      %get3A_954 = arith.index_cast %add3A_953 : i32 to index
      %get3A_955 = tpu.vector_load %arg5[%get3A_954] {strides = array<i32>} : memref<25600xi32, #tpu.memory_space<vmem>>, vector<16xi32>,
      %get3A_956 = vector.shape_cast %get3A_955 : vector<16xi32> to vector<16xi32>
      %dma_start3A_957 = arith.constant 16 : i32
      %dma_start3A_958 = arith.constant 0 : i32
      %dma_start3A_959 = tpu.memref_slice %arg7[%dma_start3A_957, %dma_start3A_958] : memref<128x64xf32, #tpu.memory_space<vmem>> -> memref<16x64xf32, #tpu.memory_space<vmem>>
      %dma_start3A_960 = arith.constant 0 : i32
      %dma_start3A_961 = arith.constant 0 : i32
      %dma_start3A_962 = tpu.memref_slice %arg3[%dma_start3A_960, %dma_start3A_961] : memref<1000000x64xf32, #tpu.memory_space<hbm>> -> memref<1000000x64xf32, #tpu.memory_space<hbm>>
      tpu.enqueue_indirect_dma source(%dma_start3A_962 : memref<1000000x64xf32, #tpu.memory_space<hbm>>) target(%dma_start3A_959 : memref<16x64xf32, #tpu.memory_space<vmem>>) offsets(%get3A_956 : vector<16xi32>) semaphore(%arg15 : memref<!tpu.dma_semaphore, #tpu.memory_space<semaphore_mem>>)
      %mul3A_963 = arith.constant 128 : i32
      %mul3A_964 = arith.muli %add3A_936, %mul3A_963 : i32
      %add3A_965 = arith.constant 32 : i32
      %add3A_966 = arith.addi %mul3A_964, %add3A_965 : i32
      %get3A_967 = arith.index_cast %add3A_966 : i32 to index
      %get3A_968 = tpu.vector_load %arg5[%get3A_967] {strides = array<i32>} : memref<25600xi32, #tpu.memory_space<vmem>>, vector<16xi32>,
      %get3A_969 = vector.shape_cast %get3A_968 : vector<16xi32> to vector<16xi32>
      %dma_start3A_970 = arith.constant 32 : i32
      %dma_start3A_971 = arith.constant 0 : i32
      %dma_start3A_972 = tpu.memref_slice %arg7[%dma_start3A_970, %dma_start3A_971] : memref<128x64xf32, #tpu.memory_space<vmem>> -> memref<16x64xf32, #tpu.memory_space<vmem>>
      %dma_start3A_973 = arith.constant 0 : i32
      %dma_start3A_974 = arith.constant 0 : i32
      %dma_start3A_975 = tpu.memref_slice %arg3[%dma_start3A_973, %dma_start3A_974] : memref<1000000x64xf32, #tpu.memory_space<hbm>> -> memref<1000000x64xf32, #tpu.memory_space<hbm>>
      tpu.enqueue_indirect_dma source(%dma_start3A_975 : memref<1000000x64xf32, #tpu.memory_space<hbm>>) target(%dma_start3A_972 : memref<16x64xf32, #tpu.memory_space<vmem>>) offsets(%get3A_969 : vector<16xi32>) semaphore(%arg15 : memref<!tpu.dma_semaphore, #tpu.memory_space<semaphore_mem>>)
      %mul3A_976 = arith.constant 128 : i32
      %mul3A_977 = arith.muli %add3A_936, %mul3A_976 : i32
      %add3A_978 = arith.constant 48 : i32
      %add3A_979 = arith.addi %mul3A_977, %add3A_978 : i32
      %get3A_980 = arith.index_cast %add3A_979 : i32 to index
      %get3A_981 = tpu.vector_load %arg5[%get3A_980] {strides = array<i32>} : memref<25600xi32, #tpu.memory_space<vmem>>, vector<16xi32>,
      %get3A_982 = vector.shape_cast %get3A_981 : vector<16xi32> to vector<16xi32>
      %dma_start3A_983 = arith.constant 48 : i32
      %dma_start3A_984 = arith.constant 0 : i32
      %dma_start3A_985 = tpu.memref_slice %arg7[%dma_start3A_983, %dma_start3A_984] : memref<128x64xf32, #tpu.memory_space<vmem>> -> memref<16x64xf32, #tpu.memory_space<vmem>>
      %dma_start3A_986 = arith.constant 0 : i32
      %dma_start3A_987 = arith.constant 0 : i32
      %dma_start3A_988 = tpu.memref_slice %arg3[%dma_start3A_986, %dma_start3A_987] : memref<1000000x64xf32, #tpu.memory_space<hbm>> -> memref<1000000x64xf32, #tpu.memory_space<hbm>>
      tpu.enqueue_indirect_dma source(%dma_start3A_988 : memref<1000000x64xf32, #tpu.memory_space<hbm>>) target(%dma_start3A_985 : memref<16x64xf32, #tpu.memory_space<vmem>>) offsets(%get3A_982 : vector<16xi32>) semaphore(%arg15 : memref<!tpu.dma_semaphore, #tpu.memory_space<semaphore_mem>>)
      %mul3A_989 = arith.constant 128 : i32
      %mul3A_990 = arith.muli %add3A_936, %mul3A_989 : i32
      %add3A_991 = arith.constant 64 : i32
      %add3A_992 = arith.addi %mul3A_990, %add3A_991 : i32
      %get3A_993 = arith.index_cast %add3A_992 : i32 to index
      %get3A_994 = tpu.vector_load %arg5[%get3A_993] {strides = array<i32>} : memref<25600xi32, #tpu.memory_space<vmem>>, vector<16xi32>,
      %get3A_995 = vector.shape_cast %get3A_994 : vector<16xi32> to vector<16xi32>
      %dma_start3A_996 = arith.constant 64 : i32
      %dma_start3A_997 = arith.constant 0 : i32
      %dma_start3A_998 = tpu.memref_slice %arg7[%dma_start3A_996, %dma_start3A_997] : memref<128x64xf32, #tpu.memory_space<vmem>> -> memref<16x64xf32, #tpu.memory_space<vmem>>
      %dma_start3A_999 = arith.constant 0 : i32
      %dma_start3A_1000 = arith.constant 0 : i32
      %dma_start3A_1001 = tpu.memref_slice %arg3[%dma_start3A_999, %dma_start3A_1000] : memref<1000000x64xf32, #tpu.memory_space<hbm>> -> memref<1000000x64xf32, #tpu.memory_space<hbm>>
      tpu.enqueue_indirect_dma source(%dma_start3A_1001 : memref<1000000x64xf32, #tpu.memory_space<hbm>>) target(%dma_start3A_998 : memref<16x64xf32, #tpu.memory_space<vmem>>) offsets(%get3A_995 : vector<16xi32>) semaphore(%arg15 : memref<!tpu.dma_semaphore, #tpu.memory_space<semaphore_mem>>)
      %mul3A_1002 = arith.constant 128 : i32
      %mul3A_1003 = arith.muli %add3A_936, %mul3A_1002 : i32
      %add3A_1004 = arith.constant 80 : i32
      %add3A_1005 = arith.addi %mul3A_1003, %add3A_1004 : i32
      %get3A_1006 = arith.index_cast %add3A_1005 : i32 to index
      %get3A_1007 = tpu.vector_load %arg5[%get3A_1006] {strides = array<i32>} : memref<25600xi32, #tpu.memory_space<vmem>>, vector<16xi32>,
      %get3A_1008 = vector.shape_cast %get3A_1007 : vector<16xi32> to vector<16xi32>
      %dma_start3A_1009 = arith.constant 80 : i32
      %dma_start3A_1010 = arith.constant 0 : i32
      %dma_start3A_1011 = tpu.memref_slice %arg7[%dma_start3A_1009, %dma_start3A_1010] : memref<128x64xf32, #tpu.memory_space<vmem>> -> memref<16x64xf32, #tpu.memory_space<vmem>>
      %dma_start3A_1012 = arith.constant 0 : i32
      %dma_start3A_1013 = arith.constant 0 : i32
      %dma_start3A_1014 = tpu.memref_slice %arg3[%dma_start3A_1012, %dma_start3A_1013] : memref<1000000x64xf32, #tpu.memory_space<hbm>> -> memref<1000000x64xf32, #tpu.memory_space<hbm>>
      tpu.enqueue_indirect_dma source(%dma_start3A_1014 : memref<1000000x64xf32, #tpu.memory_space<hbm>>) target(%dma_start3A_1011 : memref<16x64xf32, #tpu.memory_space<vmem>>) offsets(%get3A_1008 : vector<16xi32>) semaphore(%arg15 : memref<!tpu.dma_semaphore, #tpu.memory_space<semaphore_mem>>)
      %mul3A_1015 = arith.constant 128 : i32
      %mul3A_1016 = arith.muli %add3A_936, %mul3A_1015 : i32
      %add3A_1017 = arith.constant 96 : i32
      %add3A_1018 = arith.addi %mul3A_1016, %add3A_1017 : i32
      %get3A_1019 = arith.index_cast %add3A_1018 : i32 to index
      %get3A_1020 = tpu.vector_load %arg5[%get3A_1019] {strides = array<i32>} : memref<25600xi32, #tpu.memory_space<vmem>>, vector<16xi32>,
      %get3A_1021 = vector.shape_cast %get3A_1020 : vector<16xi32> to vector<16xi32>
      %dma_start3A_1022 = arith.constant 96 : i32
      %dma_start3A_1023 = arith.constant 0 : i32
      %dma_start3A_1024 = tpu.memref_slice %arg7[%dma_start3A_1022, %dma_start3A_1023] : memref<128x64xf32, #tpu.memory_space<vmem>> -> memref<16x64xf32, #tpu.memory_space<vmem>>
      %dma_start3A_1025 = arith.constant 0 : i32
      %dma_start3A_1026 = arith.constant 0 : i32
      %dma_start3A_1027 = tpu.memref_slice %arg3[%dma_start3A_1025, %dma_start3A_1026] : memref<1000000x64xf32, #tpu.memory_space<hbm>> -> memref<1000000x64xf32, #tpu.memory_space<hbm>>
      tpu.enqueue_indirect_dma source(%dma_start3A_1027 : memref<1000000x64xf32, #tpu.memory_space<hbm>>) target(%dma_start3A_1024 : memref<16x64xf32, #tpu.memory_space<vmem>>) offsets(%get3A_1021 : vector<16xi32>) semaphore(%arg15 : memref<!tpu.dma_semaphore, #tpu.memory_space<semaphore_mem>>)
      %mul3A_1028 = arith.constant 128 : i32
      %mul3A_1029 = arith.muli %add3A_936, %mul3A_1028 : i32
      %add3A_1030 = arith.constant 112 : i32
      %add3A_1031 = arith.addi %mul3A_1029, %add3A_1030 : i32
      %get3A_1032 = arith.index_cast %add3A_1031 : i32 to index
      %get3A_1033 = tpu.vector_load %arg5[%get3A_1032] {strides = array<i32>} : memref<25600xi32, #tpu.memory_space<vmem>>, vector<16xi32>,
      %get3A_1034 = vector.shape_cast %get3A_1033 : vector<16xi32> to vector<16xi32>
      %dma_start3A_1035 = arith.constant 112 : i32
      %dma_start3A_1036 = arith.constant 0 : i32
      %dma_start3A_1037 = tpu.memref_slice %arg7[%dma_start3A_1035, %dma_start3A_1036] : memref<128x64xf32, #tpu.memory_space<vmem>> -> memref<16x64xf32, #tpu.memory_space<vmem>>
      %dma_start3A_1038 = arith.constant 0 : i32
      %dma_start3A_1039 = arith.constant 0 : i32
      %dma_start3A_1040 = tpu.memref_slice %arg3[%dma_start3A_1038, %dma_start3A_1039] : memref<1000000x64xf32, #tpu.memory_space<hbm>> -> memref<1000000x64xf32, #tpu.memory_space<hbm>>
      tpu.enqueue_indirect_dma source(%dma_start3A_1040 : memref<1000000x64xf32, #tpu.memory_space<hbm>>) target(%dma_start3A_1037 : memref<16x64xf32, #tpu.memory_space<vmem>>) offsets(%get3A_1034 : vector<16xi32>) semaphore(%arg15 : memref<!tpu.dma_semaphore, #tpu.memory_space<semaphore_mem>>)
      %mul3A_1041 = arith.constant 4 : i32
      %mul3A_1042 = arith.muli %scan3A_766, %mul3A_1041 : i32
      %add3A_1043 = arith.constant 2 : i32
      %add3A_1044 = arith.addi %mul3A_1042, %add3A_1043 : i32
      %dma_wait3A_1045 = arith.constant 0 : i32
      %dma_wait3A_1046 = tpu.memref_slice %arg4[%mul3A_2, %dma_wait3A_1045] : memref<819200x64xf32, #tpu.memory_space<hbm>> -> memref<128x64xf32, #tpu.memory_space<hbm>>
      %dma_wait3A_1047 = arith.constant 0 : i32
      %dma_wait3A_1048 = tpu.memref_slice %arg4[%mul3A_2, %dma_wait3A_1047] : memref<819200x64xf32, #tpu.memory_space<hbm>> -> memref<128x64xf32, #tpu.memory_space<hbm>>
      tpu.wait_dma2 semaphore(%arg16 : memref<!tpu.dma_semaphore, #tpu.memory_space<semaphore_mem>>) src(%dma_wait3A_1048 : memref<128x64xf32, #tpu.memory_space<hbm>>) dst(%arg8 : memref<128x64xf32, #tpu.memory_space<vmem>>)
      %sub3A_1049 = arith.constant 4 : i32
      %sub3A_1050 = arith.subi %add3A_1044, %sub3A_1049 : i32
      %mul3A_1051 = arith.constant 128 : i32
      %mul3A_1052 = arith.muli %sub3A_1050, %mul3A_1051 : i32
      %add3A_1053 = arith.addi %mul3A_2, %mul3A_1052 : i32
      %dma_wait3A_1054 = arith.constant 0 : i32
      %dma_wait3A_1055 = tpu.memref_slice %arg4[%add3A_1053, %dma_wait3A_1054] : memref<819200x64xf32, #tpu.memory_space<hbm>> -> memref<128x64xf32, #tpu.memory_space<hbm>>
      %dma_wait3A_1056 = arith.constant 0 : i32
      %dma_wait3A_1057 = tpu.memref_slice %arg4[%add3A_1053, %dma_wait3A_1056] : memref<819200x64xf32, #tpu.memory_space<hbm>> -> memref<128x64xf32, #tpu.memory_space<hbm>>
      tpu.wait_dma2 semaphore(%arg20 : memref<!tpu.dma_semaphore, #tpu.memory_space<semaphore_mem>>) src(%arg12 : memref<128x64xf32, #tpu.memory_space<vmem>>) dst(%dma_wait3A_1057 : memref<128x64xf32, #tpu.memory_space<hbm>>)
      %scan3A_1058 = arith.constant 0 : i32
      %scan3A_1059 = arith.constant 0 : i32
      %scan3A_1060 = arith.constant 32 : i32
      %scan3A_1061 = arith.addi %scan3A_1059, %scan3A_1060 : i32
      %scan3A_1062 = arith.constant 1 : i32
      %scan3A_1063 = scf.for %scan3A_1316 = %scan3A_1059 to %scan3A_1061 step %scan3A_1062 iter_args(%scan3A_1317 = %scan3A_1058) -> (i32)  : i32 {
        %mul3A_1318 = arith.constant 4 : i32
        %mul3A_1319 = arith.muli %scan3A_1316, %mul3A_1318 : i32
        %add3A_1320 = arith.constant 0 : i32
        %add3A_1321 = arith.addi %mul3A_1319, %add3A_1320 : i32
        %get3A_1322 = arith.index_cast %add3A_1321 : i32 to index
        %get3A_1323 = arith.constant 0 : index
        %get3A_1324 = tpu.vector_load %arg8[%get3A_1322, %get3A_1323] {strides = array<i32>} : memref<128x64xf32, #tpu.memory_space<vmem>>, vector<1x16xf32>,
        %get3A_1325 = vector.shape_cast %get3A_1324 : vector<1x16xf32> to vector<16xf32>
        %mul3A_1326 = arith.constant 8.000000e+00 : f32
        %mul3A_1327 = vector.broadcast %mul3A_1326 : f32 to vector<16xf32>
        %mul3A_1328 = arith.mulf %get3A_1325, %mul3A_1327 : vector<16xf32>
        %swap3A = arith.index_cast %add3A_1321 : i32 to index
        %swap3A_1329 = arith.constant 0 : index
        %swap3A_1330 = tpu.vector_load %arg12[%swap3A, %swap3A_1329] {strides = array<i32>} : memref<128x64xf32, #tpu.memory_space<vmem>>, vector<1x16xf32>,
        %swap3A_1331 = vector.shape_cast %swap3A_1330 : vector<1x16xf32> to vector<16xf32>
        %swap3A_1332 = vector.shape_cast %mul3A_1328 : vector<16xf32> to vector<1x16xf32>
        tpu.vector_store %arg12[%swap3A, %swap3A_1329], %swap3A_1332 {strides = array<i32>} : memref<128x64xf32, #tpu.memory_space<vmem>>, vector<1x16xf32>,
        %get3A_1333 = arith.index_cast %add3A_1321 : i32 to index
        %get3A_1334 = arith.constant 16 : index
        %get3A_1335 = tpu.vector_load %arg8[%get3A_1333, %get3A_1334] {strides = array<i32>} : memref<128x64xf32, #tpu.memory_space<vmem>>, vector<1x16xf32>,
        %get3A_1336 = vector.shape_cast %get3A_1335 : vector<1x16xf32> to vector<16xf32>
        %mul3A_1337 = arith.constant 8.000000e+00 : f32
        %mul3A_1338 = vector.broadcast %mul3A_1337 : f32 to vector<16xf32>
        %mul3A_1339 = arith.mulf %get3A_1336, %mul3A_1338 : vector<16xf32>
        %swap3A_1340 = arith.index_cast %add3A_1321 : i32 to index
        %swap3A_1341 = arith.constant 16 : index
        %swap3A_1342 = tpu.vector_load %arg12[%swap3A_1340, %swap3A_1341] {strides = array<i32>} : memref<128x64xf32, #tpu.memory_space<vmem>>, vector<1x16xf32>,
        %swap3A_1343 = vector.shape_cast %swap3A_1342 : vector<1x16xf32> to vector<16xf32>
        %swap3A_1344 = vector.shape_cast %mul3A_1339 : vector<16xf32> to vector<1x16xf32>
        tpu.vector_store %arg12[%swap3A_1340, %swap3A_1341], %swap3A_1344 {strides = array<i32>} : memref<128x64xf32, #tpu.memory_space<vmem>>, vector<1x16xf32>,
        %get3A_1345 = arith.index_cast %add3A_1321 : i32 to index
        %get3A_1346 = arith.constant 32 : index
        %get3A_1347 = tpu.vector_load %arg8[%get3A_1345, %get3A_1346] {strides = array<i32>} : memref<128x64xf32, #tpu.memory_space<vmem>>, vector<1x16xf32>,
        %get3A_1348 = vector.shape_cast %get3A_1347 : vector<1x16xf32> to vector<16xf32>
        %mul3A_1349 = arith.constant 8.000000e+00 : f32
        %mul3A_1350 = vector.broadcast %mul3A_1349 : f32 to vector<16xf32>
        %mul3A_1351 = arith.mulf %get3A_1348, %mul3A_1350 : vector<16xf32>
        %swap3A_1352 = arith.index_cast %add3A_1321 : i32 to index
        %swap3A_1353 = arith.constant 32 : index
        %swap3A_1354 = tpu.vector_load %arg12[%swap3A_1352, %swap3A_1353] {strides = array<i32>} : memref<128x64xf32, #tpu.memory_space<vmem>>, vector<1x16xf32>,
        %swap3A_1355 = vector.shape_cast %swap3A_1354 : vector<1x16xf32> to vector<16xf32>
        %swap3A_1356 = vector.shape_cast %mul3A_1351 : vector<16xf32> to vector<1x16xf32>
        tpu.vector_store %arg12[%swap3A_1352, %swap3A_1353], %swap3A_1356 {strides = array<i32>} : memref<128x64xf32, #tpu.memory_space<vmem>>, vector<1x16xf32>,
        %get3A_1357 = arith.index_cast %add3A_1321 : i32 to index
        %get3A_1358 = arith.constant 48 : index
        %get3A_1359 = tpu.vector_load %arg8[%get3A_1357, %get3A_1358] {strides = array<i32>} : memref<128x64xf32, #tpu.memory_space<vmem>>, vector<1x16xf32>,
        %get3A_1360 = vector.shape_cast %get3A_1359 : vector<1x16xf32> to vector<16xf32>
        %mul3A_1361 = arith.constant 8.000000e+00 : f32
        %mul3A_1362 = vector.broadcast %mul3A_1361 : f32 to vector<16xf32>
        %mul3A_1363 = arith.mulf %get3A_1360, %mul3A_1362 : vector<16xf32>
        %swap3A_1364 = arith.index_cast %add3A_1321 : i32 to index
        %swap3A_1365 = arith.constant 48 : index
        %swap3A_1366 = tpu.vector_load %arg12[%swap3A_1364, %swap3A_1365] {strides = array<i32>} : memref<128x64xf32, #tpu.memory_space<vmem>>, vector<1x16xf32>,
        %swap3A_1367 = vector.shape_cast %swap3A_1366 : vector<1x16xf32> to vector<16xf32>
        %swap3A_1368 = vector.shape_cast %mul3A_1363 : vector<16xf32> to vector<1x16xf32>
        tpu.vector_store %arg12[%swap3A_1364, %swap3A_1365], %swap3A_1368 {strides = array<i32>} : memref<128x64xf32, #tpu.memory_space<vmem>>, vector<1x16xf32>,
        %mul3A_1369 = arith.constant 4 : i32
        %mul3A_1370 = arith.muli %scan3A_1316, %mul3A_1369 : i32
        %add3A_1371 = arith.constant 1 : i32
        %add3A_1372 = arith.addi %mul3A_1370, %add3A_1371 : i32
        %get3A_1373 = arith.index_cast %add3A_1372 : i32 to index
        %get3A_1374 = arith.constant 0 : index
        %get3A_1375 = tpu.vector_load %arg8[%get3A_1373, %get3A_1374] {strides = array<i32>} : memref<128x64xf32, #tpu.memory_space<vmem>>, vector<1x16xf32>,
        %get3A_1376 = vector.shape_cast %get3A_1375 : vector<1x16xf32> to vector<16xf32>
        %mul3A_1377 = arith.constant 8.000000e+00 : f32
        %mul3A_1378 = vector.broadcast %mul3A_1377 : f32 to vector<16xf32>
        %mul3A_1379 = arith.mulf %get3A_1376, %mul3A_1378 : vector<16xf32>
        %swap3A_1380 = arith.index_cast %add3A_1372 : i32 to index
        %swap3A_1381 = arith.constant 0 : index
        %swap3A_1382 = tpu.vector_load %arg12[%swap3A_1380, %swap3A_1381] {strides = array<i32>} : memref<128x64xf32, #tpu.memory_space<vmem>>, vector<1x16xf32>,
        %swap3A_1383 = vector.shape_cast %swap3A_1382 : vector<1x16xf32> to vector<16xf32>
        %swap3A_1384 = vector.shape_cast %mul3A_1379 : vector<16xf32> to vector<1x16xf32>
        tpu.vector_store %arg12[%swap3A_1380, %swap3A_1381], %swap3A_1384 {strides = array<i32>} : memref<128x64xf32, #tpu.memory_space<vmem>>, vector<1x16xf32>,
        %get3A_1385 = arith.index_cast %add3A_1372 : i32 to index
        %get3A_1386 = arith.constant 16 : index
        %get3A_1387 = tpu.vector_load %arg8[%get3A_1385, %get3A_1386] {strides = array<i32>} : memref<128x64xf32, #tpu.memory_space<vmem>>, vector<1x16xf32>,
        %get3A_1388 = vector.shape_cast %get3A_1387 : vector<1x16xf32> to vector<16xf32>
        %mul3A_1389 = arith.constant 8.000000e+00 : f32
        %mul3A_1390 = vector.broadcast %mul3A_1389 : f32 to vector<16xf32>
        %mul3A_1391 = arith.mulf %get3A_1388, %mul3A_1390 : vector<16xf32>
        %swap3A_1392 = arith.index_cast %add3A_1372 : i32 to index
        %swap3A_1393 = arith.constant 16 : index
        %swap3A_1394 = tpu.vector_load %arg12[%swap3A_1392, %swap3A_1393] {strides = array<i32>} : memref<128x64xf32, #tpu.memory_space<vmem>>, vector<1x16xf32>,
        %swap3A_1395 = vector.shape_cast %swap3A_1394 : vector<1x16xf32> to vector<16xf32>
        %swap3A_1396 = vector.shape_cast %mul3A_1391 : vector<16xf32> to vector<1x16xf32>
        tpu.vector_store %arg12[%swap3A_1392, %swap3A_1393], %swap3A_1396 {strides = array<i32>} : memref<128x64xf32, #tpu.memory_space<vmem>>, vector<1x16xf32>,
        %get3A_1397 = arith.index_cast %add3A_1372 : i32 to index
        %get3A_1398 = arith.constant 32 : index
        %get3A_1399 = tpu.vector_load %arg8[%get3A_1397, %get3A_1398] {strides = array<i32>} : memref<128x64xf32, #tpu.memory_space<vmem>>, vector<1x16xf32>,
        %get3A_1400 = vector.shape_cast %get3A_1399 : vector<1x16xf32> to vector<16xf32>
        %mul3A_1401 = arith.constant 8.000000e+00 : f32
        %mul3A_1402 = vector.broadcast %mul3A_1401 : f32 to vector<16xf32>
        %mul3A_1403 = arith.mulf %get3A_1400, %mul3A_1402 : vector<16xf32>
        %swap3A_1404 = arith.index_cast %add3A_1372 : i32 to index
        %swap3A_1405 = arith.constant 32 : index
        %swap3A_1406 = tpu.vector_load %arg12[%swap3A_1404, %swap3A_1405] {strides = array<i32>} : memref<128x64xf32, #tpu.memory_space<vmem>>, vector<1x16xf32>,
        %swap3A_1407 = vector.shape_cast %swap3A_1406 : vector<1x16xf32> to vector<16xf32>
        %swap3A_1408 = vector.shape_cast %mul3A_1403 : vector<16xf32> to vector<1x16xf32>
        tpu.vector_store %arg12[%swap3A_1404, %swap3A_1405], %swap3A_1408 {strides = array<i32>} : memref<128x64xf32, #tpu.memory_space<vmem>>, vector<1x16xf32>,
        %get3A_1409 = arith.index_cast %add3A_1372 : i32 to index
        %get3A_1410 = arith.constant 48 : index
        %get3A_1411 = tpu.vector_load %arg8[%get3A_1409, %get3A_1410] {strides = array<i32>} : memref<128x64xf32, #tpu.memory_space<vmem>>, vector<1x16xf32>,
        %get3A_1412 = vector.shape_cast %get3A_1411 : vector<1x16xf32> to vector<16xf32>
        %mul3A_1413 = arith.constant 8.000000e+00 : f32
        %mul3A_1414 = vector.broadcast %mul3A_1413 : f32 to vector<16xf32>
        %mul3A_1415 = arith.mulf %get3A_1412, %mul3A_1414 : vector<16xf32>
        %swap3A_1416 = arith.index_cast %add3A_1372 : i32 to index
        %swap3A_1417 = arith.constant 48 : index
        %swap3A_1418 = tpu.vector_load %arg12[%swap3A_1416, %swap3A_1417] {strides = array<i32>} : memref<128x64xf32, #tpu.memory_space<vmem>>, vector<1x16xf32>,
        %swap3A_1419 = vector.shape_cast %swap3A_1418 : vector<1x16xf32> to vector<16xf32>
        %swap3A_1420 = vector.shape_cast %mul3A_1415 : vector<16xf32> to vector<1x16xf32>
        tpu.vector_store %arg12[%swap3A_1416, %swap3A_1417], %swap3A_1420 {strides = array<i32>} : memref<128x64xf32, #tpu.memory_space<vmem>>, vector<1x16xf32>,
        %mul3A_1421 = arith.constant 4 : i32
        %mul3A_1422 = arith.muli %scan3A_1316, %mul3A_1421 : i32
        %add3A_1423 = arith.constant 2 : i32
        %add3A_1424 = arith.addi %mul3A_1422, %add3A_1423 : i32
        %get3A_1425 = arith.index_cast %add3A_1424 : i32 to index
        %get3A_1426 = arith.constant 0 : index
        %get3A_1427 = tpu.vector_load %arg8[%get3A_1425, %get3A_1426] {strides = array<i32>} : memref<128x64xf32, #tpu.memory_space<vmem>>, vector<1x16xf32>,
        %get3A_1428 = vector.shape_cast %get3A_1427 : vector<1x16xf32> to vector<16xf32>
        %mul3A_1429 = arith.constant 8.000000e+00 : f32
        %mul3A_1430 = vector.broadcast %mul3A_1429 : f32 to vector<16xf32>
        %mul3A_1431 = arith.mulf %get3A_1428, %mul3A_1430 : vector<16xf32>
        %swap3A_1432 = arith.index_cast %add3A_1424 : i32 to index
        %swap3A_1433 = arith.constant 0 : index
        %swap3A_1434 = tpu.vector_load %arg12[%swap3A_1432, %swap3A_1433] {strides = array<i32>} : memref<128x64xf32, #tpu.memory_space<vmem>>, vector<1x16xf32>,
        %swap3A_1435 = vector.shape_cast %swap3A_1434 : vector<1x16xf32> to vector<16xf32>
        %swap3A_1436 = vector.shape_cast %mul3A_1431 : vector<16xf32> to vector<1x16xf32>
        tpu.vector_store %arg12[%swap3A_1432, %swap3A_1433], %swap3A_1436 {strides = array<i32>} : memref<128x64xf32, #tpu.memory_space<vmem>>, vector<1x16xf32>,
        %get3A_1437 = arith.index_cast %add3A_1424 : i32 to index
        %get3A_1438 = arith.constant 16 : index
        %get3A_1439 = tpu.vector_load %arg8[%get3A_1437, %get3A_1438] {strides = array<i32>} : memref<128x64xf32, #tpu.memory_space<vmem>>, vector<1x16xf32>,
        %get3A_1440 = vector.shape_cast %get3A_1439 : vector<1x16xf32> to vector<16xf32>
        %mul3A_1441 = arith.constant 8.000000e+00 : f32
        %mul3A_1442 = vector.broadcast %mul3A_1441 : f32 to vector<16xf32>
        %mul3A_1443 = arith.mulf %get3A_1440, %mul3A_1442 : vector<16xf32>
        %swap3A_1444 = arith.index_cast %add3A_1424 : i32 to index
        %swap3A_1445 = arith.constant 16 : index
        %swap3A_1446 = tpu.vector_load %arg12[%swap3A_1444, %swap3A_1445] {strides = array<i32>} : memref<128x64xf32, #tpu.memory_space<vmem>>, vector<1x16xf32>,
        %swap3A_1447 = vector.shape_cast %swap3A_1446 : vector<1x16xf32> to vector<16xf32>
        %swap3A_1448 = vector.shape_cast %mul3A_1443 : vector<16xf32> to vector<1x16xf32>
        tpu.vector_store %arg12[%swap3A_1444, %swap3A_1445], %swap3A_1448 {strides = array<i32>} : memref<128x64xf32, #tpu.memory_space<vmem>>, vector<1x16xf32>,
        %get3A_1449 = arith.index_cast %add3A_1424 : i32 to index
        %get3A_1450 = arith.constant 32 : index
        %get3A_1451 = tpu.vector_load %arg8[%get3A_1449, %get3A_1450] {strides = array<i32>} : memref<128x64xf32, #tpu.memory_space<vmem>>, vector<1x16xf32>,
        %get3A_1452 = vector.shape_cast %get3A_1451 : vector<1x16xf32> to vector<16xf32>
        %mul3A_1453 = arith.constant 8.000000e+00 : f32
        %mul3A_1454 = vector.broadcast %mul3A_1453 : f32 to vector<16xf32>
        %mul3A_1455 = arith.mulf %get3A_1452, %mul3A_1454 : vector<16xf32>
        %swap3A_1456 = arith.index_cast %add3A_1424 : i32 to index
        %swap3A_1457 = arith.constant 32 : index
        %swap3A_1458 = tpu.vector_load %arg12[%swap3A_1456, %swap3A_1457] {strides = array<i32>} : memref<128x64xf32, #tpu.memory_space<vmem>>, vector<1x16xf32>,
        %swap3A_1459 = vector.shape_cast %swap3A_1458 : vector<1x16xf32> to vector<16xf32>
        %swap3A_1460 = vector.shape_cast %mul3A_1455 : vector<16xf32> to vector<1x16xf32>
        tpu.vector_store %arg12[%swap3A_1456, %swap3A_1457], %swap3A_1460 {strides = array<i32>} : memref<128x64xf32, #tpu.memory_space<vmem>>, vector<1x16xf32>,
        %get3A_1461 = arith.index_cast %add3A_1424 : i32 to index
        %get3A_1462 = arith.constant 48 : index
        %get3A_1463 = tpu.vector_load %arg8[%get3A_1461, %get3A_1462] {strides = array<i32>} : memref<128x64xf32, #tpu.memory_space<vmem>>, vector<1x16xf32>,
        %get3A_1464 = vector.shape_cast %get3A_1463 : vector<1x16xf32> to vector<16xf32>
        %mul3A_1465 = arith.constant 8.000000e+00 : f32
        %mul3A_1466 = vector.broadcast %mul3A_1465 : f32 to vector<16xf32>
        %mul3A_1467 = arith.mulf %get3A_1464, %mul3A_1466 : vector<16xf32>
        %swap3A_1468 = arith.index_cast %add3A_1424 : i32 to index
        %swap3A_1469 = arith.constant 48 : index
        %swap3A_1470 = tpu.vector_load %arg12[%swap3A_1468, %swap3A_1469] {strides = array<i32>} : memref<128x64xf32, #tpu.memory_space<vmem>>, vector<1x16xf32>,
        %swap3A_1471 = vector.shape_cast %swap3A_1470 : vector<1x16xf32> to vector<16xf32>
        %swap3A_1472 = vector.shape_cast %mul3A_1467 : vector<16xf32> to vector<1x16xf32>
        tpu.vector_store %arg12[%swap3A_1468, %swap3A_1469], %swap3A_1472 {strides = array<i32>} : memref<128x64xf32, #tpu.memory_space<vmem>>, vector<1x16xf32>,
        %mul3A_1473 = arith.constant 4 : i32
        %mul3A_1474 = arith.muli %scan3A_1316, %mul3A_1473 : i32
        %add3A_1475 = arith.constant 3 : i32
        %add3A_1476 = arith.addi %mul3A_1474, %add3A_1475 : i32
        %get3A_1477 = arith.index_cast %add3A_1476 : i32 to index
        %get3A_1478 = arith.constant 0 : index
        %get3A_1479 = tpu.vector_load %arg8[%get3A_1477, %get3A_1478] {strides = array<i32>} : memref<128x64xf32, #tpu.memory_space<vmem>>, vector<1x16xf32>,
        %get3A_1480 = vector.shape_cast %get3A_1479 : vector<1x16xf32> to vector<16xf32>
        %mul3A_1481 = arith.constant 8.000000e+00 : f32
        %mul3A_1482 = vector.broadcast %mul3A_1481 : f32 to vector<16xf32>
        %mul3A_1483 = arith.mulf %get3A_1480, %mul3A_1482 : vector<16xf32>
        %swap3A_1484 = arith.index_cast %add3A_1476 : i32 to index
        %swap3A_1485 = arith.constant 0 : index
        %swap3A_1486 = tpu.vector_load %arg12[%swap3A_1484, %swap3A_1485] {strides = array<i32>} : memref<128x64xf32, #tpu.memory_space<vmem>>, vector<1x16xf32>,
        %swap3A_1487 = vector.shape_cast %swap3A_1486 : vector<1x16xf32> to vector<16xf32>
        %swap3A_1488 = vector.shape_cast %mul3A_1483 : vector<16xf32> to vector<1x16xf32>
        tpu.vector_store %arg12[%swap3A_1484, %swap3A_1485], %swap3A_1488 {strides = array<i32>} : memref<128x64xf32, #tpu.memory_space<vmem>>, vector<1x16xf32>,
        %get3A_1489 = arith.index_cast %add3A_1476 : i32 to index
        %get3A_1490 = arith.constant 16 : index
        %get3A_1491 = tpu.vector_load %arg8[%get3A_1489, %get3A_1490] {strides = array<i32>} : memref<128x64xf32, #tpu.memory_space<vmem>>, vector<1x16xf32>,
        %get3A_1492 = vector.shape_cast %get3A_1491 : vector<1x16xf32> to vector<16xf32>
        %mul3A_1493 = arith.constant 8.000000e+00 : f32
        %mul3A_1494 = vector.broadcast %mul3A_1493 : f32 to vector<16xf32>
        %mul3A_1495 = arith.mulf %get3A_1492, %mul3A_1494 : vector<16xf32>
        %swap3A_1496 = arith.index_cast %add3A_1476 : i32 to index
        %swap3A_1497 = arith.constant 16 : index
        %swap3A_1498 = tpu.vector_load %arg12[%swap3A_1496, %swap3A_1497] {strides = array<i32>} : memref<128x64xf32, #tpu.memory_space<vmem>>, vector<1x16xf32>,
        %swap3A_1499 = vector.shape_cast %swap3A_1498 : vector<1x16xf32> to vector<16xf32>
        %swap3A_1500 = vector.shape_cast %mul3A_1495 : vector<16xf32> to vector<1x16xf32>
        tpu.vector_store %arg12[%swap3A_1496, %swap3A_1497], %swap3A_1500 {strides = array<i32>} : memref<128x64xf32, #tpu.memory_space<vmem>>, vector<1x16xf32>,
        %get3A_1501 = arith.index_cast %add3A_1476 : i32 to index
        %get3A_1502 = arith.constant 32 : index
        %get3A_1503 = tpu.vector_load %arg8[%get3A_1501, %get3A_1502] {strides = array<i32>} : memref<128x64xf32, #tpu.memory_space<vmem>>, vector<1x16xf32>,
        %get3A_1504 = vector.shape_cast %get3A_1503 : vector<1x16xf32> to vector<16xf32>
        %mul3A_1505 = arith.constant 8.000000e+00 : f32
        %mul3A_1506 = vector.broadcast %mul3A_1505 : f32 to vector<16xf32>
        %mul3A_1507 = arith.mulf %get3A_1504, %mul3A_1506 : vector<16xf32>
        %swap3A_1508 = arith.index_cast %add3A_1476 : i32 to index
        %swap3A_1509 = arith.constant 32 : index
        %swap3A_1510 = tpu.vector_load %arg12[%swap3A_1508, %swap3A_1509] {strides = array<i32>} : memref<128x64xf32, #tpu.memory_space<vmem>>, vector<1x16xf32>,
        %swap3A_1511 = vector.shape_cast %swap3A_1510 : vector<1x16xf32> to vector<16xf32>
        %swap3A_1512 = vector.shape_cast %mul3A_1507 : vector<16xf32> to vector<1x16xf32>
        tpu.vector_store %arg12[%swap3A_1508, %swap3A_1509], %swap3A_1512 {strides = array<i32>} : memref<128x64xf32, #tpu.memory_space<vmem>>, vector<1x16xf32>,
        %get3A_1513 = arith.index_cast %add3A_1476 : i32 to index
        %get3A_1514 = arith.constant 48 : index
        %get3A_1515 = tpu.vector_load %arg8[%get3A_1513, %get3A_1514] {strides = array<i32>} : memref<128x64xf32, #tpu.memory_space<vmem>>, vector<1x16xf32>,
        %get3A_1516 = vector.shape_cast %get3A_1515 : vector<1x16xf32> to vector<16xf32>
        %mul3A_1517 = arith.constant 8.000000e+00 : f32
        %mul3A_1518 = vector.broadcast %mul3A_1517 : f32 to vector<16xf32>
        %mul3A_1519 = arith.mulf %get3A_1516, %mul3A_1518 : vector<16xf32>
        %swap3A_1520 = arith.index_cast %add3A_1476 : i32 to index
        %swap3A_1521 = arith.constant 48 : index
        %swap3A_1522 = tpu.vector_load %arg12[%swap3A_1520, %swap3A_1521] {strides = array<i32>} : memref<128x64xf32, #tpu.memory_space<vmem>>, vector<1x16xf32>,
        %swap3A_1523 = vector.shape_cast %swap3A_1522 : vector<1x16xf32> to vector<16xf32>
        %swap3A_1524 = vector.shape_cast %mul3A_1519 : vector<16xf32> to vector<1x16xf32>
        tpu.vector_store %arg12[%swap3A_1520, %swap3A_1521], %swap3A_1524 {strides = array<i32>} : memref<128x64xf32, #tpu.memory_space<vmem>>, vector<1x16xf32>,
        %scan3A_1525 = arith.constant 0 : i32
        scf.yield %scan3A_1525 : i32
      }
      %scan3A_1064 = arith.constant 32 : i32
      %mul3A_1065 = arith.constant 128 : i32
      %mul3A_1066 = arith.muli %add3A_1044, %mul3A_1065 : i32
      %add3A_1067 = arith.addi %mul3A_2, %mul3A_1066 : i32
      %dma_start3A_1068 = arith.constant 0 : i32
      %dma_start3A_1069 = tpu.memref_slice %arg4[%add3A_1067, %dma_start3A_1068] : memref<819200x64xf32, #tpu.memory_space<hbm>> -> memref<128x64xf32, #tpu.memory_space<hbm>>
      %dma_start3A_1070 = arith.constant 0 : i32
      %dma_start3A_1071 = tpu.memref_slice %arg4[%add3A_1067, %dma_start3A_1070] : memref<819200x64xf32, #tpu.memory_space<hbm>> -> memref<128x64xf32, #tpu.memory_space<hbm>>
      tpu.enqueue_dma source(%arg12 : memref<128x64xf32, #tpu.memory_space<vmem>>) target(%dma_start3A_1071 : memref<128x64xf32, #tpu.memory_space<hbm>>) target_semaphore(%arg20 : memref<!tpu.dma_semaphore, #tpu.memory_space<semaphore_mem>>)
      %add3A_1072 = arith.constant 4 : i32
      %add3A_1073 = arith.addi %add3A_1044, %add3A_1072 : i32
      %mul3A_1074 = arith.constant 128 : i32
      %mul3A_1075 = arith.muli %add3A_1073, %mul3A_1074 : i32
      %add3A_1076 = arith.constant 0 : i32
      %add3A_1077 = arith.addi %mul3A_1075, %add3A_1076 : i32
      %get3A_1078 = arith.index_cast %add3A_1077 : i32 to index
      %get3A_1079 = tpu.vector_load %arg5[%get3A_1078] {strides = array<i32>} : memref<25600xi32, #tpu.memory_space<vmem>>, vector<16xi32>,
      %get3A_1080 = vector.shape_cast %get3A_1079 : vector<16xi32> to vector<16xi32>
      %dma_start3A_1081 = arith.constant 0 : i32
      %dma_start3A_1082 = arith.constant 0 : i32
      %dma_start3A_1083 = tpu.memref_slice %arg8[%dma_start3A_1081, %dma_start3A_1082] : memref<128x64xf32, #tpu.memory_space<vmem>> -> memref<16x64xf32, #tpu.memory_space<vmem>>
      %dma_start3A_1084 = arith.constant 0 : i32
      %dma_start3A_1085 = arith.constant 0 : i32
      %dma_start3A_1086 = tpu.memref_slice %arg3[%dma_start3A_1084, %dma_start3A_1085] : memref<1000000x64xf32, #tpu.memory_space<hbm>> -> memref<1000000x64xf32, #tpu.memory_space<hbm>>
      tpu.enqueue_indirect_dma source(%dma_start3A_1086 : memref<1000000x64xf32, #tpu.memory_space<hbm>>) target(%dma_start3A_1083 : memref<16x64xf32, #tpu.memory_space<vmem>>) offsets(%get3A_1080 : vector<16xi32>) semaphore(%arg16 : memref<!tpu.dma_semaphore, #tpu.memory_space<semaphore_mem>>)
      %mul3A_1087 = arith.constant 128 : i32
      %mul3A_1088 = arith.muli %add3A_1073, %mul3A_1087 : i32
      %add3A_1089 = arith.constant 16 : i32
      %add3A_1090 = arith.addi %mul3A_1088, %add3A_1089 : i32
      %get3A_1091 = arith.index_cast %add3A_1090 : i32 to index
      %get3A_1092 = tpu.vector_load %arg5[%get3A_1091] {strides = array<i32>} : memref<25600xi32, #tpu.memory_space<vmem>>, vector<16xi32>,
      %get3A_1093 = vector.shape_cast %get3A_1092 : vector<16xi32> to vector<16xi32>
      %dma_start3A_1094 = arith.constant 16 : i32
      %dma_start3A_1095 = arith.constant 0 : i32
      %dma_start3A_1096 = tpu.memref_slice %arg8[%dma_start3A_1094, %dma_start3A_1095] : memref<128x64xf32, #tpu.memory_space<vmem>> -> memref<16x64xf32, #tpu.memory_space<vmem>>
      %dma_start3A_1097 = arith.constant 0 : i32
      %dma_start3A_1098 = arith.constant 0 : i32
      %dma_start3A_1099 = tpu.memref_slice %arg3[%dma_start3A_1097, %dma_start3A_1098] : memref<1000000x64xf32, #tpu.memory_space<hbm>> -> memref<1000000x64xf32, #tpu.memory_space<hbm>>
      tpu.enqueue_indirect_dma source(%dma_start3A_1099 : memref<1000000x64xf32, #tpu.memory_space<hbm>>) target(%dma_start3A_1096 : memref<16x64xf32, #tpu.memory_space<vmem>>) offsets(%get3A_1093 : vector<16xi32>) semaphore(%arg16 : memref<!tpu.dma_semaphore, #tpu.memory_space<semaphore_mem>>)
      %mul3A_1100 = arith.constant 128 : i32
      %mul3A_1101 = arith.muli %add3A_1073, %mul3A_1100 : i32
      %add3A_1102 = arith.constant 32 : i32
      %add3A_1103 = arith.addi %mul3A_1101, %add3A_1102 : i32
      %get3A_1104 = arith.index_cast %add3A_1103 : i32 to index
      %get3A_1105 = tpu.vector_load %arg5[%get3A_1104] {strides = array<i32>} : memref<25600xi32, #tpu.memory_space<vmem>>, vector<16xi32>,
      %get3A_1106 = vector.shape_cast %get3A_1105 : vector<16xi32> to vector<16xi32>
      %dma_start3A_1107 = arith.constant 32 : i32
      %dma_start3A_1108 = arith.constant 0 : i32
      %dma_start3A_1109 = tpu.memref_slice %arg8[%dma_start3A_1107, %dma_start3A_1108] : memref<128x64xf32, #tpu.memory_space<vmem>> -> memref<16x64xf32, #tpu.memory_space<vmem>>
      %dma_start3A_1110 = arith.constant 0 : i32
      %dma_start3A_1111 = arith.constant 0 : i32
      %dma_start3A_1112 = tpu.memref_slice %arg3[%dma_start3A_1110, %dma_start3A_1111] : memref<1000000x64xf32, #tpu.memory_space<hbm>> -> memref<1000000x64xf32, #tpu.memory_space<hbm>>
      tpu.enqueue_indirect_dma source(%dma_start3A_1112 : memref<1000000x64xf32, #tpu.memory_space<hbm>>) target(%dma_start3A_1109 : memref<16x64xf32, #tpu.memory_space<vmem>>) offsets(%get3A_1106 : vector<16xi32>) semaphore(%arg16 : memref<!tpu.dma_semaphore, #tpu.memory_space<semaphore_mem>>)
      %mul3A_1113 = arith.constant 128 : i32
      %mul3A_1114 = arith.muli %add3A_1073, %mul3A_1113 : i32
      %add3A_1115 = arith.constant 48 : i32
      %add3A_1116 = arith.addi %mul3A_1114, %add3A_1115 : i32
      %get3A_1117 = arith.index_cast %add3A_1116 : i32 to index
      %get3A_1118 = tpu.vector_load %arg5[%get3A_1117] {strides = array<i32>} : memref<25600xi32, #tpu.memory_space<vmem>>, vector<16xi32>,
      %get3A_1119 = vector.shape_cast %get3A_1118 : vector<16xi32> to vector<16xi32>
      %dma_start3A_1120 = arith.constant 48 : i32
      %dma_start3A_1121 = arith.constant 0 : i32
      %dma_start3A_1122 = tpu.memref_slice %arg8[%dma_start3A_1120, %dma_start3A_1121] : memref<128x64xf32, #tpu.memory_space<vmem>> -> memref<16x64xf32, #tpu.memory_space<vmem>>
      %dma_start3A_1123 = arith.constant 0 : i32
      %dma_start3A_1124 = arith.constant 0 : i32
      %dma_start3A_1125 = tpu.memref_slice %arg3[%dma_start3A_1123, %dma_start3A_1124] : memref<1000000x64xf32, #tpu.memory_space<hbm>> -> memref<1000000x64xf32, #tpu.memory_space<hbm>>
      tpu.enqueue_indirect_dma source(%dma_start3A_1125 : memref<1000000x64xf32, #tpu.memory_space<hbm>>) target(%dma_start3A_1122 : memref<16x64xf32, #tpu.memory_space<vmem>>) offsets(%get3A_1119 : vector<16xi32>) semaphore(%arg16 : memref<!tpu.dma_semaphore, #tpu.memory_space<semaphore_mem>>)
      %mul3A_1126 = arith.constant 128 : i32
      %mul3A_1127 = arith.muli %add3A_1073, %mul3A_1126 : i32
      %add3A_1128 = arith.constant 64 : i32
      %add3A_1129 = arith.addi %mul3A_1127, %add3A_1128 : i32
      %get3A_1130 = arith.index_cast %add3A_1129 : i32 to index
      %get3A_1131 = tpu.vector_load %arg5[%get3A_1130] {strides = array<i32>} : memref<25600xi32, #tpu.memory_space<vmem>>, vector<16xi32>,
      %get3A_1132 = vector.shape_cast %get3A_1131 : vector<16xi32> to vector<16xi32>
      %dma_start3A_1133 = arith.constant 64 : i32
      %dma_start3A_1134 = arith.constant 0 : i32
      %dma_start3A_1135 = tpu.memref_slice %arg8[%dma_start3A_1133, %dma_start3A_1134] : memref<128x64xf32, #tpu.memory_space<vmem>> -> memref<16x64xf32, #tpu.memory_space<vmem>>
      %dma_start3A_1136 = arith.constant 0 : i32
      %dma_start3A_1137 = arith.constant 0 : i32
      %dma_start3A_1138 = tpu.memref_slice %arg3[%dma_start3A_1136, %dma_start3A_1137] : memref<1000000x64xf32, #tpu.memory_space<hbm>> -> memref<1000000x64xf32, #tpu.memory_space<hbm>>
      tpu.enqueue_indirect_dma source(%dma_start3A_1138 : memref<1000000x64xf32, #tpu.memory_space<hbm>>) target(%dma_start3A_1135 : memref<16x64xf32, #tpu.memory_space<vmem>>) offsets(%get3A_1132 : vector<16xi32>) semaphore(%arg16 : memref<!tpu.dma_semaphore, #tpu.memory_space<semaphore_mem>>)
      %mul3A_1139 = arith.constant 128 : i32
      %mul3A_1140 = arith.muli %add3A_1073, %mul3A_1139 : i32
      %add3A_1141 = arith.constant 80 : i32
      %add3A_1142 = arith.addi %mul3A_1140, %add3A_1141 : i32
      %get3A_1143 = arith.index_cast %add3A_1142 : i32 to index
      %get3A_1144 = tpu.vector_load %arg5[%get3A_1143] {strides = array<i32>} : memref<25600xi32, #tpu.memory_space<vmem>>, vector<16xi32>,
      %get3A_1145 = vector.shape_cast %get3A_1144 : vector<16xi32> to vector<16xi32>
      %dma_start3A_1146 = arith.constant 80 : i32
      %dma_start3A_1147 = arith.constant 0 : i32
      %dma_start3A_1148 = tpu.memref_slice %arg8[%dma_start3A_1146, %dma_start3A_1147] : memref<128x64xf32, #tpu.memory_space<vmem>> -> memref<16x64xf32, #tpu.memory_space<vmem>>
      %dma_start3A_1149 = arith.constant 0 : i32
      %dma_start3A_1150 = arith.constant 0 : i32
      %dma_start3A_1151 = tpu.memref_slice %arg3[%dma_start3A_1149, %dma_start3A_1150] : memref<1000000x64xf32, #tpu.memory_space<hbm>> -> memref<1000000x64xf32, #tpu.memory_space<hbm>>
      tpu.enqueue_indirect_dma source(%dma_start3A_1151 : memref<1000000x64xf32, #tpu.memory_space<hbm>>) target(%dma_start3A_1148 : memref<16x64xf32, #tpu.memory_space<vmem>>) offsets(%get3A_1145 : vector<16xi32>) semaphore(%arg16 : memref<!tpu.dma_semaphore, #tpu.memory_space<semaphore_mem>>)
      %mul3A_1152 = arith.constant 128 : i32
      %mul3A_1153 = arith.muli %add3A_1073, %mul3A_1152 : i32
      %add3A_1154 = arith.constant 96 : i32
      %add3A_1155 = arith.addi %mul3A_1153, %add3A_1154 : i32
      %get3A_1156 = arith.index_cast %add3A_1155 : i32 to index
      %get3A_1157 = tpu.vector_load %arg5[%get3A_1156] {strides = array<i32>} : memref<25600xi32, #tpu.memory_space<vmem>>, vector<16xi32>,
      %get3A_1158 = vector.shape_cast %get3A_1157 : vector<16xi32> to vector<16xi32>
      %dma_start3A_1159 = arith.constant 96 : i32
      %dma_start3A_1160 = arith.constant 0 : i32
      %dma_start3A_1161 = tpu.memref_slice %arg8[%dma_start3A_1159, %dma_start3A_1160] : memref<128x64xf32, #tpu.memory_space<vmem>> -> memref<16x64xf32, #tpu.memory_space<vmem>>
      %dma_start3A_1162 = arith.constant 0 : i32
      %dma_start3A_1163 = arith.constant 0 : i32
      %dma_start3A_1164 = tpu.memref_slice %arg3[%dma_start3A_1162, %dma_start3A_1163] : memref<1000000x64xf32, #tpu.memory_space<hbm>> -> memref<1000000x64xf32, #tpu.memory_space<hbm>>
      tpu.enqueue_indirect_dma source(%dma_start3A_1164 : memref<1000000x64xf32, #tpu.memory_space<hbm>>) target(%dma_start3A_1161 : memref<16x64xf32, #tpu.memory_space<vmem>>) offsets(%get3A_1158 : vector<16xi32>) semaphore(%arg16 : memref<!tpu.dma_semaphore, #tpu.memory_space<semaphore_mem>>)
      %mul3A_1165 = arith.constant 128 : i32
      %mul3A_1166 = arith.muli %add3A_1073, %mul3A_1165 : i32
      %add3A_1167 = arith.constant 112 : i32
      %add3A_1168 = arith.addi %mul3A_1166, %add3A_1167 : i32
      %get3A_1169 = arith.index_cast %add3A_1168 : i32 to index
      %get3A_1170 = tpu.vector_load %arg5[%get3A_1169] {strides = array<i32>} : memref<25600xi32, #tpu.memory_space<vmem>>, vector<16xi32>,
      %get3A_1171 = vector.shape_cast %get3A_1170 : vector<16xi32> to vector<16xi32>
      %dma_start3A_1172 = arith.constant 112 : i32
      %dma_start3A_1173 = arith.constant 0 : i32
      %dma_start3A_1174 = tpu.memref_slice %arg8[%dma_start3A_1172, %dma_start3A_1173] : memref<128x64xf32, #tpu.memory_space<vmem>> -> memref<16x64xf32, #tpu.memory_space<vmem>>
      %dma_start3A_1175 = arith.constant 0 : i32
      %dma_start3A_1176 = arith.constant 0 : i32
      %dma_start3A_1177 = tpu.memref_slice %arg3[%dma_start3A_1175, %dma_start3A_1176] : memref<1000000x64xf32, #tpu.memory_space<hbm>> -> memref<1000000x64xf32, #tpu.memory_space<hbm>>
      tpu.enqueue_indirect_dma source(%dma_start3A_1177 : memref<1000000x64xf32, #tpu.memory_space<hbm>>) target(%dma_start3A_1174 : memref<16x64xf32, #tpu.memory_space<vmem>>) offsets(%get3A_1171 : vector<16xi32>) semaphore(%arg16 : memref<!tpu.dma_semaphore, #tpu.memory_space<semaphore_mem>>)
      %mul3A_1178 = arith.constant 4 : i32
      %mul3A_1179 = arith.muli %scan3A_766, %mul3A_1178 : i32
      %add3A_1180 = arith.constant 3 : i32
      %add3A_1181 = arith.addi %mul3A_1179, %add3A_1180 : i32
      %dma_wait3A_1182 = arith.constant 0 : i32
      %dma_wait3A_1183 = tpu.memref_slice %arg4[%mul3A_2, %dma_wait3A_1182] : memref<819200x64xf32, #tpu.memory_space<hbm>> -> memref<128x64xf32, #tpu.memory_space<hbm>>
      %dma_wait3A_1184 = arith.constant 0 : i32
      %dma_wait3A_1185 = tpu.memref_slice %arg4[%mul3A_2, %dma_wait3A_1184] : memref<819200x64xf32, #tpu.memory_space<hbm>> -> memref<128x64xf32, #tpu.memory_space<hbm>>
      tpu.wait_dma2 semaphore(%arg17 : memref<!tpu.dma_semaphore, #tpu.memory_space<semaphore_mem>>) src(%dma_wait3A_1185 : memref<128x64xf32, #tpu.memory_space<hbm>>) dst(%arg9 : memref<128x64xf32, #tpu.memory_space<vmem>>)
      %sub3A_1186 = arith.constant 4 : i32
      %sub3A_1187 = arith.subi %add3A_1181, %sub3A_1186 : i32
      %mul3A_1188 = arith.constant 128 : i32
      %mul3A_1189 = arith.muli %sub3A_1187, %mul3A_1188 : i32
      %add3A_1190 = arith.addi %mul3A_2, %mul3A_1189 : i32
      %dma_wait3A_1191 = arith.constant 0 : i32
      %dma_wait3A_1192 = tpu.memref_slice %arg4[%add3A_1190, %dma_wait3A_1191] : memref<819200x64xf32, #tpu.memory_space<hbm>> -> memref<128x64xf32, #tpu.memory_space<hbm>>
      %dma_wait3A_1193 = arith.constant 0 : i32
      %dma_wait3A_1194 = tpu.memref_slice %arg4[%add3A_1190, %dma_wait3A_1193] : memref<819200x64xf32, #tpu.memory_space<hbm>> -> memref<128x64xf32, #tpu.memory_space<hbm>>
      tpu.wait_dma2 semaphore(%arg21 : memref<!tpu.dma_semaphore, #tpu.memory_space<semaphore_mem>>) src(%arg13 : memref<128x64xf32, #tpu.memory_space<vmem>>) dst(%dma_wait3A_1194 : memref<128x64xf32, #tpu.memory_space<hbm>>)
      %scan3A_1195 = arith.constant 0 : i32
      %scan3A_1196 = arith.constant 0 : i32
      %scan3A_1197 = arith.constant 32 : i32
      %scan3A_1198 = arith.addi %scan3A_1196, %scan3A_1197 : i32
      %scan3A_1199 = arith.constant 1 : i32
      %scan3A_1200 = scf.for %scan3A_1316 = %scan3A_1196 to %scan3A_1198 step %scan3A_1199 iter_args(%scan3A_1317 = %scan3A_1195) -> (i32)  : i32 {
        %mul3A_1318 = arith.constant 4 : i32
        %mul3A_1319 = arith.muli %scan3A_1316, %mul3A_1318 : i32
        %add3A_1320 = arith.constant 0 : i32
        %add3A_1321 = arith.addi %mul3A_1319, %add3A_1320 : i32
        %get3A_1322 = arith.index_cast %add3A_1321 : i32 to index
        %get3A_1323 = arith.constant 0 : index
        %get3A_1324 = tpu.vector_load %arg9[%get3A_1322, %get3A_1323] {strides = array<i32>} : memref<128x64xf32, #tpu.memory_space<vmem>>, vector<1x16xf32>,
        %get3A_1325 = vector.shape_cast %get3A_1324 : vector<1x16xf32> to vector<16xf32>
        %mul3A_1326 = arith.constant 8.000000e+00 : f32
        %mul3A_1327 = vector.broadcast %mul3A_1326 : f32 to vector<16xf32>
        %mul3A_1328 = arith.mulf %get3A_1325, %mul3A_1327 : vector<16xf32>
        %swap3A = arith.index_cast %add3A_1321 : i32 to index
        %swap3A_1329 = arith.constant 0 : index
        %swap3A_1330 = tpu.vector_load %arg13[%swap3A, %swap3A_1329] {strides = array<i32>} : memref<128x64xf32, #tpu.memory_space<vmem>>, vector<1x16xf32>,
        %swap3A_1331 = vector.shape_cast %swap3A_1330 : vector<1x16xf32> to vector<16xf32>
        %swap3A_1332 = vector.shape_cast %mul3A_1328 : vector<16xf32> to vector<1x16xf32>
        tpu.vector_store %arg13[%swap3A, %swap3A_1329], %swap3A_1332 {strides = array<i32>} : memref<128x64xf32, #tpu.memory_space<vmem>>, vector<1x16xf32>,
        %get3A_1333 = arith.index_cast %add3A_1321 : i32 to index
        %get3A_1334 = arith.constant 16 : index
        %get3A_1335 = tpu.vector_load %arg9[%get3A_1333, %get3A_1334] {strides = array<i32>} : memref<128x64xf32, #tpu.memory_space<vmem>>, vector<1x16xf32>,
        %get3A_1336 = vector.shape_cast %get3A_1335 : vector<1x16xf32> to vector<16xf32>
        %mul3A_1337 = arith.constant 8.000000e+00 : f32
        %mul3A_1338 = vector.broadcast %mul3A_1337 : f32 to vector<16xf32>
        %mul3A_1339 = arith.mulf %get3A_1336, %mul3A_1338 : vector<16xf32>
        %swap3A_1340 = arith.index_cast %add3A_1321 : i32 to index
        %swap3A_1341 = arith.constant 16 : index
        %swap3A_1342 = tpu.vector_load %arg13[%swap3A_1340, %swap3A_1341] {strides = array<i32>} : memref<128x64xf32, #tpu.memory_space<vmem>>, vector<1x16xf32>,
        %swap3A_1343 = vector.shape_cast %swap3A_1342 : vector<1x16xf32> to vector<16xf32>
        %swap3A_1344 = vector.shape_cast %mul3A_1339 : vector<16xf32> to vector<1x16xf32>
        tpu.vector_store %arg13[%swap3A_1340, %swap3A_1341], %swap3A_1344 {strides = array<i32>} : memref<128x64xf32, #tpu.memory_space<vmem>>, vector<1x16xf32>,
        %get3A_1345 = arith.index_cast %add3A_1321 : i32 to index
        %get3A_1346 = arith.constant 32 : index
        %get3A_1347 = tpu.vector_load %arg9[%get3A_1345, %get3A_1346] {strides = array<i32>} : memref<128x64xf32, #tpu.memory_space<vmem>>, vector<1x16xf32>,
        %get3A_1348 = vector.shape_cast %get3A_1347 : vector<1x16xf32> to vector<16xf32>
        %mul3A_1349 = arith.constant 8.000000e+00 : f32
        %mul3A_1350 = vector.broadcast %mul3A_1349 : f32 to vector<16xf32>
        %mul3A_1351 = arith.mulf %get3A_1348, %mul3A_1350 : vector<16xf32>
        %swap3A_1352 = arith.index_cast %add3A_1321 : i32 to index
        %swap3A_1353 = arith.constant 32 : index
        %swap3A_1354 = tpu.vector_load %arg13[%swap3A_1352, %swap3A_1353] {strides = array<i32>} : memref<128x64xf32, #tpu.memory_space<vmem>>, vector<1x16xf32>,
        %swap3A_1355 = vector.shape_cast %swap3A_1354 : vector<1x16xf32> to vector<16xf32>
        %swap3A_1356 = vector.shape_cast %mul3A_1351 : vector<16xf32> to vector<1x16xf32>
        tpu.vector_store %arg13[%swap3A_1352, %swap3A_1353], %swap3A_1356 {strides = array<i32>} : memref<128x64xf32, #tpu.memory_space<vmem>>, vector<1x16xf32>,
        %get3A_1357 = arith.index_cast %add3A_1321 : i32 to index
        %get3A_1358 = arith.constant 48 : index
        %get3A_1359 = tpu.vector_load %arg9[%get3A_1357, %get3A_1358] {strides = array<i32>} : memref<128x64xf32, #tpu.memory_space<vmem>>, vector<1x16xf32>,
        %get3A_1360 = vector.shape_cast %get3A_1359 : vector<1x16xf32> to vector<16xf32>
        %mul3A_1361 = arith.constant 8.000000e+00 : f32
        %mul3A_1362 = vector.broadcast %mul3A_1361 : f32 to vector<16xf32>
        %mul3A_1363 = arith.mulf %get3A_1360, %mul3A_1362 : vector<16xf32>
        %swap3A_1364 = arith.index_cast %add3A_1321 : i32 to index
        %swap3A_1365 = arith.constant 48 : index
        %swap3A_1366 = tpu.vector_load %arg13[%swap3A_1364, %swap3A_1365] {strides = array<i32>} : memref<128x64xf32, #tpu.memory_space<vmem>>, vector<1x16xf32>,
        %swap3A_1367 = vector.shape_cast %swap3A_1366 : vector<1x16xf32> to vector<16xf32>
        %swap3A_1368 = vector.shape_cast %mul3A_1363 : vector<16xf32> to vector<1x16xf32>
        tpu.vector_store %arg13[%swap3A_1364, %swap3A_1365], %swap3A_1368 {strides = array<i32>} : memref<128x64xf32, #tpu.memory_space<vmem>>, vector<1x16xf32>,
        %mul3A_1369 = arith.constant 4 : i32
        %mul3A_1370 = arith.muli %scan3A_1316, %mul3A_1369 : i32
        %add3A_1371 = arith.constant 1 : i32
        %add3A_1372 = arith.addi %mul3A_1370, %add3A_1371 : i32
        %get3A_1373 = arith.index_cast %add3A_1372 : i32 to index
        %get3A_1374 = arith.constant 0 : index
        %get3A_1375 = tpu.vector_load %arg9[%get3A_1373, %get3A_1374] {strides = array<i32>} : memref<128x64xf32, #tpu.memory_space<vmem>>, vector<1x16xf32>,
        %get3A_1376 = vector.shape_cast %get3A_1375 : vector<1x16xf32> to vector<16xf32>
        %mul3A_1377 = arith.constant 8.000000e+00 : f32
        %mul3A_1378 = vector.broadcast %mul3A_1377 : f32 to vector<16xf32>
        %mul3A_1379 = arith.mulf %get3A_1376, %mul3A_1378 : vector<16xf32>
        %swap3A_1380 = arith.index_cast %add3A_1372 : i32 to index
        %swap3A_1381 = arith.constant 0 : index
        %swap3A_1382 = tpu.vector_load %arg13[%swap3A_1380, %swap3A_1381] {strides = array<i32>} : memref<128x64xf32, #tpu.memory_space<vmem>>, vector<1x16xf32>,
        %swap3A_1383 = vector.shape_cast %swap3A_1382 : vector<1x16xf32> to vector<16xf32>
        %swap3A_1384 = vector.shape_cast %mul3A_1379 : vector<16xf32> to vector<1x16xf32>
        tpu.vector_store %arg13[%swap3A_1380, %swap3A_1381], %swap3A_1384 {strides = array<i32>} : memref<128x64xf32, #tpu.memory_space<vmem>>, vector<1x16xf32>,
        %get3A_1385 = arith.index_cast %add3A_1372 : i32 to index
        %get3A_1386 = arith.constant 16 : index
        %get3A_1387 = tpu.vector_load %arg9[%get3A_1385, %get3A_1386] {strides = array<i32>} : memref<128x64xf32, #tpu.memory_space<vmem>>, vector<1x16xf32>,
        %get3A_1388 = vector.shape_cast %get3A_1387 : vector<1x16xf32> to vector<16xf32>
        %mul3A_1389 = arith.constant 8.000000e+00 : f32
        %mul3A_1390 = vector.broadcast %mul3A_1389 : f32 to vector<16xf32>
        %mul3A_1391 = arith.mulf %get3A_1388, %mul3A_1390 : vector<16xf32>
        %swap3A_1392 = arith.index_cast %add3A_1372 : i32 to index
        %swap3A_1393 = arith.constant 16 : index
        %swap3A_1394 = tpu.vector_load %arg13[%swap3A_1392, %swap3A_1393] {strides = array<i32>} : memref<128x64xf32, #tpu.memory_space<vmem>>, vector<1x16xf32>,
        %swap3A_1395 = vector.shape_cast %swap3A_1394 : vector<1x16xf32> to vector<16xf32>
        %swap3A_1396 = vector.shape_cast %mul3A_1391 : vector<16xf32> to vector<1x16xf32>
        tpu.vector_store %arg13[%swap3A_1392, %swap3A_1393], %swap3A_1396 {strides = array<i32>} : memref<128x64xf32, #tpu.memory_space<vmem>>, vector<1x16xf32>,
        %get3A_1397 = arith.index_cast %add3A_1372 : i32 to index
        %get3A_1398 = arith.constant 32 : index
        %get3A_1399 = tpu.vector_load %arg9[%get3A_1397, %get3A_1398] {strides = array<i32>} : memref<128x64xf32, #tpu.memory_space<vmem>>, vector<1x16xf32>,
        %get3A_1400 = vector.shape_cast %get3A_1399 : vector<1x16xf32> to vector<16xf32>
        %mul3A_1401 = arith.constant 8.000000e+00 : f32
        %mul3A_1402 = vector.broadcast %mul3A_1401 : f32 to vector<16xf32>
        %mul3A_1403 = arith.mulf %get3A_1400, %mul3A_1402 : vector<16xf32>
        %swap3A_1404 = arith.index_cast %add3A_1372 : i32 to index
        %swap3A_1405 = arith.constant 32 : index
        %swap3A_1406 = tpu.vector_load %arg13[%swap3A_1404, %swap3A_1405] {strides = array<i32>} : memref<128x64xf32, #tpu.memory_space<vmem>>, vector<1x16xf32>,
        %swap3A_1407 = vector.shape_cast %swap3A_1406 : vector<1x16xf32> to vector<16xf32>
        %swap3A_1408 = vector.shape_cast %mul3A_1403 : vector<16xf32> to vector<1x16xf32>
        tpu.vector_store %arg13[%swap3A_1404, %swap3A_1405], %swap3A_1408 {strides = array<i32>} : memref<128x64xf32, #tpu.memory_space<vmem>>, vector<1x16xf32>,
        %get3A_1409 = arith.index_cast %add3A_1372 : i32 to index
        %get3A_1410 = arith.constant 48 : index
        %get3A_1411 = tpu.vector_load %arg9[%get3A_1409, %get3A_1410] {strides = array<i32>} : memref<128x64xf32, #tpu.memory_space<vmem>>, vector<1x16xf32>,
        %get3A_1412 = vector.shape_cast %get3A_1411 : vector<1x16xf32> to vector<16xf32>
        %mul3A_1413 = arith.constant 8.000000e+00 : f32
        %mul3A_1414 = vector.broadcast %mul3A_1413 : f32 to vector<16xf32>
        %mul3A_1415 = arith.mulf %get3A_1412, %mul3A_1414 : vector<16xf32>
        %swap3A_1416 = arith.index_cast %add3A_1372 : i32 to index
        %swap3A_1417 = arith.constant 48 : index
        %swap3A_1418 = tpu.vector_load %arg13[%swap3A_1416, %swap3A_1417] {strides = array<i32>} : memref<128x64xf32, #tpu.memory_space<vmem>>, vector<1x16xf32>,
        %swap3A_1419 = vector.shape_cast %swap3A_1418 : vector<1x16xf32> to vector<16xf32>
        %swap3A_1420 = vector.shape_cast %mul3A_1415 : vector<16xf32> to vector<1x16xf32>
        tpu.vector_store %arg13[%swap3A_1416, %swap3A_1417], %swap3A_1420 {strides = array<i32>} : memref<128x64xf32, #tpu.memory_space<vmem>>, vector<1x16xf32>,
        %mul3A_1421 = arith.constant 4 : i32
        %mul3A_1422 = arith.muli %scan3A_1316, %mul3A_1421 : i32
        %add3A_1423 = arith.constant 2 : i32
        %add3A_1424 = arith.addi %mul3A_1422, %add3A_1423 : i32
        %get3A_1425 = arith.index_cast %add3A_1424 : i32 to index
        %get3A_1426 = arith.constant 0 : index
        %get3A_1427 = tpu.vector_load %arg9[%get3A_1425, %get3A_1426] {strides = array<i32>} : memref<128x64xf32, #tpu.memory_space<vmem>>, vector<1x16xf32>,
        %get3A_1428 = vector.shape_cast %get3A_1427 : vector<1x16xf32> to vector<16xf32>
        %mul3A_1429 = arith.constant 8.000000e+00 : f32
        %mul3A_1430 = vector.broadcast %mul3A_1429 : f32 to vector<16xf32>
        %mul3A_1431 = arith.mulf %get3A_1428, %mul3A_1430 : vector<16xf32>
        %swap3A_1432 = arith.index_cast %add3A_1424 : i32 to index
        %swap3A_1433 = arith.constant 0 : index
        %swap3A_1434 = tpu.vector_load %arg13[%swap3A_1432, %swap3A_1433] {strides = array<i32>} : memref<128x64xf32, #tpu.memory_space<vmem>>, vector<1x16xf32>,
        %swap3A_1435 = vector.shape_cast %swap3A_1434 : vector<1x16xf32> to vector<16xf32>
        %swap3A_1436 = vector.shape_cast %mul3A_1431 : vector<16xf32> to vector<1x16xf32>
        tpu.vector_store %arg13[%swap3A_1432, %swap3A_1433], %swap3A_1436 {strides = array<i32>} : memref<128x64xf32, #tpu.memory_space<vmem>>, vector<1x16xf32>,
        %get3A_1437 = arith.index_cast %add3A_1424 : i32 to index
        %get3A_1438 = arith.constant 16 : index
        %get3A_1439 = tpu.vector_load %arg9[%get3A_1437, %get3A_1438] {strides = array<i32>} : memref<128x64xf32, #tpu.memory_space<vmem>>, vector<1x16xf32>,
        %get3A_1440 = vector.shape_cast %get3A_1439 : vector<1x16xf32> to vector<16xf32>
        %mul3A_1441 = arith.constant 8.000000e+00 : f32
        %mul3A_1442 = vector.broadcast %mul3A_1441 : f32 to vector<16xf32>
        %mul3A_1443 = arith.mulf %get3A_1440, %mul3A_1442 : vector<16xf32>
        %swap3A_1444 = arith.index_cast %add3A_1424 : i32 to index
        %swap3A_1445 = arith.constant 16 : index
        %swap3A_1446 = tpu.vector_load %arg13[%swap3A_1444, %swap3A_1445] {strides = array<i32>} : memref<128x64xf32, #tpu.memory_space<vmem>>, vector<1x16xf32>,
        %swap3A_1447 = vector.shape_cast %swap3A_1446 : vector<1x16xf32> to vector<16xf32>
        %swap3A_1448 = vector.shape_cast %mul3A_1443 : vector<16xf32> to vector<1x16xf32>
        tpu.vector_store %arg13[%swap3A_1444, %swap3A_1445], %swap3A_1448 {strides = array<i32>} : memref<128x64xf32, #tpu.memory_space<vmem>>, vector<1x16xf32>,
        %get3A_1449 = arith.index_cast %add3A_1424 : i32 to index
        %get3A_1450 = arith.constant 32 : index
        %get3A_1451 = tpu.vector_load %arg9[%get3A_1449, %get3A_1450] {strides = array<i32>} : memref<128x64xf32, #tpu.memory_space<vmem>>, vector<1x16xf32>,
        %get3A_1452 = vector.shape_cast %get3A_1451 : vector<1x16xf32> to vector<16xf32>
        %mul3A_1453 = arith.constant 8.000000e+00 : f32
        %mul3A_1454 = vector.broadcast %mul3A_1453 : f32 to vector<16xf32>
        %mul3A_1455 = arith.mulf %get3A_1452, %mul3A_1454 : vector<16xf32>
        %swap3A_1456 = arith.index_cast %add3A_1424 : i32 to index
        %swap3A_1457 = arith.constant 32 : index
        %swap3A_1458 = tpu.vector_load %arg13[%swap3A_1456, %swap3A_1457] {strides = array<i32>} : memref<128x64xf32, #tpu.memory_space<vmem>>, vector<1x16xf32>,
        %swap3A_1459 = vector.shape_cast %swap3A_1458 : vector<1x16xf32> to vector<16xf32>
        %swap3A_1460 = vector.shape_cast %mul3A_1455 : vector<16xf32> to vector<1x16xf32>
        tpu.vector_store %arg13[%swap3A_1456, %swap3A_1457], %swap3A_1460 {strides = array<i32>} : memref<128x64xf32, #tpu.memory_space<vmem>>, vector<1x16xf32>,
        %get3A_1461 = arith.index_cast %add3A_1424 : i32 to index
        %get3A_1462 = arith.constant 48 : index
        %get3A_1463 = tpu.vector_load %arg9[%get3A_1461, %get3A_1462] {strides = array<i32>} : memref<128x64xf32, #tpu.memory_space<vmem>>, vector<1x16xf32>,
        %get3A_1464 = vector.shape_cast %get3A_1463 : vector<1x16xf32> to vector<16xf32>
        %mul3A_1465 = arith.constant 8.000000e+00 : f32
        %mul3A_1466 = vector.broadcast %mul3A_1465 : f32 to vector<16xf32>
        %mul3A_1467 = arith.mulf %get3A_1464, %mul3A_1466 : vector<16xf32>
        %swap3A_1468 = arith.index_cast %add3A_1424 : i32 to index
        %swap3A_1469 = arith.constant 48 : index
        %swap3A_1470 = tpu.vector_load %arg13[%swap3A_1468, %swap3A_1469] {strides = array<i32>} : memref<128x64xf32, #tpu.memory_space<vmem>>, vector<1x16xf32>,
        %swap3A_1471 = vector.shape_cast %swap3A_1470 : vector<1x16xf32> to vector<16xf32>
        %swap3A_1472 = vector.shape_cast %mul3A_1467 : vector<16xf32> to vector<1x16xf32>
        tpu.vector_store %arg13[%swap3A_1468, %swap3A_1469], %swap3A_1472 {strides = array<i32>} : memref<128x64xf32, #tpu.memory_space<vmem>>, vector<1x16xf32>,
        %mul3A_1473 = arith.constant 4 : i32
        %mul3A_1474 = arith.muli %scan3A_1316, %mul3A_1473 : i32
        %add3A_1475 = arith.constant 3 : i32
        %add3A_1476 = arith.addi %mul3A_1474, %add3A_1475 : i32
        %get3A_1477 = arith.index_cast %add3A_1476 : i32 to index
        %get3A_1478 = arith.constant 0 : index
        %get3A_1479 = tpu.vector_load %arg9[%get3A_1477, %get3A_1478] {strides = array<i32>} : memref<128x64xf32, #tpu.memory_space<vmem>>, vector<1x16xf32>,
        %get3A_1480 = vector.shape_cast %get3A_1479 : vector<1x16xf32> to vector<16xf32>
        %mul3A_1481 = arith.constant 8.000000e+00 : f32
        %mul3A_1482 = vector.broadcast %mul3A_1481 : f32 to vector<16xf32>
        %mul3A_1483 = arith.mulf %get3A_1480, %mul3A_1482 : vector<16xf32>
        %swap3A_1484 = arith.index_cast %add3A_1476 : i32 to index
        %swap3A_1485 = arith.constant 0 : index
        %swap3A_1486 = tpu.vector_load %arg13[%swap3A_1484, %swap3A_1485] {strides = array<i32>} : memref<128x64xf32, #tpu.memory_space<vmem>>, vector<1x16xf32>,
        %swap3A_1487 = vector.shape_cast %swap3A_1486 : vector<1x16xf32> to vector<16xf32>
        %swap3A_1488 = vector.shape_cast %mul3A_1483 : vector<16xf32> to vector<1x16xf32>
        tpu.vector_store %arg13[%swap3A_1484, %swap3A_1485], %swap3A_1488 {strides = array<i32>} : memref<128x64xf32, #tpu.memory_space<vmem>>, vector<1x16xf32>,
        %get3A_1489 = arith.index_cast %add3A_1476 : i32 to index
        %get3A_1490 = arith.constant 16 : index
        %get3A_1491 = tpu.vector_load %arg9[%get3A_1489, %get3A_1490] {strides = array<i32>} : memref<128x64xf32, #tpu.memory_space<vmem>>, vector<1x16xf32>,
        %get3A_1492 = vector.shape_cast %get3A_1491 : vector<1x16xf32> to vector<16xf32>
        %mul3A_1493 = arith.constant 8.000000e+00 : f32
        %mul3A_1494 = vector.broadcast %mul3A_1493 : f32 to vector<16xf32>
        %mul3A_1495 = arith.mulf %get3A_1492, %mul3A_1494 : vector<16xf32>
        %swap3A_1496 = arith.index_cast %add3A_1476 : i32 to index
        %swap3A_1497 = arith.constant 16 : index
        %swap3A_1498 = tpu.vector_load %arg13[%swap3A_1496, %swap3A_1497] {strides = array<i32>} : memref<128x64xf32, #tpu.memory_space<vmem>>, vector<1x16xf32>,
        %swap3A_1499 = vector.shape_cast %swap3A_1498 : vector<1x16xf32> to vector<16xf32>
        %swap3A_1500 = vector.shape_cast %mul3A_1495 : vector<16xf32> to vector<1x16xf32>
        tpu.vector_store %arg13[%swap3A_1496, %swap3A_1497], %swap3A_1500 {strides = array<i32>} : memref<128x64xf32, #tpu.memory_space<vmem>>, vector<1x16xf32>,
        %get3A_1501 = arith.index_cast %add3A_1476 : i32 to index
        %get3A_1502 = arith.constant 32 : index
        %get3A_1503 = tpu.vector_load %arg9[%get3A_1501, %get3A_1502] {strides = array<i32>} : memref<128x64xf32, #tpu.memory_space<vmem>>, vector<1x16xf32>,
        %get3A_1504 = vector.shape_cast %get3A_1503 : vector<1x16xf32> to vector<16xf32>
        %mul3A_1505 = arith.constant 8.000000e+00 : f32
        %mul3A_1506 = vector.broadcast %mul3A_1505 : f32 to vector<16xf32>
        %mul3A_1507 = arith.mulf %get3A_1504, %mul3A_1506 : vector<16xf32>
        %swap3A_1508 = arith.index_cast %add3A_1476 : i32 to index
        %swap3A_1509 = arith.constant 32 : index
        %swap3A_1510 = tpu.vector_load %arg13[%swap3A_1508, %swap3A_1509] {strides = array<i32>} : memref<128x64xf32, #tpu.memory_space<vmem>>, vector<1x16xf32>,
        %swap3A_1511 = vector.shape_cast %swap3A_1510 : vector<1x16xf32> to vector<16xf32>
        %swap3A_1512 = vector.shape_cast %mul3A_1507 : vector<16xf32> to vector<1x16xf32>
        tpu.vector_store %arg13[%swap3A_1508, %swap3A_1509], %swap3A_1512 {strides = array<i32>} : memref<128x64xf32, #tpu.memory_space<vmem>>, vector<1x16xf32>,
        %get3A_1513 = arith.index_cast %add3A_1476 : i32 to index
        %get3A_1514 = arith.constant 48 : index
        %get3A_1515 = tpu.vector_load %arg9[%get3A_1513, %get3A_1514] {strides = array<i32>} : memref<128x64xf32, #tpu.memory_space<vmem>>, vector<1x16xf32>,
        %get3A_1516 = vector.shape_cast %get3A_1515 : vector<1x16xf32> to vector<16xf32>
        %mul3A_1517 = arith.constant 8.000000e+00 : f32
        %mul3A_1518 = vector.broadcast %mul3A_1517 : f32 to vector<16xf32>
        %mul3A_1519 = arith.mulf %get3A_1516, %mul3A_1518 : vector<16xf32>
        %swap3A_1520 = arith.index_cast %add3A_1476 : i32 to index
        %swap3A_1521 = arith.constant 48 : index
        %swap3A_1522 = tpu.vector_load %arg13[%swap3A_1520, %swap3A_1521] {strides = array<i32>} : memref<128x64xf32, #tpu.memory_space<vmem>>, vector<1x16xf32>,
        %swap3A_1523 = vector.shape_cast %swap3A_1522 : vector<1x16xf32> to vector<16xf32>
        %swap3A_1524 = vector.shape_cast %mul3A_1519 : vector<16xf32> to vector<1x16xf32>
        tpu.vector_store %arg13[%swap3A_1520, %swap3A_1521], %swap3A_1524 {strides = array<i32>} : memref<128x64xf32, #tpu.memory_space<vmem>>, vector<1x16xf32>,
        %scan3A_1525 = arith.constant 0 : i32
        scf.yield %scan3A_1525 : i32
      }
      %scan3A_1201 = arith.constant 32 : i32
      %mul3A_1202 = arith.constant 128 : i32
      %mul3A_1203 = arith.muli %add3A_1181, %mul3A_1202 : i32
      %add3A_1204 = arith.addi %mul3A_2, %mul3A_1203 : i32
      %dma_start3A_1205 = arith.constant 0 : i32
      %dma_start3A_1206 = tpu.memref_slice %arg4[%add3A_1204, %dma_start3A_1205] : memref<819200x64xf32, #tpu.memory_space<hbm>> -> memref<128x64xf32, #tpu.memory_space<hbm>>
      %dma_start3A_1207 = arith.constant 0 : i32
      %dma_start3A_1208 = tpu.memref_slice %arg4[%add3A_1204, %dma_start3A_1207] : memref<819200x64xf32, #tpu.memory_space<hbm>> -> memref<128x64xf32, #tpu.memory_space<hbm>>
      tpu.enqueue_dma source(%arg13 : memref<128x64xf32, #tpu.memory_space<vmem>>) target(%dma_start3A_1208 : memref<128x64xf32, #tpu.memory_space<hbm>>) target_semaphore(%arg21 : memref<!tpu.dma_semaphore, #tpu.memory_space<semaphore_mem>>)
      %add3A_1209 = arith.constant 4 : i32
      %add3A_1210 = arith.addi %add3A_1181, %add3A_1209 : i32
      %mul3A_1211 = arith.constant 128 : i32
      %mul3A_1212 = arith.muli %add3A_1210, %mul3A_1211 : i32
      %add3A_1213 = arith.constant 0 : i32
      %add3A_1214 = arith.addi %mul3A_1212, %add3A_1213 : i32
      %get3A_1215 = arith.index_cast %add3A_1214 : i32 to index
      %get3A_1216 = tpu.vector_load %arg5[%get3A_1215] {strides = array<i32>} : memref<25600xi32, #tpu.memory_space<vmem>>, vector<16xi32>,
      %get3A_1217 = vector.shape_cast %get3A_1216 : vector<16xi32> to vector<16xi32>
      %dma_start3A_1218 = arith.constant 0 : i32
      %dma_start3A_1219 = arith.constant 0 : i32
      %dma_start3A_1220 = tpu.memref_slice %arg9[%dma_start3A_1218, %dma_start3A_1219] : memref<128x64xf32, #tpu.memory_space<vmem>> -> memref<16x64xf32, #tpu.memory_space<vmem>>
      %dma_start3A_1221 = arith.constant 0 : i32
      %dma_start3A_1222 = arith.constant 0 : i32
      %dma_start3A_1223 = tpu.memref_slice %arg3[%dma_start3A_1221, %dma_start3A_1222] : memref<1000000x64xf32, #tpu.memory_space<hbm>> -> memref<1000000x64xf32, #tpu.memory_space<hbm>>
      tpu.enqueue_indirect_dma source(%dma_start3A_1223 : memref<1000000x64xf32, #tpu.memory_space<hbm>>) target(%dma_start3A_1220 : memref<16x64xf32, #tpu.memory_space<vmem>>) offsets(%get3A_1217 : vector<16xi32>) semaphore(%arg17 : memref<!tpu.dma_semaphore, #tpu.memory_space<semaphore_mem>>)
      %mul3A_1224 = arith.constant 128 : i32
      %mul3A_1225 = arith.muli %add3A_1210, %mul3A_1224 : i32
      %add3A_1226 = arith.constant 16 : i32
      %add3A_1227 = arith.addi %mul3A_1225, %add3A_1226 : i32
      %get3A_1228 = arith.index_cast %add3A_1227 : i32 to index
      %get3A_1229 = tpu.vector_load %arg5[%get3A_1228] {strides = array<i32>} : memref<25600xi32, #tpu.memory_space<vmem>>, vector<16xi32>,
      %get3A_1230 = vector.shape_cast %get3A_1229 : vector<16xi32> to vector<16xi32>
      %dma_start3A_1231 = arith.constant 16 : i32
      %dma_start3A_1232 = arith.constant 0 : i32
      %dma_start3A_1233 = tpu.memref_slice %arg9[%dma_start3A_1231, %dma_start3A_1232] : memref<128x64xf32, #tpu.memory_space<vmem>> -> memref<16x64xf32, #tpu.memory_space<vmem>>
      %dma_start3A_1234 = arith.constant 0 : i32
      %dma_start3A_1235 = arith.constant 0 : i32
      %dma_start3A_1236 = tpu.memref_slice %arg3[%dma_start3A_1234, %dma_start3A_1235] : memref<1000000x64xf32, #tpu.memory_space<hbm>> -> memref<1000000x64xf32, #tpu.memory_space<hbm>>
      tpu.enqueue_indirect_dma source(%dma_start3A_1236 : memref<1000000x64xf32, #tpu.memory_space<hbm>>) target(%dma_start3A_1233 : memref<16x64xf32, #tpu.memory_space<vmem>>) offsets(%get3A_1230 : vector<16xi32>) semaphore(%arg17 : memref<!tpu.dma_semaphore, #tpu.memory_space<semaphore_mem>>)
      %mul3A_1237 = arith.constant 128 : i32
      %mul3A_1238 = arith.muli %add3A_1210, %mul3A_1237 : i32
      %add3A_1239 = arith.constant 32 : i32
      %add3A_1240 = arith.addi %mul3A_1238, %add3A_1239 : i32
      %get3A_1241 = arith.index_cast %add3A_1240 : i32 to index
      %get3A_1242 = tpu.vector_load %arg5[%get3A_1241] {strides = array<i32>} : memref<25600xi32, #tpu.memory_space<vmem>>, vector<16xi32>,
      %get3A_1243 = vector.shape_cast %get3A_1242 : vector<16xi32> to vector<16xi32>
      %dma_start3A_1244 = arith.constant 32 : i32
      %dma_start3A_1245 = arith.constant 0 : i32
      %dma_start3A_1246 = tpu.memref_slice %arg9[%dma_start3A_1244, %dma_start3A_1245] : memref<128x64xf32, #tpu.memory_space<vmem>> -> memref<16x64xf32, #tpu.memory_space<vmem>>
      %dma_start3A_1247 = arith.constant 0 : i32
      %dma_start3A_1248 = arith.constant 0 : i32
      %dma_start3A_1249 = tpu.memref_slice %arg3[%dma_start3A_1247, %dma_start3A_1248] : memref<1000000x64xf32, #tpu.memory_space<hbm>> -> memref<1000000x64xf32, #tpu.memory_space<hbm>>
      tpu.enqueue_indirect_dma source(%dma_start3A_1249 : memref<1000000x64xf32, #tpu.memory_space<hbm>>) target(%dma_start3A_1246 : memref<16x64xf32, #tpu.memory_space<vmem>>) offsets(%get3A_1243 : vector<16xi32>) semaphore(%arg17 : memref<!tpu.dma_semaphore, #tpu.memory_space<semaphore_mem>>)
      %mul3A_1250 = arith.constant 128 : i32
      %mul3A_1251 = arith.muli %add3A_1210, %mul3A_1250 : i32
      %add3A_1252 = arith.constant 48 : i32
      %add3A_1253 = arith.addi %mul3A_1251, %add3A_1252 : i32
      %get3A_1254 = arith.index_cast %add3A_1253 : i32 to index
      %get3A_1255 = tpu.vector_load %arg5[%get3A_1254] {strides = array<i32>} : memref<25600xi32, #tpu.memory_space<vmem>>, vector<16xi32>,
      %get3A_1256 = vector.shape_cast %get3A_1255 : vector<16xi32> to vector<16xi32>
      %dma_start3A_1257 = arith.constant 48 : i32
      %dma_start3A_1258 = arith.constant 0 : i32
      %dma_start3A_1259 = tpu.memref_slice %arg9[%dma_start3A_1257, %dma_start3A_1258] : memref<128x64xf32, #tpu.memory_space<vmem>> -> memref<16x64xf32, #tpu.memory_space<vmem>>
      %dma_start3A_1260 = arith.constant 0 : i32
      %dma_start3A_1261 = arith.constant 0 : i32
      %dma_start3A_1262 = tpu.memref_slice %arg3[%dma_start3A_1260, %dma_start3A_1261] : memref<1000000x64xf32, #tpu.memory_space<hbm>> -> memref<1000000x64xf32, #tpu.memory_space<hbm>>
      tpu.enqueue_indirect_dma source(%dma_start3A_1262 : memref<1000000x64xf32, #tpu.memory_space<hbm>>) target(%dma_start3A_1259 : memref<16x64xf32, #tpu.memory_space<vmem>>) offsets(%get3A_1256 : vector<16xi32>) semaphore(%arg17 : memref<!tpu.dma_semaphore, #tpu.memory_space<semaphore_mem>>)
      %mul3A_1263 = arith.constant 128 : i32
      %mul3A_1264 = arith.muli %add3A_1210, %mul3A_1263 : i32
      %add3A_1265 = arith.constant 64 : i32
      %add3A_1266 = arith.addi %mul3A_1264, %add3A_1265 : i32
      %get3A_1267 = arith.index_cast %add3A_1266 : i32 to index
      %get3A_1268 = tpu.vector_load %arg5[%get3A_1267] {strides = array<i32>} : memref<25600xi32, #tpu.memory_space<vmem>>, vector<16xi32>,
      %get3A_1269 = vector.shape_cast %get3A_1268 : vector<16xi32> to vector<16xi32>
      %dma_start3A_1270 = arith.constant 64 : i32
      %dma_start3A_1271 = arith.constant 0 : i32
      %dma_start3A_1272 = tpu.memref_slice %arg9[%dma_start3A_1270, %dma_start3A_1271] : memref<128x64xf32, #tpu.memory_space<vmem>> -> memref<16x64xf32, #tpu.memory_space<vmem>>
      %dma_start3A_1273 = arith.constant 0 : i32
      %dma_start3A_1274 = arith.constant 0 : i32
      %dma_start3A_1275 = tpu.memref_slice %arg3[%dma_start3A_1273, %dma_start3A_1274] : memref<1000000x64xf32, #tpu.memory_space<hbm>> -> memref<1000000x64xf32, #tpu.memory_space<hbm>>
      tpu.enqueue_indirect_dma source(%dma_start3A_1275 : memref<1000000x64xf32, #tpu.memory_space<hbm>>) target(%dma_start3A_1272 : memref<16x64xf32, #tpu.memory_space<vmem>>) offsets(%get3A_1269 : vector<16xi32>) semaphore(%arg17 : memref<!tpu.dma_semaphore, #tpu.memory_space<semaphore_mem>>)
      %mul3A_1276 = arith.constant 128 : i32
      %mul3A_1277 = arith.muli %add3A_1210, %mul3A_1276 : i32
      %add3A_1278 = arith.constant 80 : i32
      %add3A_1279 = arith.addi %mul3A_1277, %add3A_1278 : i32
      %get3A_1280 = arith.index_cast %add3A_1279 : i32 to index
      %get3A_1281 = tpu.vector_load %arg5[%get3A_1280] {strides = array<i32>} : memref<25600xi32, #tpu.memory_space<vmem>>, vector<16xi32>,
      %get3A_1282 = vector.shape_cast %get3A_1281 : vector<16xi32> to vector<16xi32>
      %dma_start3A_1283 = arith.constant 80 : i32
      %dma_start3A_1284 = arith.constant 0 : i32
      %dma_start3A_1285 = tpu.memref_slice %arg9[%dma_start3A_1283, %dma_start3A_1284] : memref<128x64xf32, #tpu.memory_space<vmem>> -> memref<16x64xf32, #tpu.memory_space<vmem>>
      %dma_start3A_1286 = arith.constant 0 : i32
      %dma_start3A_1287 = arith.constant 0 : i32
      %dma_start3A_1288 = tpu.memref_slice %arg3[%dma_start3A_1286, %dma_start3A_1287] : memref<1000000x64xf32, #tpu.memory_space<hbm>> -> memref<1000000x64xf32, #tpu.memory_space<hbm>>
      tpu.enqueue_indirect_dma source(%dma_start3A_1288 : memref<1000000x64xf32, #tpu.memory_space<hbm>>) target(%dma_start3A_1285 : memref<16x64xf32, #tpu.memory_space<vmem>>) offsets(%get3A_1282 : vector<16xi32>) semaphore(%arg17 : memref<!tpu.dma_semaphore, #tpu.memory_space<semaphore_mem>>)
      %mul3A_1289 = arith.constant 128 : i32
      %mul3A_1290 = arith.muli %add3A_1210, %mul3A_1289 : i32
      %add3A_1291 = arith.constant 96 : i32
      %add3A_1292 = arith.addi %mul3A_1290, %add3A_1291 : i32
      %get3A_1293 = arith.index_cast %add3A_1292 : i32 to index
      %get3A_1294 = tpu.vector_load %arg5[%get3A_1293] {strides = array<i32>} : memref<25600xi32, #tpu.memory_space<vmem>>, vector<16xi32>,
      %get3A_1295 = vector.shape_cast %get3A_1294 : vector<16xi32> to vector<16xi32>
      %dma_start3A_1296 = arith.constant 96 : i32
      %dma_start3A_1297 = arith.constant 0 : i32
      %dma_start3A_1298 = tpu.memref_slice %arg9[%dma_start3A_1296, %dma_start3A_1297] : memref<128x64xf32, #tpu.memory_space<vmem>> -> memref<16x64xf32, #tpu.memory_space<vmem>>
      %dma_start3A_1299 = arith.constant 0 : i32
      %dma_start3A_1300 = arith.constant 0 : i32
      %dma_start3A_1301 = tpu.memref_slice %arg3[%dma_start3A_1299, %dma_start3A_1300] : memref<1000000x64xf32, #tpu.memory_space<hbm>> -> memref<1000000x64xf32, #tpu.memory_space<hbm>>
      tpu.enqueue_indirect_dma source(%dma_start3A_1301 : memref<1000000x64xf32, #tpu.memory_space<hbm>>) target(%dma_start3A_1298 : memref<16x64xf32, #tpu.memory_space<vmem>>) offsets(%get3A_1295 : vector<16xi32>) semaphore(%arg17 : memref<!tpu.dma_semaphore, #tpu.memory_space<semaphore_mem>>)
      %mul3A_1302 = arith.constant 128 : i32
      %mul3A_1303 = arith.muli %add3A_1210, %mul3A_1302 : i32
      %add3A_1304 = arith.constant 112 : i32
      %add3A_1305 = arith.addi %mul3A_1303, %add3A_1304 : i32
      %get3A_1306 = arith.index_cast %add3A_1305 : i32 to index
      %get3A_1307 = tpu.vector_load %arg5[%get3A_1306] {strides = array<i32>} : memref<25600xi32, #tpu.memory_space<vmem>>, vector<16xi32>,
      %get3A_1308 = vector.shape_cast %get3A_1307 : vector<16xi32> to vector<16xi32>
      %dma_start3A_1309 = arith.constant 112 : i32
      %dma_start3A_1310 = arith.constant 0 : i32
      %dma_start3A_1311 = tpu.memref_slice %arg9[%dma_start3A_1309, %dma_start3A_1310] : memref<128x64xf32, #tpu.memory_space<vmem>> -> memref<16x64xf32, #tpu.memory_space<vmem>>
      %dma_start3A_1312 = arith.constant 0 : i32
      %dma_start3A_1313 = arith.constant 0 : i32
      %dma_start3A_1314 = tpu.memref_slice %arg3[%dma_start3A_1312, %dma_start3A_1313] : memref<1000000x64xf32, #tpu.memory_space<hbm>> -> memref<1000000x64xf32, #tpu.memory_space<hbm>>
      tpu.enqueue_indirect_dma source(%dma_start3A_1314 : memref<1000000x64xf32, #tpu.memory_space<hbm>>) target(%dma_start3A_1311 : memref<16x64xf32, #tpu.memory_space<vmem>>) offsets(%get3A_1308 : vector<16xi32>) semaphore(%arg17 : memref<!tpu.dma_semaphore, #tpu.memory_space<semaphore_mem>>)
      %scan3A_1315 = arith.constant 0 : i32
      scf.yield %scan3A_1315 : i32
    }
    %scan3A_649 = arith.constant 48 : i32
    %dma_wait3A_650 = arith.constant 0 : i32
    %dma_wait3A_651 = tpu.memref_slice %arg4[%mul3A_2, %dma_wait3A_650] : memref<819200x64xf32, #tpu.memory_space<hbm>> -> memref<128x64xf32, #tpu.memory_space<hbm>>
    %dma_wait3A_652 = arith.constant 0 : i32
    %dma_wait3A_653 = tpu.memref_slice %arg4[%mul3A_2, %dma_wait3A_652] : memref<819200x64xf32, #tpu.memory_space<hbm>> -> memref<128x64xf32, #tpu.memory_space<hbm>>
    tpu.wait_dma2 semaphore(%arg14 : memref<!tpu.dma_semaphore, #tpu.memory_space<semaphore_mem>>) src(%dma_wait3A_653 : memref<128x64xf32, #tpu.memory_space<hbm>>) dst(%arg6 : memref<128x64xf32, #tpu.memory_space<vmem>>)
    %add3A_654 = arith.constant 24576 : i32
    %add3A_655 = arith.addi %mul3A_2, %add3A_654 : i32
    %dma_wait3A_656 = arith.constant 0 : i32
    %dma_wait3A_657 = tpu.memref_slice %arg4[%add3A_655, %dma_wait3A_656] : memref<819200x64xf32, #tpu.memory_space<hbm>> -> memref<128x64xf32, #tpu.memory_space<hbm>>
    %dma_wait3A_658 = arith.constant 0 : i32
    %dma_wait3A_659 = tpu.memref_slice %arg4[%add3A_655, %dma_wait3A_658] : memref<819200x64xf32, #tpu.memory_space<hbm>> -> memref<128x64xf32, #tpu.memory_space<hbm>>
    tpu.wait_dma2 semaphore(%arg18 : memref<!tpu.dma_semaphore, #tpu.memory_space<semaphore_mem>>) src(%arg10 : memref<128x64xf32, #tpu.memory_space<vmem>>) dst(%dma_wait3A_659 : memref<128x64xf32, #tpu.memory_space<hbm>>)
    %scan3A_660 = arith.constant 0 : i32
    %scan3A_661 = arith.constant 0 : i32
    %scan3A_662 = arith.constant 32 : i32
    %scan3A_663 = arith.addi %scan3A_661, %scan3A_662 : i32
    %scan3A_664 = arith.constant 1 : i32
    %scan3A_665 = scf.for %scan3A_766 = %scan3A_661 to %scan3A_663 step %scan3A_664 iter_args(%scan3A_767 = %scan3A_660) -> (i32)  : i32 {
      %mul3A_768 = arith.constant 4 : i32
      %mul3A_769 = arith.muli %scan3A_766, %mul3A_768 : i32
      %add3A_770 = arith.constant 0 : i32
      %add3A_771 = arith.addi %mul3A_769, %add3A_770 : i32
      %get3A_772 = arith.index_cast %add3A_771 : i32 to index
      %get3A_773 = arith.constant 0 : index
      %get3A_774 = tpu.vector_load %arg6[%get3A_772, %get3A_773] {strides = array<i32>} : memref<128x64xf32, #tpu.memory_space<vmem>>, vector<1x16xf32>,
      %get3A_775 = vector.shape_cast %get3A_774 : vector<1x16xf32> to vector<16xf32>
      %mul3A_776 = arith.constant 8.000000e+00 : f32
      %mul3A_777 = vector.broadcast %mul3A_776 : f32 to vector<16xf32>
      %mul3A_778 = arith.mulf %get3A_775, %mul3A_777 : vector<16xf32>
      %swap3A = arith.index_cast %add3A_771 : i32 to index
      %swap3A_779 = arith.constant 0 : index
      %swap3A_780 = tpu.vector_load %arg10[%swap3A, %swap3A_779] {strides = array<i32>} : memref<128x64xf32, #tpu.memory_space<vmem>>, vector<1x16xf32>,
      %swap3A_781 = vector.shape_cast %swap3A_780 : vector<1x16xf32> to vector<16xf32>
      %swap3A_782 = vector.shape_cast %mul3A_778 : vector<16xf32> to vector<1x16xf32>
      tpu.vector_store %arg10[%swap3A, %swap3A_779], %swap3A_782 {strides = array<i32>} : memref<128x64xf32, #tpu.memory_space<vmem>>, vector<1x16xf32>,
      %get3A_783 = arith.index_cast %add3A_771 : i32 to index
      %get3A_784 = arith.constant 16 : index
      %get3A_785 = tpu.vector_load %arg6[%get3A_783, %get3A_784] {strides = array<i32>} : memref<128x64xf32, #tpu.memory_space<vmem>>, vector<1x16xf32>,
      %get3A_786 = vector.shape_cast %get3A_785 : vector<1x16xf32> to vector<16xf32>
      %mul3A_787 = arith.constant 8.000000e+00 : f32
      %mul3A_788 = vector.broadcast %mul3A_787 : f32 to vector<16xf32>
      %mul3A_789 = arith.mulf %get3A_786, %mul3A_788 : vector<16xf32>
      %swap3A_790 = arith.index_cast %add3A_771 : i32 to index
      %swap3A_791 = arith.constant 16 : index
      %swap3A_792 = tpu.vector_load %arg10[%swap3A_790, %swap3A_791] {strides = array<i32>} : memref<128x64xf32, #tpu.memory_space<vmem>>, vector<1x16xf32>,
      %swap3A_793 = vector.shape_cast %swap3A_792 : vector<1x16xf32> to vector<16xf32>
      %swap3A_794 = vector.shape_cast %mul3A_789 : vector<16xf32> to vector<1x16xf32>
      tpu.vector_store %arg10[%swap3A_790, %swap3A_791], %swap3A_794 {strides = array<i32>} : memref<128x64xf32, #tpu.memory_space<vmem>>, vector<1x16xf32>,
      %get3A_795 = arith.index_cast %add3A_771 : i32 to index
      %get3A_796 = arith.constant 32 : index
      %get3A_797 = tpu.vector_load %arg6[%get3A_795, %get3A_796] {strides = array<i32>} : memref<128x64xf32, #tpu.memory_space<vmem>>, vector<1x16xf32>,
      %get3A_798 = vector.shape_cast %get3A_797 : vector<1x16xf32> to vector<16xf32>
      %mul3A_799 = arith.constant 8.000000e+00 : f32
      %mul3A_800 = vector.broadcast %mul3A_799 : f32 to vector<16xf32>
      %mul3A_801 = arith.mulf %get3A_798, %mul3A_800 : vector<16xf32>
      %swap3A_802 = arith.index_cast %add3A_771 : i32 to index
      %swap3A_803 = arith.constant 32 : index
      %swap3A_804 = tpu.vector_load %arg10[%swap3A_802, %swap3A_803] {strides = array<i32>} : memref<128x64xf32, #tpu.memory_space<vmem>>, vector<1x16xf32>,
      %swap3A_805 = vector.shape_cast %swap3A_804 : vector<1x16xf32> to vector<16xf32>
      %swap3A_806 = vector.shape_cast %mul3A_801 : vector<16xf32> to vector<1x16xf32>
      tpu.vector_store %arg10[%swap3A_802, %swap3A_803], %swap3A_806 {strides = array<i32>} : memref<128x64xf32, #tpu.memory_space<vmem>>, vector<1x16xf32>,
      %get3A_807 = arith.index_cast %add3A_771 : i32 to index
      %get3A_808 = arith.constant 48 : index
      %get3A_809 = tpu.vector_load %arg6[%get3A_807, %get3A_808] {strides = array<i32>} : memref<128x64xf32, #tpu.memory_space<vmem>>, vector<1x16xf32>,
      %get3A_810 = vector.shape_cast %get3A_809 : vector<1x16xf32> to vector<16xf32>
      %mul3A_811 = arith.constant 8.000000e+00 : f32
      %mul3A_812 = vector.broadcast %mul3A_811 : f32 to vector<16xf32>
      %mul3A_813 = arith.mulf %get3A_810, %mul3A_812 : vector<16xf32>
      %swap3A_814 = arith.index_cast %add3A_771 : i32 to index
      %swap3A_815 = arith.constant 48 : index
      %swap3A_816 = tpu.vector_load %arg10[%swap3A_814, %swap3A_815] {strides = array<i32>} : memref<128x64xf32, #tpu.memory_space<vmem>>, vector<1x16xf32>,
      %swap3A_817 = vector.shape_cast %swap3A_816 : vector<1x16xf32> to vector<16xf32>
      %swap3A_818 = vector.shape_cast %mul3A_813 : vector<16xf32> to vector<1x16xf32>
      tpu.vector_store %arg10[%swap3A_814, %swap3A_815], %swap3A_818 {strides = array<i32>} : memref<128x64xf32, #tpu.memory_space<vmem>>, vector<1x16xf32>,
      %mul3A_819 = arith.constant 4 : i32
      %mul3A_820 = arith.muli %scan3A_766, %mul3A_819 : i32
      %add3A_821 = arith.constant 1 : i32
      %add3A_822 = arith.addi %mul3A_820, %add3A_821 : i32
      %get3A_823 = arith.index_cast %add3A_822 : i32 to index
      %get3A_824 = arith.constant 0 : index
      %get3A_825 = tpu.vector_load %arg6[%get3A_823, %get3A_824] {strides = array<i32>} : memref<128x64xf32, #tpu.memory_space<vmem>>, vector<1x16xf32>,
      %get3A_826 = vector.shape_cast %get3A_825 : vector<1x16xf32> to vector<16xf32>
      %mul3A_827 = arith.constant 8.000000e+00 : f32
      %mul3A_828 = vector.broadcast %mul3A_827 : f32 to vector<16xf32>
      %mul3A_829 = arith.mulf %get3A_826, %mul3A_828 : vector<16xf32>
      %swap3A_830 = arith.index_cast %add3A_822 : i32 to index
      %swap3A_831 = arith.constant 0 : index
      %swap3A_832 = tpu.vector_load %arg10[%swap3A_830, %swap3A_831] {strides = array<i32>} : memref<128x64xf32, #tpu.memory_space<vmem>>, vector<1x16xf32>,
      %swap3A_833 = vector.shape_cast %swap3A_832 : vector<1x16xf32> to vector<16xf32>
      %swap3A_834 = vector.shape_cast %mul3A_829 : vector<16xf32> to vector<1x16xf32>
      tpu.vector_store %arg10[%swap3A_830, %swap3A_831], %swap3A_834 {strides = array<i32>} : memref<128x64xf32, #tpu.memory_space<vmem>>, vector<1x16xf32>,
      %get3A_835 = arith.index_cast %add3A_822 : i32 to index
      %get3A_836 = arith.constant 16 : index
      %get3A_837 = tpu.vector_load %arg6[%get3A_835, %get3A_836] {strides = array<i32>} : memref<128x64xf32, #tpu.memory_space<vmem>>, vector<1x16xf32>,
      %get3A_838 = vector.shape_cast %get3A_837 : vector<1x16xf32> to vector<16xf32>
      %mul3A_839 = arith.constant 8.000000e+00 : f32
      %mul3A_840 = vector.broadcast %mul3A_839 : f32 to vector<16xf32>
      %mul3A_841 = arith.mulf %get3A_838, %mul3A_840 : vector<16xf32>
      %swap3A_842 = arith.index_cast %add3A_822 : i32 to index
      %swap3A_843 = arith.constant 16 : index
      %swap3A_844 = tpu.vector_load %arg10[%swap3A_842, %swap3A_843] {strides = array<i32>} : memref<128x64xf32, #tpu.memory_space<vmem>>, vector<1x16xf32>,
      %swap3A_845 = vector.shape_cast %swap3A_844 : vector<1x16xf32> to vector<16xf32>
      %swap3A_846 = vector.shape_cast %mul3A_841 : vector<16xf32> to vector<1x16xf32>
      tpu.vector_store %arg10[%swap3A_842, %swap3A_843], %swap3A_846 {strides = array<i32>} : memref<128x64xf32, #tpu.memory_space<vmem>>, vector<1x16xf32>,
      %get3A_847 = arith.index_cast %add3A_822 : i32 to index
      %get3A_848 = arith.constant 32 : index
      %get3A_849 = tpu.vector_load %arg6[%get3A_847, %get3A_848] {strides = array<i32>} : memref<128x64xf32, #tpu.memory_space<vmem>>, vector<1x16xf32>,
      %get3A_850 = vector.shape_cast %get3A_849 : vector<1x16xf32> to vector<16xf32>
      %mul3A_851 = arith.constant 8.000000e+00 : f32
      %mul3A_852 = vector.broadcast %mul3A_851 : f32 to vector<16xf32>
      %mul3A_853 = arith.mulf %get3A_850, %mul3A_852 : vector<16xf32>
      %swap3A_854 = arith.index_cast %add3A_822 : i32 to index
      %swap3A_855 = arith.constant 32 : index
      %swap3A_856 = tpu.vector_load %arg10[%swap3A_854, %swap3A_855] {strides = array<i32>} : memref<128x64xf32, #tpu.memory_space<vmem>>, vector<1x16xf32>,
      %swap3A_857 = vector.shape_cast %swap3A_856 : vector<1x16xf32> to vector<16xf32>
      %swap3A_858 = vector.shape_cast %mul3A_853 : vector<16xf32> to vector<1x16xf32>
      tpu.vector_store %arg10[%swap3A_854, %swap3A_855], %swap3A_858 {strides = array<i32>} : memref<128x64xf32, #tpu.memory_space<vmem>>, vector<1x16xf32>,
      %get3A_859 = arith.index_cast %add3A_822 : i32 to index
      %get3A_860 = arith.constant 48 : index
      %get3A_861 = tpu.vector_load %arg6[%get3A_859, %get3A_860] {strides = array<i32>} : memref<128x64xf32, #tpu.memory_space<vmem>>, vector<1x16xf32>,
      %get3A_862 = vector.shape_cast %get3A_861 : vector<1x16xf32> to vector<16xf32>
      %mul3A_863 = arith.constant 8.000000e+00 : f32
      %mul3A_864 = vector.broadcast %mul3A_863 : f32 to vector<16xf32>
      %mul3A_865 = arith.mulf %get3A_862, %mul3A_864 : vector<16xf32>
      %swap3A_866 = arith.index_cast %add3A_822 : i32 to index
      %swap3A_867 = arith.constant 48 : index
      %swap3A_868 = tpu.vector_load %arg10[%swap3A_866, %swap3A_867] {strides = array<i32>} : memref<128x64xf32, #tpu.memory_space<vmem>>, vector<1x16xf32>,
      %swap3A_869 = vector.shape_cast %swap3A_868 : vector<1x16xf32> to vector<16xf32>
      %swap3A_870 = vector.shape_cast %mul3A_865 : vector<16xf32> to vector<1x16xf32>
      tpu.vector_store %arg10[%swap3A_866, %swap3A_867], %swap3A_870 {strides = array<i32>} : memref<128x64xf32, #tpu.memory_space<vmem>>, vector<1x16xf32>,
      %mul3A_871 = arith.constant 4 : i32
      %mul3A_872 = arith.muli %scan3A_766, %mul3A_871 : i32
      %add3A_873 = arith.constant 2 : i32
      %add3A_874 = arith.addi %mul3A_872, %add3A_873 : i32
      %get3A_875 = arith.index_cast %add3A_874 : i32 to index
      %get3A_876 = arith.constant 0 : index
      %get3A_877 = tpu.vector_load %arg6[%get3A_875, %get3A_876] {strides = array<i32>} : memref<128x64xf32, #tpu.memory_space<vmem>>, vector<1x16xf32>,
      %get3A_878 = vector.shape_cast %get3A_877 : vector<1x16xf32> to vector<16xf32>
      %mul3A_879 = arith.constant 8.000000e+00 : f32
      %mul3A_880 = vector.broadcast %mul3A_879 : f32 to vector<16xf32>
      %mul3A_881 = arith.mulf %get3A_878, %mul3A_880 : vector<16xf32>
      %swap3A_882 = arith.index_cast %add3A_874 : i32 to index
      %swap3A_883 = arith.constant 0 : index
      %swap3A_884 = tpu.vector_load %arg10[%swap3A_882, %swap3A_883] {strides = array<i32>} : memref<128x64xf32, #tpu.memory_space<vmem>>, vector<1x16xf32>,
      %swap3A_885 = vector.shape_cast %swap3A_884 : vector<1x16xf32> to vector<16xf32>
      %swap3A_886 = vector.shape_cast %mul3A_881 : vector<16xf32> to vector<1x16xf32>
      tpu.vector_store %arg10[%swap3A_882, %swap3A_883], %swap3A_886 {strides = array<i32>} : memref<128x64xf32, #tpu.memory_space<vmem>>, vector<1x16xf32>,
      %get3A_887 = arith.index_cast %add3A_874 : i32 to index
      %get3A_888 = arith.constant 16 : index
      %get3A_889 = tpu.vector_load %arg6[%get3A_887, %get3A_888] {strides = array<i32>} : memref<128x64xf32, #tpu.memory_space<vmem>>, vector<1x16xf32>,
      %get3A_890 = vector.shape_cast %get3A_889 : vector<1x16xf32> to vector<16xf32>
      %mul3A_891 = arith.constant 8.000000e+00 : f32
      %mul3A_892 = vector.broadcast %mul3A_891 : f32 to vector<16xf32>
      %mul3A_893 = arith.mulf %get3A_890, %mul3A_892 : vector<16xf32>
      %swap3A_894 = arith.index_cast %add3A_874 : i32 to index
      %swap3A_895 = arith.constant 16 : index
      %swap3A_896 = tpu.vector_load %arg10[%swap3A_894, %swap3A_895] {strides = array<i32>} : memref<128x64xf32, #tpu.memory_space<vmem>>, vector<1x16xf32>,
      %swap3A_897 = vector.shape_cast %swap3A_896 : vector<1x16xf32> to vector<16xf32>
      %swap3A_898 = vector.shape_cast %mul3A_893 : vector<16xf32> to vector<1x16xf32>
      tpu.vector_store %arg10[%swap3A_894, %swap3A_895], %swap3A_898 {strides = array<i32>} : memref<128x64xf32, #tpu.memory_space<vmem>>, vector<1x16xf32>,
      %get3A_899 = arith.index_cast %add3A_874 : i32 to index
      %get3A_900 = arith.constant 32 : index
      %get3A_901 = tpu.vector_load %arg6[%get3A_899, %get3A_900] {strides = array<i32>} : memref<128x64xf32, #tpu.memory_space<vmem>>, vector<1x16xf32>,
      %get3A_902 = vector.shape_cast %get3A_901 : vector<1x16xf32> to vector<16xf32>
      %mul3A_903 = arith.constant 8.000000e+00 : f32
      %mul3A_904 = vector.broadcast %mul3A_903 : f32 to vector<16xf32>
      %mul3A_905 = arith.mulf %get3A_902, %mul3A_904 : vector<16xf32>
      %swap3A_906 = arith.index_cast %add3A_874 : i32 to index
      %swap3A_907 = arith.constant 32 : index
      %swap3A_908 = tpu.vector_load %arg10[%swap3A_906, %swap3A_907] {strides = array<i32>} : memref<128x64xf32, #tpu.memory_space<vmem>>, vector<1x16xf32>,
      %swap3A_909 = vector.shape_cast %swap3A_908 : vector<1x16xf32> to vector<16xf32>
      %swap3A_910 = vector.shape_cast %mul3A_905 : vector<16xf32> to vector<1x16xf32>
      tpu.vector_store %arg10[%swap3A_906, %swap3A_907], %swap3A_910 {strides = array<i32>} : memref<128x64xf32, #tpu.memory_space<vmem>>, vector<1x16xf32>,
      %get3A_911 = arith.index_cast %add3A_874 : i32 to index
      %get3A_912 = arith.constant 48 : index
      %get3A_913 = tpu.vector_load %arg6[%get3A_911, %get3A_912] {strides = array<i32>} : memref<128x64xf32, #tpu.memory_space<vmem>>, vector<1x16xf32>,
      %get3A_914 = vector.shape_cast %get3A_913 : vector<1x16xf32> to vector<16xf32>
      %mul3A_915 = arith.constant 8.000000e+00 : f32
      %mul3A_916 = vector.broadcast %mul3A_915 : f32 to vector<16xf32>
      %mul3A_917 = arith.mulf %get3A_914, %mul3A_916 : vector<16xf32>
      %swap3A_918 = arith.index_cast %add3A_874 : i32 to index
      %swap3A_919 = arith.constant 48 : index
      %swap3A_920 = tpu.vector_load %arg10[%swap3A_918, %swap3A_919] {strides = array<i32>} : memref<128x64xf32, #tpu.memory_space<vmem>>, vector<1x16xf32>,
      %swap3A_921 = vector.shape_cast %swap3A_920 : vector<1x16xf32> to vector<16xf32>
      %swap3A_922 = vector.shape_cast %mul3A_917 : vector<16xf32> to vector<1x16xf32>
      tpu.vector_store %arg10[%swap3A_918, %swap3A_919], %swap3A_922 {strides = array<i32>} : memref<128x64xf32, #tpu.memory_space<vmem>>, vector<1x16xf32>,
      %mul3A_923 = arith.constant 4 : i32
      %mul3A_924 = arith.muli %scan3A_766, %mul3A_923 : i32
      %add3A_925 = arith.constant 3 : i32
      %add3A_926 = arith.addi %mul3A_924, %add3A_925 : i32
      %get3A_927 = arith.index_cast %add3A_926 : i32 to index
      %get3A_928 = arith.constant 0 : index
      %get3A_929 = tpu.vector_load %arg6[%get3A_927, %get3A_928] {strides = array<i32>} : memref<128x64xf32, #tpu.memory_space<vmem>>, vector<1x16xf32>,
      %get3A_930 = vector.shape_cast %get3A_929 : vector<1x16xf32> to vector<16xf32>
      %mul3A_931 = arith.constant 8.000000e+00 : f32
      %mul3A_932 = vector.broadcast %mul3A_931 : f32 to vector<16xf32>
      %mul3A_933 = arith.mulf %get3A_930, %mul3A_932 : vector<16xf32>
      %swap3A_934 = arith.index_cast %add3A_926 : i32 to index
      %swap3A_935 = arith.constant 0 : index
      %swap3A_936 = tpu.vector_load %arg10[%swap3A_934, %swap3A_935] {strides = array<i32>} : memref<128x64xf32, #tpu.memory_space<vmem>>, vector<1x16xf32>,
      %swap3A_937 = vector.shape_cast %swap3A_936 : vector<1x16xf32> to vector<16xf32>
      %swap3A_938 = vector.shape_cast %mul3A_933 : vector<16xf32> to vector<1x16xf32>
      tpu.vector_store %arg10[%swap3A_934, %swap3A_935], %swap3A_938 {strides = array<i32>} : memref<128x64xf32, #tpu.memory_space<vmem>>, vector<1x16xf32>,
      %get3A_939 = arith.index_cast %add3A_926 : i32 to index
      %get3A_940 = arith.constant 16 : index
      %get3A_941 = tpu.vector_load %arg6[%get3A_939, %get3A_940] {strides = array<i32>} : memref<128x64xf32, #tpu.memory_space<vmem>>, vector<1x16xf32>,
      %get3A_942 = vector.shape_cast %get3A_941 : vector<1x16xf32> to vector<16xf32>
      %mul3A_943 = arith.constant 8.000000e+00 : f32
      %mul3A_944 = vector.broadcast %mul3A_943 : f32 to vector<16xf32>
      %mul3A_945 = arith.mulf %get3A_942, %mul3A_944 : vector<16xf32>
      %swap3A_946 = arith.index_cast %add3A_926 : i32 to index
      %swap3A_947 = arith.constant 16 : index
      %swap3A_948 = tpu.vector_load %arg10[%swap3A_946, %swap3A_947] {strides = array<i32>} : memref<128x64xf32, #tpu.memory_space<vmem>>, vector<1x16xf32>,
      %swap3A_949 = vector.shape_cast %swap3A_948 : vector<1x16xf32> to vector<16xf32>
      %swap3A_950 = vector.shape_cast %mul3A_945 : vector<16xf32> to vector<1x16xf32>
      tpu.vector_store %arg10[%swap3A_946, %swap3A_947], %swap3A_950 {strides = array<i32>} : memref<128x64xf32, #tpu.memory_space<vmem>>, vector<1x16xf32>,
      %get3A_951 = arith.index_cast %add3A_926 : i32 to index
      %get3A_952 = arith.constant 32 : index
      %get3A_953 = tpu.vector_load %arg6[%get3A_951, %get3A_952] {strides = array<i32>} : memref<128x64xf32, #tpu.memory_space<vmem>>, vector<1x16xf32>,
      %get3A_954 = vector.shape_cast %get3A_953 : vector<1x16xf32> to vector<16xf32>
      %mul3A_955 = arith.constant 8.000000e+00 : f32
      %mul3A_956 = vector.broadcast %mul3A_955 : f32 to vector<16xf32>
      %mul3A_957 = arith.mulf %get3A_954, %mul3A_956 : vector<16xf32>
      %swap3A_958 = arith.index_cast %add3A_926 : i32 to index
      %swap3A_959 = arith.constant 32 : index
      %swap3A_960 = tpu.vector_load %arg10[%swap3A_958, %swap3A_959] {strides = array<i32>} : memref<128x64xf32, #tpu.memory_space<vmem>>, vector<1x16xf32>,
      %swap3A_961 = vector.shape_cast %swap3A_960 : vector<1x16xf32> to vector<16xf32>
      %swap3A_962 = vector.shape_cast %mul3A_957 : vector<16xf32> to vector<1x16xf32>
      tpu.vector_store %arg10[%swap3A_958, %swap3A_959], %swap3A_962 {strides = array<i32>} : memref<128x64xf32, #tpu.memory_space<vmem>>, vector<1x16xf32>,
      %get3A_963 = arith.index_cast %add3A_926 : i32 to index
      %get3A_964 = arith.constant 48 : index
      %get3A_965 = tpu.vector_load %arg6[%get3A_963, %get3A_964] {strides = array<i32>} : memref<128x64xf32, #tpu.memory_space<vmem>>, vector<1x16xf32>,
      %get3A_966 = vector.shape_cast %get3A_965 : vector<1x16xf32> to vector<16xf32>
      %mul3A_967 = arith.constant 8.000000e+00 : f32
      %mul3A_968 = vector.broadcast %mul3A_967 : f32 to vector<16xf32>
      %mul3A_969 = arith.mulf %get3A_966, %mul3A_968 : vector<16xf32>
      %swap3A_970 = arith.index_cast %add3A_926 : i32 to index
      %swap3A_971 = arith.constant 48 : index
      %swap3A_972 = tpu.vector_load %arg10[%swap3A_970, %swap3A_971] {strides = array<i32>} : memref<128x64xf32, #tpu.memory_space<vmem>>, vector<1x16xf32>,
      %swap3A_973 = vector.shape_cast %swap3A_972 : vector<1x16xf32> to vector<16xf32>
      %swap3A_974 = vector.shape_cast %mul3A_969 : vector<16xf32> to vector<1x16xf32>
      tpu.vector_store %arg10[%swap3A_970, %swap3A_971], %swap3A_974 {strides = array<i32>} : memref<128x64xf32, #tpu.memory_space<vmem>>, vector<1x16xf32>,
      %scan3A_975 = arith.constant 0 : i32
      scf.yield %scan3A_975 : i32
    }
    %scan3A_666 = arith.constant 32 : i32
    %add3A_667 = arith.constant 25088 : i32
    %add3A_668 = arith.addi %mul3A_2, %add3A_667 : i32
    %dma_start3A_669 = arith.constant 0 : i32
    %dma_start3A_670 = tpu.memref_slice %arg4[%add3A_668, %dma_start3A_669] : memref<819200x64xf32, #tpu.memory_space<hbm>> -> memref<128x64xf32, #tpu.memory_space<hbm>>
    %dma_start3A_671 = arith.constant 0 : i32
    %dma_start3A_672 = tpu.memref_slice %arg4[%add3A_668, %dma_start3A_671] : memref<819200x64xf32, #tpu.memory_space<hbm>> -> memref<128x64xf32, #tpu.memory_space<hbm>>
    tpu.enqueue_dma source(%arg10 : memref<128x64xf32, #tpu.memory_space<vmem>>) target(%dma_start3A_672 : memref<128x64xf32, #tpu.memory_space<hbm>>) target_semaphore(%arg18 : memref<!tpu.dma_semaphore, #tpu.memory_space<semaphore_mem>>)
    %dma_wait3A_673 = arith.constant 0 : i32
    %dma_wait3A_674 = tpu.memref_slice %arg4[%mul3A_2, %dma_wait3A_673] : memref<819200x64xf32, #tpu.memory_space<hbm>> -> memref<128x64xf32, #tpu.memory_space<hbm>>
    %dma_wait3A_675 = arith.constant 0 : i32
    %dma_wait3A_676 = tpu.memref_slice %arg4[%mul3A_2, %dma_wait3A_675] : memref<819200x64xf32, #tpu.memory_space<hbm>> -> memref<128x64xf32, #tpu.memory_space<hbm>>
    tpu.wait_dma2 semaphore(%arg15 : memref<!tpu.dma_semaphore, #tpu.memory_space<semaphore_mem>>) src(%dma_wait3A_676 : memref<128x64xf32, #tpu.memory_space<hbm>>) dst(%arg7 : memref<128x64xf32, #tpu.memory_space<vmem>>)
    %add3A_677 = arith.constant 24704 : i32
    %add3A_678 = arith.addi %mul3A_2, %add3A_677 : i32
    %dma_wait3A_679 = arith.constant 0 : i32
    %dma_wait3A_680 = tpu.memref_slice %arg4[%add3A_678, %dma_wait3A_679] : memref<819200x64xf32, #tpu.memory_space<hbm>> -> memref<128x64xf32, #tpu.memory_space<hbm>>
    %dma_wait3A_681 = arith.constant 0 : i32
    %dma_wait3A_682 = tpu.memref_slice %arg4[%add3A_678, %dma_wait3A_681] : memref<819200x64xf32, #tpu.memory_space<hbm>> -> memref<128x64xf32, #tpu.memory_space<hbm>>
    tpu.wait_dma2 semaphore(%arg19 : memref<!tpu.dma_semaphore, #tpu.memory_space<semaphore_mem>>) src(%arg11 : memref<128x64xf32, #tpu.memory_space<vmem>>) dst(%dma_wait3A_682 : memref<128x64xf32, #tpu.memory_space<hbm>>)
    %scan3A_683 = arith.constant 0 : i32
    %scan3A_684 = arith.constant 0 : i32
    %scan3A_685 = arith.constant 32 : i32
    %scan3A_686 = arith.addi %scan3A_684, %scan3A_685 : i32
    %scan3A_687 = arith.constant 1 : i32
    %scan3A_688 = scf.for %scan3A_766 = %scan3A_684 to %scan3A_686 step %scan3A_687 iter_args(%scan3A_767 = %scan3A_683) -> (i32)  : i32 {
      %mul3A_768 = arith.constant 4 : i32
      %mul3A_769 = arith.muli %scan3A_766, %mul3A_768 : i32
      %add3A_770 = arith.constant 0 : i32
      %add3A_771 = arith.addi %mul3A_769, %add3A_770 : i32
      %get3A_772 = arith.index_cast %add3A_771 : i32 to index
      %get3A_773 = arith.constant 0 : index
      %get3A_774 = tpu.vector_load %arg7[%get3A_772, %get3A_773] {strides = array<i32>} : memref<128x64xf32, #tpu.memory_space<vmem>>, vector<1x16xf32>,
      %get3A_775 = vector.shape_cast %get3A_774 : vector<1x16xf32> to vector<16xf32>
      %mul3A_776 = arith.constant 8.000000e+00 : f32
      %mul3A_777 = vector.broadcast %mul3A_776 : f32 to vector<16xf32>
      %mul3A_778 = arith.mulf %get3A_775, %mul3A_777 : vector<16xf32>
      %swap3A = arith.index_cast %add3A_771 : i32 to index
      %swap3A_779 = arith.constant 0 : index
      %swap3A_780 = tpu.vector_load %arg11[%swap3A, %swap3A_779] {strides = array<i32>} : memref<128x64xf32, #tpu.memory_space<vmem>>, vector<1x16xf32>,
      %swap3A_781 = vector.shape_cast %swap3A_780 : vector<1x16xf32> to vector<16xf32>
      %swap3A_782 = vector.shape_cast %mul3A_778 : vector<16xf32> to vector<1x16xf32>
      tpu.vector_store %arg11[%swap3A, %swap3A_779], %swap3A_782 {strides = array<i32>} : memref<128x64xf32, #tpu.memory_space<vmem>>, vector<1x16xf32>,
      %get3A_783 = arith.index_cast %add3A_771 : i32 to index
      %get3A_784 = arith.constant 16 : index
      %get3A_785 = tpu.vector_load %arg7[%get3A_783, %get3A_784] {strides = array<i32>} : memref<128x64xf32, #tpu.memory_space<vmem>>, vector<1x16xf32>,
      %get3A_786 = vector.shape_cast %get3A_785 : vector<1x16xf32> to vector<16xf32>
      %mul3A_787 = arith.constant 8.000000e+00 : f32
      %mul3A_788 = vector.broadcast %mul3A_787 : f32 to vector<16xf32>
      %mul3A_789 = arith.mulf %get3A_786, %mul3A_788 : vector<16xf32>
      %swap3A_790 = arith.index_cast %add3A_771 : i32 to index
      %swap3A_791 = arith.constant 16 : index
      %swap3A_792 = tpu.vector_load %arg11[%swap3A_790, %swap3A_791] {strides = array<i32>} : memref<128x64xf32, #tpu.memory_space<vmem>>, vector<1x16xf32>,
      %swap3A_793 = vector.shape_cast %swap3A_792 : vector<1x16xf32> to vector<16xf32>
      %swap3A_794 = vector.shape_cast %mul3A_789 : vector<16xf32> to vector<1x16xf32>
      tpu.vector_store %arg11[%swap3A_790, %swap3A_791], %swap3A_794 {strides = array<i32>} : memref<128x64xf32, #tpu.memory_space<vmem>>, vector<1x16xf32>,
      %get3A_795 = arith.index_cast %add3A_771 : i32 to index
      %get3A_796 = arith.constant 32 : index
      %get3A_797 = tpu.vector_load %arg7[%get3A_795, %get3A_796] {strides = array<i32>} : memref<128x64xf32, #tpu.memory_space<vmem>>, vector<1x16xf32>,
      %get3A_798 = vector.shape_cast %get3A_797 : vector<1x16xf32> to vector<16xf32>
      %mul3A_799 = arith.constant 8.000000e+00 : f32
      %mul3A_800 = vector.broadcast %mul3A_799 : f32 to vector<16xf32>
      %mul3A_801 = arith.mulf %get3A_798, %mul3A_800 : vector<16xf32>
      %swap3A_802 = arith.index_cast %add3A_771 : i32 to index
      %swap3A_803 = arith.constant 32 : index
      %swap3A_804 = tpu.vector_load %arg11[%swap3A_802, %swap3A_803] {strides = array<i32>} : memref<128x64xf32, #tpu.memory_space<vmem>>, vector<1x16xf32>,
      %swap3A_805 = vector.shape_cast %swap3A_804 : vector<1x16xf32> to vector<16xf32>
      %swap3A_806 = vector.shape_cast %mul3A_801 : vector<16xf32> to vector<1x16xf32>
      tpu.vector_store %arg11[%swap3A_802, %swap3A_803], %swap3A_806 {strides = array<i32>} : memref<128x64xf32, #tpu.memory_space<vmem>>, vector<1x16xf32>,
      %get3A_807 = arith.index_cast %add3A_771 : i32 to index
      %get3A_808 = arith.constant 48 : index
      %get3A_809 = tpu.vector_load %arg7[%get3A_807, %get3A_808] {strides = array<i32>} : memref<128x64xf32, #tpu.memory_space<vmem>>, vector<1x16xf32>,
      %get3A_810 = vector.shape_cast %get3A_809 : vector<1x16xf32> to vector<16xf32>
      %mul3A_811 = arith.constant 8.000000e+00 : f32
      %mul3A_812 = vector.broadcast %mul3A_811 : f32 to vector<16xf32>
      %mul3A_813 = arith.mulf %get3A_810, %mul3A_812 : vector<16xf32>
      %swap3A_814 = arith.index_cast %add3A_771 : i32 to index
      %swap3A_815 = arith.constant 48 : index
      %swap3A_816 = tpu.vector_load %arg11[%swap3A_814, %swap3A_815] {strides = array<i32>} : memref<128x64xf32, #tpu.memory_space<vmem>>, vector<1x16xf32>,
      %swap3A_817 = vector.shape_cast %swap3A_816 : vector<1x16xf32> to vector<16xf32>
      %swap3A_818 = vector.shape_cast %mul3A_813 : vector<16xf32> to vector<1x16xf32>
      tpu.vector_store %arg11[%swap3A_814, %swap3A_815], %swap3A_818 {strides = array<i32>} : memref<128x64xf32, #tpu.memory_space<vmem>>, vector<1x16xf32>,
      %mul3A_819 = arith.constant 4 : i32
      %mul3A_820 = arith.muli %scan3A_766, %mul3A_819 : i32
      %add3A_821 = arith.constant 1 : i32
      %add3A_822 = arith.addi %mul3A_820, %add3A_821 : i32
      %get3A_823 = arith.index_cast %add3A_822 : i32 to index
      %get3A_824 = arith.constant 0 : index
      %get3A_825 = tpu.vector_load %arg7[%get3A_823, %get3A_824] {strides = array<i32>} : memref<128x64xf32, #tpu.memory_space<vmem>>, vector<1x16xf32>,
      %get3A_826 = vector.shape_cast %get3A_825 : vector<1x16xf32> to vector<16xf32>
      %mul3A_827 = arith.constant 8.000000e+00 : f32
      %mul3A_828 = vector.broadcast %mul3A_827 : f32 to vector<16xf32>
      %mul3A_829 = arith.mulf %get3A_826, %mul3A_828 : vector<16xf32>
      %swap3A_830 = arith.index_cast %add3A_822 : i32 to index
      %swap3A_831 = arith.constant 0 : index
      %swap3A_832 = tpu.vector_load %arg11[%swap3A_830, %swap3A_831] {strides = array<i32>} : memref<128x64xf32, #tpu.memory_space<vmem>>, vector<1x16xf32>,
      %swap3A_833 = vector.shape_cast %swap3A_832 : vector<1x16xf32> to vector<16xf32>
      %swap3A_834 = vector.shape_cast %mul3A_829 : vector<16xf32> to vector<1x16xf32>
      tpu.vector_store %arg11[%swap3A_830, %swap3A_831], %swap3A_834 {strides = array<i32>} : memref<128x64xf32, #tpu.memory_space<vmem>>, vector<1x16xf32>,
      %get3A_835 = arith.index_cast %add3A_822 : i32 to index
      %get3A_836 = arith.constant 16 : index
      %get3A_837 = tpu.vector_load %arg7[%get3A_835, %get3A_836] {strides = array<i32>} : memref<128x64xf32, #tpu.memory_space<vmem>>, vector<1x16xf32>,
      %get3A_838 = vector.shape_cast %get3A_837 : vector<1x16xf32> to vector<16xf32>
      %mul3A_839 = arith.constant 8.000000e+00 : f32
      %mul3A_840 = vector.broadcast %mul3A_839 : f32 to vector<16xf32>
      %mul3A_841 = arith.mulf %get3A_838, %mul3A_840 : vector<16xf32>
      %swap3A_842 = arith.index_cast %add3A_822 : i32 to index
      %swap3A_843 = arith.constant 16 : index
      %swap3A_844 = tpu.vector_load %arg11[%swap3A_842, %swap3A_843] {strides = array<i32>} : memref<128x64xf32, #tpu.memory_space<vmem>>, vector<1x16xf32>,
      %swap3A_845 = vector.shape_cast %swap3A_844 : vector<1x16xf32> to vector<16xf32>
      %swap3A_846 = vector.shape_cast %mul3A_841 : vector<16xf32> to vector<1x16xf32>
      tpu.vector_store %arg11[%swap3A_842, %swap3A_843], %swap3A_846 {strides = array<i32>} : memref<128x64xf32, #tpu.memory_space<vmem>>, vector<1x16xf32>,
      %get3A_847 = arith.index_cast %add3A_822 : i32 to index
      %get3A_848 = arith.constant 32 : index
      %get3A_849 = tpu.vector_load %arg7[%get3A_847, %get3A_848] {strides = array<i32>} : memref<128x64xf32, #tpu.memory_space<vmem>>, vector<1x16xf32>,
      %get3A_850 = vector.shape_cast %get3A_849 : vector<1x16xf32> to vector<16xf32>
      %mul3A_851 = arith.constant 8.000000e+00 : f32
      %mul3A_852 = vector.broadcast %mul3A_851 : f32 to vector<16xf32>
      %mul3A_853 = arith.mulf %get3A_850, %mul3A_852 : vector<16xf32>
      %swap3A_854 = arith.index_cast %add3A_822 : i32 to index
      %swap3A_855 = arith.constant 32 : index
      %swap3A_856 = tpu.vector_load %arg11[%swap3A_854, %swap3A_855] {strides = array<i32>} : memref<128x64xf32, #tpu.memory_space<vmem>>, vector<1x16xf32>,
      %swap3A_857 = vector.shape_cast %swap3A_856 : vector<1x16xf32> to vector<16xf32>
      %swap3A_858 = vector.shape_cast %mul3A_853 : vector<16xf32> to vector<1x16xf32>
      tpu.vector_store %arg11[%swap3A_854, %swap3A_855], %swap3A_858 {strides = array<i32>} : memref<128x64xf32, #tpu.memory_space<vmem>>, vector<1x16xf32>,
      %get3A_859 = arith.index_cast %add3A_822 : i32 to index
      %get3A_860 = arith.constant 48 : index
      %get3A_861 = tpu.vector_load %arg7[%get3A_859, %get3A_860] {strides = array<i32>} : memref<128x64xf32, #tpu.memory_space<vmem>>, vector<1x16xf32>,
      %get3A_862 = vector.shape_cast %get3A_861 : vector<1x16xf32> to vector<16xf32>
      %mul3A_863 = arith.constant 8.000000e+00 : f32
      %mul3A_864 = vector.broadcast %mul3A_863 : f32 to vector<16xf32>
      %mul3A_865 = arith.mulf %get3A_862, %mul3A_864 : vector<16xf32>
      %swap3A_866 = arith.index_cast %add3A_822 : i32 to index
      %swap3A_867 = arith.constant 48 : index
      %swap3A_868 = tpu.vector_load %arg11[%swap3A_866, %swap3A_867] {strides = array<i32>} : memref<128x64xf32, #tpu.memory_space<vmem>>, vector<1x16xf32>,
      %swap3A_869 = vector.shape_cast %swap3A_868 : vector<1x16xf32> to vector<16xf32>
      %swap3A_870 = vector.shape_cast %mul3A_865 : vector<16xf32> to vector<1x16xf32>
      tpu.vector_store %arg11[%swap3A_866, %swap3A_867], %swap3A_870 {strides = array<i32>} : memref<128x64xf32, #tpu.memory_space<vmem>>, vector<1x16xf32>,
      %mul3A_871 = arith.constant 4 : i32
      %mul3A_872 = arith.muli %scan3A_766, %mul3A_871 : i32
      %add3A_873 = arith.constant 2 : i32
      %add3A_874 = arith.addi %mul3A_872, %add3A_873 : i32
      %get3A_875 = arith.index_cast %add3A_874 : i32 to index
      %get3A_876 = arith.constant 0 : index
      %get3A_877 = tpu.vector_load %arg7[%get3A_875, %get3A_876] {strides = array<i32>} : memref<128x64xf32, #tpu.memory_space<vmem>>, vector<1x16xf32>,
      %get3A_878 = vector.shape_cast %get3A_877 : vector<1x16xf32> to vector<16xf32>
      %mul3A_879 = arith.constant 8.000000e+00 : f32
      %mul3A_880 = vector.broadcast %mul3A_879 : f32 to vector<16xf32>
      %mul3A_881 = arith.mulf %get3A_878, %mul3A_880 : vector<16xf32>
      %swap3A_882 = arith.index_cast %add3A_874 : i32 to index
      %swap3A_883 = arith.constant 0 : index
      %swap3A_884 = tpu.vector_load %arg11[%swap3A_882, %swap3A_883] {strides = array<i32>} : memref<128x64xf32, #tpu.memory_space<vmem>>, vector<1x16xf32>,
      %swap3A_885 = vector.shape_cast %swap3A_884 : vector<1x16xf32> to vector<16xf32>
      %swap3A_886 = vector.shape_cast %mul3A_881 : vector<16xf32> to vector<1x16xf32>
      tpu.vector_store %arg11[%swap3A_882, %swap3A_883], %swap3A_886 {strides = array<i32>} : memref<128x64xf32, #tpu.memory_space<vmem>>, vector<1x16xf32>,
      %get3A_887 = arith.index_cast %add3A_874 : i32 to index
      %get3A_888 = arith.constant 16 : index
      %get3A_889 = tpu.vector_load %arg7[%get3A_887, %get3A_888] {strides = array<i32>} : memref<128x64xf32, #tpu.memory_space<vmem>>, vector<1x16xf32>,
      %get3A_890 = vector.shape_cast %get3A_889 : vector<1x16xf32> to vector<16xf32>
      %mul3A_891 = arith.constant 8.000000e+00 : f32
      %mul3A_892 = vector.broadcast %mul3A_891 : f32 to vector<16xf32>
      %mul3A_893 = arith.mulf %get3A_890, %mul3A_892 : vector<16xf32>
      %swap3A_894 = arith.index_cast %add3A_874 : i32 to index
      %swap3A_895 = arith.constant 16 : index
      %swap3A_896 = tpu.vector_load %arg11[%swap3A_894, %swap3A_895] {strides = array<i32>} : memref<128x64xf32, #tpu.memory_space<vmem>>, vector<1x16xf32>,
      %swap3A_897 = vector.shape_cast %swap3A_896 : vector<1x16xf32> to vector<16xf32>
      %swap3A_898 = vector.shape_cast %mul3A_893 : vector<16xf32> to vector<1x16xf32>
      tpu.vector_store %arg11[%swap3A_894, %swap3A_895], %swap3A_898 {strides = array<i32>} : memref<128x64xf32, #tpu.memory_space<vmem>>, vector<1x16xf32>,
      %get3A_899 = arith.index_cast %add3A_874 : i32 to index
      %get3A_900 = arith.constant 32 : index
      %get3A_901 = tpu.vector_load %arg7[%get3A_899, %get3A_900] {strides = array<i32>} : memref<128x64xf32, #tpu.memory_space<vmem>>, vector<1x16xf32>,
      %get3A_902 = vector.shape_cast %get3A_901 : vector<1x16xf32> to vector<16xf32>
      %mul3A_903 = arith.constant 8.000000e+00 : f32
      %mul3A_904 = vector.broadcast %mul3A_903 : f32 to vector<16xf32>
      %mul3A_905 = arith.mulf %get3A_902, %mul3A_904 : vector<16xf32>
      %swap3A_906 = arith.index_cast %add3A_874 : i32 to index
      %swap3A_907 = arith.constant 32 : index
      %swap3A_908 = tpu.vector_load %arg11[%swap3A_906, %swap3A_907] {strides = array<i32>} : memref<128x64xf32, #tpu.memory_space<vmem>>, vector<1x16xf32>,
      %swap3A_909 = vector.shape_cast %swap3A_908 : vector<1x16xf32> to vector<16xf32>
      %swap3A_910 = vector.shape_cast %mul3A_905 : vector<16xf32> to vector<1x16xf32>
      tpu.vector_store %arg11[%swap3A_906, %swap3A_907], %swap3A_910 {strides = array<i32>} : memref<128x64xf32, #tpu.memory_space<vmem>>, vector<1x16xf32>,
      %get3A_911 = arith.index_cast %add3A_874 : i32 to index
      %get3A_912 = arith.constant 48 : index
      %get3A_913 = tpu.vector_load %arg7[%get3A_911, %get3A_912] {strides = array<i32>} : memref<128x64xf32, #tpu.memory_space<vmem>>, vector<1x16xf32>,
      %get3A_914 = vector.shape_cast %get3A_913 : vector<1x16xf32> to vector<16xf32>
      %mul3A_915 = arith.constant 8.000000e+00 : f32
      %mul3A_916 = vector.broadcast %mul3A_915 : f32 to vector<16xf32>
      %mul3A_917 = arith.mulf %get3A_914, %mul3A_916 : vector<16xf32>
      %swap3A_918 = arith.index_cast %add3A_874 : i32 to index
      %swap3A_919 = arith.constant 48 : index
      %swap3A_920 = tpu.vector_load %arg11[%swap3A_918, %swap3A_919] {strides = array<i32>} : memref<128x64xf32, #tpu.memory_space<vmem>>, vector<1x16xf32>,
      %swap3A_921 = vector.shape_cast %swap3A_920 : vector<1x16xf32> to vector<16xf32>
      %swap3A_922 = vector.shape_cast %mul3A_917 : vector<16xf32> to vector<1x16xf32>
      tpu.vector_store %arg11[%swap3A_918, %swap3A_919], %swap3A_922 {strides = array<i32>} : memref<128x64xf32, #tpu.memory_space<vmem>>, vector<1x16xf32>,
      %mul3A_923 = arith.constant 4 : i32
      %mul3A_924 = arith.muli %scan3A_766, %mul3A_923 : i32
      %add3A_925 = arith.constant 3 : i32
      %add3A_926 = arith.addi %mul3A_924, %add3A_925 : i32
      %get3A_927 = arith.index_cast %add3A_926 : i32 to index
      %get3A_928 = arith.constant 0 : index
      %get3A_929 = tpu.vector_load %arg7[%get3A_927, %get3A_928] {strides = array<i32>} : memref<128x64xf32, #tpu.memory_space<vmem>>, vector<1x16xf32>,
      %get3A_930 = vector.shape_cast %get3A_929 : vector<1x16xf32> to vector<16xf32>
      %mul3A_931 = arith.constant 8.000000e+00 : f32
      %mul3A_932 = vector.broadcast %mul3A_931 : f32 to vector<16xf32>
      %mul3A_933 = arith.mulf %get3A_930, %mul3A_932 : vector<16xf32>
      %swap3A_934 = arith.index_cast %add3A_926 : i32 to index
      %swap3A_935 = arith.constant 0 : index
      %swap3A_936 = tpu.vector_load %arg11[%swap3A_934, %swap3A_935] {strides = array<i32>} : memref<128x64xf32, #tpu.memory_space<vmem>>, vector<1x16xf32>,
      %swap3A_937 = vector.shape_cast %swap3A_936 : vector<1x16xf32> to vector<16xf32>
      %swap3A_938 = vector.shape_cast %mul3A_933 : vector<16xf32> to vector<1x16xf32>
      tpu.vector_store %arg11[%swap3A_934, %swap3A_935], %swap3A_938 {strides = array<i32>} : memref<128x64xf32, #tpu.memory_space<vmem>>, vector<1x16xf32>,
      %get3A_939 = arith.index_cast %add3A_926 : i32 to index
      %get3A_940 = arith.constant 16 : index
      %get3A_941 = tpu.vector_load %arg7[%get3A_939, %get3A_940] {strides = array<i32>} : memref<128x64xf32, #tpu.memory_space<vmem>>, vector<1x16xf32>,
      %get3A_942 = vector.shape_cast %get3A_941 : vector<1x16xf32> to vector<16xf32>
      %mul3A_943 = arith.constant 8.000000e+00 : f32
      %mul3A_944 = vector.broadcast %mul3A_943 : f32 to vector<16xf32>
      %mul3A_945 = arith.mulf %get3A_942, %mul3A_944 : vector<16xf32>
      %swap3A_946 = arith.index_cast %add3A_926 : i32 to index
      %swap3A_947 = arith.constant 16 : index
      %swap3A_948 = tpu.vector_load %arg11[%swap3A_946, %swap3A_947] {strides = array<i32>} : memref<128x64xf32, #tpu.memory_space<vmem>>, vector<1x16xf32>,
      %swap3A_949 = vector.shape_cast %swap3A_948 : vector<1x16xf32> to vector<16xf32>
      %swap3A_950 = vector.shape_cast %mul3A_945 : vector<16xf32> to vector<1x16xf32>
      tpu.vector_store %arg11[%swap3A_946, %swap3A_947], %swap3A_950 {strides = array<i32>} : memref<128x64xf32, #tpu.memory_space<vmem>>, vector<1x16xf32>,
      %get3A_951 = arith.index_cast %add3A_926 : i32 to index
      %get3A_952 = arith.constant 32 : index
      %get3A_953 = tpu.vector_load %arg7[%get3A_951, %get3A_952] {strides = array<i32>} : memref<128x64xf32, #tpu.memory_space<vmem>>, vector<1x16xf32>,
      %get3A_954 = vector.shape_cast %get3A_953 : vector<1x16xf32> to vector<16xf32>
      %mul3A_955 = arith.constant 8.000000e+00 : f32
      %mul3A_956 = vector.broadcast %mul3A_955 : f32 to vector<16xf32>
      %mul3A_957 = arith.mulf %get3A_954, %mul3A_956 : vector<16xf32>
      %swap3A_958 = arith.index_cast %add3A_926 : i32 to index
      %swap3A_959 = arith.constant 32 : index
      %swap3A_960 = tpu.vector_load %arg11[%swap3A_958, %swap3A_959] {strides = array<i32>} : memref<128x64xf32, #tpu.memory_space<vmem>>, vector<1x16xf32>,
      %swap3A_961 = vector.shape_cast %swap3A_960 : vector<1x16xf32> to vector<16xf32>
      %swap3A_962 = vector.shape_cast %mul3A_957 : vector<16xf32> to vector<1x16xf32>
      tpu.vector_store %arg11[%swap3A_958, %swap3A_959], %swap3A_962 {strides = array<i32>} : memref<128x64xf32, #tpu.memory_space<vmem>>, vector<1x16xf32>,
      %get3A_963 = arith.index_cast %add3A_926 : i32 to index
      %get3A_964 = arith.constant 48 : index
      %get3A_965 = tpu.vector_load %arg7[%get3A_963, %get3A_964] {strides = array<i32>} : memref<128x64xf32, #tpu.memory_space<vmem>>, vector<1x16xf32>,
      %get3A_966 = vector.shape_cast %get3A_965 : vector<1x16xf32> to vector<16xf32>
      %mul3A_967 = arith.constant 8.000000e+00 : f32
      %mul3A_968 = vector.broadcast %mul3A_967 : f32 to vector<16xf32>
      %mul3A_969 = arith.mulf %get3A_966, %mul3A_968 : vector<16xf32>
      %swap3A_970 = arith.index_cast %add3A_926 : i32 to index
      %swap3A_971 = arith.constant 48 : index
      %swap3A_972 = tpu.vector_load %arg11[%swap3A_970, %swap3A_971] {strides = array<i32>} : memref<128x64xf32, #tpu.memory_space<vmem>>, vector<1x16xf32>,
      %swap3A_973 = vector.shape_cast %swap3A_972 : vector<1x16xf32> to vector<16xf32>
      %swap3A_974 = vector.shape_cast %mul3A_969 : vector<16xf32> to vector<1x16xf32>
      tpu.vector_store %arg11[%swap3A_970, %swap3A_971], %swap3A_974 {strides = array<i32>} : memref<128x64xf32, #tpu.memory_space<vmem>>, vector<1x16xf32>,
      %scan3A_975 = arith.constant 0 : i32
      scf.yield %scan3A_975 : i32
    }
    %scan3A_689 = arith.constant 32 : i32
    %add3A_690 = arith.constant 25216 : i32
    %add3A_691 = arith.addi %mul3A_2, %add3A_690 : i32
    %dma_start3A_692 = arith.constant 0 : i32
    %dma_start3A_693 = tpu.memref_slice %arg4[%add3A_691, %dma_start3A_692] : memref<819200x64xf32, #tpu.memory_space<hbm>> -> memref<128x64xf32, #tpu.memory_space<hbm>>
    %dma_start3A_694 = arith.constant 0 : i32
    %dma_start3A_695 = tpu.memref_slice %arg4[%add3A_691, %dma_start3A_694] : memref<819200x64xf32, #tpu.memory_space<hbm>> -> memref<128x64xf32, #tpu.memory_space<hbm>>
    tpu.enqueue_dma source(%arg11 : memref<128x64xf32, #tpu.memory_space<vmem>>) target(%dma_start3A_695 : memref<128x64xf32, #tpu.memory_space<hbm>>) target_semaphore(%arg19 : memref<!tpu.dma_semaphore, #tpu.memory_space<semaphore_mem>>)
    %dma_wait3A_696 = arith.constant 0 : i32
    %dma_wait3A_697 = tpu.memref_slice %arg4[%mul3A_2, %dma_wait3A_696] : memref<819200x64xf32, #tpu.memory_space<hbm>> -> memref<128x64xf32, #tpu.memory_space<hbm>>
    %dma_wait3A_698 = arith.constant 0 : i32
    %dma_wait3A_699 = tpu.memref_slice %arg4[%mul3A_2, %dma_wait3A_698] : memref<819200x64xf32, #tpu.memory_space<hbm>> -> memref<128x64xf32, #tpu.memory_space<hbm>>
    tpu.wait_dma2 semaphore(%arg16 : memref<!tpu.dma_semaphore, #tpu.memory_space<semaphore_mem>>) src(%dma_wait3A_699 : memref<128x64xf32, #tpu.memory_space<hbm>>) dst(%arg8 : memref<128x64xf32, #tpu.memory_space<vmem>>)
    %add3A_700 = arith.constant 24832 : i32
    %add3A_701 = arith.addi %mul3A_2, %add3A_700 : i32
    %dma_wait3A_702 = arith.constant 0 : i32
    %dma_wait3A_703 = tpu.memref_slice %arg4[%add3A_701, %dma_wait3A_702] : memref<819200x64xf32, #tpu.memory_space<hbm>> -> memref<128x64xf32, #tpu.memory_space<hbm>>
    %dma_wait3A_704 = arith.constant 0 : i32
    %dma_wait3A_705 = tpu.memref_slice %arg4[%add3A_701, %dma_wait3A_704] : memref<819200x64xf32, #tpu.memory_space<hbm>> -> memref<128x64xf32, #tpu.memory_space<hbm>>
    tpu.wait_dma2 semaphore(%arg20 : memref<!tpu.dma_semaphore, #tpu.memory_space<semaphore_mem>>) src(%arg12 : memref<128x64xf32, #tpu.memory_space<vmem>>) dst(%dma_wait3A_705 : memref<128x64xf32, #tpu.memory_space<hbm>>)
    %scan3A_706 = arith.constant 0 : i32
    %scan3A_707 = arith.constant 0 : i32
    %scan3A_708 = arith.constant 32 : i32
    %scan3A_709 = arith.addi %scan3A_707, %scan3A_708 : i32
    %scan3A_710 = arith.constant 1 : i32
    %scan3A_711 = scf.for %scan3A_766 = %scan3A_707 to %scan3A_709 step %scan3A_710 iter_args(%scan3A_767 = %scan3A_706) -> (i32)  : i32 {
      %mul3A_768 = arith.constant 4 : i32
      %mul3A_769 = arith.muli %scan3A_766, %mul3A_768 : i32
      %add3A_770 = arith.constant 0 : i32
      %add3A_771 = arith.addi %mul3A_769, %add3A_770 : i32
      %get3A_772 = arith.index_cast %add3A_771 : i32 to index
      %get3A_773 = arith.constant 0 : index
      %get3A_774 = tpu.vector_load %arg8[%get3A_772, %get3A_773] {strides = array<i32>} : memref<128x64xf32, #tpu.memory_space<vmem>>, vector<1x16xf32>,
      %get3A_775 = vector.shape_cast %get3A_774 : vector<1x16xf32> to vector<16xf32>
      %mul3A_776 = arith.constant 8.000000e+00 : f32
      %mul3A_777 = vector.broadcast %mul3A_776 : f32 to vector<16xf32>
      %mul3A_778 = arith.mulf %get3A_775, %mul3A_777 : vector<16xf32>
      %swap3A = arith.index_cast %add3A_771 : i32 to index
      %swap3A_779 = arith.constant 0 : index
      %swap3A_780 = tpu.vector_load %arg12[%swap3A, %swap3A_779] {strides = array<i32>} : memref<128x64xf32, #tpu.memory_space<vmem>>, vector<1x16xf32>,
      %swap3A_781 = vector.shape_cast %swap3A_780 : vector<1x16xf32> to vector<16xf32>
      %swap3A_782 = vector.shape_cast %mul3A_778 : vector<16xf32> to vector<1x16xf32>
      tpu.vector_store %arg12[%swap3A, %swap3A_779], %swap3A_782 {strides = array<i32>} : memref<128x64xf32, #tpu.memory_space<vmem>>, vector<1x16xf32>,
      %get3A_783 = arith.index_cast %add3A_771 : i32 to index
      %get3A_784 = arith.constant 16 : index
      %get3A_785 = tpu.vector_load %arg8[%get3A_783, %get3A_784] {strides = array<i32>} : memref<128x64xf32, #tpu.memory_space<vmem>>, vector<1x16xf32>,
      %get3A_786 = vector.shape_cast %get3A_785 : vector<1x16xf32> to vector<16xf32>
      %mul3A_787 = arith.constant 8.000000e+00 : f32
      %mul3A_788 = vector.broadcast %mul3A_787 : f32 to vector<16xf32>
      %mul3A_789 = arith.mulf %get3A_786, %mul3A_788 : vector<16xf32>
      %swap3A_790 = arith.index_cast %add3A_771 : i32 to index
      %swap3A_791 = arith.constant 16 : index
      %swap3A_792 = tpu.vector_load %arg12[%swap3A_790, %swap3A_791] {strides = array<i32>} : memref<128x64xf32, #tpu.memory_space<vmem>>, vector<1x16xf32>,
      %swap3A_793 = vector.shape_cast %swap3A_792 : vector<1x16xf32> to vector<16xf32>
      %swap3A_794 = vector.shape_cast %mul3A_789 : vector<16xf32> to vector<1x16xf32>
      tpu.vector_store %arg12[%swap3A_790, %swap3A_791], %swap3A_794 {strides = array<i32>} : memref<128x64xf32, #tpu.memory_space<vmem>>, vector<1x16xf32>,
      %get3A_795 = arith.index_cast %add3A_771 : i32 to index
      %get3A_796 = arith.constant 32 : index
      %get3A_797 = tpu.vector_load %arg8[%get3A_795, %get3A_796] {strides = array<i32>} : memref<128x64xf32, #tpu.memory_space<vmem>>, vector<1x16xf32>,
      %get3A_798 = vector.shape_cast %get3A_797 : vector<1x16xf32> to vector<16xf32>
      %mul3A_799 = arith.constant 8.000000e+00 : f32
      %mul3A_800 = vector.broadcast %mul3A_799 : f32 to vector<16xf32>
      %mul3A_801 = arith.mulf %get3A_798, %mul3A_800 : vector<16xf32>
      %swap3A_802 = arith.index_cast %add3A_771 : i32 to index
      %swap3A_803 = arith.constant 32 : index
      %swap3A_804 = tpu.vector_load %arg12[%swap3A_802, %swap3A_803] {strides = array<i32>} : memref<128x64xf32, #tpu.memory_space<vmem>>, vector<1x16xf32>,
      %swap3A_805 = vector.shape_cast %swap3A_804 : vector<1x16xf32> to vector<16xf32>
      %swap3A_806 = vector.shape_cast %mul3A_801 : vector<16xf32> to vector<1x16xf32>
      tpu.vector_store %arg12[%swap3A_802, %swap3A_803], %swap3A_806 {strides = array<i32>} : memref<128x64xf32, #tpu.memory_space<vmem>>, vector<1x16xf32>,
      %get3A_807 = arith.index_cast %add3A_771 : i32 to index
      %get3A_808 = arith.constant 48 : index
      %get3A_809 = tpu.vector_load %arg8[%get3A_807, %get3A_808] {strides = array<i32>} : memref<128x64xf32, #tpu.memory_space<vmem>>, vector<1x16xf32>,
      %get3A_810 = vector.shape_cast %get3A_809 : vector<1x16xf32> to vector<16xf32>
      %mul3A_811 = arith.constant 8.000000e+00 : f32
      %mul3A_812 = vector.broadcast %mul3A_811 : f32 to vector<16xf32>
      %mul3A_813 = arith.mulf %get3A_810, %mul3A_812 : vector<16xf32>
      %swap3A_814 = arith.index_cast %add3A_771 : i32 to index
      %swap3A_815 = arith.constant 48 : index
      %swap3A_816 = tpu.vector_load %arg12[%swap3A_814, %swap3A_815] {strides = array<i32>} : memref<128x64xf32, #tpu.memory_space<vmem>>, vector<1x16xf32>,
      %swap3A_817 = vector.shape_cast %swap3A_816 : vector<1x16xf32> to vector<16xf32>
      %swap3A_818 = vector.shape_cast %mul3A_813 : vector<16xf32> to vector<1x16xf32>
      tpu.vector_store %arg12[%swap3A_814, %swap3A_815], %swap3A_818 {strides = array<i32>} : memref<128x64xf32, #tpu.memory_space<vmem>>, vector<1x16xf32>,
      %mul3A_819 = arith.constant 4 : i32
      %mul3A_820 = arith.muli %scan3A_766, %mul3A_819 : i32
      %add3A_821 = arith.constant 1 : i32
      %add3A_822 = arith.addi %mul3A_820, %add3A_821 : i32
      %get3A_823 = arith.index_cast %add3A_822 : i32 to index
      %get3A_824 = arith.constant 0 : index
      %get3A_825 = tpu.vector_load %arg8[%get3A_823, %get3A_824] {strides = array<i32>} : memref<128x64xf32, #tpu.memory_space<vmem>>, vector<1x16xf32>,
      %get3A_826 = vector.shape_cast %get3A_825 : vector<1x16xf32> to vector<16xf32>
      %mul3A_827 = arith.constant 8.000000e+00 : f32
      %mul3A_828 = vector.broadcast %mul3A_827 : f32 to vector<16xf32>
      %mul3A_829 = arith.mulf %get3A_826, %mul3A_828 : vector<16xf32>
      %swap3A_830 = arith.index_cast %add3A_822 : i32 to index
      %swap3A_831 = arith.constant 0 : index
      %swap3A_832 = tpu.vector_load %arg12[%swap3A_830, %swap3A_831] {strides = array<i32>} : memref<128x64xf32, #tpu.memory_space<vmem>>, vector<1x16xf32>,
      %swap3A_833 = vector.shape_cast %swap3A_832 : vector<1x16xf32> to vector<16xf32>
      %swap3A_834 = vector.shape_cast %mul3A_829 : vector<16xf32> to vector<1x16xf32>
      tpu.vector_store %arg12[%swap3A_830, %swap3A_831], %swap3A_834 {strides = array<i32>} : memref<128x64xf32, #tpu.memory_space<vmem>>, vector<1x16xf32>,
      %get3A_835 = arith.index_cast %add3A_822 : i32 to index
      %get3A_836 = arith.constant 16 : index
      %get3A_837 = tpu.vector_load %arg8[%get3A_835, %get3A_836] {strides = array<i32>} : memref<128x64xf32, #tpu.memory_space<vmem>>, vector<1x16xf32>,
      %get3A_838 = vector.shape_cast %get3A_837 : vector<1x16xf32> to vector<16xf32>
      %mul3A_839 = arith.constant 8.000000e+00 : f32
      %mul3A_840 = vector.broadcast %mul3A_839 : f32 to vector<16xf32>
      %mul3A_841 = arith.mulf %get3A_838, %mul3A_840 : vector<16xf32>
      %swap3A_842 = arith.index_cast %add3A_822 : i32 to index
      %swap3A_843 = arith.constant 16 : index
      %swap3A_844 = tpu.vector_load %arg12[%swap3A_842, %swap3A_843] {strides = array<i32>} : memref<128x64xf32, #tpu.memory_space<vmem>>, vector<1x16xf32>,
      %swap3A_845 = vector.shape_cast %swap3A_844 : vector<1x16xf32> to vector<16xf32>
      %swap3A_846 = vector.shape_cast %mul3A_841 : vector<16xf32> to vector<1x16xf32>
      tpu.vector_store %arg12[%swap3A_842, %swap3A_843], %swap3A_846 {strides = array<i32>} : memref<128x64xf32, #tpu.memory_space<vmem>>, vector<1x16xf32>,
      %get3A_847 = arith.index_cast %add3A_822 : i32 to index
      %get3A_848 = arith.constant 32 : index
      %get3A_849 = tpu.vector_load %arg8[%get3A_847, %get3A_848] {strides = array<i32>} : memref<128x64xf32, #tpu.memory_space<vmem>>, vector<1x16xf32>,
      %get3A_850 = vector.shape_cast %get3A_849 : vector<1x16xf32> to vector<16xf32>
      %mul3A_851 = arith.constant 8.000000e+00 : f32
      %mul3A_852 = vector.broadcast %mul3A_851 : f32 to vector<16xf32>
      %mul3A_853 = arith.mulf %get3A_850, %mul3A_852 : vector<16xf32>
      %swap3A_854 = arith.index_cast %add3A_822 : i32 to index
      %swap3A_855 = arith.constant 32 : index
      %swap3A_856 = tpu.vector_load %arg12[%swap3A_854, %swap3A_855] {strides = array<i32>} : memref<128x64xf32, #tpu.memory_space<vmem>>, vector<1x16xf32>,
      %swap3A_857 = vector.shape_cast %swap3A_856 : vector<1x16xf32> to vector<16xf32>
      %swap3A_858 = vector.shape_cast %mul3A_853 : vector<16xf32> to vector<1x16xf32>
      tpu.vector_store %arg12[%swap3A_854, %swap3A_855], %swap3A_858 {strides = array<i32>} : memref<128x64xf32, #tpu.memory_space<vmem>>, vector<1x16xf32>,
      %get3A_859 = arith.index_cast %add3A_822 : i32 to index
      %get3A_860 = arith.constant 48 : index
      %get3A_861 = tpu.vector_load %arg8[%get3A_859, %get3A_860] {strides = array<i32>} : memref<128x64xf32, #tpu.memory_space<vmem>>, vector<1x16xf32>,
      %get3A_862 = vector.shape_cast %get3A_861 : vector<1x16xf32> to vector<16xf32>
      %mul3A_863 = arith.constant 8.000000e+00 : f32
      %mul3A_864 = vector.broadcast %mul3A_863 : f32 to vector<16xf32>
      %mul3A_865 = arith.mulf %get3A_862, %mul3A_864 : vector<16xf32>
      %swap3A_866 = arith.index_cast %add3A_822 : i32 to index
      %swap3A_867 = arith.constant 48 : index
      %swap3A_868 = tpu.vector_load %arg12[%swap3A_866, %swap3A_867] {strides = array<i32>} : memref<128x64xf32, #tpu.memory_space<vmem>>, vector<1x16xf32>,
      %swap3A_869 = vector.shape_cast %swap3A_868 : vector<1x16xf32> to vector<16xf32>
      %swap3A_870 = vector.shape_cast %mul3A_865 : vector<16xf32> to vector<1x16xf32>
      tpu.vector_store %arg12[%swap3A_866, %swap3A_867], %swap3A_870 {strides = array<i32>} : memref<128x64xf32, #tpu.memory_space<vmem>>, vector<1x16xf32>,
      %mul3A_871 = arith.constant 4 : i32
      %mul3A_872 = arith.muli %scan3A_766, %mul3A_871 : i32
      %add3A_873 = arith.constant 2 : i32
      %add3A_874 = arith.addi %mul3A_872, %add3A_873 : i32
      %get3A_875 = arith.index_cast %add3A_874 : i32 to index
      %get3A_876 = arith.constant 0 : index
      %get3A_877 = tpu.vector_load %arg8[%get3A_875, %get3A_876] {strides = array<i32>} : memref<128x64xf32, #tpu.memory_space<vmem>>, vector<1x16xf32>,
      %get3A_878 = vector.shape_cast %get3A_877 : vector<1x16xf32> to vector<16xf32>
      %mul3A_879 = arith.constant 8.000000e+00 : f32
      %mul3A_880 = vector.broadcast %mul3A_879 : f32 to vector<16xf32>
      %mul3A_881 = arith.mulf %get3A_878, %mul3A_880 : vector<16xf32>
      %swap3A_882 = arith.index_cast %add3A_874 : i32 to index
      %swap3A_883 = arith.constant 0 : index
      %swap3A_884 = tpu.vector_load %arg12[%swap3A_882, %swap3A_883] {strides = array<i32>} : memref<128x64xf32, #tpu.memory_space<vmem>>, vector<1x16xf32>,
      %swap3A_885 = vector.shape_cast %swap3A_884 : vector<1x16xf32> to vector<16xf32>
      %swap3A_886 = vector.shape_cast %mul3A_881 : vector<16xf32> to vector<1x16xf32>
      tpu.vector_store %arg12[%swap3A_882, %swap3A_883], %swap3A_886 {strides = array<i32>} : memref<128x64xf32, #tpu.memory_space<vmem>>, vector<1x16xf32>,
      %get3A_887 = arith.index_cast %add3A_874 : i32 to index
      %get3A_888 = arith.constant 16 : index
      %get3A_889 = tpu.vector_load %arg8[%get3A_887, %get3A_888] {strides = array<i32>} : memref<128x64xf32, #tpu.memory_space<vmem>>, vector<1x16xf32>,
      %get3A_890 = vector.shape_cast %get3A_889 : vector<1x16xf32> to vector<16xf32>
      %mul3A_891 = arith.constant 8.000000e+00 : f32
      %mul3A_892 = vector.broadcast %mul3A_891 : f32 to vector<16xf32>
      %mul3A_893 = arith.mulf %get3A_890, %mul3A_892 : vector<16xf32>
      %swap3A_894 = arith.index_cast %add3A_874 : i32 to index
      %swap3A_895 = arith.constant 16 : index
      %swap3A_896 = tpu.vector_load %arg12[%swap3A_894, %swap3A_895] {strides = array<i32>} : memref<128x64xf32, #tpu.memory_space<vmem>>, vector<1x16xf32>,
      %swap3A_897 = vector.shape_cast %swap3A_896 : vector<1x16xf32> to vector<16xf32>
      %swap3A_898 = vector.shape_cast %mul3A_893 : vector<16xf32> to vector<1x16xf32>
      tpu.vector_store %arg12[%swap3A_894, %swap3A_895], %swap3A_898 {strides = array<i32>} : memref<128x64xf32, #tpu.memory_space<vmem>>, vector<1x16xf32>,
      %get3A_899 = arith.index_cast %add3A_874 : i32 to index
      %get3A_900 = arith.constant 32 : index
      %get3A_901 = tpu.vector_load %arg8[%get3A_899, %get3A_900] {strides = array<i32>} : memref<128x64xf32, #tpu.memory_space<vmem>>, vector<1x16xf32>,
      %get3A_902 = vector.shape_cast %get3A_901 : vector<1x16xf32> to vector<16xf32>
      %mul3A_903 = arith.constant 8.000000e+00 : f32
      %mul3A_904 = vector.broadcast %mul3A_903 : f32 to vector<16xf32>
      %mul3A_905 = arith.mulf %get3A_902, %mul3A_904 : vector<16xf32>
      %swap3A_906 = arith.index_cast %add3A_874 : i32 to index
      %swap3A_907 = arith.constant 32 : index
      %swap3A_908 = tpu.vector_load %arg12[%swap3A_906, %swap3A_907] {strides = array<i32>} : memref<128x64xf32, #tpu.memory_space<vmem>>, vector<1x16xf32>,
      %swap3A_909 = vector.shape_cast %swap3A_908 : vector<1x16xf32> to vector<16xf32>
      %swap3A_910 = vector.shape_cast %mul3A_905 : vector<16xf32> to vector<1x16xf32>
      tpu.vector_store %arg12[%swap3A_906, %swap3A_907], %swap3A_910 {strides = array<i32>} : memref<128x64xf32, #tpu.memory_space<vmem>>, vector<1x16xf32>,
      %get3A_911 = arith.index_cast %add3A_874 : i32 to index
      %get3A_912 = arith.constant 48 : index
      %get3A_913 = tpu.vector_load %arg8[%get3A_911, %get3A_912] {strides = array<i32>} : memref<128x64xf32, #tpu.memory_space<vmem>>, vector<1x16xf32>,
      %get3A_914 = vector.shape_cast %get3A_913 : vector<1x16xf32> to vector<16xf32>
      %mul3A_915 = arith.constant 8.000000e+00 : f32
      %mul3A_916 = vector.broadcast %mul3A_915 : f32 to vector<16xf32>
      %mul3A_917 = arith.mulf %get3A_914, %mul3A_916 : vector<16xf32>
      %swap3A_918 = arith.index_cast %add3A_874 : i32 to index
      %swap3A_919 = arith.constant 48 : index
      %swap3A_920 = tpu.vector_load %arg12[%swap3A_918, %swap3A_919] {strides = array<i32>} : memref<128x64xf32, #tpu.memory_space<vmem>>, vector<1x16xf32>,
      %swap3A_921 = vector.shape_cast %swap3A_920 : vector<1x16xf32> to vector<16xf32>
      %swap3A_922 = vector.shape_cast %mul3A_917 : vector<16xf32> to vector<1x16xf32>
      tpu.vector_store %arg12[%swap3A_918, %swap3A_919], %swap3A_922 {strides = array<i32>} : memref<128x64xf32, #tpu.memory_space<vmem>>, vector<1x16xf32>,
      %mul3A_923 = arith.constant 4 : i32
      %mul3A_924 = arith.muli %scan3A_766, %mul3A_923 : i32
      %add3A_925 = arith.constant 3 : i32
      %add3A_926 = arith.addi %mul3A_924, %add3A_925 : i32
      %get3A_927 = arith.index_cast %add3A_926 : i32 to index
      %get3A_928 = arith.constant 0 : index
      %get3A_929 = tpu.vector_load %arg8[%get3A_927, %get3A_928] {strides = array<i32>} : memref<128x64xf32, #tpu.memory_space<vmem>>, vector<1x16xf32>,
      %get3A_930 = vector.shape_cast %get3A_929 : vector<1x16xf32> to vector<16xf32>
      %mul3A_931 = arith.constant 8.000000e+00 : f32
      %mul3A_932 = vector.broadcast %mul3A_931 : f32 to vector<16xf32>
      %mul3A_933 = arith.mulf %get3A_930, %mul3A_932 : vector<16xf32>
      %swap3A_934 = arith.index_cast %add3A_926 : i32 to index
      %swap3A_935 = arith.constant 0 : index
      %swap3A_936 = tpu.vector_load %arg12[%swap3A_934, %swap3A_935] {strides = array<i32>} : memref<128x64xf32, #tpu.memory_space<vmem>>, vector<1x16xf32>,
      %swap3A_937 = vector.shape_cast %swap3A_936 : vector<1x16xf32> to vector<16xf32>
      %swap3A_938 = vector.shape_cast %mul3A_933 : vector<16xf32> to vector<1x16xf32>
      tpu.vector_store %arg12[%swap3A_934, %swap3A_935], %swap3A_938 {strides = array<i32>} : memref<128x64xf32, #tpu.memory_space<vmem>>, vector<1x16xf32>,
      %get3A_939 = arith.index_cast %add3A_926 : i32 to index
      %get3A_940 = arith.constant 16 : index
      %get3A_941 = tpu.vector_load %arg8[%get3A_939, %get3A_940] {strides = array<i32>} : memref<128x64xf32, #tpu.memory_space<vmem>>, vector<1x16xf32>,
      %get3A_942 = vector.shape_cast %get3A_941 : vector<1x16xf32> to vector<16xf32>
      %mul3A_943 = arith.constant 8.000000e+00 : f32
      %mul3A_944 = vector.broadcast %mul3A_943 : f32 to vector<16xf32>
      %mul3A_945 = arith.mulf %get3A_942, %mul3A_944 : vector<16xf32>
      %swap3A_946 = arith.index_cast %add3A_926 : i32 to index
      %swap3A_947 = arith.constant 16 : index
      %swap3A_948 = tpu.vector_load %arg12[%swap3A_946, %swap3A_947] {strides = array<i32>} : memref<128x64xf32, #tpu.memory_space<vmem>>, vector<1x16xf32>,
      %swap3A_949 = vector.shape_cast %swap3A_948 : vector<1x16xf32> to vector<16xf32>
      %swap3A_950 = vector.shape_cast %mul3A_945 : vector<16xf32> to vector<1x16xf32>
      tpu.vector_store %arg12[%swap3A_946, %swap3A_947], %swap3A_950 {strides = array<i32>} : memref<128x64xf32, #tpu.memory_space<vmem>>, vector<1x16xf32>,
      %get3A_951 = arith.index_cast %add3A_926 : i32 to index
      %get3A_952 = arith.constant 32 : index
      %get3A_953 = tpu.vector_load %arg8[%get3A_951, %get3A_952] {strides = array<i32>} : memref<128x64xf32, #tpu.memory_space<vmem>>, vector<1x16xf32>,
      %get3A_954 = vector.shape_cast %get3A_953 : vector<1x16xf32> to vector<16xf32>
      %mul3A_955 = arith.constant 8.000000e+00 : f32
      %mul3A_956 = vector.broadcast %mul3A_955 : f32 to vector<16xf32>
      %mul3A_957 = arith.mulf %get3A_954, %mul3A_956 : vector<16xf32>
      %swap3A_958 = arith.index_cast %add3A_926 : i32 to index
      %swap3A_959 = arith.constant 32 : index
      %swap3A_960 = tpu.vector_load %arg12[%swap3A_958, %swap3A_959] {strides = array<i32>} : memref<128x64xf32, #tpu.memory_space<vmem>>, vector<1x16xf32>,
      %swap3A_961 = vector.shape_cast %swap3A_960 : vector<1x16xf32> to vector<16xf32>
      %swap3A_962 = vector.shape_cast %mul3A_957 : vector<16xf32> to vector<1x16xf32>
      tpu.vector_store %arg12[%swap3A_958, %swap3A_959], %swap3A_962 {strides = array<i32>} : memref<128x64xf32, #tpu.memory_space<vmem>>, vector<1x16xf32>,
      %get3A_963 = arith.index_cast %add3A_926 : i32 to index
      %get3A_964 = arith.constant 48 : index
      %get3A_965 = tpu.vector_load %arg8[%get3A_963, %get3A_964] {strides = array<i32>} : memref<128x64xf32, #tpu.memory_space<vmem>>, vector<1x16xf32>,
      %get3A_966 = vector.shape_cast %get3A_965 : vector<1x16xf32> to vector<16xf32>
      %mul3A_967 = arith.constant 8.000000e+00 : f32
      %mul3A_968 = vector.broadcast %mul3A_967 : f32 to vector<16xf32>
      %mul3A_969 = arith.mulf %get3A_966, %mul3A_968 : vector<16xf32>
      %swap3A_970 = arith.index_cast %add3A_926 : i32 to index
      %swap3A_971 = arith.constant 48 : index
      %swap3A_972 = tpu.vector_load %arg12[%swap3A_970, %swap3A_971] {strides = array<i32>} : memref<128x64xf32, #tpu.memory_space<vmem>>, vector<1x16xf32>,
      %swap3A_973 = vector.shape_cast %swap3A_972 : vector<1x16xf32> to vector<16xf32>
      %swap3A_974 = vector.shape_cast %mul3A_969 : vector<16xf32> to vector<1x16xf32>
      tpu.vector_store %arg12[%swap3A_970, %swap3A_971], %swap3A_974 {strides = array<i32>} : memref<128x64xf32, #tpu.memory_space<vmem>>, vector<1x16xf32>,
      %scan3A_975 = arith.constant 0 : i32
      scf.yield %scan3A_975 : i32
    }
    %scan3A_712 = arith.constant 32 : i32
    %add3A_713 = arith.constant 25344 : i32
    %add3A_714 = arith.addi %mul3A_2, %add3A_713 : i32
    %dma_start3A_715 = arith.constant 0 : i32
    %dma_start3A_716 = tpu.memref_slice %arg4[%add3A_714, %dma_start3A_715] : memref<819200x64xf32, #tpu.memory_space<hbm>> -> memref<128x64xf32, #tpu.memory_space<hbm>>
    %dma_start3A_717 = arith.constant 0 : i32
    %dma_start3A_718 = tpu.memref_slice %arg4[%add3A_714, %dma_start3A_717] : memref<819200x64xf32, #tpu.memory_space<hbm>> -> memref<128x64xf32, #tpu.memory_space<hbm>>
    tpu.enqueue_dma source(%arg12 : memref<128x64xf32, #tpu.memory_space<vmem>>) target(%dma_start3A_718 : memref<128x64xf32, #tpu.memory_space<hbm>>) target_semaphore(%arg20 : memref<!tpu.dma_semaphore, #tpu.memory_space<semaphore_mem>>)
    %dma_wait3A_719 = arith.constant 0 : i32
    %dma_wait3A_720 = tpu.memref_slice %arg4[%mul3A_2, %dma_wait3A_719] : memref<819200x64xf32, #tpu.memory_space<hbm>> -> memref<128x64xf32, #tpu.memory_space<hbm>>
    %dma_wait3A_721 = arith.constant 0 : i32
    %dma_wait3A_722 = tpu.memref_slice %arg4[%mul3A_2, %dma_wait3A_721] : memref<819200x64xf32, #tpu.memory_space<hbm>> -> memref<128x64xf32, #tpu.memory_space<hbm>>
    tpu.wait_dma2 semaphore(%arg17 : memref<!tpu.dma_semaphore, #tpu.memory_space<semaphore_mem>>) src(%dma_wait3A_722 : memref<128x64xf32, #tpu.memory_space<hbm>>) dst(%arg9 : memref<128x64xf32, #tpu.memory_space<vmem>>)
    %add3A_723 = arith.constant 24960 : i32
    %add3A_724 = arith.addi %mul3A_2, %add3A_723 : i32
    %dma_wait3A_725 = arith.constant 0 : i32
    %dma_wait3A_726 = tpu.memref_slice %arg4[%add3A_724, %dma_wait3A_725] : memref<819200x64xf32, #tpu.memory_space<hbm>> -> memref<128x64xf32, #tpu.memory_space<hbm>>
    %dma_wait3A_727 = arith.constant 0 : i32
    %dma_wait3A_728 = tpu.memref_slice %arg4[%add3A_724, %dma_wait3A_727] : memref<819200x64xf32, #tpu.memory_space<hbm>> -> memref<128x64xf32, #tpu.memory_space<hbm>>
    tpu.wait_dma2 semaphore(%arg21 : memref<!tpu.dma_semaphore, #tpu.memory_space<semaphore_mem>>) src(%arg13 : memref<128x64xf32, #tpu.memory_space<vmem>>) dst(%dma_wait3A_728 : memref<128x64xf32, #tpu.memory_space<hbm>>)
    %scan3A_729 = arith.constant 0 : i32
    %scan3A_730 = arith.constant 0 : i32
    %scan3A_731 = arith.constant 32 : i32
    %scan3A_732 = arith.addi %scan3A_730, %scan3A_731 : i32
    %scan3A_733 = arith.constant 1 : i32
    %scan3A_734 = scf.for %scan3A_766 = %scan3A_730 to %scan3A_732 step %scan3A_733 iter_args(%scan3A_767 = %scan3A_729) -> (i32)  : i32 {
      %mul3A_768 = arith.constant 4 : i32
      %mul3A_769 = arith.muli %scan3A_766, %mul3A_768 : i32
      %add3A_770 = arith.constant 0 : i32
      %add3A_771 = arith.addi %mul3A_769, %add3A_770 : i32
      %get3A_772 = arith.index_cast %add3A_771 : i32 to index
      %get3A_773 = arith.constant 0 : index
      %get3A_774 = tpu.vector_load %arg9[%get3A_772, %get3A_773] {strides = array<i32>} : memref<128x64xf32, #tpu.memory_space<vmem>>, vector<1x16xf32>,
      %get3A_775 = vector.shape_cast %get3A_774 : vector<1x16xf32> to vector<16xf32>
      %mul3A_776 = arith.constant 8.000000e+00 : f32
      %mul3A_777 = vector.broadcast %mul3A_776 : f32 to vector<16xf32>
      %mul3A_778 = arith.mulf %get3A_775, %mul3A_777 : vector<16xf32>
      %swap3A = arith.index_cast %add3A_771 : i32 to index
      %swap3A_779 = arith.constant 0 : index
      %swap3A_780 = tpu.vector_load %arg13[%swap3A, %swap3A_779] {strides = array<i32>} : memref<128x64xf32, #tpu.memory_space<vmem>>, vector<1x16xf32>,
      %swap3A_781 = vector.shape_cast %swap3A_780 : vector<1x16xf32> to vector<16xf32>
      %swap3A_782 = vector.shape_cast %mul3A_778 : vector<16xf32> to vector<1x16xf32>
      tpu.vector_store %arg13[%swap3A, %swap3A_779], %swap3A_782 {strides = array<i32>} : memref<128x64xf32, #tpu.memory_space<vmem>>, vector<1x16xf32>,
      %get3A_783 = arith.index_cast %add3A_771 : i32 to index
      %get3A_784 = arith.constant 16 : index
      %get3A_785 = tpu.vector_load %arg9[%get3A_783, %get3A_784] {strides = array<i32>} : memref<128x64xf32, #tpu.memory_space<vmem>>, vector<1x16xf32>,
      %get3A_786 = vector.shape_cast %get3A_785 : vector<1x16xf32> to vector<16xf32>
      %mul3A_787 = arith.constant 8.000000e+00 : f32
      %mul3A_788 = vector.broadcast %mul3A_787 : f32 to vector<16xf32>
      %mul3A_789 = arith.mulf %get3A_786, %mul3A_788 : vector<16xf32>
      %swap3A_790 = arith.index_cast %add3A_771 : i32 to index
      %swap3A_791 = arith.constant 16 : index
      %swap3A_792 = tpu.vector_load %arg13[%swap3A_790, %swap3A_791] {strides = array<i32>} : memref<128x64xf32, #tpu.memory_space<vmem>>, vector<1x16xf32>,
      %swap3A_793 = vector.shape_cast %swap3A_792 : vector<1x16xf32> to vector<16xf32>
      %swap3A_794 = vector.shape_cast %mul3A_789 : vector<16xf32> to vector<1x16xf32>
      tpu.vector_store %arg13[%swap3A_790, %swap3A_791], %swap3A_794 {strides = array<i32>} : memref<128x64xf32, #tpu.memory_space<vmem>>, vector<1x16xf32>,
      %get3A_795 = arith.index_cast %add3A_771 : i32 to index
      %get3A_796 = arith.constant 32 : index
      %get3A_797 = tpu.vector_load %arg9[%get3A_795, %get3A_796] {strides = array<i32>} : memref<128x64xf32, #tpu.memory_space<vmem>>, vector<1x16xf32>,
      %get3A_798 = vector.shape_cast %get3A_797 : vector<1x16xf32> to vector<16xf32>
      %mul3A_799 = arith.constant 8.000000e+00 : f32
      %mul3A_800 = vector.broadcast %mul3A_799 : f32 to vector<16xf32>
      %mul3A_801 = arith.mulf %get3A_798, %mul3A_800 : vector<16xf32>
      %swap3A_802 = arith.index_cast %add3A_771 : i32 to index
      %swap3A_803 = arith.constant 32 : index
      %swap3A_804 = tpu.vector_load %arg13[%swap3A_802, %swap3A_803] {strides = array<i32>} : memref<128x64xf32, #tpu.memory_space<vmem>>, vector<1x16xf32>,
      %swap3A_805 = vector.shape_cast %swap3A_804 : vector<1x16xf32> to vector<16xf32>
      %swap3A_806 = vector.shape_cast %mul3A_801 : vector<16xf32> to vector<1x16xf32>
      tpu.vector_store %arg13[%swap3A_802, %swap3A_803], %swap3A_806 {strides = array<i32>} : memref<128x64xf32, #tpu.memory_space<vmem>>, vector<1x16xf32>,
      %get3A_807 = arith.index_cast %add3A_771 : i32 to index
      %get3A_808 = arith.constant 48 : index
      %get3A_809 = tpu.vector_load %arg9[%get3A_807, %get3A_808] {strides = array<i32>} : memref<128x64xf32, #tpu.memory_space<vmem>>, vector<1x16xf32>,
      %get3A_810 = vector.shape_cast %get3A_809 : vector<1x16xf32> to vector<16xf32>
      %mul3A_811 = arith.constant 8.000000e+00 : f32
      %mul3A_812 = vector.broadcast %mul3A_811 : f32 to vector<16xf32>
      %mul3A_813 = arith.mulf %get3A_810, %mul3A_812 : vector<16xf32>
      %swap3A_814 = arith.index_cast %add3A_771 : i32 to index
      %swap3A_815 = arith.constant 48 : index
      %swap3A_816 = tpu.vector_load %arg13[%swap3A_814, %swap3A_815] {strides = array<i32>} : memref<128x64xf32, #tpu.memory_space<vmem>>, vector<1x16xf32>,
      %swap3A_817 = vector.shape_cast %swap3A_816 : vector<1x16xf32> to vector<16xf32>
      %swap3A_818 = vector.shape_cast %mul3A_813 : vector<16xf32> to vector<1x16xf32>
      tpu.vector_store %arg13[%swap3A_814, %swap3A_815], %swap3A_818 {strides = array<i32>} : memref<128x64xf32, #tpu.memory_space<vmem>>, vector<1x16xf32>,
      %mul3A_819 = arith.constant 4 : i32
      %mul3A_820 = arith.muli %scan3A_766, %mul3A_819 : i32
      %add3A_821 = arith.constant 1 : i32
      %add3A_822 = arith.addi %mul3A_820, %add3A_821 : i32
      %get3A_823 = arith.index_cast %add3A_822 : i32 to index
      %get3A_824 = arith.constant 0 : index
      %get3A_825 = tpu.vector_load %arg9[%get3A_823, %get3A_824] {strides = array<i32>} : memref<128x64xf32, #tpu.memory_space<vmem>>, vector<1x16xf32>,
      %get3A_826 = vector.shape_cast %get3A_825 : vector<1x16xf32> to vector<16xf32>
      %mul3A_827 = arith.constant 8.000000e+00 : f32
      %mul3A_828 = vector.broadcast %mul3A_827 : f32 to vector<16xf32>
      %mul3A_829 = arith.mulf %get3A_826, %mul3A_828 : vector<16xf32>
      %swap3A_830 = arith.index_cast %add3A_822 : i32 to index
      %swap3A_831 = arith.constant 0 : index
      %swap3A_832 = tpu.vector_load %arg13[%swap3A_830, %swap3A_831] {strides = array<i32>} : memref<128x64xf32, #tpu.memory_space<vmem>>, vector<1x16xf32>,
      %swap3A_833 = vector.shape_cast %swap3A_832 : vector<1x16xf32> to vector<16xf32>
      %swap3A_834 = vector.shape_cast %mul3A_829 : vector<16xf32> to vector<1x16xf32>
      tpu.vector_store %arg13[%swap3A_830, %swap3A_831], %swap3A_834 {strides = array<i32>} : memref<128x64xf32, #tpu.memory_space<vmem>>, vector<1x16xf32>,
      %get3A_835 = arith.index_cast %add3A_822 : i32 to index
      %get3A_836 = arith.constant 16 : index
      %get3A_837 = tpu.vector_load %arg9[%get3A_835, %get3A_836] {strides = array<i32>} : memref<128x64xf32, #tpu.memory_space<vmem>>, vector<1x16xf32>,
      %get3A_838 = vector.shape_cast %get3A_837 : vector<1x16xf32> to vector<16xf32>
      %mul3A_839 = arith.constant 8.000000e+00 : f32
      %mul3A_840 = vector.broadcast %mul3A_839 : f32 to vector<16xf32>
      %mul3A_841 = arith.mulf %get3A_838, %mul3A_840 : vector<16xf32>
      %swap3A_842 = arith.index_cast %add3A_822 : i32 to index
      %swap3A_843 = arith.constant 16 : index
      %swap3A_844 = tpu.vector_load %arg13[%swap3A_842, %swap3A_843] {strides = array<i32>} : memref<128x64xf32, #tpu.memory_space<vmem>>, vector<1x16xf32>,
      %swap3A_845 = vector.shape_cast %swap3A_844 : vector<1x16xf32> to vector<16xf32>
      %swap3A_846 = vector.shape_cast %mul3A_841 : vector<16xf32> to vector<1x16xf32>
      tpu.vector_store %arg13[%swap3A_842, %swap3A_843], %swap3A_846 {strides = array<i32>} : memref<128x64xf32, #tpu.memory_space<vmem>>, vector<1x16xf32>,
      %get3A_847 = arith.index_cast %add3A_822 : i32 to index
      %get3A_848 = arith.constant 32 : index
      %get3A_849 = tpu.vector_load %arg9[%get3A_847, %get3A_848] {strides = array<i32>} : memref<128x64xf32, #tpu.memory_space<vmem>>, vector<1x16xf32>,
      %get3A_850 = vector.shape_cast %get3A_849 : vector<1x16xf32> to vector<16xf32>
      %mul3A_851 = arith.constant 8.000000e+00 : f32
      %mul3A_852 = vector.broadcast %mul3A_851 : f32 to vector<16xf32>
      %mul3A_853 = arith.mulf %get3A_850, %mul3A_852 : vector<16xf32>
      %swap3A_854 = arith.index_cast %add3A_822 : i32 to index
      %swap3A_855 = arith.constant 32 : index
      %swap3A_856 = tpu.vector_load %arg13[%swap3A_854, %swap3A_855] {strides = array<i32>} : memref<128x64xf32, #tpu.memory_space<vmem>>, vector<1x16xf32>,
      %swap3A_857 = vector.shape_cast %swap3A_856 : vector<1x16xf32> to vector<16xf32>
      %swap3A_858 = vector.shape_cast %mul3A_853 : vector<16xf32> to vector<1x16xf32>
      tpu.vector_store %arg13[%swap3A_854, %swap3A_855], %swap3A_858 {strides = array<i32>} : memref<128x64xf32, #tpu.memory_space<vmem>>, vector<1x16xf32>,
      %get3A_859 = arith.index_cast %add3A_822 : i32 to index
      %get3A_860 = arith.constant 48 : index
      %get3A_861 = tpu.vector_load %arg9[%get3A_859, %get3A_860] {strides = array<i32>} : memref<128x64xf32, #tpu.memory_space<vmem>>, vector<1x16xf32>,
      %get3A_862 = vector.shape_cast %get3A_861 : vector<1x16xf32> to vector<16xf32>
      %mul3A_863 = arith.constant 8.000000e+00 : f32
      %mul3A_864 = vector.broadcast %mul3A_863 : f32 to vector<16xf32>
      %mul3A_865 = arith.mulf %get3A_862, %mul3A_864 : vector<16xf32>
      %swap3A_866 = arith.index_cast %add3A_822 : i32 to index
      %swap3A_867 = arith.constant 48 : index
      %swap3A_868 = tpu.vector_load %arg13[%swap3A_866, %swap3A_867] {strides = array<i32>} : memref<128x64xf32, #tpu.memory_space<vmem>>, vector<1x16xf32>,
      %swap3A_869 = vector.shape_cast %swap3A_868 : vector<1x16xf32> to vector<16xf32>
      %swap3A_870 = vector.shape_cast %mul3A_865 : vector<16xf32> to vector<1x16xf32>
      tpu.vector_store %arg13[%swap3A_866, %swap3A_867], %swap3A_870 {strides = array<i32>} : memref<128x64xf32, #tpu.memory_space<vmem>>, vector<1x16xf32>,
      %mul3A_871 = arith.constant 4 : i32
      %mul3A_872 = arith.muli %scan3A_766, %mul3A_871 : i32
      %add3A_873 = arith.constant 2 : i32
      %add3A_874 = arith.addi %mul3A_872, %add3A_873 : i32
      %get3A_875 = arith.index_cast %add3A_874 : i32 to index
      %get3A_876 = arith.constant 0 : index
      %get3A_877 = tpu.vector_load %arg9[%get3A_875, %get3A_876] {strides = array<i32>} : memref<128x64xf32, #tpu.memory_space<vmem>>, vector<1x16xf32>,
      %get3A_878 = vector.shape_cast %get3A_877 : vector<1x16xf32> to vector<16xf32>
      %mul3A_879 = arith.constant 8.000000e+00 : f32
      %mul3A_880 = vector.broadcast %mul3A_879 : f32 to vector<16xf32>
      %mul3A_881 = arith.mulf %get3A_878, %mul3A_880 : vector<16xf32>
      %swap3A_882 = arith.index_cast %add3A_874 : i32 to index
      %swap3A_883 = arith.constant 0 : index
      %swap3A_884 = tpu.vector_load %arg13[%swap3A_882, %swap3A_883] {strides = array<i32>} : memref<128x64xf32, #tpu.memory_space<vmem>>, vector<1x16xf32>,
      %swap3A_885 = vector.shape_cast %swap3A_884 : vector<1x16xf32> to vector<16xf32>
      %swap3A_886 = vector.shape_cast %mul3A_881 : vector<16xf32> to vector<1x16xf32>
      tpu.vector_store %arg13[%swap3A_882, %swap3A_883], %swap3A_886 {strides = array<i32>} : memref<128x64xf32, #tpu.memory_space<vmem>>, vector<1x16xf32>,
      %get3A_887 = arith.index_cast %add3A_874 : i32 to index
      %get3A_888 = arith.constant 16 : index
      %get3A_889 = tpu.vector_load %arg9[%get3A_887, %get3A_888] {strides = array<i32>} : memref<128x64xf32, #tpu.memory_space<vmem>>, vector<1x16xf32>,
      %get3A_890 = vector.shape_cast %get3A_889 : vector<1x16xf32> to vector<16xf32>
      %mul3A_891 = arith.constant 8.000000e+00 : f32
      %mul3A_892 = vector.broadcast %mul3A_891 : f32 to vector<16xf32>
      %mul3A_893 = arith.mulf %get3A_890, %mul3A_892 : vector<16xf32>
      %swap3A_894 = arith.index_cast %add3A_874 : i32 to index
      %swap3A_895 = arith.constant 16 : index
      %swap3A_896 = tpu.vector_load %arg13[%swap3A_894, %swap3A_895] {strides = array<i32>} : memref<128x64xf32, #tpu.memory_space<vmem>>, vector<1x16xf32>,
      %swap3A_897 = vector.shape_cast %swap3A_896 : vector<1x16xf32> to vector<16xf32>
      %swap3A_898 = vector.shape_cast %mul3A_893 : vector<16xf32> to vector<1x16xf32>
      tpu.vector_store %arg13[%swap3A_894, %swap3A_895], %swap3A_898 {strides = array<i32>} : memref<128x64xf32, #tpu.memory_space<vmem>>, vector<1x16xf32>,
      %get3A_899 = arith.index_cast %add3A_874 : i32 to index
      %get3A_900 = arith.constant 32 : index
      %get3A_901 = tpu.vector_load %arg9[%get3A_899, %get3A_900] {strides = array<i32>} : memref<128x64xf32, #tpu.memory_space<vmem>>, vector<1x16xf32>,
      %get3A_902 = vector.shape_cast %get3A_901 : vector<1x16xf32> to vector<16xf32>
      %mul3A_903 = arith.constant 8.000000e+00 : f32
      %mul3A_904 = vector.broadcast %mul3A_903 : f32 to vector<16xf32>
      %mul3A_905 = arith.mulf %get3A_902, %mul3A_904 : vector<16xf32>
      %swap3A_906 = arith.index_cast %add3A_874 : i32 to index
      %swap3A_907 = arith.constant 32 : index
      %swap3A_908 = tpu.vector_load %arg13[%swap3A_906, %swap3A_907] {strides = array<i32>} : memref<128x64xf32, #tpu.memory_space<vmem>>, vector<1x16xf32>,
      %swap3A_909 = vector.shape_cast %swap3A_908 : vector<1x16xf32> to vector<16xf32>
      %swap3A_910 = vector.shape_cast %mul3A_905 : vector<16xf32> to vector<1x16xf32>
      tpu.vector_store %arg13[%swap3A_906, %swap3A_907], %swap3A_910 {strides = array<i32>} : memref<128x64xf32, #tpu.memory_space<vmem>>, vector<1x16xf32>,
      %get3A_911 = arith.index_cast %add3A_874 : i32 to index
      %get3A_912 = arith.constant 48 : index
      %get3A_913 = tpu.vector_load %arg9[%get3A_911, %get3A_912] {strides = array<i32>} : memref<128x64xf32, #tpu.memory_space<vmem>>, vector<1x16xf32>,
      %get3A_914 = vector.shape_cast %get3A_913 : vector<1x16xf32> to vector<16xf32>
      %mul3A_915 = arith.constant 8.000000e+00 : f32
      %mul3A_916 = vector.broadcast %mul3A_915 : f32 to vector<16xf32>
      %mul3A_917 = arith.mulf %get3A_914, %mul3A_916 : vector<16xf32>
      %swap3A_918 = arith.index_cast %add3A_874 : i32 to index
      %swap3A_919 = arith.constant 48 : index
      %swap3A_920 = tpu.vector_load %arg13[%swap3A_918, %swap3A_919] {strides = array<i32>} : memref<128x64xf32, #tpu.memory_space<vmem>>, vector<1x16xf32>,
      %swap3A_921 = vector.shape_cast %swap3A_920 : vector<1x16xf32> to vector<16xf32>
      %swap3A_922 = vector.shape_cast %mul3A_917 : vector<16xf32> to vector<1x16xf32>
      tpu.vector_store %arg13[%swap3A_918, %swap3A_919], %swap3A_922 {strides = array<i32>} : memref<128x64xf32, #tpu.memory_space<vmem>>, vector<1x16xf32>,
      %mul3A_923 = arith.constant 4 : i32
      %mul3A_924 = arith.muli %scan3A_766, %mul3A_923 : i32
      %add3A_925 = arith.constant 3 : i32
      %add3A_926 = arith.addi %mul3A_924, %add3A_925 : i32
      %get3A_927 = arith.index_cast %add3A_926 : i32 to index
      %get3A_928 = arith.constant 0 : index
      %get3A_929 = tpu.vector_load %arg9[%get3A_927, %get3A_928] {strides = array<i32>} : memref<128x64xf32, #tpu.memory_space<vmem>>, vector<1x16xf32>,
      %get3A_930 = vector.shape_cast %get3A_929 : vector<1x16xf32> to vector<16xf32>
      %mul3A_931 = arith.constant 8.000000e+00 : f32
      %mul3A_932 = vector.broadcast %mul3A_931 : f32 to vector<16xf32>
      %mul3A_933 = arith.mulf %get3A_930, %mul3A_932 : vector<16xf32>
      %swap3A_934 = arith.index_cast %add3A_926 : i32 to index
      %swap3A_935 = arith.constant 0 : index
      %swap3A_936 = tpu.vector_load %arg13[%swap3A_934, %swap3A_935] {strides = array<i32>} : memref<128x64xf32, #tpu.memory_space<vmem>>, vector<1x16xf32>,
      %swap3A_937 = vector.shape_cast %swap3A_936 : vector<1x16xf32> to vector<16xf32>
      %swap3A_938 = vector.shape_cast %mul3A_933 : vector<16xf32> to vector<1x16xf32>
      tpu.vector_store %arg13[%swap3A_934, %swap3A_935], %swap3A_938 {strides = array<i32>} : memref<128x64xf32, #tpu.memory_space<vmem>>, vector<1x16xf32>,
      %get3A_939 = arith.index_cast %add3A_926 : i32 to index
      %get3A_940 = arith.constant 16 : index
      %get3A_941 = tpu.vector_load %arg9[%get3A_939, %get3A_940] {strides = array<i32>} : memref<128x64xf32, #tpu.memory_space<vmem>>, vector<1x16xf32>,
      %get3A_942 = vector.shape_cast %get3A_941 : vector<1x16xf32> to vector<16xf32>
      %mul3A_943 = arith.constant 8.000000e+00 : f32
      %mul3A_944 = vector.broadcast %mul3A_943 : f32 to vector<16xf32>
      %mul3A_945 = arith.mulf %get3A_942, %mul3A_944 : vector<16xf32>
      %swap3A_946 = arith.index_cast %add3A_926 : i32 to index
      %swap3A_947 = arith.constant 16 : index
      %swap3A_948 = tpu.vector_load %arg13[%swap3A_946, %swap3A_947] {strides = array<i32>} : memref<128x64xf32, #tpu.memory_space<vmem>>, vector<1x16xf32>,
      %swap3A_949 = vector.shape_cast %swap3A_948 : vector<1x16xf32> to vector<16xf32>
      %swap3A_950 = vector.shape_cast %mul3A_945 : vector<16xf32> to vector<1x16xf32>
      tpu.vector_store %arg13[%swap3A_946, %swap3A_947], %swap3A_950 {strides = array<i32>} : memref<128x64xf32, #tpu.memory_space<vmem>>, vector<1x16xf32>,
      %get3A_951 = arith.index_cast %add3A_926 : i32 to index
      %get3A_952 = arith.constant 32 : index
      %get3A_953 = tpu.vector_load %arg9[%get3A_951, %get3A_952] {strides = array<i32>} : memref<128x64xf32, #tpu.memory_space<vmem>>, vector<1x16xf32>,
      %get3A_954 = vector.shape_cast %get3A_953 : vector<1x16xf32> to vector<16xf32>
      %mul3A_955 = arith.constant 8.000000e+00 : f32
      %mul3A_956 = vector.broadcast %mul3A_955 : f32 to vector<16xf32>
      %mul3A_957 = arith.mulf %get3A_954, %mul3A_956 : vector<16xf32>
      %swap3A_958 = arith.index_cast %add3A_926 : i32 to index
      %swap3A_959 = arith.constant 32 : index
      %swap3A_960 = tpu.vector_load %arg13[%swap3A_958, %swap3A_959] {strides = array<i32>} : memref<128x64xf32, #tpu.memory_space<vmem>>, vector<1x16xf32>,
      %swap3A_961 = vector.shape_cast %swap3A_960 : vector<1x16xf32> to vector<16xf32>
      %swap3A_962 = vector.shape_cast %mul3A_957 : vector<16xf32> to vector<1x16xf32>
      tpu.vector_store %arg13[%swap3A_958, %swap3A_959], %swap3A_962 {strides = array<i32>} : memref<128x64xf32, #tpu.memory_space<vmem>>, vector<1x16xf32>,
      %get3A_963 = arith.index_cast %add3A_926 : i32 to index
      %get3A_964 = arith.constant 48 : index
      %get3A_965 = tpu.vector_load %arg9[%get3A_963, %get3A_964] {strides = array<i32>} : memref<128x64xf32, #tpu.memory_space<vmem>>, vector<1x16xf32>,
      %get3A_966 = vector.shape_cast %get3A_965 : vector<1x16xf32> to vector<16xf32>
      %mul3A_967 = arith.constant 8.000000e+00 : f32
      %mul3A_968 = vector.broadcast %mul3A_967 : f32 to vector<16xf32>
      %mul3A_969 = arith.mulf %get3A_966, %mul3A_968 : vector<16xf32>
      %swap3A_970 = arith.index_cast %add3A_926 : i32 to index
      %swap3A_971 = arith.constant 48 : index
      %swap3A_972 = tpu.vector_load %arg13[%swap3A_970, %swap3A_971] {strides = array<i32>} : memref<128x64xf32, #tpu.memory_space<vmem>>, vector<1x16xf32>,
      %swap3A_973 = vector.shape_cast %swap3A_972 : vector<1x16xf32> to vector<16xf32>
      %swap3A_974 = vector.shape_cast %mul3A_969 : vector<16xf32> to vector<1x16xf32>
      tpu.vector_store %arg13[%swap3A_970, %swap3A_971], %swap3A_974 {strides = array<i32>} : memref<128x64xf32, #tpu.memory_space<vmem>>, vector<1x16xf32>,
      %scan3A_975 = arith.constant 0 : i32
      scf.yield %scan3A_975 : i32
    }
    %scan3A_735 = arith.constant 32 : i32
    %add3A_736 = arith.constant 25472 : i32
    %add3A_737 = arith.addi %mul3A_2, %add3A_736 : i32
    %dma_start3A_738 = arith.constant 0 : i32
    %dma_start3A_739 = tpu.memref_slice %arg4[%add3A_737, %dma_start3A_738] : memref<819200x64xf32, #tpu.memory_space<hbm>> -> memref<128x64xf32, #tpu.memory_space<hbm>>
    %dma_start3A_740 = arith.constant 0 : i32
    %dma_start3A_741 = tpu.memref_slice %arg4[%add3A_737, %dma_start3A_740] : memref<819200x64xf32, #tpu.memory_space<hbm>> -> memref<128x64xf32, #tpu.memory_space<hbm>>
    tpu.enqueue_dma source(%arg13 : memref<128x64xf32, #tpu.memory_space<vmem>>) target(%dma_start3A_741 : memref<128x64xf32, #tpu.memory_space<hbm>>) target_semaphore(%arg21 : memref<!tpu.dma_semaphore, #tpu.memory_space<semaphore_mem>>)
    %add3A_742 = arith.constant 25088 : i32
    %add3A_743 = arith.addi %mul3A_2, %add3A_742 : i32
    %dma_wait3A_744 = arith.constant 0 : i32
    %dma_wait3A_745 = tpu.memref_slice %arg4[%add3A_743, %dma_wait3A_744] : memref<819200x64xf32, #tpu.memory_space<hbm>> -> memref<128x64xf32, #tpu.memory_space<hbm>>
    %dma_wait3A_746 = arith.constant 0 : i32
    %dma_wait3A_747 = tpu.memref_slice %arg4[%add3A_743, %dma_wait3A_746] : memref<819200x64xf32, #tpu.memory_space<hbm>> -> memref<128x64xf32, #tpu.memory_space<hbm>>
    tpu.wait_dma2 semaphore(%arg18 : memref<!tpu.dma_semaphore, #tpu.memory_space<semaphore_mem>>) src(%arg10 : memref<128x64xf32, #tpu.memory_space<vmem>>) dst(%dma_wait3A_747 : memref<128x64xf32, #tpu.memory_space<hbm>>)
    %add3A_748 = arith.constant 25216 : i32
    %add3A_749 = arith.addi %mul3A_2, %add3A_748 : i32
    %dma_wait3A_750 = arith.constant 0 : i32
    %dma_wait3A_751 = tpu.memref_slice %arg4[%add3A_749, %dma_wait3A_750] : memref<819200x64xf32, #tpu.memory_space<hbm>> -> memref<128x64xf32, #tpu.memory_space<hbm>>
    %dma_wait3A_752 = arith.constant 0 : i32
    %dma_wait3A_753 = tpu.memref_slice %arg4[%add3A_749, %dma_wait3A_752] : memref<819200x64xf32, #tpu.memory_space<hbm>> -> memref<128x64xf32, #tpu.memory_space<hbm>>
    tpu.wait_dma2 semaphore(%arg19 : memref<!tpu.dma_semaphore, #tpu.memory_space<semaphore_mem>>) src(%arg11 : memref<128x64xf32, #tpu.memory_space<vmem>>) dst(%dma_wait3A_753 : memref<128x64xf32, #tpu.memory_space<hbm>>)
    %add3A_754 = arith.constant 25344 : i32
    %add3A_755 = arith.addi %mul3A_2, %add3A_754 : i32
    %dma_wait3A_756 = arith.constant 0 : i32
    %dma_wait3A_757 = tpu.memref_slice %arg4[%add3A_755, %dma_wait3A_756] : memref<819200x64xf32, #tpu.memory_space<hbm>> -> memref<128x64xf32, #tpu.memory_space<hbm>>
    %dma_wait3A_758 = arith.constant 0 : i32
    %dma_wait3A_759 = tpu.memref_slice %arg4[%add3A_755, %dma_wait3A_758] : memref<819200x64xf32, #tpu.memory_space<hbm>> -> memref<128x64xf32, #tpu.memory_space<hbm>>
    tpu.wait_dma2 semaphore(%arg20 : memref<!tpu.dma_semaphore, #tpu.memory_space<semaphore_mem>>) src(%arg12 : memref<128x64xf32, #tpu.memory_space<vmem>>) dst(%dma_wait3A_759 : memref<128x64xf32, #tpu.memory_space<hbm>>)
    %add3A_760 = arith.constant 25472 : i32
    %add3A_761 = arith.addi %mul3A_2, %add3A_760 : i32
    %dma_wait3A_762 = arith.constant 0 : i32
    %dma_wait3A_763 = tpu.memref_slice %arg4[%add3A_761, %dma_wait3A_762] : memref<819200x64xf32, #tpu.memory_space<hbm>> -> memref<128x64xf32, #tpu.memory_space<hbm>>
    %dma_wait3A_764 = arith.constant 0 : i32
    %dma_wait3A_765 = tpu.memref_slice %arg4[%add3A_761, %dma_wait3A_764] : memref<819200x64xf32, #tpu.memory_space<hbm>> -> memref<128x64xf32, #tpu.memory_space<hbm>>
    tpu.wait_dma2 semaphore(%arg21 : memref<!tpu.dma_semaphore, #tpu.memory_space<semaphore_mem>>) src(%arg13 : memref<128x64xf32, #tpu.memory_space<vmem>>) dst(%dma_wait3A_765 : memref<128x64xf32, #tpu.memory_space<hbm>>)
    return
  }
}

</mosaic_0001>

<sc_bundles>
// kernel: kernel.3.cloned.1.call-start
scs
__scs_entry_jumppad:
0x0: {  	(pc) =	sbr.rel $0x88, $3  }
0x1: {  	(tag) =	ssettag $0x0;
	lr =	simm.s32 $0x1  }
0x2: {  	[smem:$0x3F9F] =	sst lr;
	_ =	strace $0xD0000000  }
0x3: {  	_ = 	snop  }
0x4: {  	_ = 	snop  }
0x5: {  	_ = 	snop  }
0x6: {  	_ = 	snop  }
0x7: {  	_ = 	snop  }
__scs_overlays_trampoline_lowered:
0x8: {  	[smem:$0x3FAE] =	sst s0  }
0x9: {  	[smem:$0x3FAF] =	sst s1  }
0xa: {  	[smem:$0x3FB0] =	sst s2  }
0xb: {  	[smem:$0x3FB1] =	sst s3  }
0xc: {  	[smem:$0x3FB2] =	sst s4  }
0xd: {  	[smem:$0x3FB3] =	sst s5  }
0xe: {  	[smem:$0x3FB4] =	sst s6  }
0xf: {  	[smem:$0x3FB5] =	sst s7  }
0x10: {  	[smem:$0x3FB6] =	sst s8  }
0x11: {  	[smem:$0x3FB7] =	sst s9;
	s0 =	simm.s32 @!p0 $0x0  }
0x12: {  	s1 =	sld [smem:$0x3F9D];
	s0 =	simm.s32 @p0 $0x1  }
0x13: {  	[smem:$0x3FB8] =	sst s0;
	s0 =	simm.s32 @!p1 $0x0  }
0x14: {  	s2 =	sld [smem:$0x3F9C];
	s0 =	simm.s32 @p1 $0x1  }
0x15: {  	[smem:$0x3FB9] =	sst s0;
	s0 =	simm.s32 @!p2 $0x0  }
0x16: {  	s3 =	sld [smem:$0x3FDB];
	s0 =	simm.s32 @p2 $0x1  }
0x17: {  	s4 =	simm.s32 $0x1BF5;
	[smem:$0x3FBB] =	sst s0  }
0x18: {  	s0 =	sld [smem:$0x3F9E];
	_ =	swait.ge [sflag:s4], $0x0  }
0x19: {  	s7 =	sld [smem:$0x3F9F]  }
0x1a: {  	s8 =	sadd.s32 $0xFFFFE003, lr  }
0x1b: {  	s9 =	sadd.s32 $0xFFFFFEF7, lr;
	s5 =	simm.s32 $0xFFFFFFFF;
	p2 =	slt.u32 s8, $0xFFFFF086  }
0x1c: {  	p1 =	slt.u32 s9, $0xF7A;
	s5 =	simm.s32 @!p2 $0x0  }
0x1d: {  	s5 =	simm.s32 @p1 $0x1;
	p0 =	seq.s32 s7, s2  }
0x1e: {  	s7 =	smul.u32 @!p0 $0xF7A, s2;
	p2 =	seq.s32 @!p0 s5, $0x0  }
0x1f: {  	s9 =	smul.u32 $0xF7A, s1;
	s8 =	simm.s32 @!p0 $0x1BF5;
	p2 =	por !p2, p0  }
0x20: {  	[sflag:s8] =	ssyncset.s32 @!p0 $0xFFFFF086;
	s6 =	sadd.s32 @!p0 s3, s7;
	s7 =	simm.s32 @!p0 $0x108  }
0x21: {  	s3 =	sadd.s32 s3, s9;
	s6 =	sadd.s32 @!p0 $0x88, s6;
	s7 =	simm.s32 @p2 $0x1082  }
0x22: {  	[simem:s7], [sflag:s8] =	dma.local @!p0 [hbm:s6], $0xF7A  }
0x23: {  	s9 =	sor.u32 $0xD0000000, s2;
	s6 =	simm.s32 $0x108;
	_ =	swait.ge @!p0 [sflag:s8], $0x0  }
0x24: {  	s3 =	sadd.s32 $0x88, s3;
	s6 =	simm.s32 @!p1 $0x1082;
	[sflag:s4] =	ssyncset.s32 $0xFFFFF086  }
0x25: {  	[simem:s6], [sflag:s4] =	dma.local [hbm:s3], $0xF7A  }
0x26: {  	[smem:$0x3F9F] =	sst s1;
	(tag) =	ssettag s2;
	_ =	strace s9  }
0x27: {  	s1 =	sld [smem:$0x3FAF]  }
0x28: {  	s2 =	sld [smem:$0x3FB0]  }
0x29: {  	s4 =	sld [smem:$0x3FB2]  }
0x2a: {  	p0 =	seq.s32 s5, $0x0;
	s5 =	sld [smem:$0x3FB3]  }
0x2b: {  	s6 =	sld [smem:$0x3FB4]  }
0x2c: {  	s7 =	sld [smem:$0x3FB5]  }
0x2d: {  	s3 =	simm.s32 $0x108;
	s8 =	sld [smem:$0x3FB6]  }
0x2e: {  	s3 =	simm.s32 @!p0 $0x1082;
	s9 =	sld [smem:$0x3FB7]  }
0x2f: {  	lr =	sadd.s32 s0, s3;
	s0 =	sld [smem:$0x3FAE]  }
0x30: {  	s3 =	sld [smem:$0x3FB1]  }
0x31: {  	[smem:$0x3FBA] =	sst s10  }
0x32: {  	s10 =	sld [smem:$0x3FB8];
	_ =	sdelay $0x3  }
0x33: {  	p0 =	seq.s32 s10, $0x1;
	s10 =	sld [smem:$0x3FBA];
	_ =	sdelay $0x3  }
0x34: {  	[smem:$0x3FBA] =	sst s10  }
0x35: {  	s10 =	sld [smem:$0x3FB9];
	_ =	sdelay $0x3  }
0x36: {  	p1 =	seq.s32 s10, $0x1;
	s10 =	sld [smem:$0x3FBA];
	_ =	sdelay $0x3  }
0x37: {  	[smem:$0x3FBA] =	sst s10  }
0x38: {  	s10 =	sld [smem:$0x3FBB]  }
0x39: {  	_ = 	snop;
	(pc) =	sbr.ind lr, $3  }
0x3a: {  	_ = 	snop  }
0x3b: {  	_ = 	snop  }
0x3c: {  	p2 =	seq.s32 s10, $0x1;
	s10 =	sld [smem:$0x3FBA]  }
0x3d: {  	_ =	shalt  }
0x3e: {  	_ =	shalt  }
0x3f: {  	_ =	shalt  }
0x40: {  	_ =	shalt  }
0x41: {  	_ =	shalt  }
0x42: {  	_ =	shalt  }
0x43: {  	_ =	shalt  }
0x44: {  	_ =	shalt  }
0x45: {  	_ =	shalt  }
0x46: {  	_ =	shalt  }
0x47: {  	_ =	shalt  }
0x48: {  	_ =	shalt  }
0x49: {  	_ =	shalt  }
0x4a: {  	_ =	shalt  }
0x4b: {  	_ =	shalt  }
0x4c: {  	_ =	shalt  }
0x4d: {  	_ =	shalt  }
0x4e: {  	_ =	shalt  }
0x4f: {  	_ =	shalt  }
0x50: {  	_ =	shalt  }
0x51: {  	_ =	shalt  }
0x52: {  	_ =	shalt  }
0x53: {  	_ =	shalt  }
0x54: {  	_ =	shalt  }
0x55: {  	_ =	shalt  }
0x56: {  	_ =	shalt  }
0x57: {  	_ =	shalt  }
0x58: {  	_ =	shalt  }
0x59: {  	_ =	shalt  }
0x5a: {  	_ =	shalt  }
0x5b: {  	_ =	shalt  }
0x5c: {  	_ =	shalt  }
0x5d: {  	_ =	shalt  }
0x5e: {  	_ =	shalt  }
0x5f: {  	_ =	shalt  }
0x60: {  	_ =	shalt  }
0x61: {  	_ =	shalt  }
0x62: {  	_ =	shalt  }
0x63: {  	_ =	shalt  }
0x64: {  	_ =	shalt  }
0x65: {  	_ =	shalt  }
0x66: {  	_ =	shalt  }
0x67: {  	_ =	shalt  }
0x68: {  	_ =	shalt  }
0x69: {  	_ =	shalt  }
0x6a: {  	_ =	shalt  }
0x6b: {  	_ =	shalt  }
0x6c: {  	_ =	shalt  }
0x6d: {  	_ =	shalt  }
0x6e: {  	_ =	shalt  }
0x6f: {  	_ =	shalt  }
0x70: {  	_ =	shalt  }
0x71: {  	_ =	shalt  }
0x72: {  	_ =	shalt  }
0x73: {  	_ =	shalt  }
0x74: {  	_ =	shalt  }
0x75: {  	_ =	shalt  }
0x76: {  	_ =	shalt  }
0x77: {  	_ =	shalt  }
0x78: {  	_ =	shalt  }
0x79: {  	_ =	shalt  }
0x7a: {  	_ =	shalt  }
0x7b: {  	_ =	shalt  }
0x7c: {  	_ =	shalt  }
0x7d: {  	_ =	shalt  }
0x7e: {  	_ =	shalt  }
0x7f: {  	_ =	shalt  }
0x80: {  	_ =	shalt  }
0x81: {  	_ =	shalt  }
0x82: {  	_ =	shalt  }
0x83: {  	_ =	shalt  }
0x84: {  	_ =	shalt  }
0x85: {  	_ =	shalt  }
0x86: {  	_ =	shalt  }
0x87: {  	_ =	shalt  }
.Lfunc_end0:
.L_simem_size_0:
called_computation.1_lowered:
.L_overlay_start_0:
0x88: {  	s2 =	sld [smem:$0x3FD9]  }
0x89: {  	s3 =	sld [smem:$0x3FFE];
	_ =	sdelay $0x1  }
0x8a: {  	s1 =	srdreg.scid  }
0x8b: {  	s0 =	sand.u32 $0x1, s1  }
0x8c: {  	s17 =	sshll.u32 s0, $0xA;
	s2 =	sadd.s32 s3, s2  }
0x8d: {  	s2 =	sadd.s32 s2, s17  }
0x8e: {  	[smem:$0x3FC6] =	sst s2  }
0x8f: {  	_ = 	snop  }
0x90: {  	s2 =	sld [smem:$0x3FD0];
	(tm) =	ssettm $0x1  }
0x91: {  	s18 =	sld [smem:$0x3FFB];
	_ =	sdelay $0x3  }
0x92: {  	_ =	strace s18  }
0x93: {  	s3 =	sld [smem:$0x3FFC];
	_ =	sdelay $0x3  }
0x94: {  	_ =	strace s3  }
0x95: {  	s3 =	sld [smem:$0x3FFD];
	_ =	sdelay $0x3  }
0x96: {  	_ =	strace s3  }
0x97: {  	_ =	strace $0x8FFFFFFF  }
0x98: {  	s19 =	sld [smem:$0x3FDB];
	_ =	sdelay $0x1  }
0x99: {  	s4 =	simm.s32 $_scs_section_size  }
0x9a: {  	s5 =	simm.s32 $_size__tile_overlayer_lowered;
	s6 =	simm.s32 $_tile_overlayer_lowered  }
0x9b: {  	s22 =	simm.s32 $0x1BFF;
	s21 =	sshll.u32 s6, $0x1;
	s3 =	sadd.s32 s4, s19  }
0x9c: {  	s7 =	simm.s32 $0x0;
	s20 =	sshll.u32 s5, $0x1;
	s5 =	sadd.s32 s21, s3  }
0x9d: {  	[timem:s7], [sflag:s22] =	dma.local [hbm:s5], s20  }
0x9e: {  	_ =	swait.ge [sflag:s22], s20  }
0x9f: {  	s4 =	ssub.s32 $0x0, s20;
	[sflag:s22] =	ssyncset.done $0x0  }
0xa0: {  	[sflag:s22] =	ssyncadd.s32 s4;
	_ =	sdelay $0x1  }
0xa1: {  	s23 =	simm.s32 $0x1B8B  }
0xa2: {  	_ =	swait.ge [sflag:s23], $0x1  }
0xa3: {  	[sflag:s23] =	ssyncset.done $0x0  }
0xa4: {  	s25 =	simm.s32 $0x1B8E;
	s24 =	sld [smem:$0x3FFE];
	[sflag:s23] =	ssyncadd.s32 $0xFFFFFFFF  }
0xa5: {  	s26 =	simm.s32 $execute0_lowered;
	[smem:$0x3FD2] =	sst s25  }
0xa6: {  	s5 =	sshll.u32 s26, $0x1;
	_ =	strace $0x80000046;
	[dreg:$0x1] =	wrdreg $0xFFFFFFFF  }
0xa7: {  	s28 =	simm.s32 $_size_execute0_lowered;
	s3 =	sadd.s32 s3, s5;
	[dreg:$0x0] =	wrdreg $0x0  }
0xa8: {  	s5 =	sshll.u32 s28, $0x1;
	[dreg:$0x2] =	wrdreg s3  }
0xa9: {  	[dreg:$0x3] =	wrdreg s5  }
0xaa: {  	[dreg:$0x4] =	wrdreg $0xC0  }
0xab: {  	_ =	task [dreg:s7], $0x5FFFF  }
0xac: {  	[dreg:$0x1] =	wrdreg $0xFFFFFFFF  }
0xad: {  	[dreg:$0x0] =	wrdreg $0x60  }
0xae: {  	[dreg:$0x2] =	wrdreg s24  }
0xaf: {  	[dreg:$0x3] =	wrdreg s2  }
0xb0: {  	[dreg:$0x4] =	wrdreg $0x9  }
0xb1: {  	_ =	task.clear_ibuf [dreg:s7], $0x5FFFF;
	_ =	strace $0x90000046  }
0xb2: {  	s29 =	simm.s32 $0x9;
	_ =	strace $0x80000048  }
0xb3: {  	_ =	swait.ge [sflag:s29], $0x1  }
0xb4: {  	[sflag:s29] =	ssyncadd.s32 $0xFFFFFFFF  }
0xb5: {  	_ =	strace $0x90000048  }
0xb6: {  	_ =	sfence  }
0xb7: {  	s30 =	sld [smem:$0x0];
	_ =	sdelay $0x2  }
0xb8: {  	s31 =	sshll.u32 s1, $0xD;
	s1 =	sshrl.u32 s1, $0x2  }
0xb9: {  	s3 =	sand.u32 $0x4000, s31;
	s1 =	sadd.s32 s1, s30  }
0xba: {  	s0 =	sor.u32 s3, s0;
	s1 =	sshll.u32 s1, $0x11  }
0xbb: {  	s0 =	sor.u32 s1, s0  }
0xbc: {  	s0 =	sadd.s32 $0x8F2B, s0  }
0xbd: {  	[sflag:s0] =	ssyncadd.remote.s32 $0x1  }
0xbe: {  	_ =	sfence.sel $0xFFFF  }
0xbf: {  	[dreg:$0x0] =	wrdreg $0xFFFFFFFF;
	(pc) =	sbr.abs _section_cstart, $3  }
0xc0: {  	[dreg:$0x1] =	wrdreg $0xFFFFFFFF  }
0xc1: {  	_ =	task.clear_ibuf [dreg:s7], $0x2FFFF;
	_ =	strace $0x9FFFFFFF  }
0xc2: {  	(tm) =	ssettm $0x7FFFFFFF  }
0xc3: {  	_ =	shalt  }
tec
execute0_lowered:
.L_overlay_start_1:
0x0: {  	(tag) =	ssettag $0x1  }
0x1: {  	s0 =	rddreg [dreg:$0x0];
	s1 =	srdreg.scid  }
0x2: {  	s3 =	stileid.u32;
	s2 =	rddreg [dreg:$0x1]  }
0x3: {  	s28 =	simm.s32 $0xE000;
	s29 =	simm.s32 $0x1;
	s30 =	simm.s32 $0xE400  }
0x4: {  	s31 =	simm.s32 $0x2;
	s9 =	simm.s32 $0x14400;
	s10 =	simm.s32 $0x5  }
0x5: {  	s14 =	simm.s32 $0x6;
	s1 =	sand.u32 $0x1, s1;
	s4 =	sshll.u32 s3, $0x1  }
0x6: {  	s15 =	simm.s32 $0x7;
	s3 =	simm.s32 $0x0;
	s5 =	sor.u32 s1, s4  }
0x7: {  	s16 =	simm.s32 $0x8;
	[smem:$0x7FF] =	sst s3;
	s7 =	smul.u32 $0x6400, s5  }
0x8: {  	s1 =	ssub.s32 $0x2, s1;
	s4 =	sadd.s32 $0xF42E00, s0;
	s6 =	smul.u32 $0x32000, s5  }
0x9: {  	_ =	strace $0x80000047;
	s18 =	sshrl.u32 s1, $0x1;
	s17 =	sshrl.u32 s7, $0x3  }
0xa: {  	s19 =	sadd.s32 s2, s6;
	s6 =	smul.u32 $0x190000, s5;
	s11 =	sor.u32 $0x80, s7  }
0xb: {  	s12 =	sor.u32 $0x100, s7;
	s13 =	sor.u32 $0x180, s7;
	s7 =	simm.s32 $0x12400  }
0xc: {  	s8 =	sadd.s32 s17, s0;
	s21 =	sadd.s32 $0x400, s19;
	[dreg:$0x3] =	wrdreg s19  }
0xd: {  	s0 =	ssub.s32 s1, s18;
	s22 =	sadd.s32 $0x800, s19;
	[dreg:$0x5] =	wrdreg s21  }
0xe: {  	s1 =	sadd.s32 $0xC00, s19;
	s17 =	simm.s32 $0x0;
	[dreg:$0x6] =	wrdreg s22  }
0xf: {  	s20 =	sadd.s32 $0xA00, s8;
	[dreg:$0x7] =	wrdreg s1;
	s23 =	sshrl.u32 s6, $0x3  }
0x10: {  	s0 =	smax.u32 s0, $0x1;
	[dreg:$0x4] =	wrdreg s20;
	s1 =	sadd.s32 s2, s23  }
0x11: {  	s21 =	simm.s32 $0xC800;
	[dreg:$0xc] =	wrdreg s0;
	s24 =	sadd.s32 $0x31000, s1  }
0x12: {  	s22 =	simm.s32 $0xCC00;
	s25 =	sadd.s32 $0x31400, s1;
	[dreg:$0x8] =	wrdreg s24  }
0x13: {  	s8 =	simm.s32 $0x4;
	s26 =	sadd.s32 $0x31800, s1;
	[dreg:$0x9] =	wrdreg s25  }
0x14: {  	s23 =	simm.s32 $0xD000;
	s1 =	sadd.s32 $0x31C00, s1;
	[dreg:$0xa] =	wrdreg s26  }
0x15: {  	s0 =	simm.s32 $0x3;
	[dreg:$0xb] =	wrdreg s1;
	s24 =	simm.s32 $0xD400  }
0x16: {  	vm0 =	vmmov $0xffff;
	s25 =	simm.s32 $0xD800;
	s26 =	simm.s32 $0xDC00;
	s1 =	simm.s32 $0x10400  }
.LBB2_1:
0x17: {  	[dreg:$0xd] =	wrdreg s17  }
0x18: {  	s5 =	rddreg [dreg:$0x4];
	s19 =	simm.s32 $0x9  }
0x19: {  	[tilespmem:s3], [sflag:$0x9] =	stream.linear.gather [hbm4b:s5+s3], $0x6400, $0x38;
	[tilespmem:$0x16400] =	vst v63  }
0x1a: {  	_ =	swait.ge [sflag:s19], $0x6400  }
0x1b: {  	[sflag:s19] =	ssyncset.done $0x0  }
0x1c: {  	[sflag:s19] =	ssyncadd.s32 $0xFFFF9C00  }
0x1d: {  	v0 =	vld [tilespmem:$0x0];
	_ =	sdelay $0x6  }
0x1e: {  	s20 =	simm.s32 $0x6400  }
0x1f: {  	[tilespmem:s20], [sflag:$0x1] =	stream.indirect_vreg.gather [hbm4b:s4+s3], $0x40, v0, vm0, $0xb8;
	[tilespmem:$0x16400] =	vst v63  }
0x20: {  	v0 =	vld [tilespmem:$0x10];
	_ =	sdelay $0x6  }
0x21: {  	s17 =	simm.s32 $0x6800  }
0x22: {  	[tilespmem:s17], [sflag:$0x1] =	stream.indirect_vreg.gather [hbm4b:s4+s3], $0x40, v0, vm0, $0xb8;
	[tilespmem:$0x16400] =	vst v63  }
0x23: {  	v0 =	vld [tilespmem:$0x20];
	_ =	sdelay $0x6  }
0x24: {  	s18 =	simm.s32 $0x6C00  }
0x25: {  	[tilespmem:s18], [sflag:$0x1] =	stream.indirect_vreg.gather [hbm4b:s4+s3], $0x40, v0, vm0, $0xb8;
	[tilespmem:$0x16400] =	vst v63  }
0x26: {  	v0 =	vld [tilespmem:$0x30];
	_ =	sdelay $0x6  }
0x27: {  	s19 =	simm.s32 $0x7000  }
0x28: {  	[tilespmem:s19], [sflag:$0x1] =	stream.indirect_vreg.gather [hbm4b:s4+s3], $0x40, v0, vm0, $0xb8;
	[tilespmem:$0x16400] =	vst v63  }
0x29: {  	v0 =	vld [tilespmem:$0x40];
	_ =	sdelay $0x6  }
0x2a: {  	s20 =	simm.s32 $0x7400  }
0x2b: {  	[tilespmem:s20], [sflag:$0x1] =	stream.indirect_vreg.gather [hbm4b:s4+s3], $0x40, v0, vm0, $0xb8;
	[tilespmem:$0x16400] =	vst v63  }
0x2c: {  	v0 =	vld [tilespmem:$0x50];
	_ =	sdelay $0x6  }
0x2d: {  	s17 =	simm.s32 $0x7800  }
0x2e: {  	[tilespmem:s17], [sflag:$0x1] =	stream.indirect_vreg.gather [hbm4b:s4+s3], $0x40, v0, vm0, $0xb8;
	[tilespmem:$0x16400] =	vst v63  }
0x2f: {  	v0 =	vld [tilespmem:$0x60];
	_ =	sdelay $0x6  }
0x30: {  	s18 =	simm.s32 $0x7C00  }
0x31: {  	[tilespmem:s18], [sflag:$0x1] =	stream.indirect_vreg.gather [hbm4b:s4+s3], $0x40, v0, vm0, $0xb8;
	[tilespmem:$0x16400] =	vst v63  }
0x32: {  	v0 =	vld [tilespmem:$0x70];
	_ =	sdelay $0x6  }
0x33: {  	s19 =	simm.s32 $0x8000  }
0x34: {  	[tilespmem:s19], [sflag:$0x1] =	stream.indirect_vreg.gather [hbm4b:s4+s3], $0x40, v0, vm0, $0xb8;
	[tilespmem:$0x16400] =	vst v63  }
0x35: {  	v0 =	vld [tilespmem:$0x80];
	_ =	sdelay $0x6  }
0x36: {  	s20 =	simm.s32 $0x8400  }
0x37: {  	[tilespmem:s20], [sflag:$0x2] =	stream.indirect_vreg.gather [hbm4b:s4+s3], $0x40, v0, vm0, $0xb8;
	[tilespmem:$0x16400] =	vst v63  }
0x38: {  	v0 =	vld [tilespmem:$0x90];
	_ =	sdelay $0x6  }
0x39: {  	s17 =	simm.s32 $0x8800  }
0x3a: {  	[tilespmem:s17], [sflag:$0x2] =	stream.indirect_vreg.gather [hbm4b:s4+s3], $0x40, v0, vm0, $0xb8;
	[tilespmem:$0x16400] =	vst v63  }
0x3b: {  	v0 =	vld [tilespmem:$0xA0];
	_ =	sdelay $0x6  }
0x3c: {  	s18 =	simm.s32 $0x8C00  }
0x3d: {  	[tilespmem:s18], [sflag:$0x2] =	stream.indirect_vreg.gather [hbm4b:s4+s3], $0x40, v0, vm0, $0xb8;
	[tilespmem:$0x16400] =	vst v63  }
0x3e: {  	v0 =	vld [tilespmem:$0xB0];
	_ =	sdelay $0x6  }
0x3f: {  	s19 =	simm.s32 $0x9000  }
0x40: {  	[tilespmem:s19], [sflag:$0x2] =	stream.indirect_vreg.gather [hbm4b:s4+s3], $0x40, v0, vm0, $0xb8;
	[tilespmem:$0x16400] =	vst v63  }
0x41: {  	v0 =	vld [tilespmem:$0xC0];
	_ =	sdelay $0x6  }
0x42: {  	s20 =	simm.s32 $0x9400  }
0x43: {  	[tilespmem:s20], [sflag:$0x2] =	stream.indirect_vreg.gather [hbm4b:s4+s3], $0x40, v0, vm0, $0xb8;
	[tilespmem:$0x16400] =	vst v63  }
0x44: {  	v0 =	vld [tilespmem:$0xD0];
	_ =	sdelay $0x6  }
0x45: {  	s17 =	simm.s32 $0x9800  }
0x46: {  	[tilespmem:s17], [sflag:$0x2] =	stream.indirect_vreg.gather [hbm4b:s4+s3], $0x40, v0, vm0, $0xb8;
	[tilespmem:$0x16400] =	vst v63  }
0x47: {  	v0 =	vld [tilespmem:$0xE0];
	_ =	sdelay $0x6  }
0x48: {  	s18 =	simm.s32 $0x9C00  }
0x49: {  	[tilespmem:s18], [sflag:$0x2] =	stream.indirect_vreg.gather [hbm4b:s4+s3], $0x40, v0, vm0, $0xb8;
	[tilespmem:$0x16400] =	vst v63  }
0x4a: {  	v0 =	vld [tilespmem:$0xF0];
	_ =	sdelay $0x6  }
0x4b: {  	s19 =	simm.s32 $0xA000  }
0x4c: {  	[tilespmem:s19], [sflag:$0x2] =	stream.indirect_vreg.gather [hbm4b:s4+s3], $0x40, v0, vm0, $0xb8;
	[tilespmem:$0x16400] =	vst v63  }
0x4d: {  	v0 =	vld [tilespmem:$0x100];
	_ =	sdelay $0x6  }
0x4e: {  	s20 =	simm.s32 $0xA400  }
0x4f: {  	[tilespmem:s20], [sflag:$0x3] =	stream.indirect_vreg.gather [hbm4b:s4+s3], $0x40, v0, vm0, $0xb8;
	[tilespmem:$0x16400] =	vst v63  }
0x50: {  	v0 =	vld [tilespmem:$0x110];
	_ =	sdelay $0x6  }
0x51: {  	s17 =	simm.s32 $0xA800  }
0x52: {  	[tilespmem:s17], [sflag:$0x3] =	stream.indirect_vreg.gather [hbm4b:s4+s3], $0x40, v0, vm0, $0xb8;
	[tilespmem:$0x16400] =	vst v63  }
0x53: {  	v0 =	vld [tilespmem:$0x120];
	_ =	sdelay $0x6  }
0x54: {  	s18 =	simm.s32 $0xAC00  }
0x55: {  	[tilespmem:s18], [sflag:$0x3] =	stream.indirect_vreg.gather [hbm4b:s4+s3], $0x40, v0, vm0, $0xb8;
	[tilespmem:$0x16400] =	vst v63  }
0x56: {  	v0 =	vld [tilespmem:$0x130];
	_ =	sdelay $0x6  }
0x57: {  	s19 =	simm.s32 $0xB000  }
0x58: {  	[tilespmem:s19], [sflag:$0x3] =	stream.indirect_vreg.gather [hbm4b:s4+s3], $0x40, v0, vm0, $0xb8;
	[tilespmem:$0x16400] =	vst v63  }
0x59: {  	v0 =	vld [tilespmem:$0x140];
	_ =	sdelay $0x6  }
0x5a: {  	s20 =	simm.s32 $0xB400  }
0x5b: {  	[tilespmem:s20], [sflag:$0x3] =	stream.indirect_vreg.gather [hbm4b:s4+s3], $0x40, v0, vm0, $0xb8;
	[tilespmem:$0x16400] =	vst v63  }
0x5c: {  	v0 =	vld [tilespmem:$0x150];
	_ =	sdelay $0x6  }
0x5d: {  	s17 =	simm.s32 $0xB800  }
0x5e: {  	[tilespmem:s17], [sflag:$0x3] =	stream.indirect_vreg.gather [hbm4b:s4+s3], $0x40, v0, vm0, $0xb8;
	[tilespmem:$0x16400] =	vst v63  }
0x5f: {  	v0 =	vld [tilespmem:$0x160];
	_ =	sdelay $0x6  }
0x60: {  	s18 =	simm.s32 $0xBC00  }
0x61: {  	[tilespmem:s18], [sflag:$0x3] =	stream.indirect_vreg.gather [hbm4b:s4+s3], $0x40, v0, vm0, $0xb8;
	[tilespmem:$0x16400] =	vst v63  }
0x62: {  	v0 =	vld [tilespmem:$0x170];
	_ =	sdelay $0x6  }
0x63: {  	s19 =	simm.s32 $0xC000  }
0x64: {  	[tilespmem:s19], [sflag:$0x3] =	stream.indirect_vreg.gather [hbm4b:s4+s3], $0x40, v0, vm0, $0xb8;
	[tilespmem:$0x16400] =	vst v63  }
0x65: {  	v0 =	vld [tilespmem:$0x180];
	_ =	sdelay $0x6  }
0x66: {  	s20 =	simm.s32 $0xC400  }
0x67: {  	[tilespmem:s20], [sflag:$0x4] =	stream.indirect_vreg.gather [hbm4b:s4+s3], $0x40, v0, vm0, $0xb8;
	[tilespmem:$0x16400] =	vst v63  }
0x68: {  	v0 =	vld [tilespmem:$0x190];
	_ =	sdelay $0x7  }
0x69: {  	[tilespmem:s21], [sflag:$0x4] =	stream.indirect_vreg.gather [hbm4b:s4+s3], $0x40, v0, vm0, $0xb8;
	[tilespmem:$0x16400] =	vst v63  }
0x6a: {  	v0 =	vld [tilespmem:$0x1A0];
	_ =	sdelay $0x7  }
0x6b: {  	[tilespmem:s22], [sflag:$0x4] =	stream.indirect_vreg.gather [hbm4b:s4+s3], $0x40, v0, vm0, $0xb8;
	[tilespmem:$0x16400] =	vst v63  }
0x6c: {  	v0 =	vld [tilespmem:$0x1B0];
	_ =	sdelay $0x7  }
0x6d: {  	[tilespmem:s23], [sflag:$0x4] =	stream.indirect_vreg.gather [hbm4b:s4+s3], $0x40, v0, vm0, $0xb8;
	[tilespmem:$0x16400] =	vst v63  }
0x6e: {  	v0 =	vld [tilespmem:$0x1C0];
	_ =	sdelay $0x7  }
0x6f: {  	[tilespmem:s24], [sflag:$0x4] =	stream.indirect_vreg.gather [hbm4b:s4+s3], $0x40, v0, vm0, $0xb8;
	[tilespmem:$0x16400] =	vst v63  }
0x70: {  	v0 =	vld [tilespmem:$0x1D0];
	_ =	sdelay $0x7  }
0x71: {  	[tilespmem:s25], [sflag:$0x4] =	stream.indirect_vreg.gather [hbm4b:s4+s3], $0x40, v0, vm0, $0xb8;
	[tilespmem:$0x16400] =	vst v63  }
0x72: {  	v0 =	vld [tilespmem:$0x1E0];
	_ =	sdelay $0x7  }
0x73: {  	[tilespmem:s26], [sflag:$0x4] =	stream.indirect_vreg.gather [hbm4b:s4+s3], $0x40, v0, vm0, $0xb8;
	[tilespmem:$0x16400] =	vst v63  }
0x74: {  	v0 =	vld [tilespmem:$0x1F0];
	_ =	sdelay $0x7  }
0x75: {  	[tilespmem:s28], [sflag:$0x4] =	stream.indirect_vreg.gather [hbm4b:s4+s3], $0x40, v0, vm0, $0xb8;
	[tilespmem:$0x16400] =	vst v63  }
0x76: {  	_ =	swait.ge [sflag:s29], $0x2000  }
0x77: {  	[sflag:s29] =	ssyncset.done $0x0  }
0x78: {  	s17 =	simm.s32 $0x0;
	[sflag:s29] =	ssyncadd.s32 $0xFFFFE000  }
0x79: {  	v0 =	vld [tilespmem:s17+$0x64F0]  }
0x7a: {  	v1 =	vld [tilespmem:s17+$0x6400]  }
0x7b: {  	v2 =	vld [tilespmem:s17+$0x6410]  }
0x7c: {  	v3 =	vld [tilespmem:s17+$0x6420]  }
0x7d: {  	v6 =	vld [tilespmem:s17+$0x6450]  }
0x7e: {  	v4 =	vld [tilespmem:s17+$0x6430];
	v0 =	vmul.f32 $8.000000000e+00, v0  }
0x7f: {  	v5 =	vld [tilespmem:s17+$0x6440];
	v1 =	vmul.f32 $8.000000000e+00, v1  }
0x80: {  	v7 =	vld [tilespmem:s17+$0x6460];
	[tilespmem:s17+$0xE4F0] =	vst v0;
	v0 =	vmul.f32 $8.000000000e+00, v2  }
0x81: {  	v8 =	vld [tilespmem:s17+$0x6470];
	[tilespmem:s17+$0xE400] =	vst v1;
	v1 =	vmul.f32 $8.000000000e+00, v3  }
0x82: {  	v2 =	vmul.f32 $8.000000000e+00, v6;
	[tilespmem:s17+$0xE410] =	vst v0  }
0x83: {  	v9 =	vld [tilespmem:s17+$0x6480];
	v0 =	vmul.f32 $8.000000000e+00, v4;
	[tilespmem:s17+$0xE420] =	vst v1  }
0x84: {  	v4 =	vld [tilespmem:s17+$0x6490];
	v1 =	vmul.f32 $8.000000000e+00, v5;
	[tilespmem:s17+$0xE450] =	vst v2  }
0x85: {  	v3 =	vmul.f32 $8.000000000e+00, v7;
	[tilespmem:s17+$0xE430] =	vst v0;
	v0 =	vld [tilespmem:s17+$0x64A0]  }
0x86: {  	v5 =	vmul.f32 $8.000000000e+00, v8;
	[tilespmem:s17+$0xE440] =	vst v1;
	v1 =	vld [tilespmem:s17+$0x64B0]  }
0x87: {  	v2 =	vld [tilespmem:s17+$0x64C0];
	[tilespmem:s17+$0xE460] =	vst v3  }
0x88: {  	v3 =	vld [tilespmem:s17+$0x64D0];
	[tilespmem:s17+$0xE470] =	vst v5;
	v5 =	vmul.f32 $8.000000000e+00, v9  }
0x89: {  	s5 =	simm.s32 $0x100;
	s18 =	simm.s32 $0x800;
	v6 =	vmul.f32 $8.000000000e+00, v4;
	v4 =	vld [tilespmem:s17+$0x64E0]  }
.LBB2_2:
0x8a: {  	p0 =	sne.s32 s18, $0x7C00;
	v7 =	vld [tilespmem:s5+$0x64F0];
	[tilespmem:s17+$0xE480] =	vst v5;
	v0 =	vmul.f32 $8.000000000e+00, v0  }
0x8b: {  	v5 =	vld [tilespmem:s5+$0x6400];
	[tilespmem:s17+$0xE490] =	vst v6;
	v1 =	vmul.f32 $8.000000000e+00, v1  }
0x8c: {  	v6 =	vld [tilespmem:s5+$0x6410];
	[tilespmem:s17+$0xE4A0] =	vst v0;
	v0 =	vmul.f32 $8.000000000e+00, v2  }
0x8d: {  	v2 =	vld [tilespmem:s5+$0x6420];
	[tilespmem:s17+$0xE4B0] =	vst v1;
	v1 =	vmul.f32 $8.000000000e+00, v3  }
0x8e: {  	v3 =	vld [tilespmem:s5+$0x6430];
	[tilespmem:s17+$0xE4C0] =	vst v0;
	v0 =	vmul.f32 $8.000000000e+00, v4  }
0x8f: {  	v4 =	vld [tilespmem:s5+$0x6440];
	v7 =	vmul.f32 $8.000000000e+00, v7;
	[tilespmem:s17+$0xE4D0] =	vst v1  }
0x90: {  	v1 =	vmul.f32 $8.000000000e+00, v5;
	v5 =	vld [tilespmem:s5+$0x6450];
	[tilespmem:s17+$0xE4E0] =	vst v0;
	s17 =	smov.u32 s5  }
0x91: {  	v0 =	vmul.f32 $8.000000000e+00, v6;
	v6 =	vld [tilespmem:s17+$0x6460];
	[tilespmem:s17+$0xE4F0] =	vst v7  }
0x92: {  	[tilespmem:s17+$0xE400] =	vst v1;
	v1 =	vmul.f32 $8.000000000e+00, v2;
	v2 =	vld [tilespmem:s17+$0x6470]  }
0x93: {  	[tilespmem:s17+$0xE410] =	vst v0;
	v0 =	vmul.f32 $8.000000000e+00, v3;
	v3 =	vld [tilespmem:s17+$0x6480]  }
0x94: {  	[tilespmem:s17+$0xE420] =	vst v1;
	v1 =	vmul.f32 $8.000000000e+00, v4;
	v4 =	vld [tilespmem:s17+$0x6490]  }
.Ltmp0:
0x95: {  	[tilespmem:s17+$0xE430] =	vst v0;
	v5 =	vmul.f32 $8.000000000e+00, v5;
	v0 =	vld [tilespmem:s17+$0x64A0];
	(pc) =	sbr.rel @p0 .LBB2_2-.Ltmp0, $4  }
0x96: {  	[tilespmem:s17+$0xE440] =	vst v1;
	v6 =	vmul.f32 $8.000000000e+00, v6;
	v1 =	vld [tilespmem:s17+$0x64B0]  }
0x97: {  	[tilespmem:s17+$0xE450] =	vst v5;
	v7 =	vmul.f32 $8.000000000e+00, v2;
	v2 =	vld [tilespmem:s17+$0x64C0]  }
0x98: {  	[tilespmem:s17+$0xE460] =	vst v6;
	v5 =	vmul.f32 $8.000000000e+00, v3;
	v3 =	vld [tilespmem:s17+$0x64D0]  }
0x99: {  	s5 =	sshra.s32 s18, $0x2;
	s18 =	sadd.s32 $0x400, s18;
	[tilespmem:s17+$0xE470] =	vst v7;
	v6 =	vmul.f32 $8.000000000e+00, v4;
	v4 =	vld [tilespmem:s17+$0x64E0]  }
0x9a: {  	v7 =	vld [tilespmem:s5+$0x64F0];
	[tilespmem:s17+$0xE480] =	vst v5;
	v0 =	vmul.f32 $8.000000000e+00, v0  }
0x9b: {  	v5 =	vld [tilespmem:s5+$0x6400];
	[tilespmem:s17+$0xE490] =	vst v6;
	v1 =	vmul.f32 $8.000000000e+00, v1  }
0x9c: {  	v6 =	vld [tilespmem:s5+$0x6410];
	[tilespmem:s17+$0xE4A0] =	vst v0;
	v2 =	vmul.f32 $8.000000000e+00, v2  }
0x9d: {  	v0 =	vld [tilespmem:s5+$0x6420];
	[tilespmem:s17+$0xE4B0] =	vst v1;
	v3 =	vmul.f32 $8.000000000e+00, v3  }
0x9e: {  	v1 =	vld [tilespmem:s5+$0x6430];
	[tilespmem:s17+$0xE4C0] =	vst v2;
	v4 =	vmul.f32 $8.000000000e+00, v4  }
0x9f: {  	v2 =	vld [tilespmem:s5+$0x6440];
	[tilespmem:s17+$0xE4D0] =	vst v3;
	v7 =	vmul.f32 $8.000000000e+00, v7  }
0xa0: {  	v3 =	vld [tilespmem:s5+$0x6450];
	[tilespmem:s17+$0xE4E0] =	vst v4;
	v4 =	vmul.f32 $8.000000000e+00, v5  }
0xa1: {  	v5 =	vld [tilespmem:s5+$0x6460];
	[tilespmem:s5+$0xE4F0] =	vst v7;
	v6 =	vmul.f32 $8.000000000e+00, v6  }
0xa2: {  	[tilespmem:s5+$0xE400] =	vst v4;
	v4 =	vld [tilespmem:s5+$0x6470];
	v0 =	vmul.f32 $8.000000000e+00, v0  }
0xa3: {  	[tilespmem:s5+$0xE410] =	vst v6;
	v6 =	vld [tilespmem:s5+$0x6480];
	v1 =	vmul.f32 $8.000000000e+00, v1  }
0xa4: {  	[tilespmem:s5+$0xE420] =	vst v0;
	v0 =	vld [tilespmem:s5+$0x6490];
	v2 =	vmul.f32 $8.000000000e+00, v2  }
0xa5: {  	[tilespmem:s5+$0xE430] =	vst v1;
	v1 =	vld [tilespmem:s5+$0x64A0];
	v3 =	vmul.f32 $8.000000000e+00, v3  }
0xa6: {  	[tilespmem:s5+$0xE440] =	vst v2;
	v2 =	vld [tilespmem:s5+$0x64B0];
	v5 =	vmul.f32 $8.000000000e+00, v5  }
0xa7: {  	[tilespmem:s5+$0xE450] =	vst v3;
	v3 =	vld [tilespmem:s5+$0x64C0];
	v4 =	vmul.f32 $8.000000000e+00, v4  }
0xa8: {  	[tilespmem:s5+$0xE460] =	vst v5;
	v5 =	vld [tilespmem:s5+$0x64D0];
	v6 =	vmul.f32 $8.000000000e+00, v6  }
0xa9: {  	[tilespmem:s5+$0xE470] =	vst v4;
	v0 =	vmul.f32 $8.000000000e+00, v0;
	v4 =	vld [tilespmem:s5+$0x64E0]  }
0xaa: {  	[tilespmem:s5+$0xE480] =	vst v6;
	v1 =	vmul.f32 $8.000000000e+00, v1  }
0xab: {  	[tilespmem:s5+$0xE490] =	vst v0;
	v0 =	vmul.f32 $8.000000000e+00, v2  }
0xac: {  	[tilespmem:s5+$0xE4A0] =	vst v1;
	v1 =	vmul.f32 $8.000000000e+00, v3  }
0xad: {  	[tilespmem:s5+$0xE4B0] =	vst v0;
	v0 =	vmul.f32 $8.000000000e+00, v5  }
0xae: {  	[tilespmem:s5+$0xE4C0] =	vst v1;
	v1 =	vmul.f32 $8.000000000e+00, v4  }
0xaf: {  	[tilespmem:s5+$0xE4D0] =	vst v0  }
0xb0: {  	s18 =	rddreg [dreg:$0x3];
	[tilespmem:s5+$0xE4E0] =	vst v1;
	s5 =	simm.s32 $0x0  }
0xb1: {  	[hbm4b:s18+s5] =	stream.linear.scatter [tilespmem:s30], [sflag:$0x5], $0x2000, $0x38;
	[tilespmem:$0x16400] =	vst v63  }
0xb2: {  	v0 =	vld [tilespmem:$0x200];
	_ =	sdelay $0x6  }
0xb3: {  	s19 =	simm.s32 $0x6400  }
0xb4: {  	[tilespmem:s19], [sflag:$0x1] =	stream.indirect_vreg.gather [hbm4b:s4+s5], $0x40, v0, vm0, $0xb8;
	[tilespmem:$0x16400] =	vst v63  }
0xb5: {  	v0 =	vld [tilespmem:$0x210];
	_ =	sdelay $0x6  }
0xb6: {  	s20 =	simm.s32 $0x6800  }
0xb7: {  	[tilespmem:s20], [sflag:$0x1] =	stream.indirect_vreg.gather [hbm4b:s4+s5], $0x40, v0, vm0, $0xb8;
	[tilespmem:$0x16400] =	vst v63  }
0xb8: {  	v0 =	vld [tilespmem:$0x220];
	_ =	sdelay $0x6  }
0xb9: {  	s18 =	simm.s32 $0x6C00  }
0xba: {  	[tilespmem:s18], [sflag:$0x1] =	stream.indirect_vreg.gather [hbm4b:s4+s5], $0x40, v0, vm0, $0xb8;
	[tilespmem:$0x16400] =	vst v63  }
0xbb: {  	v0 =	vld [tilespmem:$0x230];
	_ =	sdelay $0x6  }
0xbc: {  	s19 =	simm.s32 $0x7000  }
0xbd: {  	[tilespmem:s19], [sflag:$0x1] =	stream.indirect_vreg.gather [hbm4b:s4+s5], $0x40, v0, vm0, $0xb8;
	[tilespmem:$0x16400] =	vst v63  }
0xbe: {  	v0 =	vld [tilespmem:$0x240];
	_ =	sdelay $0x6  }
0xbf: {  	s20 =	simm.s32 $0x7400  }
0xc0: {  	[tilespmem:s20], [sflag:$0x1] =	stream.indirect_vreg.gather [hbm4b:s4+s5], $0x40, v0, vm0, $0xb8;
	[tilespmem:$0x16400] =	vst v63  }
0xc1: {  	v0 =	vld [tilespmem:$0x250];
	_ =	sdelay $0x6  }
0xc2: {  	s18 =	simm.s32 $0x7800  }
0xc3: {  	[tilespmem:s18], [sflag:$0x1] =	stream.indirect_vreg.gather [hbm4b:s4+s5], $0x40, v0, vm0, $0xb8;
	[tilespmem:$0x16400] =	vst v63  }
0xc4: {  	v0 =	vld [tilespmem:$0x260];
	_ =	sdelay $0x6  }
0xc5: {  	s19 =	simm.s32 $0x7C00  }
0xc6: {  	[tilespmem:s19], [sflag:$0x1] =	stream.indirect_vreg.gather [hbm4b:s4+s5], $0x40, v0, vm0, $0xb8;
	[tilespmem:$0x16400] =	vst v63  }
0xc7: {  	v0 =	vld [tilespmem:$0x270];
	_ =	sdelay $0x6  }
0xc8: {  	s20 =	simm.s32 $0x8000  }
0xc9: {  	[tilespmem:s20], [sflag:$0x1] =	stream.indirect_vreg.gather [hbm4b:s4+s5], $0x40, v0, vm0, $0xb8;
	[tilespmem:$0x16400] =	vst v63  }
0xca: {  	_ =	swait.ge [sflag:s31], $0x2000  }
0xcb: {  	[sflag:s31] =	ssyncset.done $0x0  }
0xcc: {  	s17 =	simm.s32 $0x0;
	[sflag:s31] =	ssyncadd.s32 $0xFFFFE000  }
0xcd: {  	v0 =	vld [tilespmem:s17+$0x84F0]  }
0xce: {  	v1 =	vld [tilespmem:s17+$0x8400]  }
0xcf: {  	v2 =	vld [tilespmem:s17+$0x8410]  }
0xd0: {  	v3 =	vld [tilespmem:s17+$0x8420]  }
0xd1: {  	v6 =	vld [tilespmem:s17+$0x8450]  }
0xd2: {  	v4 =	vld [tilespmem:s17+$0x8430];
	v0 =	vmul.f32 $8.000000000e+00, v0  }
0xd3: {  	v5 =	vld [tilespmem:s17+$0x8440];
	v1 =	vmul.f32 $8.000000000e+00, v1  }
0xd4: {  	v7 =	vld [tilespmem:s17+$0x8460];
	[tilespmem:s17+$0x104F0] =	vst v0;
	v0 =	vmul.f32 $8.000000000e+00, v2  }
0xd5: {  	v8 =	vld [tilespmem:s17+$0x8470];
	[tilespmem:s17+$0x10400] =	vst v1;
	v1 =	vmul.f32 $8.000000000e+00, v3  }
0xd6: {  	v2 =	vmul.f32 $8.000000000e+00, v6;
	[tilespmem:s17+$0x10410] =	vst v0  }
0xd7: {  	v9 =	vld [tilespmem:s17+$0x8480];
	v0 =	vmul.f32 $8.000000000e+00, v4;
	[tilespmem:s17+$0x10420] =	vst v1  }
0xd8: {  	v4 =	vld [tilespmem:s17+$0x8490];
	v1 =	vmul.f32 $8.000000000e+00, v5;
	[tilespmem:s17+$0x10450] =	vst v2  }
0xd9: {  	v3 =	vmul.f32 $8.000000000e+00, v7;
	[tilespmem:s17+$0x10430] =	vst v0;
	v0 =	vld [tilespmem:s17+$0x84A0]  }
0xda: {  	v5 =	vmul.f32 $8.000000000e+00, v8;
	[tilespmem:s17+$0x10440] =	vst v1;
	v1 =	vld [tilespmem:s17+$0x84B0]  }
0xdb: {  	v2 =	vld [tilespmem:s17+$0x84C0];
	[tilespmem:s17+$0x10460] =	vst v3  }
0xdc: {  	v3 =	vld [tilespmem:s17+$0x84D0];
	[tilespmem:s17+$0x10470] =	vst v5;
	v5 =	vmul.f32 $8.000000000e+00, v9  }
0xdd: {  	s18 =	simm.s32 $0x800;
	s5 =	simm.s32 $0x100;
	v6 =	vmul.f32 $8.000000000e+00, v4;
	v4 =	vld [tilespmem:s17+$0x84E0]  }
.LBB2_4:
0xde: {  	p0 =	sne.s32 s18, $0x7C00;
	v7 =	vld [tilespmem:s5+$0x84F0];
	[tilespmem:s17+$0x10480] =	vst v5;
	v0 =	vmul.f32 $8.000000000e+00, v0  }
0xdf: {  	v5 =	vld [tilespmem:s5+$0x8400];
	[tilespmem:s17+$0x10490] =	vst v6;
	v1 =	vmul.f32 $8.000000000e+00, v1  }
0xe0: {  	v6 =	vld [tilespmem:s5+$0x8410];
	[tilespmem:s17+$0x104A0] =	vst v0;
	v0 =	vmul.f32 $8.000000000e+00, v2  }
0xe1: {  	v2 =	vld [tilespmem:s5+$0x8420];
	[tilespmem:s17+$0x104B0] =	vst v1;
	v1 =	vmul.f32 $8.000000000e+00, v3  }
0xe2: {  	v3 =	vld [tilespmem:s5+$0x8430];
	[tilespmem:s17+$0x104C0] =	vst v0;
	v0 =	vmul.f32 $8.000000000e+00, v4  }
0xe3: {  	v4 =	vld [tilespmem:s5+$0x8440];
	v7 =	vmul.f32 $8.000000000e+00, v7;
	[tilespmem:s17+$0x104D0] =	vst v1  }
0xe4: {  	v1 =	vmul.f32 $8.000000000e+00, v5;
	v5 =	vld [tilespmem:s5+$0x8450];
	[tilespmem:s17+$0x104E0] =	vst v0;
	s17 =	smov.u32 s5  }
0xe5: {  	v0 =	vmul.f32 $8.000000000e+00, v6;
	v6 =	vld [tilespmem:s17+$0x8460];
	[tilespmem:s17+$0x104F0] =	vst v7  }
0xe6: {  	[tilespmem:s17+$0x10400] =	vst v1;
	v1 =	vmul.f32 $8.000000000e+00, v2;
	v2 =	vld [tilespmem:s17+$0x8470]  }
0xe7: {  	[tilespmem:s17+$0x10410] =	vst v0;
	v0 =	vmul.f32 $8.000000000e+00, v3;
	v3 =	vld [tilespmem:s17+$0x8480]  }
0xe8: {  	[tilespmem:s17+$0x10420] =	vst v1;
	v1 =	vmul.f32 $8.000000000e+00, v4;
	v4 =	vld [tilespmem:s17+$0x8490]  }
.Ltmp1:
0xe9: {  	[tilespmem:s17+$0x10430] =	vst v0;
	v5 =	vmul.f32 $8.000000000e+00, v5;
	v0 =	vld [tilespmem:s17+$0x84A0];
	(pc) =	sbr.rel @p0 .LBB2_4-.Ltmp1, $4  }
0xea: {  	[tilespmem:s17+$0x10440] =	vst v1;
	v6 =	vmul.f32 $8.000000000e+00, v6;
	v1 =	vld [tilespmem:s17+$0x84B0]  }
0xeb: {  	[tilespmem:s17+$0x10450] =	vst v5;
	v7 =	vmul.f32 $8.000000000e+00, v2;
	v2 =	vld [tilespmem:s17+$0x84C0]  }
0xec: {  	[tilespmem:s17+$0x10460] =	vst v6;
	v5 =	vmul.f32 $8.000000000e+00, v3;
	v3 =	vld [tilespmem:s17+$0x84D0]  }
0xed: {  	s5 =	sshra.s32 s18, $0x2;
	s18 =	sadd.s32 $0x400, s18;
	[tilespmem:s17+$0x10470] =	vst v7;
	v6 =	vmul.f32 $8.000000000e+00, v4;
	v4 =	vld [tilespmem:s17+$0x84E0]  }
0xee: {  	v7 =	vld [tilespmem:s5+$0x84F0];
	[tilespmem:s17+$0x10480] =	vst v5;
	v0 =	vmul.f32 $8.000000000e+00, v0  }
0xef: {  	v5 =	vld [tilespmem:s5+$0x8400];
	[tilespmem:s17+$0x10490] =	vst v6;
	v1 =	vmul.f32 $8.000000000e+00, v1  }
0xf0: {  	v6 =	vld [tilespmem:s5+$0x8410];
	[tilespmem:s17+$0x104A0] =	vst v0;
	v2 =	vmul.f32 $8.000000000e+00, v2  }
0xf1: {  	v0 =	vld [tilespmem:s5+$0x8420];
	[tilespmem:s17+$0x104B0] =	vst v1;
	v3 =	vmul.f32 $8.000000000e+00, v3  }
0xf2: {  	v1 =	vld [tilespmem:s5+$0x8430];
	[tilespmem:s17+$0x104C0] =	vst v2;
	v4 =	vmul.f32 $8.000000000e+00, v4  }
0xf3: {  	v2 =	vld [tilespmem:s5+$0x8440];
	[tilespmem:s17+$0x104D0] =	vst v3;
	v7 =	vmul.f32 $8.000000000e+00, v7  }
0xf4: {  	v3 =	vld [tilespmem:s5+$0x8450];
	[tilespmem:s17+$0x104E0] =	vst v4;
	v4 =	vmul.f32 $8.000000000e+00, v5  }
0xf5: {  	v5 =	vld [tilespmem:s5+$0x8460];
	[tilespmem:s5+$0x104F0] =	vst v7;
	v6 =	vmul.f32 $8.000000000e+00, v6  }
0xf6: {  	[tilespmem:s5+$0x10400] =	vst v4;
	v4 =	vld [tilespmem:s5+$0x8470];
	v0 =	vmul.f32 $8.000000000e+00, v0  }
0xf7: {  	[tilespmem:s5+$0x10410] =	vst v6;
	v6 =	vld [tilespmem:s5+$0x8480];
	v1 =	vmul.f32 $8.000000000e+00, v1  }
0xf8: {  	[tilespmem:s5+$0x10420] =	vst v0;
	v0 =	vld [tilespmem:s5+$0x8490];
	v2 =	vmul.f32 $8.000000000e+00, v2  }
0xf9: {  	[tilespmem:s5+$0x10430] =	vst v1;
	v1 =	vld [tilespmem:s5+$0x84A0];
	v3 =	vmul.f32 $8.000000000e+00, v3  }
0xfa: {  	[tilespmem:s5+$0x10440] =	vst v2;
	v2 =	vld [tilespmem:s5+$0x84B0];
	v5 =	vmul.f32 $8.000000000e+00, v5  }
0xfb: {  	[tilespmem:s5+$0x10450] =	vst v3;
	v3 =	vld [tilespmem:s5+$0x84C0];
	v4 =	vmul.f32 $8.000000000e+00, v4  }
0xfc: {  	[tilespmem:s5+$0x10460] =	vst v5;
	v5 =	vld [tilespmem:s5+$0x84D0];
	v6 =	vmul.f32 $8.000000000e+00, v6  }
0xfd: {  	[tilespmem:s5+$0x10470] =	vst v4;
	v0 =	vmul.f32 $8.000000000e+00, v0;
	v4 =	vld [tilespmem:s5+$0x84E0]  }
0xfe: {  	[tilespmem:s5+$0x10480] =	vst v6;
	v1 =	vmul.f32 $8.000000000e+00, v1  }
0xff: {  	[tilespmem:s5+$0x10490] =	vst v0;
	v0 =	vmul.f32 $8.000000000e+00, v2  }
0x100: {  	[tilespmem:s5+$0x104A0] =	vst v1;
	v1 =	vmul.f32 $8.000000000e+00, v3  }
0x101: {  	[tilespmem:s5+$0x104B0] =	vst v0;
	v0 =	vmul.f32 $8.000000000e+00, v5  }
0x102: {  	[tilespmem:s5+$0x104C0] =	vst v1;
	v1 =	vmul.f32 $8.000000000e+00, v4  }
0x103: {  	[tilespmem:s5+$0x104D0] =	vst v0  }
0x104: {  	s18 =	rddreg [dreg:$0x5];
	[tilespmem:s5+$0x104E0] =	vst v1;
	s5 =	simm.s32 $0x0  }
0x105: {  	[hbm4b:s18+s5] =	stream.linear.scatter [tilespmem:s1], [sflag:$0x6], $0x2000, $0x38;
	[tilespmem:$0x16400] =	vst v63  }
0x106: {  	v0 =	vld [tilespmem:$0x280];
	_ =	sdelay $0x6  }
0x107: {  	s19 =	simm.s32 $0x8400  }
0x108: {  	[tilespmem:s19], [sflag:$0x2] =	stream.indirect_vreg.gather [hbm4b:s4+s5], $0x40, v0, vm0, $0xb8;
	[tilespmem:$0x16400] =	vst v63  }
0x109: {  	v0 =	vld [tilespmem:$0x290];
	_ =	sdelay $0x6  }
0x10a: {  	s20 =	simm.s32 $0x8800  }
0x10b: {  	[tilespmem:s20], [sflag:$0x2] =	stream.indirect_vreg.gather [hbm4b:s4+s5], $0x40, v0, vm0, $0xb8;
	[tilespmem:$0x16400] =	vst v63  }
0x10c: {  	v0 =	vld [tilespmem:$0x2A0];
	_ =	sdelay $0x6  }
0x10d: {  	s18 =	simm.s32 $0x8C00  }
0x10e: {  	[tilespmem:s18], [sflag:$0x2] =	stream.indirect_vreg.gather [hbm4b:s4+s5], $0x40, v0, vm0, $0xb8;
	[tilespmem:$0x16400] =	vst v63  }
0x10f: {  	v0 =	vld [tilespmem:$0x2B0];
	_ =	sdelay $0x6  }
0x110: {  	s19 =	simm.s32 $0x9000  }
0x111: {  	[tilespmem:s19], [sflag:$0x2] =	stream.indirect_vreg.gather [hbm4b:s4+s5], $0x40, v0, vm0, $0xb8;
	[tilespmem:$0x16400] =	vst v63  }
0x112: {  	v0 =	vld [tilespmem:$0x2C0];
	_ =	sdelay $0x6  }
0x113: {  	s20 =	simm.s32 $0x9400  }
0x114: {  	[tilespmem:s20], [sflag:$0x2] =	stream.indirect_vreg.gather [hbm4b:s4+s5], $0x40, v0, vm0, $0xb8;
	[tilespmem:$0x16400] =	vst v63  }
0x115: {  	v0 =	vld [tilespmem:$0x2D0];
	_ =	sdelay $0x6  }
0x116: {  	s18 =	simm.s32 $0x9800  }
0x117: {  	[tilespmem:s18], [sflag:$0x2] =	stream.indirect_vreg.gather [hbm4b:s4+s5], $0x40, v0, vm0, $0xb8;
	[tilespmem:$0x16400] =	vst v63  }
0x118: {  	v0 =	vld [tilespmem:$0x2E0];
	_ =	sdelay $0x6  }
0x119: {  	s19 =	simm.s32 $0x9C00  }
0x11a: {  	[tilespmem:s19], [sflag:$0x2] =	stream.indirect_vreg.gather [hbm4b:s4+s5], $0x40, v0, vm0, $0xb8;
	[tilespmem:$0x16400] =	vst v63  }
0x11b: {  	v0 =	vld [tilespmem:$0x2F0];
	_ =	sdelay $0x6  }
0x11c: {  	s20 =	simm.s32 $0xA000  }
0x11d: {  	[tilespmem:s20], [sflag:$0x2] =	stream.indirect_vreg.gather [hbm4b:s4+s5], $0x40, v0, vm0, $0xb8;
	[tilespmem:$0x16400] =	vst v63  }
0x11e: {  	_ =	swait.ge [sflag:s0], $0x2000  }
0x11f: {  	[sflag:s0] =	ssyncset.done $0x0  }
0x120: {  	s17 =	simm.s32 $0x0;
	[sflag:s0] =	ssyncadd.s32 $0xFFFFE000  }
0x121: {  	v0 =	vld [tilespmem:s17+$0xA4F0]  }
0x122: {  	v1 =	vld [tilespmem:s17+$0xA400]  }
0x123: {  	v2 =	vld [tilespmem:s17+$0xA410]  }
0x124: {  	v3 =	vld [tilespmem:s17+$0xA420]  }
0x125: {  	v6 =	vld [tilespmem:s17+$0xA450]  }
0x126: {  	v4 =	vld [tilespmem:s17+$0xA430];
	v0 =	vmul.f32 $8.000000000e+00, v0  }
0x127: {  	v5 =	vld [tilespmem:s17+$0xA440];
	v1 =	vmul.f32 $8.000000000e+00, v1  }
0x128: {  	v7 =	vld [tilespmem:s17+$0xA460];
	[tilespmem:s17+$0x124F0] =	vst v0;
	v0 =	vmul.f32 $8.000000000e+00, v2  }
0x129: {  	v8 =	vld [tilespmem:s17+$0xA470];
	[tilespmem:s17+$0x12400] =	vst v1;
	v1 =	vmul.f32 $8.000000000e+00, v3  }
0x12a: {  	v2 =	vmul.f32 $8.000000000e+00, v6;
	[tilespmem:s17+$0x12410] =	vst v0  }
0x12b: {  	v9 =	vld [tilespmem:s17+$0xA480];
	v0 =	vmul.f32 $8.000000000e+00, v4;
	[tilespmem:s17+$0x12420] =	vst v1  }
0x12c: {  	v4 =	vld [tilespmem:s17+$0xA490];
	v1 =	vmul.f32 $8.000000000e+00, v5;
	[tilespmem:s17+$0x12450] =	vst v2  }
0x12d: {  	v3 =	vmul.f32 $8.000000000e+00, v7;
	[tilespmem:s17+$0x12430] =	vst v0;
	v0 =	vld [tilespmem:s17+$0xA4A0]  }
0x12e: {  	v5 =	vmul.f32 $8.000000000e+00, v8;
	[tilespmem:s17+$0x12440] =	vst v1;
	v1 =	vld [tilespmem:s17+$0xA4B0]  }
0x12f: {  	v2 =	vld [tilespmem:s17+$0xA4C0];
	[tilespmem:s17+$0x12460] =	vst v3  }
0x130: {  	v3 =	vld [tilespmem:s17+$0xA4D0];
	[tilespmem:s17+$0x12470] =	vst v5;
	v5 =	vmul.f32 $8.000000000e+00, v9  }
0x131: {  	s18 =	simm.s32 $0x800;
	s5 =	simm.s32 $0x100;
	v6 =	vmul.f32 $8.000000000e+00, v4;
	v4 =	vld [tilespmem:s17+$0xA4E0]  }
.LBB2_6:
0x132: {  	p0 =	sne.s32 s18, $0x7C00;
	v7 =	vld [tilespmem:s5+$0xA4F0];
	[tilespmem:s17+$0x12480] =	vst v5;
	v0 =	vmul.f32 $8.000000000e+00, v0  }
0x133: {  	v5 =	vld [tilespmem:s5+$0xA400];
	[tilespmem:s17+$0x12490] =	vst v6;
	v1 =	vmul.f32 $8.000000000e+00, v1  }
0x134: {  	v6 =	vld [tilespmem:s5+$0xA410];
	[tilespmem:s17+$0x124A0] =	vst v0;
	v0 =	vmul.f32 $8.000000000e+00, v2  }
0x135: {  	v2 =	vld [tilespmem:s5+$0xA420];
	[tilespmem:s17+$0x124B0] =	vst v1;
	v1 =	vmul.f32 $8.000000000e+00, v3  }
0x136: {  	v3 =	vld [tilespmem:s5+$0xA430];
	[tilespmem:s17+$0x124C0] =	vst v0;
	v0 =	vmul.f32 $8.000000000e+00, v4  }
0x137: {  	v4 =	vld [tilespmem:s5+$0xA440];
	v7 =	vmul.f32 $8.000000000e+00, v7;
	[tilespmem:s17+$0x124D0] =	vst v1  }
0x138: {  	v1 =	vmul.f32 $8.000000000e+00, v5;
	v5 =	vld [tilespmem:s5+$0xA450];
	[tilespmem:s17+$0x124E0] =	vst v0;
	s17 =	smov.u32 s5  }
0x139: {  	v0 =	vmul.f32 $8.000000000e+00, v6;
	v6 =	vld [tilespmem:s17+$0xA460];
	[tilespmem:s17+$0x124F0] =	vst v7  }
0x13a: {  	[tilespmem:s17+$0x12400] =	vst v1;
	v1 =	vmul.f32 $8.000000000e+00, v2;
	v2 =	vld [tilespmem:s17+$0xA470]  }
0x13b: {  	[tilespmem:s17+$0x12410] =	vst v0;
	v0 =	vmul.f32 $8.000000000e+00, v3;
	v3 =	vld [tilespmem:s17+$0xA480]  }
0x13c: {  	[tilespmem:s17+$0x12420] =	vst v1;
	v1 =	vmul.f32 $8.000000000e+00, v4;
	v4 =	vld [tilespmem:s17+$0xA490]  }
.Ltmp2:
0x13d: {  	[tilespmem:s17+$0x12430] =	vst v0;
	v5 =	vmul.f32 $8.000000000e+00, v5;
	v0 =	vld [tilespmem:s17+$0xA4A0];
	(pc) =	sbr.rel @p0 .LBB2_6-.Ltmp2, $4  }
0x13e: {  	[tilespmem:s17+$0x12440] =	vst v1;
	v6 =	vmul.f32 $8.000000000e+00, v6;
	v1 =	vld [tilespmem:s17+$0xA4B0]  }
0x13f: {  	[tilespmem:s17+$0x12450] =	vst v5;
	v7 =	vmul.f32 $8.000000000e+00, v2;
	v2 =	vld [tilespmem:s17+$0xA4C0]  }
0x140: {  	[tilespmem:s17+$0x12460] =	vst v6;
	v5 =	vmul.f32 $8.000000000e+00, v3;
	v3 =	vld [tilespmem:s17+$0xA4D0]  }
0x141: {  	s5 =	sshra.s32 s18, $0x2;
	s18 =	sadd.s32 $0x400, s18;
	[tilespmem:s17+$0x12470] =	vst v7;
	v6 =	vmul.f32 $8.000000000e+00, v4;
	v4 =	vld [tilespmem:s17+$0xA4E0]  }
0x142: {  	v7 =	vld [tilespmem:s5+$0xA4F0];
	[tilespmem:s17+$0x12480] =	vst v5;
	v0 =	vmul.f32 $8.000000000e+00, v0  }
0x143: {  	v5 =	vld [tilespmem:s5+$0xA400];
	[tilespmem:s17+$0x12490] =	vst v6;
	v1 =	vmul.f32 $8.000000000e+00, v1  }
0x144: {  	v6 =	vld [tilespmem:s5+$0xA410];
	[tilespmem:s17+$0x124A0] =	vst v0;
	v2 =	vmul.f32 $8.000000000e+00, v2  }
0x145: {  	v0 =	vld [tilespmem:s5+$0xA420];
	[tilespmem:s17+$0x124B0] =	vst v1;
	v3 =	vmul.f32 $8.000000000e+00, v3  }
0x146: {  	v1 =	vld [tilespmem:s5+$0xA430];
	[tilespmem:s17+$0x124C0] =	vst v2;
	v4 =	vmul.f32 $8.000000000e+00, v4  }
0x147: {  	v2 =	vld [tilespmem:s5+$0xA440];
	[tilespmem:s17+$0x124D0] =	vst v3;
	v7 =	vmul.f32 $8.000000000e+00, v7  }
0x148: {  	v3 =	vld [tilespmem:s5+$0xA450];
	[tilespmem:s17+$0x124E0] =	vst v4;
	v4 =	vmul.f32 $8.000000000e+00, v5  }
0x149: {  	v5 =	vld [tilespmem:s5+$0xA460];
	[tilespmem:s5+$0x124F0] =	vst v7;
	v6 =	vmul.f32 $8.000000000e+00, v6  }
0x14a: {  	[tilespmem:s5+$0x12400] =	vst v4;
	v4 =	vld [tilespmem:s5+$0xA470];
	v0 =	vmul.f32 $8.000000000e+00, v0  }
0x14b: {  	[tilespmem:s5+$0x12410] =	vst v6;
	v6 =	vld [tilespmem:s5+$0xA480];
	v1 =	vmul.f32 $8.000000000e+00, v1  }
0x14c: {  	[tilespmem:s5+$0x12420] =	vst v0;
	v0 =	vld [tilespmem:s5+$0xA490];
	v2 =	vmul.f32 $8.000000000e+00, v2  }
0x14d: {  	[tilespmem:s5+$0x12430] =	vst v1;
	v1 =	vld [tilespmem:s5+$0xA4A0];
	v3 =	vmul.f32 $8.000000000e+00, v3  }
0x14e: {  	[tilespmem:s5+$0x12440] =	vst v2;
	v2 =	vld [tilespmem:s5+$0xA4B0];
	v5 =	vmul.f32 $8.000000000e+00, v5  }
0x14f: {  	[tilespmem:s5+$0x12450] =	vst v3;
	v3 =	vld [tilespmem:s5+$0xA4C0];
	v4 =	vmul.f32 $8.000000000e+00, v4  }
0x150: {  	[tilespmem:s5+$0x12460] =	vst v5;
	v5 =	vld [tilespmem:s5+$0xA4D0];
	v6 =	vmul.f32 $8.000000000e+00, v6  }
0x151: {  	[tilespmem:s5+$0x12470] =	vst v4;
	v0 =	vmul.f32 $8.000000000e+00, v0;
	v4 =	vld [tilespmem:s5+$0xA4E0]  }
0x152: {  	[tilespmem:s5+$0x12480] =	vst v6;
	v1 =	vmul.f32 $8.000000000e+00, v1  }
0x153: {  	[tilespmem:s5+$0x12490] =	vst v0;
	v0 =	vmul.f32 $8.000000000e+00, v2  }
0x154: {  	[tilespmem:s5+$0x124A0] =	vst v1;
	v1 =	vmul.f32 $8.000000000e+00, v3  }
0x155: {  	[tilespmem:s5+$0x124B0] =	vst v0;
	v0 =	vmul.f32 $8.000000000e+00, v5  }
0x156: {  	[tilespmem:s5+$0x124C0] =	vst v1;
	v1 =	vmul.f32 $8.000000000e+00, v4  }
0x157: {  	[tilespmem:s5+$0x124D0] =	vst v0  }
0x158: {  	s18 =	rddreg [dreg:$0x6];
	[tilespmem:s5+$0x124E0] =	vst v1;
	s5 =	simm.s32 $0x0  }
0x159: {  	[hbm4b:s18+s5] =	stream.linear.scatter [tilespmem:s7], [sflag:$0x7], $0x2000, $0x38;
	[tilespmem:$0x16400] =	vst v63  }
0x15a: {  	v0 =	vld [tilespmem:$0x300];
	_ =	sdelay $0x6  }
0x15b: {  	s19 =	simm.s32 $0xA400  }
0x15c: {  	[tilespmem:s19], [sflag:$0x3] =	stream.indirect_vreg.gather [hbm4b:s4+s5], $0x40, v0, vm0, $0xb8;
	[tilespmem:$0x16400] =	vst v63  }
0x15d: {  	v0 =	vld [tilespmem:$0x310];
	_ =	sdelay $0x6  }
0x15e: {  	s20 =	simm.s32 $0xA800  }
0x15f: {  	[tilespmem:s20], [sflag:$0x3] =	stream.indirect_vreg.gather [hbm4b:s4+s5], $0x40, v0, vm0, $0xb8;
	[tilespmem:$0x16400] =	vst v63  }
0x160: {  	v0 =	vld [tilespmem:$0x320];
	_ =	sdelay $0x6  }
0x161: {  	s18 =	simm.s32 $0xAC00  }
0x162: {  	[tilespmem:s18], [sflag:$0x3] =	stream.indirect_vreg.gather [hbm4b:s4+s5], $0x40, v0, vm0, $0xb8;
	[tilespmem:$0x16400] =	vst v63  }
0x163: {  	v0 =	vld [tilespmem:$0x330];
	_ =	sdelay $0x6  }
0x164: {  	s19 =	simm.s32 $0xB000  }
0x165: {  	[tilespmem:s19], [sflag:$0x3] =	stream.indirect_vreg.gather [hbm4b:s4+s5], $0x40, v0, vm0, $0xb8;
	[tilespmem:$0x16400] =	vst v63  }
0x166: {  	v0 =	vld [tilespmem:$0x340];
	_ =	sdelay $0x6  }
0x167: {  	s20 =	simm.s32 $0xB400  }
0x168: {  	[tilespmem:s20], [sflag:$0x3] =	stream.indirect_vreg.gather [hbm4b:s4+s5], $0x40, v0, vm0, $0xb8;
	[tilespmem:$0x16400] =	vst v63  }
0x169: {  	v0 =	vld [tilespmem:$0x350];
	_ =	sdelay $0x6  }
0x16a: {  	s18 =	simm.s32 $0xB800  }
0x16b: {  	[tilespmem:s18], [sflag:$0x3] =	stream.indirect_vreg.gather [hbm4b:s4+s5], $0x40, v0, vm0, $0xb8;
	[tilespmem:$0x16400] =	vst v63  }
0x16c: {  	v0 =	vld [tilespmem:$0x360];
	_ =	sdelay $0x6  }
0x16d: {  	s19 =	simm.s32 $0xBC00  }
0x16e: {  	[tilespmem:s19], [sflag:$0x3] =	stream.indirect_vreg.gather [hbm4b:s4+s5], $0x40, v0, vm0, $0xb8;
	[tilespmem:$0x16400] =	vst v63  }
0x16f: {  	v0 =	vld [tilespmem:$0x370];
	_ =	sdelay $0x6  }
0x170: {  	s20 =	simm.s32 $0xC000  }
0x171: {  	[tilespmem:s20], [sflag:$0x3] =	stream.indirect_vreg.gather [hbm4b:s4+s5], $0x40, v0, vm0, $0xb8;
	[tilespmem:$0x16400] =	vst v63  }
0x172: {  	_ =	swait.ge [sflag:s8], $0x2000  }
0x173: {  	[sflag:s8] =	ssyncset.done $0x0  }
0x174: {  	s17 =	simm.s32 $0x0;
	[sflag:s8] =	ssyncadd.s32 $0xFFFFE000  }
0x175: {  	v0 =	vld [tilespmem:s17+$0xC4F0]  }
0x176: {  	v1 =	vld [tilespmem:s17+$0xC400]  }
0x177: {  	v2 =	vld [tilespmem:s17+$0xC410]  }
0x178: {  	v3 =	vld [tilespmem:s17+$0xC420]  }
0x179: {  	v6 =	vld [tilespmem:s17+$0xC450]  }
0x17a: {  	v4 =	vld [tilespmem:s17+$0xC430];
	v0 =	vmul.f32 $8.000000000e+00, v0  }
0x17b: {  	v5 =	vld [tilespmem:s17+$0xC440];
	v1 =	vmul.f32 $8.000000000e+00, v1  }
0x17c: {  	v7 =	vld [tilespmem:s17+$0xC460];
	[tilespmem:s17+$0x144F0] =	vst v0;
	v0 =	vmul.f32 $8.000000000e+00, v2  }
0x17d: {  	v8 =	vld [tilespmem:s17+$0xC470];
	[tilespmem:s17+$0x14400] =	vst v1;
	v1 =	vmul.f32 $8.000000000e+00, v3  }
0x17e: {  	v2 =	vmul.f32 $8.000000000e+00, v6;
	[tilespmem:s17+$0x14410] =	vst v0  }
0x17f: {  	v9 =	vld [tilespmem:s17+$0xC480];
	v0 =	vmul.f32 $8.000000000e+00, v4;
	[tilespmem:s17+$0x14420] =	vst v1  }
0x180: {  	v4 =	vld [tilespmem:s17+$0xC490];
	v1 =	vmul.f32 $8.000000000e+00, v5;
	[tilespmem:s17+$0x14450] =	vst v2  }
0x181: {  	v3 =	vmul.f32 $8.000000000e+00, v7;
	[tilespmem:s17+$0x14430] =	vst v0;
	v0 =	vld [tilespmem:s17+$0xC4A0]  }
0x182: {  	v5 =	vmul.f32 $8.000000000e+00, v8;
	[tilespmem:s17+$0x14440] =	vst v1;
	v1 =	vld [tilespmem:s17+$0xC4B0]  }
0x183: {  	v2 =	vld [tilespmem:s17+$0xC4C0];
	[tilespmem:s17+$0x14460] =	vst v3  }
0x184: {  	v3 =	vld [tilespmem:s17+$0xC4D0];
	[tilespmem:s17+$0x14470] =	vst v5;
	v5 =	vmul.f32 $8.000000000e+00, v9  }
0x185: {  	s18 =	simm.s32 $0x800;
	s5 =	simm.s32 $0x100;
	v6 =	vmul.f32 $8.000000000e+00, v4;
	v4 =	vld [tilespmem:s17+$0xC4E0]  }
.LBB2_8:
0x186: {  	p0 =	sne.s32 s18, $0x7C00;
	v7 =	vld [tilespmem:s5+$0xC4F0];
	[tilespmem:s17+$0x14480] =	vst v5;
	v0 =	vmul.f32 $8.000000000e+00, v0  }
0x187: {  	v5 =	vld [tilespmem:s5+$0xC400];
	[tilespmem:s17+$0x14490] =	vst v6;
	v1 =	vmul.f32 $8.000000000e+00, v1  }
0x188: {  	v6 =	vld [tilespmem:s5+$0xC410];
	[tilespmem:s17+$0x144A0] =	vst v0;
	v0 =	vmul.f32 $8.000000000e+00, v2  }
0x189: {  	v2 =	vld [tilespmem:s5+$0xC420];
	[tilespmem:s17+$0x144B0] =	vst v1;
	v1 =	vmul.f32 $8.000000000e+00, v3  }
0x18a: {  	v3 =	vld [tilespmem:s5+$0xC430];
	[tilespmem:s17+$0x144C0] =	vst v0;
	v0 =	vmul.f32 $8.000000000e+00, v4  }
0x18b: {  	v4 =	vld [tilespmem:s5+$0xC440];
	v7 =	vmul.f32 $8.000000000e+00, v7;
	[tilespmem:s17+$0x144D0] =	vst v1  }
0x18c: {  	v1 =	vmul.f32 $8.000000000e+00, v5;
	v5 =	vld [tilespmem:s5+$0xC450];
	[tilespmem:s17+$0x144E0] =	vst v0;
	s17 =	smov.u32 s5  }
0x18d: {  	v0 =	vmul.f32 $8.000000000e+00, v6;
	v6 =	vld [tilespmem:s17+$0xC460];
	[tilespmem:s17+$0x144F0] =	vst v7  }
0x18e: {  	[tilespmem:s17+$0x14400] =	vst v1;
	v1 =	vmul.f32 $8.000000000e+00, v2;
	v2 =	vld [tilespmem:s17+$0xC470]  }
0x18f: {  	[tilespmem:s17+$0x14410] =	vst v0;
	v0 =	vmul.f32 $8.000000000e+00, v3;
	v3 =	vld [tilespmem:s17+$0xC480]  }
0x190: {  	[tilespmem:s17+$0x14420] =	vst v1;
	v1 =	vmul.f32 $8.000000000e+00, v4;
	v4 =	vld [tilespmem:s17+$0xC490]  }
.Ltmp3:
0x191: {  	[tilespmem:s17+$0x14430] =	vst v0;
	v5 =	vmul.f32 $8.000000000e+00, v5;
	v0 =	vld [tilespmem:s17+$0xC4A0];
	(pc) =	sbr.rel @p0 .LBB2_8-.Ltmp3, $4  }
0x192: {  	[tilespmem:s17+$0x14440] =	vst v1;
	v6 =	vmul.f32 $8.000000000e+00, v6;
	v1 =	vld [tilespmem:s17+$0xC4B0]  }
0x193: {  	[tilespmem:s17+$0x14450] =	vst v5;
	v7 =	vmul.f32 $8.000000000e+00, v2;
	v2 =	vld [tilespmem:s17+$0xC4C0]  }
0x194: {  	[tilespmem:s17+$0x14460] =	vst v6;
	v5 =	vmul.f32 $8.000000000e+00, v3;
	v3 =	vld [tilespmem:s17+$0xC4D0]  }
0x195: {  	s5 =	sshra.s32 s18, $0x2;
	s18 =	sadd.s32 $0x400, s18;
	[tilespmem:s17+$0x14470] =	vst v7;
	v6 =	vmul.f32 $8.000000000e+00, v4;
	v4 =	vld [tilespmem:s17+$0xC4E0]  }
0x196: {  	v7 =	vld [tilespmem:s5+$0xC4F0];
	[tilespmem:s17+$0x14480] =	vst v5;
	v0 =	vmul.f32 $8.000000000e+00, v0  }
0x197: {  	v5 =	vld [tilespmem:s5+$0xC400];
	[tilespmem:s17+$0x14490] =	vst v6;
	v1 =	vmul.f32 $8.000000000e+00, v1  }
0x198: {  	v6 =	vld [tilespmem:s5+$0xC410];
	[tilespmem:s17+$0x144A0] =	vst v0;
	v2 =	vmul.f32 $8.000000000e+00, v2  }
0x199: {  	v0 =	vld [tilespmem:s5+$0xC420];
	[tilespmem:s17+$0x144B0] =	vst v1;
	v3 =	vmul.f32 $8.000000000e+00, v3  }
0x19a: {  	v1 =	vld [tilespmem:s5+$0xC430];
	[tilespmem:s17+$0x144C0] =	vst v2;
	v4 =	vmul.f32 $8.000000000e+00, v4  }
0x19b: {  	v2 =	vld [tilespmem:s5+$0xC440];
	[tilespmem:s17+$0x144D0] =	vst v3;
	v7 =	vmul.f32 $8.000000000e+00, v7  }
0x19c: {  	v3 =	vld [tilespmem:s5+$0xC450];
	[tilespmem:s17+$0x144E0] =	vst v4;
	v50 =	vmul.f32 $8.000000000e+00, v5  }
0x19d: {  	v51 =	vld [tilespmem:s5+$0xC460];
	[tilespmem:s5+$0x144F0] =	vst v7;
	v6 =	vmul.f32 $8.000000000e+00, v6  }
0x19e: {  	v52 =	vld [tilespmem:s5+$0xC470];
	[tilespmem:s5+$0x14400] =	vst v50;
	v0 =	vmul.f32 $8.000000000e+00, v0  }
0x19f: {  	v53 =	vld [tilespmem:s5+$0xC480];
	[tilespmem:s5+$0x14410] =	vst v6;
	v1 =	vmul.f32 $8.000000000e+00, v1  }
0x1a0: {  	v54 =	vld [tilespmem:s5+$0xC490];
	[tilespmem:s5+$0x14420] =	vst v0;
	v2 =	vmul.f32 $8.000000000e+00, v2  }
0x1a1: {  	v55 =	vld [tilespmem:s5+$0xC4A0];
	[tilespmem:s5+$0x14430] =	vst v1;
	v3 =	vmul.f32 $8.000000000e+00, v3  }
0x1a2: {  	v56 =	vld [tilespmem:s5+$0xC4B0];
	[tilespmem:s5+$0x14440] =	vst v2;
	v5 =	vmul.f32 $8.000000000e+00, v51  }
0x1a3: {  	v57 =	vld [tilespmem:s5+$0xC4C0];
	v4 =	vmul.f32 $8.000000000e+00, v52;
	[tilespmem:s5+$0x14450] =	vst v3  }
0x1a4: {  	v58 =	vld [tilespmem:s5+$0xC4D0];
	v6 =	vmul.f32 $8.000000000e+00, v53;
	[tilespmem:s5+$0x14460] =	vst v5  }
0x1a5: {  	v59 =	vld [tilespmem:s5+$0xC4E0];
	v0 =	vmul.f32 $8.000000000e+00, v54;
	[tilespmem:s5+$0x14470] =	vst v4  }
0x1a6: {  	v1 =	vmul.f32 $8.000000000e+00, v55;
	[tilespmem:s5+$0x14480] =	vst v6  }
0x1a7: {  	v60 =	vmul.f32 $8.000000000e+00, v56;
	[tilespmem:s5+$0x14490] =	vst v0  }
0x1a8: {  	v61 =	vmul.f32 $8.000000000e+00, v57;
	[tilespmem:s5+$0x144A0] =	vst v1  }
0x1a9: {  	v62 =	vmul.f32 $8.000000000e+00, v58;
	[tilespmem:s5+$0x144B0] =	vst v60  }
0x1aa: {  	v63 =	vmul.f32 $8.000000000e+00, v59;
	[tilespmem:s5+$0x144C0] =	vst v61  }
0x1ab: {  	[tilespmem:s5+$0x144D0] =	vst v62  }
0x1ac: {  	s19 =	rddreg [dreg:$0x7];
	[tilespmem:s5+$0x144E0] =	vst v63  }
0x1ad: {  	[hbm4b:s19+s3] =	stream.linear.scatter [tilespmem:s9], [sflag:$0x8], $0x2000, $0x38;
	[tilespmem:$0x16400] =	vst v63  }
0x1ae: {  	v0 =	vld [tilespmem:$0x380];
	_ =	sdelay $0x6  }
0x1af: {  	s20 =	simm.s32 $0xC400  }
0x1b0: {  	[tilespmem:s20], [sflag:$0x4] =	stream.indirect_vreg.gather [hbm4b:s4+s3], $0x40, v0, vm0, $0xb8;
	[tilespmem:$0x16400] =	vst v63  }
0x1b1: {  	v0 =	vld [tilespmem:$0x390];
	_ =	sdelay $0x7  }
0x1b2: {  	[tilespmem:s21], [sflag:$0x4] =	stream.indirect_vreg.gather [hbm4b:s4+s3], $0x40, v0, vm0, $0xb8;
	[tilespmem:$0x16400] =	vst v63  }
0x1b3: {  	v0 =	vld [tilespmem:$0x3A0];
	_ =	sdelay $0x7  }
0x1b4: {  	[tilespmem:s22], [sflag:$0x4] =	stream.indirect_vreg.gather [hbm4b:s4+s3], $0x40, v0, vm0, $0xb8;
	[tilespmem:$0x16400] =	vst v63  }
0x1b5: {  	v0 =	vld [tilespmem:$0x3B0];
	_ =	sdelay $0x7  }
0x1b6: {  	[tilespmem:s23], [sflag:$0x4] =	stream.indirect_vreg.gather [hbm4b:s4+s3], $0x40, v0, vm0, $0xb8;
	[tilespmem:$0x16400] =	vst v63  }
0x1b7: {  	v0 =	vld [tilespmem:$0x3C0];
	_ =	sdelay $0x7  }
0x1b8: {  	[tilespmem:s24], [sflag:$0x4] =	stream.indirect_vreg.gather [hbm4b:s4+s3], $0x40, v0, vm0, $0xb8;
	[tilespmem:$0x16400] =	vst v63  }
0x1b9: {  	v0 =	vld [tilespmem:$0x3D0];
	_ =	sdelay $0x7  }
0x1ba: {  	[tilespmem:s25], [sflag:$0x4] =	stream.indirect_vreg.gather [hbm4b:s4+s3], $0x40, v0, vm0, $0xb8;
	[tilespmem:$0x16400] =	vst v63  }
0x1bb: {  	v0 =	vld [tilespmem:$0x3E0];
	_ =	sdelay $0x7  }
0x1bc: {  	[tilespmem:s26], [sflag:$0x4] =	stream.indirect_vreg.gather [hbm4b:s4+s3], $0x40, v0, vm0, $0xb8;
	[tilespmem:$0x16400] =	vst v63  }
0x1bd: {  	v0 =	vld [tilespmem:$0x3F0];
	_ =	sdelay $0x6  }
0x1be: {  	s17 =	simm.s32 $0x1  }
0x1bf: {  	[tilespmem:s28], [sflag:$0x4] =	stream.indirect_vreg.gather [hbm4b:s4+s3], $0x40, v0, vm0, $0xb8;
	[tilespmem:$0x16400] =	vst v63  }
.LBB2_10:
0x1c0: {  	_ =	swait.ge [sflag:s29], $0x2000  }
0x1c1: {  	[sflag:s29] =	ssyncset.done $0x0  }
0x1c2: {  	[sflag:s29] =	ssyncadd.s32 $0xFFFFE000  }
0x1c3: {  	_ =	swait.ge [sflag:s10], $0x2000  }
0x1c4: {  	[sflag:s10] =	ssyncset.done $0x0  }
0x1c5: {  	s18 =	simm.s32 $0x0;
	[sflag:s10] =	ssyncadd.s32 $0xFFFFE000  }
0x1c6: {  	v0 =	vld [tilespmem:s18+$0x64F0]  }
0x1c7: {  	v1 =	vld [tilespmem:s18+$0x6400]  }
0x1c8: {  	v2 =	vld [tilespmem:s18+$0x6410]  }
0x1c9: {  	v3 =	vld [tilespmem:s18+$0x6420]  }
0x1ca: {  	v6 =	vld [tilespmem:s18+$0x6450]  }
0x1cb: {  	v4 =	vld [tilespmem:s18+$0x6430];
	v0 =	vmul.f32 $8.000000000e+00, v0  }
0x1cc: {  	v5 =	vld [tilespmem:s18+$0x6440];
	v1 =	vmul.f32 $8.000000000e+00, v1  }
0x1cd: {  	v7 =	vld [tilespmem:s18+$0x6460];
	[tilespmem:s18+$0xE4F0] =	vst v0;
	v0 =	vmul.f32 $8.000000000e+00, v2  }
0x1ce: {  	v8 =	vld [tilespmem:s18+$0x6470];
	[tilespmem:s18+$0xE400] =	vst v1;
	v1 =	vmul.f32 $8.000000000e+00, v3  }
0x1cf: {  	v2 =	vmul.f32 $8.000000000e+00, v6;
	[tilespmem:s18+$0xE410] =	vst v0  }
0x1d0: {  	v9 =	vld [tilespmem:s18+$0x6480];
	v0 =	vmul.f32 $8.000000000e+00, v4;
	[tilespmem:s18+$0xE420] =	vst v1  }
0x1d1: {  	v4 =	vld [tilespmem:s18+$0x6490];
	v1 =	vmul.f32 $8.000000000e+00, v5;
	[tilespmem:s18+$0xE450] =	vst v2  }
0x1d2: {  	v3 =	vmul.f32 $8.000000000e+00, v7;
	[tilespmem:s18+$0xE430] =	vst v0;
	v0 =	vld [tilespmem:s18+$0x64A0]  }
0x1d3: {  	v5 =	vmul.f32 $8.000000000e+00, v8;
	[tilespmem:s18+$0xE440] =	vst v1;
	v1 =	vld [tilespmem:s18+$0x64B0]  }
0x1d4: {  	v2 =	vld [tilespmem:s18+$0x64C0];
	[tilespmem:s18+$0xE460] =	vst v3  }
0x1d5: {  	v3 =	vld [tilespmem:s18+$0x64D0];
	[tilespmem:s18+$0xE470] =	vst v5;
	v5 =	vmul.f32 $8.000000000e+00, v9  }
0x1d6: {  	s5 =	simm.s32 $0x100;
	s19 =	simm.s32 $0x800;
	v6 =	vmul.f32 $8.000000000e+00, v4;
	v4 =	vld [tilespmem:s18+$0x64E0]  }
.LBB2_11:
0x1d7: {  	p0 =	sne.s32 s19, $0x7C00;
	v7 =	vld [tilespmem:s5+$0x64F0];
	[tilespmem:s18+$0xE480] =	vst v5;
	v0 =	vmul.f32 $8.000000000e+00, v0  }
0x1d8: {  	v5 =	vld [tilespmem:s5+$0x6400];
	[tilespmem:s18+$0xE490] =	vst v6;
	v1 =	vmul.f32 $8.000000000e+00, v1  }
0x1d9: {  	v6 =	vld [tilespmem:s5+$0x6410];
	[tilespmem:s18+$0xE4A0] =	vst v0;
	v0 =	vmul.f32 $8.000000000e+00, v2  }
0x1da: {  	v2 =	vld [tilespmem:s5+$0x6420];
	[tilespmem:s18+$0xE4B0] =	vst v1;
	v1 =	vmul.f32 $8.000000000e+00, v3  }
0x1db: {  	v3 =	vld [tilespmem:s5+$0x6430];
	[tilespmem:s18+$0xE4C0] =	vst v0;
	v0 =	vmul.f32 $8.000000000e+00, v4  }
0x1dc: {  	v4 =	vld [tilespmem:s5+$0x6440];
	v7 =	vmul.f32 $8.000000000e+00, v7;
	[tilespmem:s18+$0xE4D0] =	vst v1  }
0x1dd: {  	v1 =	vmul.f32 $8.000000000e+00, v5;
	v5 =	vld [tilespmem:s5+$0x6450];
	[tilespmem:s18+$0xE4E0] =	vst v0;
	s18 =	smov.u32 s5  }
0x1de: {  	v0 =	vmul.f32 $8.000000000e+00, v6;
	v6 =	vld [tilespmem:s18+$0x6460];
	[tilespmem:s18+$0xE4F0] =	vst v7  }
0x1df: {  	[tilespmem:s18+$0xE400] =	vst v1;
	v1 =	vmul.f32 $8.000000000e+00, v2;
	v2 =	vld [tilespmem:s18+$0x6470]  }
0x1e0: {  	[tilespmem:s18+$0xE410] =	vst v0;
	v0 =	vmul.f32 $8.000000000e+00, v3;
	v3 =	vld [tilespmem:s18+$0x6480]  }
0x1e1: {  	[tilespmem:s18+$0xE420] =	vst v1;
	v1 =	vmul.f32 $8.000000000e+00, v4;
	v4 =	vld [tilespmem:s18+$0x6490]  }
.Ltmp4:
0x1e2: {  	[tilespmem:s18+$0xE430] =	vst v0;
	v5 =	vmul.f32 $8.000000000e+00, v5;
	v0 =	vld [tilespmem:s18+$0x64A0];
	(pc) =	sbr.rel @p0 .LBB2_11-.Ltmp4, $4  }
0x1e3: {  	[tilespmem:s18+$0xE440] =	vst v1;
	v6 =	vmul.f32 $8.000000000e+00, v6;
	v1 =	vld [tilespmem:s18+$0x64B0]  }
0x1e4: {  	[tilespmem:s18+$0xE450] =	vst v5;
	v7 =	vmul.f32 $8.000000000e+00, v2;
	v2 =	vld [tilespmem:s18+$0x64C0]  }
0x1e5: {  	[tilespmem:s18+$0xE460] =	vst v6;
	v5 =	vmul.f32 $8.000000000e+00, v3;
	v3 =	vld [tilespmem:s18+$0x64D0]  }
0x1e6: {  	s5 =	sshra.s32 s19, $0x2;
	s19 =	sadd.s32 $0x400, s19;
	[tilespmem:s18+$0xE470] =	vst v7;
	v6 =	vmul.f32 $8.000000000e+00, v4;
	v4 =	vld [tilespmem:s18+$0x64E0]  }
0x1e7: {  	v7 =	vld [tilespmem:s5+$0x64F0];
	[tilespmem:s18+$0xE480] =	vst v5;
	v0 =	vmul.f32 $8.000000000e+00, v0  }
0x1e8: {  	v5 =	vld [tilespmem:s5+$0x6400];
	[tilespmem:s18+$0xE490] =	vst v6;
	v1 =	vmul.f32 $8.000000000e+00, v1  }
0x1e9: {  	v6 =	vld [tilespmem:s5+$0x6410];
	[tilespmem:s18+$0xE4A0] =	vst v0;
	v2 =	vmul.f32 $8.000000000e+00, v2  }
0x1ea: {  	v0 =	vld [tilespmem:s5+$0x6420];
	[tilespmem:s18+$0xE4B0] =	vst v1;
	v3 =	vmul.f32 $8.000000000e+00, v3  }
0x1eb: {  	v1 =	vld [tilespmem:s5+$0x6430];
	[tilespmem:s18+$0xE4C0] =	vst v2;
	v4 =	vmul.f32 $8.000000000e+00, v4  }
0x1ec: {  	v2 =	vld [tilespmem:s5+$0x6440];
	[tilespmem:s18+$0xE4D0] =	vst v3;
	v7 =	vmul.f32 $8.000000000e+00, v7  }
0x1ed: {  	v3 =	vld [tilespmem:s5+$0x6450];
	[tilespmem:s18+$0xE4E0] =	vst v4;
	v4 =	vmul.f32 $8.000000000e+00, v5  }
0x1ee: {  	v5 =	vld [tilespmem:s5+$0x6460];
	[tilespmem:s5+$0xE4F0] =	vst v7;
	v6 =	vmul.f32 $8.000000000e+00, v6  }
0x1ef: {  	[tilespmem:s5+$0xE400] =	vst v4;
	v4 =	vld [tilespmem:s5+$0x6470];
	v0 =	vmul.f32 $8.000000000e+00, v0  }
0x1f0: {  	[tilespmem:s5+$0xE410] =	vst v6;
	v6 =	vld [tilespmem:s5+$0x6480];
	v1 =	vmul.f32 $8.000000000e+00, v1  }
0x1f1: {  	[tilespmem:s5+$0xE420] =	vst v0;
	v0 =	vld [tilespmem:s5+$0x6490];
	v2 =	vmul.f32 $8.000000000e+00, v2  }
0x1f2: {  	[tilespmem:s5+$0xE430] =	vst v1;
	v1 =	vld [tilespmem:s5+$0x64A0];
	v3 =	vmul.f32 $8.000000000e+00, v3  }
0x1f3: {  	[tilespmem:s5+$0xE440] =	vst v2;
	v2 =	vld [tilespmem:s5+$0x64B0];
	v5 =	vmul.f32 $8.000000000e+00, v5  }
0x1f4: {  	[tilespmem:s5+$0xE450] =	vst v3;
	v3 =	vld [tilespmem:s5+$0x64C0];
	v4 =	vmul.f32 $8.000000000e+00, v4  }
0x1f5: {  	[tilespmem:s5+$0xE460] =	vst v5;
	v5 =	vld [tilespmem:s5+$0x64D0];
	v6 =	vmul.f32 $8.000000000e+00, v6  }
0x1f6: {  	[tilespmem:s5+$0xE470] =	vst v4;
	v0 =	vmul.f32 $8.000000000e+00, v0;
	v4 =	vld [tilespmem:s5+$0x64E0]  }
0x1f7: {  	[tilespmem:s5+$0xE480] =	vst v6;
	v1 =	vmul.f32 $8.000000000e+00, v1  }
0x1f8: {  	[tilespmem:s5+$0xE490] =	vst v0;
	v0 =	vmul.f32 $8.000000000e+00, v2  }
0x1f9: {  	[tilespmem:s5+$0xE4A0] =	vst v1;
	v1 =	vmul.f32 $8.000000000e+00, v3  }
0x1fa: {  	s19 =	sshll.u32 s17, $0xF;
	[tilespmem:s5+$0xE4B0] =	vst v0;
	v0 =	vmul.f32 $8.000000000e+00, v5  }
0x1fb: {  	s18 =	sadd.s32 s6, s19;
	[tilespmem:s5+$0xE4C0] =	vst v1;
	v1 =	vmul.f32 $8.000000000e+00, v4  }
0x1fc: {  	s19 =	sshrl.u32 s18, $0x3;
	[tilespmem:s5+$0xE4D0] =	vst v0  }
0x1fd: {  	s18 =	sshll.u32 s17, $0x9;
	s20 =	sadd.s32 s2, s19;
	s19 =	simm.s32 $0x0;
	[tilespmem:s5+$0xE4E0] =	vst v1  }
0x1fe: {  	[hbm4b:s20+s19] =	stream.linear.scatter [tilespmem:s30], [sflag:$0x5], $0x2000, $0x38;
	[tilespmem:$0x16400] =	vst v63  }
0x1ff: {  	v0 =	vld [tilespmem:s18+$0x200];
	_ =	sdelay $0x6  }
0x200: {  	s20 =	simm.s32 $0x6400  }
0x201: {  	[tilespmem:s20], [sflag:$0x1] =	stream.indirect_vreg.gather [hbm4b:s4+s19], $0x40, v0, vm0, $0xb8;
	[tilespmem:$0x16400] =	vst v63  }
0x202: {  	v0 =	vld [tilespmem:s18+$0x210];
	_ =	sdelay $0x6  }
0x203: {  	s20 =	simm.s32 $0x6800  }
0x204: {  	[tilespmem:s20], [sflag:$0x1] =	stream.indirect_vreg.gather [hbm4b:s4+s19], $0x40, v0, vm0, $0xb8;
	[tilespmem:$0x16400] =	vst v63  }
0x205: {  	v0 =	vld [tilespmem:s18+$0x220];
	_ =	sdelay $0x6  }
0x206: {  	s20 =	simm.s32 $0x6C00  }
0x207: {  	[tilespmem:s20], [sflag:$0x1] =	stream.indirect_vreg.gather [hbm4b:s4+s19], $0x40, v0, vm0, $0xb8;
	[tilespmem:$0x16400] =	vst v63  }
0x208: {  	v0 =	vld [tilespmem:s18+$0x230];
	_ =	sdelay $0x6  }
0x209: {  	s20 =	simm.s32 $0x7000  }
0x20a: {  	[tilespmem:s20], [sflag:$0x1] =	stream.indirect_vreg.gather [hbm4b:s4+s19], $0x40, v0, vm0, $0xb8;
	[tilespmem:$0x16400] =	vst v63  }
0x20b: {  	v0 =	vld [tilespmem:s18+$0x240];
	_ =	sdelay $0x6  }
0x20c: {  	s20 =	simm.s32 $0x7400  }
0x20d: {  	[tilespmem:s20], [sflag:$0x1] =	stream.indirect_vreg.gather [hbm4b:s4+s19], $0x40, v0, vm0, $0xb8;
	[tilespmem:$0x16400] =	vst v63  }
0x20e: {  	v0 =	vld [tilespmem:s18+$0x250];
	_ =	sdelay $0x6  }
0x20f: {  	s20 =	simm.s32 $0x7800  }
0x210: {  	[tilespmem:s20], [sflag:$0x1] =	stream.indirect_vreg.gather [hbm4b:s4+s19], $0x40, v0, vm0, $0xb8;
	[tilespmem:$0x16400] =	vst v63  }
0x211: {  	v0 =	vld [tilespmem:s18+$0x260];
	_ =	sdelay $0x6  }
0x212: {  	s20 =	simm.s32 $0x7C00  }
0x213: {  	[tilespmem:s20], [sflag:$0x1] =	stream.indirect_vreg.gather [hbm4b:s4+s19], $0x40, v0, vm0, $0xb8;
	[tilespmem:$0x16400] =	vst v63  }
0x214: {  	v0 =	vld [tilespmem:s18+$0x270];
	_ =	sdelay $0x6  }
0x215: {  	s20 =	simm.s32 $0x8000  }
0x216: {  	[tilespmem:s20], [sflag:$0x1] =	stream.indirect_vreg.gather [hbm4b:s4+s19], $0x40, v0, vm0, $0xb8;
	[tilespmem:$0x16400] =	vst v63  }
0x217: {  	_ =	swait.ge [sflag:s31], $0x2000  }
0x218: {  	[sflag:s31] =	ssyncset.done $0x0  }
0x219: {  	[sflag:s31] =	ssyncadd.s32 $0xFFFFE000  }
0x21a: {  	_ =	swait.ge [sflag:s14], $0x2000  }
0x21b: {  	[sflag:s14] =	ssyncset.done $0x0  }
0x21c: {  	s5 =	simm.s32 $0x0;
	[sflag:s14] =	ssyncadd.s32 $0xFFFFE000  }
0x21d: {  	v0 =	vld [tilespmem:s5+$0x84F0]  }
0x21e: {  	v1 =	vld [tilespmem:s5+$0x8400]  }
0x21f: {  	v2 =	vld [tilespmem:s5+$0x8410]  }
0x220: {  	v3 =	vld [tilespmem:s5+$0x8420]  }
0x221: {  	v6 =	vld [tilespmem:s5+$0x8450]  }
0x222: {  	v4 =	vld [tilespmem:s5+$0x8430];
	v0 =	vmul.f32 $8.000000000e+00, v0  }
0x223: {  	v5 =	vld [tilespmem:s5+$0x8440];
	v1 =	vmul.f32 $8.000000000e+00, v1  }
0x224: {  	v7 =	vld [tilespmem:s5+$0x8460];
	[tilespmem:s5+$0x104F0] =	vst v0;
	v0 =	vmul.f32 $8.000000000e+00, v2  }
0x225: {  	v8 =	vld [tilespmem:s5+$0x8470];
	[tilespmem:s5+$0x10400] =	vst v1;
	v1 =	vmul.f32 $8.000000000e+00, v3  }
0x226: {  	v2 =	vmul.f32 $8.000000000e+00, v6;
	[tilespmem:s5+$0x10410] =	vst v0  }
0x227: {  	v9 =	vld [tilespmem:s5+$0x8480];
	v0 =	vmul.f32 $8.000000000e+00, v4;
	[tilespmem:s5+$0x10420] =	vst v1  }
0x228: {  	v4 =	vld [tilespmem:s5+$0x8490];
	v1 =	vmul.f32 $8.000000000e+00, v5;
	[tilespmem:s5+$0x10450] =	vst v2  }
0x229: {  	v3 =	vmul.f32 $8.000000000e+00, v7;
	[tilespmem:s5+$0x10430] =	vst v0;
	v0 =	vld [tilespmem:s5+$0x84A0]  }
0x22a: {  	v5 =	vmul.f32 $8.000000000e+00, v8;
	[tilespmem:s5+$0x10440] =	vst v1;
	v1 =	vld [tilespmem:s5+$0x84B0]  }
0x22b: {  	v2 =	vld [tilespmem:s5+$0x84C0];
	[tilespmem:s5+$0x10460] =	vst v3  }
0x22c: {  	v3 =	vld [tilespmem:s5+$0x84D0];
	[tilespmem:s5+$0x10470] =	vst v5;
	v5 =	vmul.f32 $8.000000000e+00, v9  }
0x22d: {  	s19 =	simm.s32 $0x100;
	s20 =	simm.s32 $0x800;
	v6 =	vmul.f32 $8.000000000e+00, v4;
	v4 =	vld [tilespmem:s5+$0x84E0]  }
.LBB2_13:
0x22e: {  	p0 =	sne.s32 s20, $0x7C00;
	v7 =	vld [tilespmem:s19+$0x84F0];
	[tilespmem:s5+$0x10480] =	vst v5;
	v0 =	vmul.f32 $8.000000000e+00, v0  }
0x22f: {  	v5 =	vld [tilespmem:s19+$0x8400];
	[tilespmem:s5+$0x10490] =	vst v6;
	v1 =	vmul.f32 $8.000000000e+00, v1  }
0x230: {  	v6 =	vld [tilespmem:s19+$0x8410];
	[tilespmem:s5+$0x104A0] =	vst v0;
	v0 =	vmul.f32 $8.000000000e+00, v2  }
0x231: {  	v2 =	vld [tilespmem:s19+$0x8420];
	[tilespmem:s5+$0x104B0] =	vst v1;
	v1 =	vmul.f32 $8.000000000e+00, v3  }
0x232: {  	v3 =	vld [tilespmem:s19+$0x8430];
	[tilespmem:s5+$0x104C0] =	vst v0;
	v0 =	vmul.f32 $8.000000000e+00, v4  }
0x233: {  	v4 =	vld [tilespmem:s19+$0x8440];
	v7 =	vmul.f32 $8.000000000e+00, v7;
	[tilespmem:s5+$0x104D0] =	vst v1  }
0x234: {  	v1 =	vmul.f32 $8.000000000e+00, v5;
	v5 =	vld [tilespmem:s19+$0x8450];
	[tilespmem:s5+$0x104E0] =	vst v0;
	s5 =	smov.u32 s19  }
0x235: {  	v0 =	vmul.f32 $8.000000000e+00, v6;
	v6 =	vld [tilespmem:s5+$0x8460];
	[tilespmem:s5+$0x104F0] =	vst v7  }
0x236: {  	[tilespmem:s5+$0x10400] =	vst v1;
	v1 =	vmul.f32 $8.000000000e+00, v2;
	v2 =	vld [tilespmem:s5+$0x8470]  }
0x237: {  	[tilespmem:s5+$0x10410] =	vst v0;
	v0 =	vmul.f32 $8.000000000e+00, v3;
	v3 =	vld [tilespmem:s5+$0x8480]  }
0x238: {  	[tilespmem:s5+$0x10420] =	vst v1;
	v1 =	vmul.f32 $8.000000000e+00, v4;
	v4 =	vld [tilespmem:s5+$0x8490]  }
.Ltmp5:
0x239: {  	[tilespmem:s5+$0x10430] =	vst v0;
	v5 =	vmul.f32 $8.000000000e+00, v5;
	v0 =	vld [tilespmem:s5+$0x84A0];
	(pc) =	sbr.rel @p0 .LBB2_13-.Ltmp5, $4  }
0x23a: {  	[tilespmem:s5+$0x10440] =	vst v1;
	v6 =	vmul.f32 $8.000000000e+00, v6;
	v1 =	vld [tilespmem:s5+$0x84B0]  }
0x23b: {  	[tilespmem:s5+$0x10450] =	vst v5;
	v7 =	vmul.f32 $8.000000000e+00, v2;
	v2 =	vld [tilespmem:s5+$0x84C0]  }
0x23c: {  	[tilespmem:s5+$0x10460] =	vst v6;
	v5 =	vmul.f32 $8.000000000e+00, v3;
	v3 =	vld [tilespmem:s5+$0x84D0]  }
0x23d: {  	s19 =	sshra.s32 s20, $0x2;
	s20 =	sadd.s32 $0x400, s20;
	[tilespmem:s5+$0x10470] =	vst v7;
	v6 =	vmul.f32 $8.000000000e+00, v4;
	v4 =	vld [tilespmem:s5+$0x84E0]  }
0x23e: {  	v7 =	vld [tilespmem:s19+$0x84F0];
	[tilespmem:s5+$0x10480] =	vst v5;
	v0 =	vmul.f32 $8.000000000e+00, v0  }
0x23f: {  	v5 =	vld [tilespmem:s19+$0x8400];
	[tilespmem:s5+$0x10490] =	vst v6;
	v1 =	vmul.f32 $8.000000000e+00, v1  }
0x240: {  	v6 =	vld [tilespmem:s19+$0x8410];
	[tilespmem:s5+$0x104A0] =	vst v0;
	v2 =	vmul.f32 $8.000000000e+00, v2  }
0x241: {  	v0 =	vld [tilespmem:s19+$0x8420];
	[tilespmem:s5+$0x104B0] =	vst v1;
	v3 =	vmul.f32 $8.000000000e+00, v3  }
0x242: {  	v1 =	vld [tilespmem:s19+$0x8430];
	[tilespmem:s5+$0x104C0] =	vst v2;
	v4 =	vmul.f32 $8.000000000e+00, v4  }
0x243: {  	v2 =	vld [tilespmem:s19+$0x8440];
	[tilespmem:s5+$0x104D0] =	vst v3;
	v7 =	vmul.f32 $8.000000000e+00, v7  }
0x244: {  	v3 =	vld [tilespmem:s19+$0x8450];
	[tilespmem:s5+$0x104E0] =	vst v4;
	v4 =	vmul.f32 $8.000000000e+00, v5  }
0x245: {  	v5 =	vld [tilespmem:s19+$0x8460];
	[tilespmem:s19+$0x104F0] =	vst v7;
	v6 =	vmul.f32 $8.000000000e+00, v6  }
0x246: {  	[tilespmem:s19+$0x10400] =	vst v4;
	v4 =	vld [tilespmem:s19+$0x8470];
	v0 =	vmul.f32 $8.000000000e+00, v0  }
0x247: {  	[tilespmem:s19+$0x10410] =	vst v6;
	v6 =	vld [tilespmem:s19+$0x8480];
	v1 =	vmul.f32 $8.000000000e+00, v1  }
0x248: {  	[tilespmem:s19+$0x10420] =	vst v0;
	v0 =	vld [tilespmem:s19+$0x8490];
	v2 =	vmul.f32 $8.000000000e+00, v2  }
0x249: {  	[tilespmem:s19+$0x10430] =	vst v1;
	v1 =	vld [tilespmem:s19+$0x84A0];
	v3 =	vmul.f32 $8.000000000e+00, v3  }
0x24a: {  	[tilespmem:s19+$0x10440] =	vst v2;
	v2 =	vld [tilespmem:s19+$0x84B0];
	v5 =	vmul.f32 $8.000000000e+00, v5  }
0x24b: {  	[tilespmem:s19+$0x10450] =	vst v3;
	v3 =	vld [tilespmem:s19+$0x84C0];
	v4 =	vmul.f32 $8.000000000e+00, v4  }
0x24c: {  	[tilespmem:s19+$0x10460] =	vst v5;
	v5 =	vld [tilespmem:s19+$0x84D0];
	v6 =	vmul.f32 $8.000000000e+00, v6  }
0x24d: {  	[tilespmem:s19+$0x10470] =	vst v4;
	v0 =	vmul.f32 $8.000000000e+00, v0;
	v4 =	vld [tilespmem:s19+$0x84E0]  }
0x24e: {  	[tilespmem:s19+$0x10480] =	vst v6;
	v1 =	vmul.f32 $8.000000000e+00, v1  }
0x24f: {  	[tilespmem:s19+$0x10490] =	vst v0;
	v0 =	vmul.f32 $8.000000000e+00, v2  }
0x250: {  	[tilespmem:s19+$0x104A0] =	vst v1;
	v1 =	vmul.f32 $8.000000000e+00, v3  }
0x251: {  	s20 =	sadd.s32 s18, s11;
	[tilespmem:s19+$0x104B0] =	vst v0;
	v0 =	vmul.f32 $8.000000000e+00, v5  }
0x252: {  	s5 =	sshll.u32 s20, $0x3;
	[tilespmem:s19+$0x104C0] =	vst v1;
	v1 =	vmul.f32 $8.000000000e+00, v4  }
0x253: {  	s5 =	sand.u32 $0x1FFFF400, s5;
	[tilespmem:s19+$0x104D0] =	vst v0  }
0x254: {  	s5 =	sadd.s32 s2, s5;
	[tilespmem:s19+$0x104E0] =	vst v1;
	s19 =	simm.s32 $0x0  }
0x255: {  	[hbm4b:s5+s19] =	stream.linear.scatter [tilespmem:s1], [sflag:$0x6], $0x2000, $0x38;
	[tilespmem:$0x16400] =	vst v63  }
0x256: {  	v0 =	vld [tilespmem:s18+$0x280];
	_ =	sdelay $0x6  }
0x257: {  	s20 =	simm.s32 $0x8400  }
0x258: {  	[tilespmem:s20], [sflag:$0x2] =	stream.indirect_vreg.gather [hbm4b:s4+s19], $0x40, v0, vm0, $0xb8;
	[tilespmem:$0x16400] =	vst v63  }
0x259: {  	v0 =	vld [tilespmem:s18+$0x290];
	_ =	sdelay $0x6  }
0x25a: {  	s20 =	simm.s32 $0x8800  }
0x25b: {  	[tilespmem:s20], [sflag:$0x2] =	stream.indirect_vreg.gather [hbm4b:s4+s19], $0x40, v0, vm0, $0xb8;
	[tilespmem:$0x16400] =	vst v63  }
0x25c: {  	v0 =	vld [tilespmem:s18+$0x2A0];
	_ =	sdelay $0x6  }
0x25d: {  	s20 =	simm.s32 $0x8C00  }
0x25e: {  	[tilespmem:s20], [sflag:$0x2] =	stream.indirect_vreg.gather [hbm4b:s4+s19], $0x40, v0, vm0, $0xb8;
	[tilespmem:$0x16400] =	vst v63  }
0x25f: {  	v0 =	vld [tilespmem:s18+$0x2B0];
	_ =	sdelay $0x6  }
0x260: {  	s20 =	simm.s32 $0x9000  }
0x261: {  	[tilespmem:s20], [sflag:$0x2] =	stream.indirect_vreg.gather [hbm4b:s4+s19], $0x40, v0, vm0, $0xb8;
	[tilespmem:$0x16400] =	vst v63  }
0x262: {  	v0 =	vld [tilespmem:s18+$0x2C0];
	_ =	sdelay $0x6  }
0x263: {  	s20 =	simm.s32 $0x9400  }
0x264: {  	[tilespmem:s20], [sflag:$0x2] =	stream.indirect_vreg.gather [hbm4b:s4+s19], $0x40, v0, vm0, $0xb8;
	[tilespmem:$0x16400] =	vst v63  }
0x265: {  	v0 =	vld [tilespmem:s18+$0x2D0];
	_ =	sdelay $0x6  }
0x266: {  	s20 =	simm.s32 $0x9800  }
0x267: {  	[tilespmem:s20], [sflag:$0x2] =	stream.indirect_vreg.gather [hbm4b:s4+s19], $0x40, v0, vm0, $0xb8;
	[tilespmem:$0x16400] =	vst v63  }
0x268: {  	v0 =	vld [tilespmem:s18+$0x2E0];
	_ =	sdelay $0x6  }
0x269: {  	s20 =	simm.s32 $0x9C00  }
0x26a: {  	[tilespmem:s20], [sflag:$0x2] =	stream.indirect_vreg.gather [hbm4b:s4+s19], $0x40, v0, vm0, $0xb8;
	[tilespmem:$0x16400] =	vst v63  }
0x26b: {  	v0 =	vld [tilespmem:s18+$0x2F0];
	_ =	sdelay $0x6  }
0x26c: {  	s20 =	simm.s32 $0xA000  }
0x26d: {  	[tilespmem:s20], [sflag:$0x2] =	stream.indirect_vreg.gather [hbm4b:s4+s19], $0x40, v0, vm0, $0xb8;
	[tilespmem:$0x16400] =	vst v63  }
0x26e: {  	_ =	swait.ge [sflag:s0], $0x2000  }
0x26f: {  	[sflag:s0] =	ssyncset.done $0x0  }
0x270: {  	[sflag:s0] =	ssyncadd.s32 $0xFFFFE000  }
0x271: {  	_ =	swait.ge [sflag:s15], $0x2000  }
0x272: {  	[sflag:s15] =	ssyncset.done $0x0  }
0x273: {  	s5 =	simm.s32 $0x0;
	[sflag:s15] =	ssyncadd.s32 $0xFFFFE000  }
0x274: {  	v0 =	vld [tilespmem:s5+$0xA4F0]  }
0x275: {  	v1 =	vld [tilespmem:s5+$0xA400]  }
0x276: {  	v2 =	vld [tilespmem:s5+$0xA410]  }
0x277: {  	v3 =	vld [tilespmem:s5+$0xA420]  }
0x278: {  	v6 =	vld [tilespmem:s5+$0xA450]  }
0x279: {  	v4 =	vld [tilespmem:s5+$0xA430];
	v0 =	vmul.f32 $8.000000000e+00, v0  }
0x27a: {  	v5 =	vld [tilespmem:s5+$0xA440];
	v1 =	vmul.f32 $8.000000000e+00, v1  }
0x27b: {  	v7 =	vld [tilespmem:s5+$0xA460];
	[tilespmem:s5+$0x124F0] =	vst v0;
	v0 =	vmul.f32 $8.000000000e+00, v2  }
0x27c: {  	v8 =	vld [tilespmem:s5+$0xA470];
	[tilespmem:s5+$0x12400] =	vst v1;
	v1 =	vmul.f32 $8.000000000e+00, v3  }
0x27d: {  	v2 =	vmul.f32 $8.000000000e+00, v6;
	[tilespmem:s5+$0x12410] =	vst v0  }
0x27e: {  	v9 =	vld [tilespmem:s5+$0xA480];
	v0 =	vmul.f32 $8.000000000e+00, v4;
	[tilespmem:s5+$0x12420] =	vst v1  }
0x27f: {  	v4 =	vld [tilespmem:s5+$0xA490];
	v1 =	vmul.f32 $8.000000000e+00, v5;
	[tilespmem:s5+$0x12450] =	vst v2  }
0x280: {  	v3 =	vmul.f32 $8.000000000e+00, v7;
	[tilespmem:s5+$0x12430] =	vst v0;
	v0 =	vld [tilespmem:s5+$0xA4A0]  }
0x281: {  	v5 =	vmul.f32 $8.000000000e+00, v8;
	[tilespmem:s5+$0x12440] =	vst v1;
	v1 =	vld [tilespmem:s5+$0xA4B0]  }
0x282: {  	v2 =	vld [tilespmem:s5+$0xA4C0];
	[tilespmem:s5+$0x12460] =	vst v3  }
0x283: {  	v3 =	vld [tilespmem:s5+$0xA4D0];
	[tilespmem:s5+$0x12470] =	vst v5;
	v5 =	vmul.f32 $8.000000000e+00, v9  }
0x284: {  	s19 =	simm.s32 $0x100;
	s20 =	simm.s32 $0x800;
	v6 =	vmul.f32 $8.000000000e+00, v4;
	v4 =	vld [tilespmem:s5+$0xA4E0]  }
.LBB2_15:
0x285: {  	p0 =	sne.s32 s20, $0x7C00;
	v7 =	vld [tilespmem:s19+$0xA4F0];
	[tilespmem:s5+$0x12480] =	vst v5;
	v0 =	vmul.f32 $8.000000000e+00, v0  }
0x286: {  	v5 =	vld [tilespmem:s19+$0xA400];
	[tilespmem:s5+$0x12490] =	vst v6;
	v1 =	vmul.f32 $8.000000000e+00, v1  }
0x287: {  	v6 =	vld [tilespmem:s19+$0xA410];
	[tilespmem:s5+$0x124A0] =	vst v0;
	v0 =	vmul.f32 $8.000000000e+00, v2  }
0x288: {  	v2 =	vld [tilespmem:s19+$0xA420];
	[tilespmem:s5+$0x124B0] =	vst v1;
	v1 =	vmul.f32 $8.000000000e+00, v3  }
0x289: {  	v3 =	vld [tilespmem:s19+$0xA430];
	[tilespmem:s5+$0x124C0] =	vst v0;
	v0 =	vmul.f32 $8.000000000e+00, v4  }
0x28a: {  	v4 =	vld [tilespmem:s19+$0xA440];
	v7 =	vmul.f32 $8.000000000e+00, v7;
	[tilespmem:s5+$0x124D0] =	vst v1  }
0x28b: {  	v1 =	vmul.f32 $8.000000000e+00, v5;
	v5 =	vld [tilespmem:s19+$0xA450];
	[tilespmem:s5+$0x124E0] =	vst v0;
	s5 =	smov.u32 s19  }
0x28c: {  	v0 =	vmul.f32 $8.000000000e+00, v6;
	v6 =	vld [tilespmem:s5+$0xA460];
	[tilespmem:s5+$0x124F0] =	vst v7  }
0x28d: {  	[tilespmem:s5+$0x12400] =	vst v1;
	v1 =	vmul.f32 $8.000000000e+00, v2;
	v2 =	vld [tilespmem:s5+$0xA470]  }
0x28e: {  	[tilespmem:s5+$0x12410] =	vst v0;
	v0 =	vmul.f32 $8.000000000e+00, v3;
	v3 =	vld [tilespmem:s5+$0xA480]  }
0x28f: {  	[tilespmem:s5+$0x12420] =	vst v1;
	v1 =	vmul.f32 $8.000000000e+00, v4;
	v4 =	vld [tilespmem:s5+$0xA490]  }
.Ltmp6:
0x290: {  	[tilespmem:s5+$0x12430] =	vst v0;
	v5 =	vmul.f32 $8.000000000e+00, v5;
	v0 =	vld [tilespmem:s5+$0xA4A0];
	(pc) =	sbr.rel @p0 .LBB2_15-.Ltmp6, $4  }
0x291: {  	[tilespmem:s5+$0x12440] =	vst v1;
	v6 =	vmul.f32 $8.000000000e+00, v6;
	v1 =	vld [tilespmem:s5+$0xA4B0]  }
0x292: {  	[tilespmem:s5+$0x12450] =	vst v5;
	v7 =	vmul.f32 $8.000000000e+00, v2;
	v2 =	vld [tilespmem:s5+$0xA4C0]  }
0x293: {  	[tilespmem:s5+$0x12460] =	vst v6;
	v5 =	vmul.f32 $8.000000000e+00, v3;
	v3 =	vld [tilespmem:s5+$0xA4D0]  }
0x294: {  	s19 =	sshra.s32 s20, $0x2;
	s20 =	sadd.s32 $0x400, s20;
	[tilespmem:s5+$0x12470] =	vst v7;
	v6 =	vmul.f32 $8.000000000e+00, v4;
	v4 =	vld [tilespmem:s5+$0xA4E0]  }
0x295: {  	v7 =	vld [tilespmem:s19+$0xA4F0];
	[tilespmem:s5+$0x12480] =	vst v5;
	v0 =	vmul.f32 $8.000000000e+00, v0  }
0x296: {  	v5 =	vld [tilespmem:s19+$0xA400];
	[tilespmem:s5+$0x12490] =	vst v6;
	v1 =	vmul.f32 $8.000000000e+00, v1  }
0x297: {  	v6 =	vld [tilespmem:s19+$0xA410];
	[tilespmem:s5+$0x124A0] =	vst v0;
	v2 =	vmul.f32 $8.000000000e+00, v2  }
0x298: {  	v0 =	vld [tilespmem:s19+$0xA420];
	[tilespmem:s5+$0x124B0] =	vst v1;
	v3 =	vmul.f32 $8.000000000e+00, v3  }
0x299: {  	v1 =	vld [tilespmem:s19+$0xA430];
	[tilespmem:s5+$0x124C0] =	vst v2;
	v4 =	vmul.f32 $8.000000000e+00, v4  }
0x29a: {  	v2 =	vld [tilespmem:s19+$0xA440];
	[tilespmem:s5+$0x124D0] =	vst v3;
	v7 =	vmul.f32 $8.000000000e+00, v7  }
0x29b: {  	v3 =	vld [tilespmem:s19+$0xA450];
	[tilespmem:s5+$0x124E0] =	vst v4;
	v4 =	vmul.f32 $8.000000000e+00, v5  }
0x29c: {  	v5 =	vld [tilespmem:s19+$0xA460];
	[tilespmem:s19+$0x124F0] =	vst v7;
	v6 =	vmul.f32 $8.000000000e+00, v6  }
0x29d: {  	[tilespmem:s19+$0x12400] =	vst v4;
	v4 =	vld [tilespmem:s19+$0xA470];
	v0 =	vmul.f32 $8.000000000e+00, v0  }
0x29e: {  	[tilespmem:s19+$0x12410] =	vst v6;
	v6 =	vld [tilespmem:s19+$0xA480];
	v1 =	vmul.f32 $8.000000000e+00, v1  }
0x29f: {  	[tilespmem:s19+$0x12420] =	vst v0;
	v0 =	vld [tilespmem:s19+$0xA490];
	v2 =	vmul.f32 $8.000000000e+00, v2  }
0x2a0: {  	[tilespmem:s19+$0x12430] =	vst v1;
	v1 =	vld [tilespmem:s19+$0xA4A0];
	v3 =	vmul.f32 $8.000000000e+00, v3  }
0x2a1: {  	[tilespmem:s19+$0x12440] =	vst v2;
	v2 =	vld [tilespmem:s19+$0xA4B0];
	v5 =	vmul.f32 $8.000000000e+00, v5  }
0x2a2: {  	[tilespmem:s19+$0x12450] =	vst v3;
	v3 =	vld [tilespmem:s19+$0xA4C0];
	v4 =	vmul.f32 $8.000000000e+00, v4  }
0x2a3: {  	[tilespmem:s19+$0x12460] =	vst v5;
	v5 =	vld [tilespmem:s19+$0xA4D0];
	v6 =	vmul.f32 $8.000000000e+00, v6  }
0x2a4: {  	[tilespmem:s19+$0x12470] =	vst v4;
	v0 =	vmul.f32 $8.000000000e+00, v0;
	v4 =	vld [tilespmem:s19+$0xA4E0]  }
0x2a5: {  	[tilespmem:s19+$0x12480] =	vst v6;
	v1 =	vmul.f32 $8.000000000e+00, v1  }
0x2a6: {  	[tilespmem:s19+$0x12490] =	vst v0;
	v0 =	vmul.f32 $8.000000000e+00, v2  }
0x2a7: {  	[tilespmem:s19+$0x124A0] =	vst v1;
	v1 =	vmul.f32 $8.000000000e+00, v3  }
0x2a8: {  	s20 =	sadd.s32 s18, s12;
	[tilespmem:s19+$0x124B0] =	vst v0;
	v0 =	vmul.f32 $8.000000000e+00, v5  }
0x2a9: {  	s5 =	sshll.u32 s20, $0x3;
	[tilespmem:s19+$0x124C0] =	vst v1;
	v1 =	vmul.f32 $8.000000000e+00, v4  }
0x2aa: {  	s5 =	sand.u32 $0x1FFFF800, s5;
	[tilespmem:s19+$0x124D0] =	vst v0  }
0x2ab: {  	s5 =	sadd.s32 s2, s5;
	[tilespmem:s19+$0x124E0] =	vst v1;
	s19 =	simm.s32 $0x0  }
0x2ac: {  	[hbm4b:s5+s19] =	stream.linear.scatter [tilespmem:s7], [sflag:$0x7], $0x2000, $0x38;
	[tilespmem:$0x16400] =	vst v63  }
0x2ad: {  	v0 =	vld [tilespmem:s18+$0x300];
	_ =	sdelay $0x6  }
0x2ae: {  	s20 =	simm.s32 $0xA400  }
0x2af: {  	[tilespmem:s20], [sflag:$0x3] =	stream.indirect_vreg.gather [hbm4b:s4+s19], $0x40, v0, vm0, $0xb8;
	[tilespmem:$0x16400] =	vst v63  }
0x2b0: {  	v0 =	vld [tilespmem:s18+$0x310];
	_ =	sdelay $0x6  }
0x2b1: {  	s20 =	simm.s32 $0xA800  }
0x2b2: {  	[tilespmem:s20], [sflag:$0x3] =	stream.indirect_vreg.gather [hbm4b:s4+s19], $0x40, v0, vm0, $0xb8;
	[tilespmem:$0x16400] =	vst v63  }
0x2b3: {  	v0 =	vld [tilespmem:s18+$0x320];
	_ =	sdelay $0x6  }
0x2b4: {  	s20 =	simm.s32 $0xAC00  }
0x2b5: {  	[tilespmem:s20], [sflag:$0x3] =	stream.indirect_vreg.gather [hbm4b:s4+s19], $0x40, v0, vm0, $0xb8;
	[tilespmem:$0x16400] =	vst v63  }
0x2b6: {  	v0 =	vld [tilespmem:s18+$0x330];
	_ =	sdelay $0x6  }
0x2b7: {  	s20 =	simm.s32 $0xB000  }
0x2b8: {  	[tilespmem:s20], [sflag:$0x3] =	stream.indirect_vreg.gather [hbm4b:s4+s19], $0x40, v0, vm0, $0xb8;
	[tilespmem:$0x16400] =	vst v63  }
0x2b9: {  	v0 =	vld [tilespmem:s18+$0x340];
	_ =	sdelay $0x6  }
0x2ba: {  	s20 =	simm.s32 $0xB400  }
0x2bb: {  	[tilespmem:s20], [sflag:$0x3] =	stream.indirect_vreg.gather [hbm4b:s4+s19], $0x40, v0, vm0, $0xb8;
	[tilespmem:$0x16400] =	vst v63  }
0x2bc: {  	v0 =	vld [tilespmem:s18+$0x350];
	_ =	sdelay $0x6  }
0x2bd: {  	s20 =	simm.s32 $0xB800  }
0x2be: {  	[tilespmem:s20], [sflag:$0x3] =	stream.indirect_vreg.gather [hbm4b:s4+s19], $0x40, v0, vm0, $0xb8;
	[tilespmem:$0x16400] =	vst v63  }
0x2bf: {  	v0 =	vld [tilespmem:s18+$0x360];
	_ =	sdelay $0x6  }
0x2c0: {  	s20 =	simm.s32 $0xBC00  }
0x2c1: {  	[tilespmem:s20], [sflag:$0x3] =	stream.indirect_vreg.gather [hbm4b:s4+s19], $0x40, v0, vm0, $0xb8;
	[tilespmem:$0x16400] =	vst v63  }
0x2c2: {  	v0 =	vld [tilespmem:s18+$0x370];
	_ =	sdelay $0x6  }
0x2c3: {  	s20 =	simm.s32 $0xC000  }
0x2c4: {  	[tilespmem:s20], [sflag:$0x3] =	stream.indirect_vreg.gather [hbm4b:s4+s19], $0x40, v0, vm0, $0xb8;
	[tilespmem:$0x16400] =	vst v63  }
0x2c5: {  	_ =	swait.ge [sflag:s8], $0x2000  }
0x2c6: {  	[sflag:s8] =	ssyncset.done $0x0  }
0x2c7: {  	[sflag:s8] =	ssyncadd.s32 $0xFFFFE000  }
0x2c8: {  	_ =	swait.ge [sflag:s16], $0x2000  }
0x2c9: {  	[sflag:s16] =	ssyncset.done $0x0  }
0x2ca: {  	s5 =	simm.s32 $0x0;
	[sflag:s16] =	ssyncadd.s32 $0xFFFFE000  }
0x2cb: {  	v0 =	vld [tilespmem:s5+$0xC4F0]  }
0x2cc: {  	v1 =	vld [tilespmem:s5+$0xC400]  }
0x2cd: {  	v2 =	vld [tilespmem:s5+$0xC410]  }
0x2ce: {  	v3 =	vld [tilespmem:s5+$0xC420]  }
0x2cf: {  	v6 =	vld [tilespmem:s5+$0xC450]  }
0x2d0: {  	v4 =	vld [tilespmem:s5+$0xC430];
	v0 =	vmul.f32 $8.000000000e+00, v0  }
0x2d1: {  	v5 =	vld [tilespmem:s5+$0xC440];
	v1 =	vmul.f32 $8.000000000e+00, v1  }
0x2d2: {  	v7 =	vld [tilespmem:s5+$0xC460];
	[tilespmem:s5+$0x144F0] =	vst v0;
	v0 =	vmul.f32 $8.000000000e+00, v2  }
0x2d3: {  	v8 =	vld [tilespmem:s5+$0xC470];
	[tilespmem:s5+$0x14400] =	vst v1;
	v1 =	vmul.f32 $8.000000000e+00, v3  }
0x2d4: {  	v2 =	vmul.f32 $8.000000000e+00, v6;
	[tilespmem:s5+$0x14410] =	vst v0  }
0x2d5: {  	v9 =	vld [tilespmem:s5+$0xC480];
	v0 =	vmul.f32 $8.000000000e+00, v4;
	[tilespmem:s5+$0x14420] =	vst v1  }
0x2d6: {  	v4 =	vld [tilespmem:s5+$0xC490];
	v1 =	vmul.f32 $8.000000000e+00, v5;
	[tilespmem:s5+$0x14450] =	vst v2  }
0x2d7: {  	v3 =	vmul.f32 $8.000000000e+00, v7;
	[tilespmem:s5+$0x14430] =	vst v0;
	v0 =	vld [tilespmem:s5+$0xC4A0]  }
0x2d8: {  	v5 =	vmul.f32 $8.000000000e+00, v8;
	[tilespmem:s5+$0x14440] =	vst v1;
	v1 =	vld [tilespmem:s5+$0xC4B0]  }
0x2d9: {  	v2 =	vld [tilespmem:s5+$0xC4C0];
	[tilespmem:s5+$0x14460] =	vst v3  }
0x2da: {  	v3 =	vld [tilespmem:s5+$0xC4D0];
	[tilespmem:s5+$0x14470] =	vst v5;
	v5 =	vmul.f32 $8.000000000e+00, v9  }
0x2db: {  	s19 =	simm.s32 $0x100;
	s20 =	simm.s32 $0x800;
	v6 =	vmul.f32 $8.000000000e+00, v4;
	v4 =	vld [tilespmem:s5+$0xC4E0]  }
.LBB2_17:
0x2dc: {  	p0 =	sne.s32 s20, $0x7C00;
	v7 =	vld [tilespmem:s19+$0xC4F0];
	[tilespmem:s5+$0x14480] =	vst v5;
	v0 =	vmul.f32 $8.000000000e+00, v0  }
0x2dd: {  	v5 =	vld [tilespmem:s19+$0xC400];
	[tilespmem:s5+$0x14490] =	vst v6;
	v1 =	vmul.f32 $8.000000000e+00, v1  }
0x2de: {  	v6 =	vld [tilespmem:s19+$0xC410];
	[tilespmem:s5+$0x144A0] =	vst v0;
	v0 =	vmul.f32 $8.000000000e+00, v2  }
0x2df: {  	v2 =	vld [tilespmem:s19+$0xC420];
	[tilespmem:s5+$0x144B0] =	vst v1;
	v1 =	vmul.f32 $8.000000000e+00, v3  }
0x2e0: {  	v3 =	vld [tilespmem:s19+$0xC430];
	[tilespmem:s5+$0x144C0] =	vst v0;
	v0 =	vmul.f32 $8.000000000e+00, v4  }
0x2e1: {  	v4 =	vld [tilespmem:s19+$0xC440];
	v7 =	vmul.f32 $8.000000000e+00, v7;
	[tilespmem:s5+$0x144D0] =	vst v1  }
0x2e2: {  	v1 =	vmul.f32 $8.000000000e+00, v5;
	v5 =	vld [tilespmem:s19+$0xC450];
	[tilespmem:s5+$0x144E0] =	vst v0;
	s5 =	smov.u32 s19  }
0x2e3: {  	v0 =	vmul.f32 $8.000000000e+00, v6;
	v6 =	vld [tilespmem:s5+$0xC460];
	[tilespmem:s5+$0x144F0] =	vst v7  }
0x2e4: {  	[tilespmem:s5+$0x14400] =	vst v1;
	v1 =	vmul.f32 $8.000000000e+00, v2;
	v2 =	vld [tilespmem:s5+$0xC470]  }
0x2e5: {  	[tilespmem:s5+$0x14410] =	vst v0;
	v0 =	vmul.f32 $8.000000000e+00, v3;
	v3 =	vld [tilespmem:s5+$0xC480]  }
0x2e6: {  	[tilespmem:s5+$0x14420] =	vst v1;
	v1 =	vmul.f32 $8.000000000e+00, v4;
	v4 =	vld [tilespmem:s5+$0xC490]  }
.Ltmp7:
0x2e7: {  	[tilespmem:s5+$0x14430] =	vst v0;
	v5 =	vmul.f32 $8.000000000e+00, v5;
	v0 =	vld [tilespmem:s5+$0xC4A0];
	(pc) =	sbr.rel @p0 .LBB2_17-.Ltmp7, $4  }
0x2e8: {  	[tilespmem:s5+$0x14440] =	vst v1;
	v6 =	vmul.f32 $8.000000000e+00, v6;
	v1 =	vld [tilespmem:s5+$0xC4B0]  }
0x2e9: {  	[tilespmem:s5+$0x14450] =	vst v5;
	v7 =	vmul.f32 $8.000000000e+00, v2;
	v2 =	vld [tilespmem:s5+$0xC4C0]  }
0x2ea: {  	[tilespmem:s5+$0x14460] =	vst v6;
	v5 =	vmul.f32 $8.000000000e+00, v3;
	v3 =	vld [tilespmem:s5+$0xC4D0]  }
0x2eb: {  	s19 =	sshra.s32 s20, $0x2;
	s20 =	sadd.s32 $0x400, s20;
	[tilespmem:s5+$0x14470] =	vst v7;
	v6 =	vmul.f32 $8.000000000e+00, v4;
	v4 =	vld [tilespmem:s5+$0xC4E0]  }
0x2ec: {  	v7 =	vld [tilespmem:s19+$0xC4F0];
	[tilespmem:s5+$0x14480] =	vst v5;
	v0 =	vmul.f32 $8.000000000e+00, v0  }
0x2ed: {  	v5 =	vld [tilespmem:s19+$0xC400];
	[tilespmem:s5+$0x14490] =	vst v6;
	v1 =	vmul.f32 $8.000000000e+00, v1  }
0x2ee: {  	v6 =	vld [tilespmem:s19+$0xC410];
	[tilespmem:s5+$0x144A0] =	vst v0;
	v2 =	vmul.f32 $8.000000000e+00, v2  }
0x2ef: {  	v0 =	vld [tilespmem:s19+$0xC420];
	[tilespmem:s5+$0x144B0] =	vst v1;
	v3 =	vmul.f32 $8.000000000e+00, v3  }
0x2f0: {  	v1 =	vld [tilespmem:s19+$0xC430];
	[tilespmem:s5+$0x144C0] =	vst v2;
	v4 =	vmul.f32 $8.000000000e+00, v4  }
0x2f1: {  	v2 =	vld [tilespmem:s19+$0xC440];
	[tilespmem:s5+$0x144D0] =	vst v3;
	v7 =	vmul.f32 $8.000000000e+00, v7  }
0x2f2: {  	v3 =	vld [tilespmem:s19+$0xC450];
	[tilespmem:s5+$0x144E0] =	vst v4;
	v50 =	vmul.f32 $8.000000000e+00, v5  }
0x2f3: {  	v51 =	vld [tilespmem:s19+$0xC460];
	[tilespmem:s19+$0x144F0] =	vst v7;
	v6 =	vmul.f32 $8.000000000e+00, v6  }
0x2f4: {  	v52 =	vld [tilespmem:s19+$0xC470];
	[tilespmem:s19+$0x14400] =	vst v50;
	v0 =	vmul.f32 $8.000000000e+00, v0  }
0x2f5: {  	v53 =	vld [tilespmem:s19+$0xC480];
	[tilespmem:s19+$0x14410] =	vst v6;
	v1 =	vmul.f32 $8.000000000e+00, v1  }
0x2f6: {  	v54 =	vld [tilespmem:s19+$0xC490];
	[tilespmem:s19+$0x14420] =	vst v0;
	v2 =	vmul.f32 $8.000000000e+00, v2  }
0x2f7: {  	v55 =	vld [tilespmem:s19+$0xC4A0];
	[tilespmem:s19+$0x14430] =	vst v1;
	v3 =	vmul.f32 $8.000000000e+00, v3  }
0x2f8: {  	v56 =	vld [tilespmem:s19+$0xC4B0];
	[tilespmem:s19+$0x14440] =	vst v2;
	v5 =	vmul.f32 $8.000000000e+00, v51  }
0x2f9: {  	v57 =	vld [tilespmem:s19+$0xC4C0];
	v4 =	vmul.f32 $8.000000000e+00, v52;
	[tilespmem:s19+$0x14450] =	vst v3  }
0x2fa: {  	v58 =	vld [tilespmem:s19+$0xC4D0];
	v6 =	vmul.f32 $8.000000000e+00, v53;
	[tilespmem:s19+$0x14460] =	vst v5  }
0x2fb: {  	v59 =	vld [tilespmem:s19+$0xC4E0];
	v0 =	vmul.f32 $8.000000000e+00, v54;
	[tilespmem:s19+$0x14470] =	vst v4  }
0x2fc: {  	v1 =	vmul.f32 $8.000000000e+00, v55;
	[tilespmem:s19+$0x14480] =	vst v6  }
0x2fd: {  	v60 =	vmul.f32 $8.000000000e+00, v56;
	[tilespmem:s19+$0x14490] =	vst v0  }
0x2fe: {  	v61 =	vmul.f32 $8.000000000e+00, v57;
	[tilespmem:s19+$0x144A0] =	vst v1  }
0x2ff: {  	s20 =	sadd.s32 s18, s13;
	v62 =	vmul.f32 $8.000000000e+00, v58;
	[tilespmem:s19+$0x144B0] =	vst v60  }
0x300: {  	s5 =	sshll.u32 s20, $0x3;
	v63 =	vmul.f32 $8.000000000e+00, v59;
	[tilespmem:s19+$0x144C0] =	vst v61  }
0x301: {  	s5 =	sand.u32 $0x1FFFFC00, s5;
	[tilespmem:s19+$0x144D0] =	vst v62  }
0x302: {  	s5 =	sadd.s32 s2, s5;
	[tilespmem:s19+$0x144E0] =	vst v63  }
0x303: {  	[hbm4b:s5+s3] =	stream.linear.scatter [tilespmem:s9], [sflag:$0x8], $0x2000, $0x38;
	[tilespmem:$0x16400] =	vst v63  }
0x304: {  	v0 =	vld [tilespmem:s18+$0x380];
	_ =	sdelay $0x6  }
0x305: {  	s20 =	simm.s32 $0xC400  }
0x306: {  	[tilespmem:s20], [sflag:$0x4] =	stream.indirect_vreg.gather [hbm4b:s4+s3], $0x40, v0, vm0, $0xb8;
	[tilespmem:$0x16400] =	vst v63  }
0x307: {  	v0 =	vld [tilespmem:s18+$0x390];
	_ =	sdelay $0x7  }
0x308: {  	[tilespmem:s21], [sflag:$0x4] =	stream.indirect_vreg.gather [hbm4b:s4+s3], $0x40, v0, vm0, $0xb8;
	[tilespmem:$0x16400] =	vst v63  }
0x309: {  	v0 =	vld [tilespmem:s18+$0x3A0];
	_ =	sdelay $0x7  }
0x30a: {  	[tilespmem:s22], [sflag:$0x4] =	stream.indirect_vreg.gather [hbm4b:s4+s3], $0x40, v0, vm0, $0xb8;
	[tilespmem:$0x16400] =	vst v63  }
0x30b: {  	v0 =	vld [tilespmem:s18+$0x3B0];
	_ =	sdelay $0x7  }
0x30c: {  	[tilespmem:s23], [sflag:$0x4] =	stream.indirect_vreg.gather [hbm4b:s4+s3], $0x40, v0, vm0, $0xb8;
	[tilespmem:$0x16400] =	vst v63  }
0x30d: {  	v0 =	vld [tilespmem:s18+$0x3C0];
	_ =	sdelay $0x7  }
0x30e: {  	[tilespmem:s24], [sflag:$0x4] =	stream.indirect_vreg.gather [hbm4b:s4+s3], $0x40, v0, vm0, $0xb8;
	[tilespmem:$0x16400] =	vst v63  }
0x30f: {  	v0 =	vld [tilespmem:s18+$0x3D0];
	_ =	sdelay $0x7  }
0x310: {  	[tilespmem:s25], [sflag:$0x4] =	stream.indirect_vreg.gather [hbm4b:s4+s3], $0x40, v0, vm0, $0xb8;
	[tilespmem:$0x16400] =	vst v63  }
0x311: {  	v0 =	vld [tilespmem:s18+$0x3E0];
	_ =	sdelay $0x7  }
0x312: {  	[tilespmem:s26], [sflag:$0x4] =	stream.indirect_vreg.gather [hbm4b:s4+s3], $0x40, v0, vm0, $0xb8;
	[tilespmem:$0x16400] =	vst v63  }
0x313: {  	v0 =	vld [tilespmem:s18+$0x3F0];
	_ =	sdelay $0x1  }
0x314: {  	s17 =	sadd.s32 $0x1, s17  }
0x315: {  	p0 =	sne.s32 s17, $0x31  }
.Ltmp8:
0x316: {  	_ = 	snop;
	(pc) =	sbr.rel @p0 .LBB2_10-.Ltmp8, $2  }
0x317: {  	_ =	sdelay $0x2  }
0x318: {  	[tilespmem:s28], [sflag:$0x4] =	stream.indirect_vreg.gather [hbm4b:s4+s3], $0x40, v0, vm0, $0xb8;
	[tilespmem:$0x16400] =	vst v63  }
0x319: {  	_ =	swait.ge [sflag:s29], $0x2000  }
0x31a: {  	[sflag:s29] =	ssyncset.done $0x0  }
0x31b: {  	[sflag:s29] =	ssyncadd.s32 $0xFFFFE000  }
0x31c: {  	_ =	swait.ge [sflag:s10], $0x2000  }
0x31d: {  	[sflag:s10] =	ssyncset.done $0x0  }
0x31e: {  	s5 =	simm.s32 $0x0;
	[sflag:s10] =	ssyncadd.s32 $0xFFFFE000  }
0x31f: {  	v0 =	vld [tilespmem:s5+$0x64F0]  }
0x320: {  	v1 =	vld [tilespmem:s5+$0x6400]  }
0x321: {  	v2 =	vld [tilespmem:s5+$0x6410]  }
0x322: {  	v3 =	vld [tilespmem:s5+$0x6420]  }
0x323: {  	v6 =	vld [tilespmem:s5+$0x6450]  }
0x324: {  	v4 =	vld [tilespmem:s5+$0x6430];
	v0 =	vmul.f32 $8.000000000e+00, v0  }
0x325: {  	v5 =	vld [tilespmem:s5+$0x6440];
	v1 =	vmul.f32 $8.000000000e+00, v1  }
0x326: {  	v7 =	vld [tilespmem:s5+$0x6460];
	[tilespmem:s5+$0xE4F0] =	vst v0;
	v0 =	vmul.f32 $8.000000000e+00, v2  }
0x327: {  	v8 =	vld [tilespmem:s5+$0x6470];
	[tilespmem:s5+$0xE400] =	vst v1;
	v1 =	vmul.f32 $8.000000000e+00, v3  }
0x328: {  	v2 =	vmul.f32 $8.000000000e+00, v6;
	[tilespmem:s5+$0xE410] =	vst v0  }
0x329: {  	v9 =	vld [tilespmem:s5+$0x6480];
	v0 =	vmul.f32 $8.000000000e+00, v4;
	[tilespmem:s5+$0xE420] =	vst v1  }
0x32a: {  	v4 =	vld [tilespmem:s5+$0x6490];
	v1 =	vmul.f32 $8.000000000e+00, v5;
	[tilespmem:s5+$0xE450] =	vst v2  }
0x32b: {  	v3 =	vmul.f32 $8.000000000e+00, v7;
	[tilespmem:s5+$0xE430] =	vst v0;
	v0 =	vld [tilespmem:s5+$0x64A0]  }
0x32c: {  	v5 =	vmul.f32 $8.000000000e+00, v8;
	[tilespmem:s5+$0xE440] =	vst v1;
	v1 =	vld [tilespmem:s5+$0x64B0]  }
0x32d: {  	v2 =	vld [tilespmem:s5+$0x64C0];
	[tilespmem:s5+$0xE460] =	vst v3  }
0x32e: {  	v3 =	vld [tilespmem:s5+$0x64D0];
	[tilespmem:s5+$0xE470] =	vst v5;
	v5 =	vmul.f32 $8.000000000e+00, v9  }
0x32f: {  	s17 =	simm.s32 $0x100;
	s18 =	simm.s32 $0x800;
	v6 =	vmul.f32 $8.000000000e+00, v4;
	v4 =	vld [tilespmem:s5+$0x64E0]  }
.LBB2_20:
0x330: {  	p0 =	sne.s32 s18, $0x7C00;
	v7 =	vld [tilespmem:s17+$0x64F0];
	[tilespmem:s5+$0xE480] =	vst v5;
	v0 =	vmul.f32 $8.000000000e+00, v0  }
0x331: {  	v5 =	vld [tilespmem:s17+$0x6400];
	[tilespmem:s5+$0xE490] =	vst v6;
	v1 =	vmul.f32 $8.000000000e+00, v1  }
0x332: {  	v6 =	vld [tilespmem:s17+$0x6410];
	[tilespmem:s5+$0xE4A0] =	vst v0;
	v0 =	vmul.f32 $8.000000000e+00, v2  }
0x333: {  	v2 =	vld [tilespmem:s17+$0x6420];
	[tilespmem:s5+$0xE4B0] =	vst v1;
	v1 =	vmul.f32 $8.000000000e+00, v3  }
0x334: {  	v3 =	vld [tilespmem:s17+$0x6430];
	[tilespmem:s5+$0xE4C0] =	vst v0;
	v0 =	vmul.f32 $8.000000000e+00, v4  }
0x335: {  	v4 =	vld [tilespmem:s17+$0x6440];
	v7 =	vmul.f32 $8.000000000e+00, v7;
	[tilespmem:s5+$0xE4D0] =	vst v1  }
0x336: {  	v1 =	vmul.f32 $8.000000000e+00, v5;
	v5 =	vld [tilespmem:s17+$0x6450];
	[tilespmem:s5+$0xE4E0] =	vst v0;
	s5 =	smov.u32 s17  }
0x337: {  	v0 =	vmul.f32 $8.000000000e+00, v6;
	v6 =	vld [tilespmem:s5+$0x6460];
	[tilespmem:s5+$0xE4F0] =	vst v7  }
0x338: {  	[tilespmem:s5+$0xE400] =	vst v1;
	v1 =	vmul.f32 $8.000000000e+00, v2;
	v2 =	vld [tilespmem:s5+$0x6470]  }
0x339: {  	[tilespmem:s5+$0xE410] =	vst v0;
	v0 =	vmul.f32 $8.000000000e+00, v3;
	v3 =	vld [tilespmem:s5+$0x6480]  }
0x33a: {  	[tilespmem:s5+$0xE420] =	vst v1;
	v1 =	vmul.f32 $8.000000000e+00, v4;
	v4 =	vld [tilespmem:s5+$0x6490]  }
.Ltmp9:
0x33b: {  	[tilespmem:s5+$0xE430] =	vst v0;
	v5 =	vmul.f32 $8.000000000e+00, v5;
	v0 =	vld [tilespmem:s5+$0x64A0];
	(pc) =	sbr.rel @p0 .LBB2_20-.Ltmp9, $4  }
0x33c: {  	[tilespmem:s5+$0xE440] =	vst v1;
	v6 =	vmul.f32 $8.000000000e+00, v6;
	v1 =	vld [tilespmem:s5+$0x64B0]  }
0x33d: {  	[tilespmem:s5+$0xE450] =	vst v5;
	v7 =	vmul.f32 $8.000000000e+00, v2;
	v2 =	vld [tilespmem:s5+$0x64C0]  }
0x33e: {  	[tilespmem:s5+$0xE460] =	vst v6;
	v5 =	vmul.f32 $8.000000000e+00, v3;
	v3 =	vld [tilespmem:s5+$0x64D0]  }
0x33f: {  	s17 =	sshra.s32 s18, $0x2;
	s18 =	sadd.s32 $0x400, s18;
	[tilespmem:s5+$0xE470] =	vst v7;
	v6 =	vmul.f32 $8.000000000e+00, v4;
	v4 =	vld [tilespmem:s5+$0x64E0]  }
0x340: {  	v7 =	vld [tilespmem:s17+$0x64F0];
	[tilespmem:s5+$0xE480] =	vst v5;
	v0 =	vmul.f32 $8.000000000e+00, v0  }
0x341: {  	v5 =	vld [tilespmem:s17+$0x6400];
	[tilespmem:s5+$0xE490] =	vst v6;
	v1 =	vmul.f32 $8.000000000e+00, v1  }
0x342: {  	v6 =	vld [tilespmem:s17+$0x6410];
	[tilespmem:s5+$0xE4A0] =	vst v0;
	v2 =	vmul.f32 $8.000000000e+00, v2  }
0x343: {  	v0 =	vld [tilespmem:s17+$0x6420];
	[tilespmem:s5+$0xE4B0] =	vst v1;
	v3 =	vmul.f32 $8.000000000e+00, v3  }
0x344: {  	v1 =	vld [tilespmem:s17+$0x6430];
	[tilespmem:s5+$0xE4C0] =	vst v2;
	v4 =	vmul.f32 $8.000000000e+00, v4  }
0x345: {  	v2 =	vld [tilespmem:s17+$0x6440];
	[tilespmem:s5+$0xE4D0] =	vst v3;
	v7 =	vmul.f32 $8.000000000e+00, v7  }
0x346: {  	v3 =	vld [tilespmem:s17+$0x6450];
	[tilespmem:s5+$0xE4E0] =	vst v4;
	v4 =	vmul.f32 $8.000000000e+00, v5  }
0x347: {  	v5 =	vld [tilespmem:s17+$0x6460];
	[tilespmem:s17+$0xE4F0] =	vst v7;
	v6 =	vmul.f32 $8.000000000e+00, v6  }
0x348: {  	[tilespmem:s17+$0xE400] =	vst v4;
	v4 =	vld [tilespmem:s17+$0x6470];
	v0 =	vmul.f32 $8.000000000e+00, v0  }
0x349: {  	[tilespmem:s17+$0xE410] =	vst v6;
	v6 =	vld [tilespmem:s17+$0x6480];
	v1 =	vmul.f32 $8.000000000e+00, v1  }
0x34a: {  	[tilespmem:s17+$0xE420] =	vst v0;
	v0 =	vld [tilespmem:s17+$0x6490];
	v2 =	vmul.f32 $8.000000000e+00, v2  }
0x34b: {  	[tilespmem:s17+$0xE430] =	vst v1;
	v1 =	vld [tilespmem:s17+$0x64A0];
	v3 =	vmul.f32 $8.000000000e+00, v3  }
0x34c: {  	[tilespmem:s17+$0xE440] =	vst v2;
	v2 =	vld [tilespmem:s17+$0x64B0];
	v5 =	vmul.f32 $8.000000000e+00, v5  }
0x34d: {  	[tilespmem:s17+$0xE450] =	vst v3;
	v3 =	vld [tilespmem:s17+$0x64C0];
	v4 =	vmul.f32 $8.000000000e+00, v4  }
0x34e: {  	[tilespmem:s17+$0xE460] =	vst v5;
	v5 =	vld [tilespmem:s17+$0x64D0];
	v6 =	vmul.f32 $8.000000000e+00, v6  }
0x34f: {  	[tilespmem:s17+$0xE470] =	vst v4;
	v0 =	vmul.f32 $8.000000000e+00, v0;
	v4 =	vld [tilespmem:s17+$0x64E0]  }
0x350: {  	[tilespmem:s17+$0xE480] =	vst v6;
	v1 =	vmul.f32 $8.000000000e+00, v1  }
0x351: {  	[tilespmem:s17+$0xE490] =	vst v0;
	v0 =	vmul.f32 $8.000000000e+00, v2  }
0x352: {  	[tilespmem:s17+$0xE4A0] =	vst v1;
	v1 =	vmul.f32 $8.000000000e+00, v3  }
0x353: {  	[tilespmem:s17+$0xE4B0] =	vst v0;
	v0 =	vmul.f32 $8.000000000e+00, v5  }
0x354: {  	[tilespmem:s17+$0xE4C0] =	vst v1;
	v1 =	vmul.f32 $8.000000000e+00, v4  }
0x355: {  	[tilespmem:s17+$0xE4D0] =	vst v0  }
0x356: {  	s19 =	simm.s32 $0x0;
	s20 =	rddreg [dreg:$0x8];
	[tilespmem:s17+$0xE4E0] =	vst v1  }
0x357: {  	[hbm4b:s20+s19] =	stream.linear.scatter [tilespmem:s30], [sflag:$0x5], $0x2000, $0x38;
	[tilespmem:$0x16400] =	vst v63  }
0x358: {  	_ =	swait.ge [sflag:s31], $0x2000  }
0x359: {  	[sflag:s31] =	ssyncset.done $0x0  }
0x35a: {  	[sflag:s31] =	ssyncadd.s32 $0xFFFFE000  }
0x35b: {  	_ =	swait.ge [sflag:s14], $0x2000  }
0x35c: {  	[sflag:s14] =	ssyncset.done $0x0  }
0x35d: {  	s5 =	simm.s32 $0x0;
	[sflag:s14] =	ssyncadd.s32 $0xFFFFE000  }
0x35e: {  	v0 =	vld [tilespmem:s5+$0x84F0]  }
0x35f: {  	v1 =	vld [tilespmem:s5+$0x8400]  }
0x360: {  	v2 =	vld [tilespmem:s5+$0x8410]  }
0x361: {  	v3 =	vld [tilespmem:s5+$0x8420]  }
0x362: {  	v6 =	vld [tilespmem:s5+$0x8450]  }
0x363: {  	v4 =	vld [tilespmem:s5+$0x8430];
	v0 =	vmul.f32 $8.000000000e+00, v0  }
0x364: {  	v5 =	vld [tilespmem:s5+$0x8440];
	v1 =	vmul.f32 $8.000000000e+00, v1  }
0x365: {  	v7 =	vld [tilespmem:s5+$0x8460];
	[tilespmem:s5+$0x104F0] =	vst v0;
	v0 =	vmul.f32 $8.000000000e+00, v2  }
0x366: {  	v8 =	vld [tilespmem:s5+$0x8470];
	[tilespmem:s5+$0x10400] =	vst v1;
	v1 =	vmul.f32 $8.000000000e+00, v3  }
0x367: {  	v2 =	vmul.f32 $8.000000000e+00, v6;
	[tilespmem:s5+$0x10410] =	vst v0  }
0x368: {  	v9 =	vld [tilespmem:s5+$0x8480];
	v0 =	vmul.f32 $8.000000000e+00, v4;
	[tilespmem:s5+$0x10420] =	vst v1  }
0x369: {  	v4 =	vld [tilespmem:s5+$0x8490];
	v1 =	vmul.f32 $8.000000000e+00, v5;
	[tilespmem:s5+$0x10450] =	vst v2  }
0x36a: {  	v3 =	vmul.f32 $8.000000000e+00, v7;
	[tilespmem:s5+$0x10430] =	vst v0;
	v0 =	vld [tilespmem:s5+$0x84A0]  }
0x36b: {  	v5 =	vmul.f32 $8.000000000e+00, v8;
	[tilespmem:s5+$0x10440] =	vst v1;
	v1 =	vld [tilespmem:s5+$0x84B0]  }
0x36c: {  	v2 =	vld [tilespmem:s5+$0x84C0];
	[tilespmem:s5+$0x10460] =	vst v3  }
0x36d: {  	v3 =	vld [tilespmem:s5+$0x84D0];
	[tilespmem:s5+$0x10470] =	vst v5;
	v5 =	vmul.f32 $8.000000000e+00, v9  }
0x36e: {  	s18 =	simm.s32 $0x800;
	s17 =	simm.s32 $0x100;
	v6 =	vmul.f32 $8.000000000e+00, v4;
	v4 =	vld [tilespmem:s5+$0x84E0]  }
.LBB2_22:
0x36f: {  	p0 =	sne.s32 s18, $0x7C00;
	v7 =	vld [tilespmem:s17+$0x84F0];
	[tilespmem:s5+$0x10480] =	vst v5;
	v0 =	vmul.f32 $8.000000000e+00, v0  }
0x370: {  	v5 =	vld [tilespmem:s17+$0x8400];
	[tilespmem:s5+$0x10490] =	vst v6;
	v1 =	vmul.f32 $8.000000000e+00, v1  }
0x371: {  	v6 =	vld [tilespmem:s17+$0x8410];
	[tilespmem:s5+$0x104A0] =	vst v0;
	v0 =	vmul.f32 $8.000000000e+00, v2  }
0x372: {  	v2 =	vld [tilespmem:s17+$0x8420];
	[tilespmem:s5+$0x104B0] =	vst v1;
	v1 =	vmul.f32 $8.000000000e+00, v3  }
0x373: {  	v3 =	vld [tilespmem:s17+$0x8430];
	[tilespmem:s5+$0x104C0] =	vst v0;
	v0 =	vmul.f32 $8.000000000e+00, v4  }
0x374: {  	v4 =	vld [tilespmem:s17+$0x8440];
	v7 =	vmul.f32 $8.000000000e+00, v7;
	[tilespmem:s5+$0x104D0] =	vst v1  }
0x375: {  	v1 =	vmul.f32 $8.000000000e+00, v5;
	v5 =	vld [tilespmem:s17+$0x8450];
	[tilespmem:s5+$0x104E0] =	vst v0;
	s5 =	smov.u32 s17  }
0x376: {  	v0 =	vmul.f32 $8.000000000e+00, v6;
	v6 =	vld [tilespmem:s5+$0x8460];
	[tilespmem:s5+$0x104F0] =	vst v7  }
0x377: {  	[tilespmem:s5+$0x10400] =	vst v1;
	v1 =	vmul.f32 $8.000000000e+00, v2;
	v2 =	vld [tilespmem:s5+$0x8470]  }
0x378: {  	[tilespmem:s5+$0x10410] =	vst v0;
	v0 =	vmul.f32 $8.000000000e+00, v3;
	v3 =	vld [tilespmem:s5+$0x8480]  }
0x379: {  	[tilespmem:s5+$0x10420] =	vst v1;
	v1 =	vmul.f32 $8.000000000e+00, v4;
	v4 =	vld [tilespmem:s5+$0x8490]  }
.Ltmp10:
0x37a: {  	[tilespmem:s5+$0x10430] =	vst v0;
	v5 =	vmul.f32 $8.000000000e+00, v5;
	v0 =	vld [tilespmem:s5+$0x84A0];
	(pc) =	sbr.rel @p0 .LBB2_22-.Ltmp10, $4  }
0x37b: {  	[tilespmem:s5+$0x10440] =	vst v1;
	v6 =	vmul.f32 $8.000000000e+00, v6;
	v1 =	vld [tilespmem:s5+$0x84B0]  }
0x37c: {  	[tilespmem:s5+$0x10450] =	vst v5;
	v7 =	vmul.f32 $8.000000000e+00, v2;
	v2 =	vld [tilespmem:s5+$0x84C0]  }
0x37d: {  	[tilespmem:s5+$0x10460] =	vst v6;
	v5 =	vmul.f32 $8.000000000e+00, v3;
	v3 =	vld [tilespmem:s5+$0x84D0]  }
0x37e: {  	s17 =	sshra.s32 s18, $0x2;
	s18 =	sadd.s32 $0x400, s18;
	[tilespmem:s5+$0x10470] =	vst v7;
	v6 =	vmul.f32 $8.000000000e+00, v4;
	v4 =	vld [tilespmem:s5+$0x84E0]  }
0x37f: {  	v7 =	vld [tilespmem:s17+$0x84F0];
	[tilespmem:s5+$0x10480] =	vst v5;
	v0 =	vmul.f32 $8.000000000e+00, v0  }
0x380: {  	v5 =	vld [tilespmem:s17+$0x8400];
	[tilespmem:s5+$0x10490] =	vst v6;
	v1 =	vmul.f32 $8.000000000e+00, v1  }
0x381: {  	v6 =	vld [tilespmem:s17+$0x8410];
	[tilespmem:s5+$0x104A0] =	vst v0;
	v2 =	vmul.f32 $8.000000000e+00, v2  }
0x382: {  	v0 =	vld [tilespmem:s17+$0x8420];
	[tilespmem:s5+$0x104B0] =	vst v1;
	v3 =	vmul.f32 $8.000000000e+00, v3  }
0x383: {  	v1 =	vld [tilespmem:s17+$0x8430];
	[tilespmem:s5+$0x104C0] =	vst v2;
	v4 =	vmul.f32 $8.000000000e+00, v4  }
0x384: {  	v2 =	vld [tilespmem:s17+$0x8440];
	[tilespmem:s5+$0x104D0] =	vst v3;
	v7 =	vmul.f32 $8.000000000e+00, v7  }
0x385: {  	v3 =	vld [tilespmem:s17+$0x8450];
	[tilespmem:s5+$0x104E0] =	vst v4;
	v4 =	vmul.f32 $8.000000000e+00, v5  }
0x386: {  	v5 =	vld [tilespmem:s17+$0x8460];
	[tilespmem:s17+$0x104F0] =	vst v7;
	v6 =	vmul.f32 $8.000000000e+00, v6  }
0x387: {  	[tilespmem:s17+$0x10400] =	vst v4;
	v4 =	vld [tilespmem:s17+$0x8470];
	v0 =	vmul.f32 $8.000000000e+00, v0  }
0x388: {  	[tilespmem:s17+$0x10410] =	vst v6;
	v6 =	vld [tilespmem:s17+$0x8480];
	v1 =	vmul.f32 $8.000000000e+00, v1  }
0x389: {  	[tilespmem:s17+$0x10420] =	vst v0;
	v0 =	vld [tilespmem:s17+$0x8490];
	v2 =	vmul.f32 $8.000000000e+00, v2  }
0x38a: {  	[tilespmem:s17+$0x10430] =	vst v1;
	v1 =	vld [tilespmem:s17+$0x84A0];
	v3 =	vmul.f32 $8.000000000e+00, v3  }
0x38b: {  	[tilespmem:s17+$0x10440] =	vst v2;
	v2 =	vld [tilespmem:s17+$0x84B0];
	v5 =	vmul.f32 $8.000000000e+00, v5  }
0x38c: {  	[tilespmem:s17+$0x10450] =	vst v3;
	v3 =	vld [tilespmem:s17+$0x84C0];
	v4 =	vmul.f32 $8.000000000e+00, v4  }
0x38d: {  	[tilespmem:s17+$0x10460] =	vst v5;
	v5 =	vld [tilespmem:s17+$0x84D0];
	v6 =	vmul.f32 $8.000000000e+00, v6  }
0x38e: {  	[tilespmem:s17+$0x10470] =	vst v4;
	v0 =	vmul.f32 $8.000000000e+00, v0;
	v4 =	vld [tilespmem:s17+$0x84E0]  }
0x38f: {  	[tilespmem:s17+$0x10480] =	vst v6;
	v1 =	vmul.f32 $8.000000000e+00, v1  }
0x390: {  	[tilespmem:s17+$0x10490] =	vst v0;
	v0 =	vmul.f32 $8.000000000e+00, v2  }
0x391: {  	[tilespmem:s17+$0x104A0] =	vst v1;
	v1 =	vmul.f32 $8.000000000e+00, v3  }
0x392: {  	[tilespmem:s17+$0x104B0] =	vst v0;
	v0 =	vmul.f32 $8.000000000e+00, v5  }
0x393: {  	[tilespmem:s17+$0x104C0] =	vst v1;
	v1 =	vmul.f32 $8.000000000e+00, v4  }
0x394: {  	[tilespmem:s17+$0x104D0] =	vst v0  }
0x395: {  	s19 =	simm.s32 $0x0;
	s20 =	rddreg [dreg:$0x9];
	[tilespmem:s17+$0x104E0] =	vst v1  }
0x396: {  	[hbm4b:s20+s19] =	stream.linear.scatter [tilespmem:s1], [sflag:$0x6], $0x2000, $0x38;
	[tilespmem:$0x16400] =	vst v63  }
0x397: {  	_ =	swait.ge [sflag:s0], $0x2000  }
0x398: {  	[sflag:s0] =	ssyncset.done $0x0  }
0x399: {  	[sflag:s0] =	ssyncadd.s32 $0xFFFFE000  }
0x39a: {  	_ =	swait.ge [sflag:s15], $0x2000  }
0x39b: {  	[sflag:s15] =	ssyncset.done $0x0  }
0x39c: {  	s5 =	simm.s32 $0x0;
	[sflag:s15] =	ssyncadd.s32 $0xFFFFE000  }
0x39d: {  	v0 =	vld [tilespmem:s5+$0xA4F0]  }
0x39e: {  	v1 =	vld [tilespmem:s5+$0xA400]  }
0x39f: {  	v2 =	vld [tilespmem:s5+$0xA410]  }
0x3a0: {  	v3 =	vld [tilespmem:s5+$0xA420]  }
0x3a1: {  	v6 =	vld [tilespmem:s5+$0xA450]  }
0x3a2: {  	v4 =	vld [tilespmem:s5+$0xA430];
	v0 =	vmul.f32 $8.000000000e+00, v0  }
0x3a3: {  	v5 =	vld [tilespmem:s5+$0xA440];
	v1 =	vmul.f32 $8.000000000e+00, v1  }
0x3a4: {  	v7 =	vld [tilespmem:s5+$0xA460];
	[tilespmem:s5+$0x124F0] =	vst v0;
	v0 =	vmul.f32 $8.000000000e+00, v2  }
0x3a5: {  	v8 =	vld [tilespmem:s5+$0xA470];
	[tilespmem:s5+$0x12400] =	vst v1;
	v1 =	vmul.f32 $8.000000000e+00, v3  }
0x3a6: {  	v2 =	vmul.f32 $8.000000000e+00, v6;
	[tilespmem:s5+$0x12410] =	vst v0  }
0x3a7: {  	v9 =	vld [tilespmem:s5+$0xA480];
	v0 =	vmul.f32 $8.000000000e+00, v4;
	[tilespmem:s5+$0x12420] =	vst v1  }
0x3a8: {  	v4 =	vld [tilespmem:s5+$0xA490];
	v1 =	vmul.f32 $8.000000000e+00, v5;
	[tilespmem:s5+$0x12450] =	vst v2  }
0x3a9: {  	v3 =	vmul.f32 $8.000000000e+00, v7;
	[tilespmem:s5+$0x12430] =	vst v0;
	v0 =	vld [tilespmem:s5+$0xA4A0]  }
0x3aa: {  	v5 =	vmul.f32 $8.000000000e+00, v8;
	[tilespmem:s5+$0x12440] =	vst v1;
	v1 =	vld [tilespmem:s5+$0xA4B0]  }
0x3ab: {  	v2 =	vld [tilespmem:s5+$0xA4C0];
	[tilespmem:s5+$0x12460] =	vst v3  }
0x3ac: {  	v3 =	vld [tilespmem:s5+$0xA4D0];
	[tilespmem:s5+$0x12470] =	vst v5;
	v5 =	vmul.f32 $8.000000000e+00, v9  }
0x3ad: {  	s18 =	simm.s32 $0x800;
	s17 =	simm.s32 $0x100;
	v6 =	vmul.f32 $8.000000000e+00, v4;
	v4 =	vld [tilespmem:s5+$0xA4E0]  }
.LBB2_24:
0x3ae: {  	p0 =	sne.s32 s18, $0x7C00;
	v7 =	vld [tilespmem:s17+$0xA4F0];
	[tilespmem:s5+$0x12480] =	vst v5;
	v0 =	vmul.f32 $8.000000000e+00, v0  }
0x3af: {  	v5 =	vld [tilespmem:s17+$0xA400];
	[tilespmem:s5+$0x12490] =	vst v6;
	v1 =	vmul.f32 $8.000000000e+00, v1  }
0x3b0: {  	v6 =	vld [tilespmem:s17+$0xA410];
	[tilespmem:s5+$0x124A0] =	vst v0;
	v0 =	vmul.f32 $8.000000000e+00, v2  }
0x3b1: {  	v2 =	vld [tilespmem:s17+$0xA420];
	[tilespmem:s5+$0x124B0] =	vst v1;
	v1 =	vmul.f32 $8.000000000e+00, v3  }
0x3b2: {  	v3 =	vld [tilespmem:s17+$0xA430];
	[tilespmem:s5+$0x124C0] =	vst v0;
	v0 =	vmul.f32 $8.000000000e+00, v4  }
0x3b3: {  	v4 =	vld [tilespmem:s17+$0xA440];
	v7 =	vmul.f32 $8.000000000e+00, v7;
	[tilespmem:s5+$0x124D0] =	vst v1  }
0x3b4: {  	v1 =	vmul.f32 $8.000000000e+00, v5;
	v5 =	vld [tilespmem:s17+$0xA450];
	[tilespmem:s5+$0x124E0] =	vst v0;
	s5 =	smov.u32 s17  }
0x3b5: {  	v0 =	vmul.f32 $8.000000000e+00, v6;
	v6 =	vld [tilespmem:s5+$0xA460];
	[tilespmem:s5+$0x124F0] =	vst v7  }
0x3b6: {  	[tilespmem:s5+$0x12400] =	vst v1;
	v1 =	vmul.f32 $8.000000000e+00, v2;
	v2 =	vld [tilespmem:s5+$0xA470]  }
0x3b7: {  	[tilespmem:s5+$0x12410] =	vst v0;
	v0 =	vmul.f32 $8.000000000e+00, v3;
	v3 =	vld [tilespmem:s5+$0xA480]  }
0x3b8: {  	[tilespmem:s5+$0x12420] =	vst v1;
	v1 =	vmul.f32 $8.000000000e+00, v4;
	v4 =	vld [tilespmem:s5+$0xA490]  }
.Ltmp11:
0x3b9: {  	[tilespmem:s5+$0x12430] =	vst v0;
	v5 =	vmul.f32 $8.000000000e+00, v5;
	v0 =	vld [tilespmem:s5+$0xA4A0];
	(pc) =	sbr.rel @p0 .LBB2_24-.Ltmp11, $4  }
0x3ba: {  	[tilespmem:s5+$0x12440] =	vst v1;
	v6 =	vmul.f32 $8.000000000e+00, v6;
	v1 =	vld [tilespmem:s5+$0xA4B0]  }
0x3bb: {  	[tilespmem:s5+$0x12450] =	vst v5;
	v7 =	vmul.f32 $8.000000000e+00, v2;
	v2 =	vld [tilespmem:s5+$0xA4C0]  }
0x3bc: {  	[tilespmem:s5+$0x12460] =	vst v6;
	v5 =	vmul.f32 $8.000000000e+00, v3;
	v3 =	vld [tilespmem:s5+$0xA4D0]  }
0x3bd: {  	s17 =	sshra.s32 s18, $0x2;
	s18 =	sadd.s32 $0x400, s18;
	[tilespmem:s5+$0x12470] =	vst v7;
	v6 =	vmul.f32 $8.000000000e+00, v4;
	v4 =	vld [tilespmem:s5+$0xA4E0]  }
0x3be: {  	v7 =	vld [tilespmem:s17+$0xA4F0];
	[tilespmem:s5+$0x12480] =	vst v5;
	v0 =	vmul.f32 $8.000000000e+00, v0  }
0x3bf: {  	v5 =	vld [tilespmem:s17+$0xA400];
	[tilespmem:s5+$0x12490] =	vst v6;
	v1 =	vmul.f32 $8.000000000e+00, v1  }
0x3c0: {  	v6 =	vld [tilespmem:s17+$0xA410];
	[tilespmem:s5+$0x124A0] =	vst v0;
	v2 =	vmul.f32 $8.000000000e+00, v2  }
0x3c1: {  	v0 =	vld [tilespmem:s17+$0xA420];
	[tilespmem:s5+$0x124B0] =	vst v1;
	v3 =	vmul.f32 $8.000000000e+00, v3  }
0x3c2: {  	v1 =	vld [tilespmem:s17+$0xA430];
	[tilespmem:s5+$0x124C0] =	vst v2;
	v4 =	vmul.f32 $8.000000000e+00, v4  }
0x3c3: {  	v2 =	vld [tilespmem:s17+$0xA440];
	[tilespmem:s5+$0x124D0] =	vst v3;
	v7 =	vmul.f32 $8.000000000e+00, v7  }
0x3c4: {  	v3 =	vld [tilespmem:s17+$0xA450];
	[tilespmem:s5+$0x124E0] =	vst v4;
	v4 =	vmul.f32 $8.000000000e+00, v5  }
0x3c5: {  	v5 =	vld [tilespmem:s17+$0xA460];
	[tilespmem:s17+$0x124F0] =	vst v7;
	v6 =	vmul.f32 $8.000000000e+00, v6  }
0x3c6: {  	[tilespmem:s17+$0x12400] =	vst v4;
	v4 =	vld [tilespmem:s17+$0xA470];
	v0 =	vmul.f32 $8.000000000e+00, v0  }
0x3c7: {  	[tilespmem:s17+$0x12410] =	vst v6;
	v6 =	vld [tilespmem:s17+$0xA480];
	v1 =	vmul.f32 $8.000000000e+00, v1  }
0x3c8: {  	[tilespmem:s17+$0x12420] =	vst v0;
	v0 =	vld [tilespmem:s17+$0xA490];
	v2 =	vmul.f32 $8.000000000e+00, v2  }
0x3c9: {  	[tilespmem:s17+$0x12430] =	vst v1;
	v1 =	vld [tilespmem:s17+$0xA4A0];
	v3 =	vmul.f32 $8.000000000e+00, v3  }
0x3ca: {  	[tilespmem:s17+$0x12440] =	vst v2;
	v2 =	vld [tilespmem:s17+$0xA4B0];
	v5 =	vmul.f32 $8.000000000e+00, v5  }
0x3cb: {  	[tilespmem:s17+$0x12450] =	vst v3;
	v3 =	vld [tilespmem:s17+$0xA4C0];
	v4 =	vmul.f32 $8.000000000e+00, v4  }
0x3cc: {  	[tilespmem:s17+$0x12460] =	vst v5;
	v5 =	vld [tilespmem:s17+$0xA4D0];
	v6 =	vmul.f32 $8.000000000e+00, v6  }
0x3cd: {  	[tilespmem:s17+$0x12470] =	vst v4;
	v0 =	vmul.f32 $8.000000000e+00, v0;
	v4 =	vld [tilespmem:s17+$0xA4E0]  }
0x3ce: {  	[tilespmem:s17+$0x12480] =	vst v6;
	v1 =	vmul.f32 $8.000000000e+00, v1  }
0x3cf: {  	[tilespmem:s17+$0x12490] =	vst v0;
	v0 =	vmul.f32 $8.000000000e+00, v2  }
0x3d0: {  	[tilespmem:s17+$0x124A0] =	vst v1;
	v1 =	vmul.f32 $8.000000000e+00, v3  }
0x3d1: {  	[tilespmem:s17+$0x124B0] =	vst v0;
	v0 =	vmul.f32 $8.000000000e+00, v5  }
0x3d2: {  	[tilespmem:s17+$0x124C0] =	vst v1;
	v1 =	vmul.f32 $8.000000000e+00, v4  }
0x3d3: {  	[tilespmem:s17+$0x124D0] =	vst v0  }
0x3d4: {  	s19 =	simm.s32 $0x0;
	s20 =	rddreg [dreg:$0xa];
	[tilespmem:s17+$0x124E0] =	vst v1  }
0x3d5: {  	[hbm4b:s20+s19] =	stream.linear.scatter [tilespmem:s7], [sflag:$0x7], $0x2000, $0x38;
	[tilespmem:$0x16400] =	vst v63  }
0x3d6: {  	_ =	swait.ge [sflag:s8], $0x2000  }
0x3d7: {  	[sflag:s8] =	ssyncset.done $0x0  }
0x3d8: {  	[sflag:s8] =	ssyncadd.s32 $0xFFFFE000  }
0x3d9: {  	_ =	swait.ge [sflag:s16], $0x2000  }
0x3da: {  	[sflag:s16] =	ssyncset.done $0x0  }
0x3db: {  	s5 =	simm.s32 $0x0;
	[sflag:s16] =	ssyncadd.s32 $0xFFFFE000  }
0x3dc: {  	v0 =	vld [tilespmem:s5+$0xC4F0]  }
0x3dd: {  	v1 =	vld [tilespmem:s5+$0xC400]  }
0x3de: {  	v2 =	vld [tilespmem:s5+$0xC410]  }
0x3df: {  	v3 =	vld [tilespmem:s5+$0xC420]  }
0x3e0: {  	v6 =	vld [tilespmem:s5+$0xC450]  }
0x3e1: {  	v4 =	vld [tilespmem:s5+$0xC430];
	v0 =	vmul.f32 $8.000000000e+00, v0  }
0x3e2: {  	v5 =	vld [tilespmem:s5+$0xC440];
	v1 =	vmul.f32 $8.000000000e+00, v1  }
0x3e3: {  	v7 =	vld [tilespmem:s5+$0xC460];
	[tilespmem:s5+$0x144F0] =	vst v0;
	v0 =	vmul.f32 $8.000000000e+00, v2  }
0x3e4: {  	v8 =	vld [tilespmem:s5+$0xC470];
	[tilespmem:s5+$0x14400] =	vst v1;
	v1 =	vmul.f32 $8.000000000e+00, v3  }
0x3e5: {  	v2 =	vmul.f32 $8.000000000e+00, v6;
	[tilespmem:s5+$0x14410] =	vst v0  }
0x3e6: {  	v9 =	vld [tilespmem:s5+$0xC480];
	v0 =	vmul.f32 $8.000000000e+00, v4;
	[tilespmem:s5+$0x14420] =	vst v1  }
0x3e7: {  	v4 =	vld [tilespmem:s5+$0xC490];
	v1 =	vmul.f32 $8.000000000e+00, v5;
	[tilespmem:s5+$0x14450] =	vst v2  }
0x3e8: {  	v3 =	vmul.f32 $8.000000000e+00, v7;
	[tilespmem:s5+$0x14430] =	vst v0;
	v0 =	vld [tilespmem:s5+$0xC4A0]  }
0x3e9: {  	v5 =	vmul.f32 $8.000000000e+00, v8;
	[tilespmem:s5+$0x14440] =	vst v1;
	v1 =	vld [tilespmem:s5+$0xC4B0]  }
0x3ea: {  	v2 =	vld [tilespmem:s5+$0xC4C0];
	[tilespmem:s5+$0x14460] =	vst v3  }
0x3eb: {  	v3 =	vld [tilespmem:s5+$0xC4D0];
	[tilespmem:s5+$0x14470] =	vst v5;
	v5 =	vmul.f32 $8.000000000e+00, v9  }
0x3ec: {  	s18 =	simm.s32 $0x800;
	s17 =	simm.s32 $0x100;
	v6 =	vmul.f32 $8.000000000e+00, v4;
	v4 =	vld [tilespmem:s5+$0xC4E0]  }
.LBB2_26:
0x3ed: {  	p0 =	sne.s32 s18, $0x7C00;
	v7 =	vld [tilespmem:s17+$0xC4F0];
	[tilespmem:s5+$0x14480] =	vst v5;
	v0 =	vmul.f32 $8.000000000e+00, v0  }
0x3ee: {  	v5 =	vld [tilespmem:s17+$0xC400];
	[tilespmem:s5+$0x14490] =	vst v6;
	v1 =	vmul.f32 $8.000000000e+00, v1  }
0x3ef: {  	v6 =	vld [tilespmem:s17+$0xC410];
	[tilespmem:s5+$0x144A0] =	vst v0;
	v0 =	vmul.f32 $8.000000000e+00, v2  }
0x3f0: {  	v2 =	vld [tilespmem:s17+$0xC420];
	[tilespmem:s5+$0x144B0] =	vst v1;
	v1 =	vmul.f32 $8.000000000e+00, v3  }
0x3f1: {  	v3 =	vld [tilespmem:s17+$0xC430];
	[tilespmem:s5+$0x144C0] =	vst v0;
	v0 =	vmul.f32 $8.000000000e+00, v4  }
0x3f2: {  	v4 =	vld [tilespmem:s17+$0xC440];
	v7 =	vmul.f32 $8.000000000e+00, v7;
	[tilespmem:s5+$0x144D0] =	vst v1  }
0x3f3: {  	v1 =	vmul.f32 $8.000000000e+00, v5;
	v5 =	vld [tilespmem:s17+$0xC450];
	[tilespmem:s5+$0x144E0] =	vst v0;
	s5 =	smov.u32 s17  }
0x3f4: {  	v0 =	vmul.f32 $8.000000000e+00, v6;
	v6 =	vld [tilespmem:s5+$0xC460];
	[tilespmem:s5+$0x144F0] =	vst v7  }
0x3f5: {  	[tilespmem:s5+$0x14400] =	vst v1;
	v1 =	vmul.f32 $8.000000000e+00, v2;
	v2 =	vld [tilespmem:s5+$0xC470]  }
0x3f6: {  	[tilespmem:s5+$0x14410] =	vst v0;
	v0 =	vmul.f32 $8.000000000e+00, v3;
	v3 =	vld [tilespmem:s5+$0xC480]  }
0x3f7: {  	[tilespmem:s5+$0x14420] =	vst v1;
	v1 =	vmul.f32 $8.000000000e+00, v4;
	v4 =	vld [tilespmem:s5+$0xC490]  }
.Ltmp12:
0x3f8: {  	[tilespmem:s5+$0x14430] =	vst v0;
	v5 =	vmul.f32 $8.000000000e+00, v5;
	v0 =	vld [tilespmem:s5+$0xC4A0];
	(pc) =	sbr.rel @p0 .LBB2_26-.Ltmp12, $4  }
0x3f9: {  	[tilespmem:s5+$0x14440] =	vst v1;
	v6 =	vmul.f32 $8.000000000e+00, v6;
	v1 =	vld [tilespmem:s5+$0xC4B0]  }
0x3fa: {  	[tilespmem:s5+$0x14450] =	vst v5;
	v7 =	vmul.f32 $8.000000000e+00, v2;
	v2 =	vld [tilespmem:s5+$0xC4C0]  }
0x3fb: {  	[tilespmem:s5+$0x14460] =	vst v6;
	v5 =	vmul.f32 $8.000000000e+00, v3;
	v3 =	vld [tilespmem:s5+$0xC4D0]  }
0x3fc: {  	s17 =	sshra.s32 s18, $0x2;
	s18 =	sadd.s32 $0x400, s18;
	[tilespmem:s5+$0x14470] =	vst v7;
	v6 =	vmul.f32 $8.000000000e+00, v4;
	v4 =	vld [tilespmem:s5+$0xC4E0]  }
0x3fd: {  	v7 =	vld [tilespmem:s17+$0xC4F0];
	[tilespmem:s5+$0x14480] =	vst v5;
	v0 =	vmul.f32 $8.000000000e+00, v0  }
0x3fe: {  	v5 =	vld [tilespmem:s17+$0xC400];
	[tilespmem:s5+$0x14490] =	vst v6;
	v1 =	vmul.f32 $8.000000000e+00, v1  }
0x3ff: {  	v6 =	vld [tilespmem:s17+$0xC410];
	[tilespmem:s5+$0x144A0] =	vst v0;
	v2 =	vmul.f32 $8.000000000e+00, v2  }
0x400: {  	v0 =	vld [tilespmem:s17+$0xC420];
	[tilespmem:s5+$0x144B0] =	vst v1;
	v3 =	vmul.f32 $8.000000000e+00, v3  }
0x401: {  	v1 =	vld [tilespmem:s17+$0xC430];
	[tilespmem:s5+$0x144C0] =	vst v2;
	v4 =	vmul.f32 $8.000000000e+00, v4  }
0x402: {  	v2 =	vld [tilespmem:s17+$0xC440];
	[tilespmem:s5+$0x144D0] =	vst v3;
	v7 =	vmul.f32 $8.000000000e+00, v7  }
0x403: {  	v3 =	vld [tilespmem:s17+$0xC450];
	[tilespmem:s5+$0x144E0] =	vst v4;
	v50 =	vmul.f32 $8.000000000e+00, v5  }
0x404: {  	v51 =	vld [tilespmem:s17+$0xC460];
	[tilespmem:s17+$0x144F0] =	vst v7;
	v6 =	vmul.f32 $8.000000000e+00, v6  }
0x405: {  	v52 =	vld [tilespmem:s17+$0xC470];
	[tilespmem:s17+$0x14400] =	vst v50;
	v0 =	vmul.f32 $8.000000000e+00, v0  }
0x406: {  	v53 =	vld [tilespmem:s17+$0xC480];
	[tilespmem:s17+$0x14410] =	vst v6;
	v1 =	vmul.f32 $8.000000000e+00, v1  }
0x407: {  	v54 =	vld [tilespmem:s17+$0xC490];
	[tilespmem:s17+$0x14420] =	vst v0;
	v2 =	vmul.f32 $8.000000000e+00, v2  }
0x408: {  	v55 =	vld [tilespmem:s17+$0xC4A0];
	[tilespmem:s17+$0x14430] =	vst v1;
	v3 =	vmul.f32 $8.000000000e+00, v3  }
0x409: {  	v56 =	vld [tilespmem:s17+$0xC4B0];
	[tilespmem:s17+$0x14440] =	vst v2;
	v5 =	vmul.f32 $8.000000000e+00, v51  }
0x40a: {  	v57 =	vld [tilespmem:s17+$0xC4C0];
	v4 =	vmul.f32 $8.000000000e+00, v52;
	[tilespmem:s17+$0x14450] =	vst v3  }
0x40b: {  	v58 =	vld [tilespmem:s17+$0xC4D0];
	v6 =	vmul.f32 $8.000000000e+00, v53;
	[tilespmem:s17+$0x14460] =	vst v5  }
0x40c: {  	v59 =	vld [tilespmem:s17+$0xC4E0];
	v0 =	vmul.f32 $8.000000000e+00, v54;
	[tilespmem:s17+$0x14470] =	vst v4  }
0x40d: {  	v1 =	vmul.f32 $8.000000000e+00, v55;
	[tilespmem:s17+$0x14480] =	vst v6  }
0x40e: {  	v60 =	vmul.f32 $8.000000000e+00, v56;
	[tilespmem:s17+$0x14490] =	vst v0  }
0x40f: {  	v61 =	vmul.f32 $8.000000000e+00, v57;
	[tilespmem:s17+$0x144A0] =	vst v1  }
0x410: {  	v62 =	vmul.f32 $8.000000000e+00, v58;
	[tilespmem:s17+$0x144B0] =	vst v60  }
0x411: {  	v63 =	vmul.f32 $8.000000000e+00, v59;
	[tilespmem:s17+$0x144C0] =	vst v61  }
0x412: {  	[tilespmem:s17+$0x144D0] =	vst v62  }
0x413: {  	s18 =	rddreg [dreg:$0xb];
	[tilespmem:s17+$0x144E0] =	vst v63  }
0x414: {  	[hbm4b:s18+s3] =	stream.linear.scatter [tilespmem:s9], [sflag:$0x8], $0x2000, $0x38;
	[tilespmem:$0x16400] =	vst v63  }
0x415: {  	_ =	swait.ge [sflag:s10], $0x2000  }
0x416: {  	[sflag:s10] =	ssyncset.done $0x0  }
0x417: {  	[sflag:s10] =	ssyncadd.s32 $0xFFFFE000  }
0x418: {  	_ =	swait.ge [sflag:s14], $0x2000  }
0x419: {  	[sflag:s14] =	ssyncset.done $0x0  }
0x41a: {  	[sflag:s14] =	ssyncadd.s32 $0xFFFFE000  }
0x41b: {  	_ =	swait.ge [sflag:s15], $0x2000  }
0x41c: {  	[sflag:s15] =	ssyncset.done $0x0  }
0x41d: {  	[sflag:s15] =	ssyncadd.s32 $0xFFFFE000  }
0x41e: {  	_ =	swait.ge [sflag:s16], $0x2000  }
0x41f: {  	s19 =	rddreg [dreg:$0xd]  }
0x420: {  	s20 =	rddreg [dreg:$0xc];
	s17 =	sadd.s32 $0x1, s19  }
0x421: {  	p0 =	sne.s32 s17, s20  }
.Ltmp13:
0x422: {  	_ = 	snop;
	(pc) =	sbr.rel @p0 .LBB2_1-.Ltmp13, $3  }
0x423: {  	_ =	sdelay $0x1  }
0x424: {  	[sflag:s16] =	ssyncset.done $0x0  }
0x425: {  	[sflag:s16] =	ssyncadd.s32 $0xFFFFE000  }
0x426: {  	_ =	sfence.sel $0x180000  }
0x427: {  	[bflag:$0x0] =	sbarrier.arrive $0xFFFF  }
0x428: {  	_ =	strace $0x90000047  }
0x429: {  	s0 =	stileid.u32;
	[bflag:$0x2] =	sbarrier.arrive $0xFFFF  }
0x42a: {  	p0 =	sne.s32 s0, $0x0;
	s0 =	rddreg [dreg:$0x2]  }
0x42b: {  	s0 =	sadd.s32 @!p0 $0x100000, s0  }
0x42c: {  	[sflag:s0] =	ssyncadd.tile.s32 @!p0 $0x1;
	_ =	shalt  }
.Lfunc_end2:
_tile_overlayer_lowered:
.L_overlay_start_2:
0x42d: {  	(tag) =	ssettag $0x2  }
0x42e: {  	s0 =	rddreg [dreg:$0x0];
	s2 =	stileid.u32  }
0x42f: {  	s1 =	rddreg [dreg:$0x1];
	p0 =	sne.s32 s2, $0x0  }
0x430: {  	s3 =	rddreg [dreg:$0x2];
	[bflag:$0x3] =	sbarrier.arrive $0xFFFF;
	s2 =	simm.s32 @!p0 $0x1C09  }
0x431: {  	[timem:s3], [sflag:s2] =	dma.local @!p0 [hbm:s0], s1  }
0x432: {  	s0 =	simm.s32 @!p0 $0x9  }
0x433: {  	_ =	swait.ge @!p0 [sflag:s0], s1  }
0x434: {  	s1 =	ssub.s32 @!p0 $0x0, s1;
	[sflag:s0] =	ssyncset.done @!p0 $0x0  }
0x435: {  	[sflag:s0] =	ssyncadd.s32 @!p0 s1  }
0x436: {  	[bflag:$0x3] =	sbarrier.arrive $0xFFFF  }
0x437: {  	_ =	shalt  }

// kernel: sparse-core-data-format-call.cloned.1.call-start
scs
called_computation_lowered:
.L_overlay_start_0:
0x0: {  	s2 =	sld [smem:$0x3FD9]  }
0x1: {  	s3 =	sld [smem:$0x3FFE];
	_ =	sdelay $0x1  }
0x2: {  	s1 =	srdreg.scid  }
0x3: {  	s0 =	sand.u32 $0x1, s1  }
0x4: {  	s18 =	sshll.u32 s0, $0xA;
	s2 =	sadd.s32 s3, s2  }
0x5: {  	s2 =	sadd.s32 s2, s18  }
0x6: {  	[smem:$0x3FC6] =	sst s2  }
0x7: {  	_ = 	snop  }
0x8: {  	s2 =	sld [smem:$0x3FD0];
	(tm) =	ssettm $0x1  }
0x9: {  	s19 =	sld [smem:$0x3FFB];
	_ =	sdelay $0x3  }
0xa: {  	_ =	strace s19  }
0xb: {  	s3 =	sld [smem:$0x3FFC];
	_ =	sdelay $0x3  }
0xc: {  	_ =	strace s3  }
0xd: {  	s3 =	sld [smem:$0x3FFD];
	_ =	sdelay $0x3  }
0xe: {  	_ =	strace s3  }
0xf: {  	_ =	strace $0x8FFFFFFF  }
0x10: {  	s20 =	sld [smem:$0x3FDB];
	_ =	sdelay $0x1  }
0x11: {  	s4 =	simm.s32 $_scs_section_size  }
0x12: {  	s5 =	simm.s32 $_size__tile_overlayer_lowered;
	s6 =	simm.s32 $_tile_overlayer_lowered  }
0x13: {  	s23 =	simm.s32 $0x1BFF;
	s22 =	sshll.u32 s6, $0x1;
	s3 =	sadd.s32 s4, s20  }
0x14: {  	s7 =	simm.s32 $0x0;
	s21 =	sshll.u32 s5, $0x1;
	s5 =	sadd.s32 s22, s3  }
0x15: {  	[timem:s7], [sflag:s23] =	dma.local [hbm:s5], s21  }
0x16: {  	_ =	swait.ge [sflag:s23], s21  }
0x17: {  	s4 =	ssub.s32 $0x0, s21;
	[sflag:s23] =	ssyncset.done $0x0  }
0x18: {  	[sflag:s23] =	ssyncadd.s32 s4;
	_ =	sdelay $0x1  }
0x19: {  	s24 =	simm.s32 $0x1B8B  }
0x1a: {  	_ =	swait.ge [sflag:s24], $0x1  }
0x1b: {  	[sflag:s24] =	ssyncset.done $0x0  }
0x1c: {  	s26 =	simm.s32 $0x1B8E;
	s25 =	sld [smem:$0x3FFE];
	[sflag:s24] =	ssyncadd.s32 $0xFFFFFFFF  }
0x1d: {  	s27 =	simm.s32 $execute0_lowered;
	[smem:$0x3FD2] =	sst s26  }
0x1e: {  	s5 =	sshll.u32 s27, $0x1;
	_ =	strace $0x80000049;
	[dreg:$0x1] =	wrdreg $0xFFFFFFFF  }
0x1f: {  	s28 =	simm.s32 $_size_execute0_lowered;
	s3 =	sadd.s32 s3, s5;
	[dreg:$0x0] =	wrdreg $0x0  }
0x20: {  	s5 =	sshll.u32 s28, $0x1;
	[dreg:$0x2] =	wrdreg s3  }
0x21: {  	[dreg:$0x3] =	wrdreg s5  }
0x22: {  	[dreg:$0x4] =	wrdreg $0xC0  }
0x23: {  	_ =	task [dreg:s7], $0x5FFFF  }
0x24: {  	[dreg:$0x1] =	wrdreg $0xFFFFFFFF  }
0x25: {  	[dreg:$0x0] =	wrdreg $0x60  }
0x26: {  	[dreg:$0x2] =	wrdreg s25  }
0x27: {  	[dreg:$0x3] =	wrdreg s2  }
0x28: {  	[dreg:$0x4] =	wrdreg $0x9  }
0x29: {  	_ =	task.clear_ibuf [dreg:s7], $0x5FFFF;
	_ =	strace $0x90000049  }
0x2a: {  	s29 =	simm.s32 $0x9;
	_ =	strace $0x8000004B  }
0x2b: {  	_ =	swait.ge [sflag:s29], $0x1  }
0x2c: {  	[sflag:s29] =	ssyncadd.s32 $0xFFFFFFFF  }
0x2d: {  	_ =	strace $0x9000004B  }
0x2e: {  	_ =	sfence  }
0x2f: {  	s30 =	sld [smem:$0x0];
	_ =	sdelay $0x2  }
0x30: {  	s31 =	sshll.u32 s1, $0xD;
	s1 =	sshrl.u32 s1, $0x2  }
0x31: {  	s3 =	sand.u32 $0x4000, s31;
	s1 =	sadd.s32 s1, s30  }
0x32: {  	s0 =	sor.u32 s3, s0;
	s1 =	sshll.u32 s1, $0x11  }
0x33: {  	s0 =	sor.u32 s1, s0  }
0x34: {  	s0 =	sadd.s32 $0x8F2B, s0  }
0x35: {  	[sflag:s0] =	ssyncadd.remote.s32 $0x1  }
0x36: {  	_ =	sfence.sel $0xFFFF  }
0x37: {  	[dreg:$0x0] =	wrdreg $0xFFFFFFFF;
	(pc) =	sbr.abs _section_cstart, $3  }
0x38: {  	[dreg:$0x1] =	wrdreg $0xFFFFFFFF  }
0x39: {  	_ =	task.clear_ibuf [dreg:s7], $0x2FFFF;
	_ =	strace $0x9FFFFFFF  }
0x3a: {  	(tm) =	ssettm $0x7FFFFFFF  }
0x3b: {  	_ =	shalt  }
tec
execute0_lowered:
.L_overlay_start_1:
0x0: {  	(tag) =	ssettag $0x1  }
0x1: {  	s0 =	srdreg.scid  }
0x2: {  	s1 =	sshll.u32 s0, $0x4  }
0x3: {  	s0 =	stileid.u32;
	s1 =	sand.u32 $0x10, s1  }
0x4: {  	s1 =	sor.u32 s0, s1  }
0x5: {  	s6 =	rddreg [dreg:$0x0];
	s4 =	simm.s32 $0x1;
	s2 =	sshll.u32 s1, $0x7  }
0x6: {  	s7 =	simm.s32 $0x2;
	s12 =	simm.s32 $0x0;
	s1 =	ssub.s32 $0x1000, s2  }
0x7: {  	s8 =	simm.s32 $0x8000;
	s13 =	simm.s32 $0x0;
	s3 =	sand.u32 $0xF80, s1  }
0x8: {  	s9 =	simm.s32 $0x0;
	s5 =	sshrl.u32 s1, $0xC;
	p0 =	sne.s32 s3, $0x0  }
.Ltmp0:
0x9: {  	s1 =	rddreg [dreg:$0x2];
	s4 =	simm.s32 @!p0 $0x0;
	(pc) =	sbr.rel .LBB1_1-.Ltmp0, $4  }
0xa: {  	s11 =	simm.s32 $0x0;
	s3 =	rddreg [dreg:$0x1];
	s5 =	sadd.s32 s4, s5  }
0xb: {  	_ =	strace $0x8000004A;
	s4 =	simm.s32 $0x1;
	s5 =	smul.u32 $0xC8, s5  }
0xc: {  	s6 =	sadd.s32 $0xA00, s6;
	s10 =	smov.u32 s2;
	[sflag:s4] =	ssyncpa.u1 $0x0  }
0xd: {  	p0 =	por $0x0, $0x0;
	[sflag:s7] =	ssyncpa.u1 $0x0;
	s7 =	sor.u32 $0x1, s5  }
.LBB1_4:
0xe: {  	s16 =	sshll.u32 s13, $0x3;
	s17 =	sand.u32 $0x78, s13  }
0xf: {  	s30 =	sand.u32 $0x7E00, s13;
	s12 =	sshll.u32 s12, $0xF;
	s16 =	sand.u32 $0xC00, s16  }
0x10: {  	[tilespmem:s15+$0x810 ss:$0x81] =	vst.msk $0xffff, v2;
	s31 =	sand.u32 $0x7, s13;
	s16 =	sor.u32 s17, s16;
	s17 =	sadd.s32 s3, s30  }
0x11: {  	[tilespmem:s15+$0x1020 ss:$0x81] =	vst.msk $0xffff, v0;
	s13 =	sshll.u32 s31, $0x12;
	s12 =	sadd.s32 s12, s17;
	s16 =	sshrl.u32 s16, $0x3  }
0x12: {  	[tilespmem:s15+$0x0 ss:$0x81] =	vst.msk $0xffff, v1;
	s13 =	sor.u32 $0x400, s13;
	s12 =	sadd.s32 s16, s12  }
0x13: {  	[hbm4b:s12+s13] =	stream.strided.scatter [tilespmem:s14], [sflag:$0x2], $0x2000, s8, s13, $0x20;
	[tilespmem:$0x8080] =	vst v63  }
.LBB1_5:
0x14: {  	s14 =	sadd.s32 $0x1, s9  }
0x15: {  	s12 =	sadd.s32 $0x1000, s10;
	s16 =	smov.u32 s10;
	p2 =	sgt.s32 s14, $0xC7  }
0x16: {  	s16 =	smov.u32 @p2 s12  }
0x17: {  	s14 =	simm.s32 @p2 $0x0;
	p2 =	sgt.s32 s16, $0xFFF  }
0x18: {  	s16 =	smov.u32 @p2 s2;
	p2 =	sne.s32 s11, s7  }
.Ltmp1:
0x19: {  	p1 =	slt.u32 s11, $0x2;
	(pc) =	sbr.rel @!p2 .LBB1_6-.Ltmp1, $4  }
0x1a: {  	s15 =	simm.s32 @!p1 $0x2  }
0x1b: {  	s13 =	smov.u32 s10;
	p0 =	por !p0, !p0;
	_ =	swait.ge @!p1 [sflag:s15], $0x2000  }
0x1c: {  	s12 =	smov.u32 s9;
	[sflag:s15] =	ssyncset.done @!p1 $0x0;
	s9 =	smov.u32 s14  }
0x1d: {  	s11 =	sadd.s32 $0x1, s11;
	[sflag:s15] =	ssyncadd.s32 @!p1 $0xFFFFE000;
	s10 =	smov.u32 s16  }
.LBB1_1:
0x1e: {  	p1 =	sge.u32 s11, s5  }
0x1f: {  	s14 =	sand.u32 @!p1 $0x1FFFFFF, s9  }
0x20: {  	s15 =	smulhi.u32 @!p1 $0x147AE15, s14;
	_ =	sdelay $0x1  }
0x21: {  	s15 =	smul.u32 @!p1 $0xC8, s15  }
0x22: {  	s16 =	sxor.u32 @!p1 $0xFFFFFFFF, s11;
	s17 =	smul.u32 @!p1 $0xC80, s10  }
0x23: {  	s31 =	sadd.s32 $0xFFFFFFFF, s11;
	s16 =	sshll.u32 @!p1 s16, $0xD;
	s14 =	ssub.s32 @!p1 s14, s15  }
0x24: {  	s15 =	sand.u32 @!p1 $0x2000, s16;
	s16 =	sadd.s32 @!p1 s6, s17;
	s14 =	sshll.u32 @!p1 s14, $0x4  }
0x25: {  	s17 =	simm.s32 @!p1 $0x6400;
	s14 =	sadd.s32 @!p1 s14, s16;
	s16 =	simm.s32 @!p1 $0x40  }
0x26: {  	[tilespmem:s15], [sflag:$0x1] =	stream.strided.gather @!p1 [hbm4b:s14+s16], $0x2000, s17, s16, $0x38;
	[tilespmem:$0x8080] =	vst v63  }
0x27: {  	p1 =	sge.u32 s31, s5  }
.Ltmp2:
0x28: {  	_ = 	snop;
	(pc) =	sbr.rel @p1 .LBB1_5-.Ltmp2, $1  }
0x29: {  	_ =	sdelay $0x3  }
0x2a: {  	s14 =	simm.s32 $0x1  }
0x2b: {  	_ =	swait.ge [sflag:s4], $0x2000;
	s14 =	simm.s32 @!p0 $0x0  }
0x2c: {  	[sflag:s4] =	ssyncset.done $0x0;
	s15 =	sshll.u32 s14, $0xD  }
0x2d: {  	[sflag:s4] =	ssyncadd.s32 $0xFFFFE000;
	s18 =	sor.u32 $0x20, s15  }
0x2e: {  	s14 =	smul.u32 $0x8100, s14;
	v3 =	vld [tilespmem:s18+$0x10]  }
0x2f: {  	s30 =	sand.u32 $0x1, s11;
	v2 =	vld [tilespmem:s18+$0xFFFFFFF0]  }
0x30: {  	s15 =	smul.u32 $0x8100, s30;
	s14 =	sshrl.u32 s14, $0x2;
	v0 =	vld [tilespmem:s18+$0x0]  }
0x31: {  	v1 =	vld [tilespmem:s18+$0xFFFFFFE0];
	s16 =	sor.u32 $0x4000, s14  }
0x32: {  	s31 =	sshrl.u32 s15, $0x2;
	s15 =	sadd.s32 $0x0, s16  }
0x33: {  	s17 =	simm.s32 $0x4;
	s18 =	sadd.s32 $0x40, s18;
	s14 =	sor.u32 $0x4000, s31;
	[tilespmem:s15+$0x1830 ss:$0x81] =	vst.msk $0xffff, v3  }
.LBB1_3:
0x34: {  	v3 =	vld [tilespmem:s18+$0x10];
	p1 =	sne.s32 s17, $0x1FC;
	[tilespmem:s15+$0x810 ss:$0x81] =	vst.msk $0xffff, v2;
	s19 =	smov.u32 s17;
	s17 =	sadd.s32 $0x4, s17  }
.Ltmp3:
0x35: {  	v2 =	vld [tilespmem:s18+$0xFFFFFFF0];
	[tilespmem:s15+$0x1020 ss:$0x81] =	vst.msk $0xffff, v0;
	(pc) =	sbr.rel @p1 .LBB1_3-.Ltmp3, $4  }
0x36: {  	v0 =	vld [tilespmem:s18+$0x0];
	[tilespmem:s15+$0x0 ss:$0x81] =	vst.msk $0xffff, v1  }
0x37: {  	s15 =	sshra.s32 s19, $0x2;
	v1 =	vld [tilespmem:s18+$0xFFFFFFE0]  }
0x38: {  	s15 =	sadd.s32 s15, s16  }
0x39: {  	s18 =	sadd.s32 $0x40, s18;
	[tilespmem:s15+$0x1830 ss:$0x81] =	vst.msk $0xffff, v3  }
.Ltmp4:
0x3a: {  	_ = 	snop;
	(pc) =	sbr.rel .LBB1_4-.Ltmp4, $1  }
0x3b: {  	_ =	sdelay $0x3  }
.LBB1_6:
0x3c: {  	_ =	sfence.sel $0x180000  }
0x3d: {  	s2 =	simm.s32 $0x1;
	[bflag:$0x0] =	sbarrier.arrive $0xFFFF  }
0x3e: {  	s31 =	simm.s32 $0x2;
	[sflag:s2] =	ssyncpa.u1 $0x1  }
0x3f: {  	[sflag:s31] =	ssyncpa.u1 $0x1  }
0x40: {  	p0 =	sne.s32 s0, $0x0;
	_ =	strace $0x9000004A  }
0x41: {  	s0 =	sadd.s32 @!p0 $0x100000, s1;
	[bflag:$0x2] =	sbarrier.arrive $0xFFFF  }
0x42: {  	[sflag:s0] =	ssyncadd.tile.s32 @!p0 $0x1;
	_ =	shalt  }
.Lfunc_end1:
_tile_overlayer_lowered:
.L_overlay_start_2:
0x43: {  	(tag) =	ssettag $0x2  }
0x44: {  	s0 =	rddreg [dreg:$0x0];
	s2 =	stileid.u32  }
0x45: {  	s1 =	rddreg [dreg:$0x1];
	p0 =	sne.s32 s2, $0x0  }
0x46: {  	s3 =	rddreg [dreg:$0x2];
	[bflag:$0x3] =	sbarrier.arrive $0xFFFF;
	s2 =	simm.s32 @!p0 $0x1C01  }
0x47: {  	[timem:s3], [sflag:s2] =	dma.local @!p0 [hbm:s0], s1  }
0x48: {  	s0 =	simm.s32 @!p0 $0x1  }
0x49: {  	_ =	swait.ge @!p0 [sflag:s0], s1  }
0x4a: {  	s1 =	ssub.s32 @!p0 $0x0, s1;
	[sflag:s0] =	ssyncset.done @!p0 $0x0  }
0x4b: {  	[sflag:s0] =	ssyncadd.s32 @!p0 s1  }
0x4c: {  	[bflag:$0x3] =	sbarrier.arrive $0xFFFF  }
0x4d: {  	_ =	shalt  }

</sc_bundles>
